<compile_context>
chip_gen: v7x
topology: tpu7x:2x2x1
jax: 0.10.2.dev20260603
libtpu: 0.0.44.dev20260713+nightly
codegen_flags: <defaults>
</compile_context>

<pallas_src>
import functools

import jax
import jax.numpy as jnp
from jax import lax
from jax.experimental import pallas as pl
from jax.experimental.pallas import tpu as pltpu
from jax.experimental.pallas import tpu_sc as plsc

N_NODES = 10000
D = 128
N_EDGES = 320000

NC = 2
NS = 16
NW = NC * NS

CH = 128
NCHTOT = 2528
EPAD = NCHTOT * CH
FAST_CID = 1
NCH_FAST = 115
NCH_SLOW = 43
DISCARD = N_NODES
AGG_N = 10016
RPT = 624
TAIL = AGG_N - NS * RPT

DEGCH = 160
DEG_ROWS = NW * DEGCH
DEG_DST_OFF = 10240
DEGN = 2 * DEG_DST_OFF

_MESH = plsc.VectorSubcoreMesh(core_axis_name="c", subcore_axis_name="s")


def _zero_vmem_2d(ref, n_rows):
    def body(i, carry):
        ref[i // 8, pl.ds((i % 8) * 16, 16)] = jnp.zeros((16,), jnp.float32)
        return carry
    lax.fori_loop(0, n_rows * 8, body, 0)


def _zero_vmem_1d(ref, n):
    def body(i, carry):
        ref[pl.ds(i * 16, 16)] = jnp.zeros((16,), jnp.float32)
        return carry
    lax.fori_loop(0, n // 16, body, 0)


DEG_FIRE = 8
DEG_TAIL = DEGCH % DEG_FIRE

@functools.partial(
    pl.kernel,
    out_type=jax.ShapeDtypeStruct((NC, DEGN), jnp.float32),
    mesh=_MESH,
    scratch_types=[
        pltpu.VMEM((DEGCH, CH), jnp.int32),
        pltpu.VMEM((CH,), jnp.float32),
        pltpu.VMEM_SHARED((DEGN,), jnp.float32),
        pltpu.SemaphoreType.DMA,
    ],
)
def _sc_degrees(deg_idx_hbm, out_hbm, idx_all, ones_v, deg_sh, sem):
    cid = lax.axis_index("c")
    sid = lax.axis_index("s")
    wid = sid * NC + cid

    pltpu.sync_copy(deg_idx_hbm.at[pl.ds(wid * DEGCH, DEGCH)], idx_all)

    per_tile = DEGN // NS
    _zero_vmem_1d(ones_v, CH)
    def zslice(r, carry):
        pltpu.sync_copy(ones_v, deg_sh.at[pl.ds(sid * per_tile + r * CH, CH)])
        return carry
    lax.fori_loop(0, per_tile // CH, zslice, 0)
    def ones_body(i, carry):
        ones_v[pl.ds(i * 16, 16)] = jnp.ones((16,), jnp.float32)
        return carry
    lax.fori_loop(0, CH // 16, ones_body, 0)

    plsc.subcore_barrier()

    def body(g, carry):
        for b in range(DEG_FIRE):
            pltpu.async_copy(ones_v, deg_sh.at[idx_all.at[g * DEG_FIRE + b]],
                             sem, add=True)
        for b in range(DEG_FIRE):
            pltpu.make_async_copy(deg_idx_hbm.at[0], ones_v, sem).wait()
        return carry
    lax.fori_loop(0, DEGCH // DEG_FIRE, body, 0)
    for b in range(DEG_TAIL):
        pltpu.async_copy(ones_v, deg_sh.at[idx_all.at[DEGCH - DEG_TAIL + b]],
                         sem, add=True)
    for b in range(DEG_TAIL):
        pltpu.make_async_copy(deg_idx_hbm.at[0], ones_v, sem).wait()

    plsc.subcore_barrier()
    pltpu.sync_copy(
        deg_sh.at[pl.ds(sid * per_tile, per_tile)],
        out_hbm.at[cid, pl.ds(sid * per_tile, per_tile)],
    )


@functools.partial(
    pl.kernel,
    out_type=jax.ShapeDtypeStruct((NC * AGG_N, D), jnp.float32),
    mesh=_MESH,
    scratch_types=[
        pltpu.VMEM((CH, D), jnp.float32),
        pltpu.VMEM((CH, D), jnp.float32),
        pltpu.VMEM((CH, D), jnp.float32),
        pltpu.VMEM((2, 2, CH), jnp.int32),
        pltpu.VMEM((2, 2, CH), jnp.int32),
        pltpu.VMEM((2, 2, CH), jnp.int32),
        pltpu.VMEM_SHARED((AGG_N, D), jnp.float32),
        pltpu.SemaphoreType.DMA,
        pltpu.SemaphoreType.DMA,
        pltpu.SemaphoreType.DMA,
        pltpu.SemaphoreType.DMA,
    ],
)
def _sc_gather_scatter(h_hbm, tab_hbm, out_hbm,
                       buf0, buf1, buf2, ip0, ip1, ip2, agg,
                       sg0, sg1, sg2, ss):
    cid = lax.axis_index("c")
    sid = lax.axis_index("s")
    is_fast = cid == FAST_CID
    base = jnp.where(is_fast, sid * NCH_FAST,
                     NS * NCH_FAST + sid * NCH_SLOW)
    n_groups = jnp.where(is_fast, (NCH_FAST - 7) // 6, (NCH_SLOW - 7) // 6)
    m = base + 6 * n_groups
    bufs = (buf0, buf1, buf2)
    ips = (ip0, ip1, ip2)
    sgs = (sg0, sg1, sg2)

    def wait_g(b):
        pltpu.make_async_copy(h_hbm.at[pl.ds(0, CH)], bufs[b], sgs[b]).wait()

    def wait_s(b):
        pltpu.make_async_copy(h_hbm.at[pl.ds(0, CH)], bufs[b], ss).wait()

    _zero_vmem_2d(buf0, CH)
    for r in range(4):
        pltpu.sync_copy(buf0, agg.at[pl.ds(sid * RPT + r * CH, CH)])
    pltpu.sync_copy(buf0.at[pl.ds(0, RPT - 4 * CH)],
                    agg.at[pl.ds(sid * RPT + 4 * CH, RPT - 4 * CH)])
    @pl.when(sid == 0)
    def _zero_tail():
        pltpu.sync_copy(buf0.at[pl.ds(0, TAIL)],
                        agg.at[pl.ds(NS * RPT, TAIL)])

    for b in range(3):
        pltpu.sync_copy(tab_hbm.at[base + b], ips[b].at[0])
        pltpu.async_copy(h_hbm.at[ips[b].at[0, 0]], bufs[b], sgs[b])

    plsc.subcore_barrier()

    def outer(g2, carry):
        for u in range(6):
            b = u % 3
            q = (u // 3) % 2
            j = g2 * 6 + u
            wait_g(b)
            pltpu.async_copy(bufs[b], agg.at[ips[b].at[q, 1]], ss, add=True)
            pltpu.sync_copy(tab_hbm.at[base + j + 3], ips[b].at[1 - q])
            wait_s(b)
            pltpu.async_copy(h_hbm.at[ips[b].at[1 - q, 0]], bufs[b], sgs[b])
        return carry
    lax.fori_loop(0, n_groups, outer, 0)

    for u in range(3):
        b = u
        wait_g(b)
        pltpu.async_copy(bufs[b], agg.at[ips[b].at[0, 1]], ss, add=True)
        pltpu.sync_copy(tab_hbm.at[m + u + 3], ips[b].at[1])
        wait_s(b)
        pltpu.async_copy(h_hbm.at[ips[b].at[1, 0]], bufs[b], sgs[b])
    wait_g(0)
    pltpu.async_copy(bufs[0], agg.at[ips[0].at[1, 1]], ss, add=True)
    pltpu.sync_copy(tab_hbm.at[m + 6], ips[0].at[0])
    wait_s(0)
    pltpu.async_copy(h_hbm.at[ips[0].at[0, 0]], bufs[0], sgs[0])
    wait_g(1)
    pltpu.sync_copy(bufs[1], agg.at[ips[1].at[1, 1]], add=True)
    wait_g(2)
    pltpu.sync_copy(bufs[2], agg.at[ips[2].at[1, 1]], add=True)
    wait_g(0)
    pltpu.sync_copy(bufs[0], agg.at[ips[0].at[0, 1]], add=True)

    plsc.subcore_barrier()
    pltpu.sync_copy(
        agg.at[pl.ds(sid * RPT, RPT)],
        out_hbm.at[pl.ds(cid * AGG_N + sid * RPT, RPT)],
    )
    @pl.when(sid == 0)
    def _write_tail():
        pltpu.sync_copy(agg.at[pl.ds(NS * RPT, TAIL)],
                        out_hbm.at[pl.ds(cid * AGG_N + NS * RPT, TAIL)])



def _norm(d0, d1):
    return lax.rsqrt(jnp.maximum(d0 + d1, 1.0))


def _tc1_body(od0_ref, od1_ref, feats_ref, w1_ref, h1_ref):
    ns = _norm(od0_ref[...], od1_ref[...])
    h1_ref[...] = jnp.dot(feats_ref[...] * ns, w1_ref[...],
                          preferred_element_type=jnp.float32)


def _tc2_body(a0_ref, a1_ref, id0_ref, id1_ref, od0_ref, od1_ref,
              b1_ref, w2_ref, h2_ref):
    nd = _norm(id0_ref[...], id1_ref[...])
    ns = _norm(od0_ref[...], od1_ref[...])
    x = jax.nn.relu((a0_ref[...] + a1_ref[...]) * nd + b1_ref[...][None, :])
    h2_ref[...] = jnp.dot(x * ns, w2_ref[...], preferred_element_type=jnp.float32)


def _tc3_body(a0_ref, a1_ref, id0_ref, id1_ref, b2_ref, out_ref):
    nd = _norm(id0_ref[...], id1_ref[...])
    out_ref[...] = (a0_ref[...] + a1_ref[...]) * nd + b2_ref[...][None, :]


_tc1 = pl.pallas_call(
    _tc1_body, out_shape=jax.ShapeDtypeStruct((N_NODES, D), jnp.float32))
_tc2 = pl.pallas_call(
    _tc2_body, out_shape=jax.ShapeDtypeStruct((N_NODES, D), jnp.float32))
_tc3 = pl.pallas_call(
    _tc3_body, out_shape=jax.ShapeDtypeStruct((N_NODES, D), jnp.float32))



def kernel(feats, edge_index, W1, b1, W2, b2):
    src = edge_index[0].astype(jnp.int32)
    dst = edge_index[1].astype(jnp.int32)

    pad_e = EPAD - N_EDGES
    src_p = jnp.concatenate([src, jnp.zeros((pad_e,), jnp.int32)])
    dst_p = jnp.concatenate(
        [dst, DISCARD + (jnp.arange(pad_e, dtype=jnp.int32) % (AGG_N - N_NODES))])
    tab = jnp.stack([src_p.reshape(NCHTOT, CH), dst_p.reshape(NCHTOT, CH)],
                    axis=1)

    n_real_rows = 2 * (N_EDGES // CH)
    n_pad_rows = DEG_ROWS - n_real_rows
    deg_pad = N_NODES + (jnp.arange(n_pad_rows * CH, dtype=jnp.int32) % CH)
    deg_idx = jnp.concatenate([
        src.reshape(-1, CH),
        (dst + DEG_DST_OFF).reshape(-1, CH),
        deg_pad.reshape(n_pad_rows, CH),
    ])

    deg_parts = _sc_degrees(deg_idx)
    od0 = deg_parts[0, :N_NODES].reshape(N_NODES, 1)
    od1 = deg_parts[1, :N_NODES].reshape(N_NODES, 1)
    id0 = deg_parts[0, DEG_DST_OFF:DEG_DST_OFF + N_NODES].reshape(N_NODES, 1)
    id1 = deg_parts[1, DEG_DST_OFF:DEG_DST_OFF + N_NODES].reshape(N_NODES, 1)

    h1 = _tc1(od0, od1, feats, W1)
    agg1 = _sc_gather_scatter(h1, tab)
    h2 = _tc2(agg1[:N_NODES], agg1[AGG_N:AGG_N + N_NODES],
              id0, id1, od0, od1, b1, W2)
    agg2 = _sc_gather_scatter(h2, tab)
    out = _tc3(agg2[:N_NODES], agg2[AGG_N:AGG_N + N_NODES], id0, id1, b2)
    return out

# --- scband reference (transcript-rebuilt; emitter-appended) ---
"""Pipeline reference for scband-net-20899310862685 (READ-ONLY COPY).

The authoritative reference and input builder live on the scoring server;
editing this copy changes nothing except your own understanding.
"""

import jax, jax.numpy as jnp
import numpy as np

N_NODES = 10000
N_EDGES = 320000
IN_FEATS = 128
H_FEATS = 128


def setup_inputs(seed: int = 0) -> dict:
    key = jax.random.key(seed)
    k1, k2, k3, k4, k5, k6 = jax.random.split(key, 6)
    feats = jax.random.normal(k1, (N_NODES, IN_FEATS), dtype=jnp.float32)
    edge_index = jax.random.randint(k2, (2, N_EDGES), 0, N_NODES, dtype=jnp.int64)
    W1 = jax.random.normal(k3, (IN_FEATS, H_FEATS), dtype=jnp.float32) * (1.0 / np.sqrt(IN_FEATS))
    b1 = jnp.zeros((H_FEATS,), dtype=jnp.float32)
    W2 = jax.random.normal(k4, (H_FEATS, IN_FEATS), dtype=jnp.float32) * (1.0 / np.sqrt(H_FEATS))
    b2 = jnp.zeros((IN_FEATS,), dtype=jnp.float32)
    return {"feats": feats, "edge_index": edge_index, "W1": W1, "b1": b1, "W2": W2, "b2": b2}


def _graph_conv_both(h, src, dst, norm_src, norm_dst, W, b, n_nodes):
    # DGL GraphConv with norm='both': D_dst^{-1/2} A D_src^{-1/2} X W + b
    h = h * norm_src[:, None]
    h = h @ W
    msgs = jnp.take(h, src, axis=0)
    agg = jax.ops.segment_sum(msgs, dst, num_segments=n_nodes)
    return agg * norm_dst[:, None] + b


def reference(feats, edge_index, W1, b1, W2, b2):
    n_nodes = feats.shape[0]
    src = edge_index[0]
    dst = edge_index[1]
    ones = jnp.ones((src.shape[0],), dtype=feats.dtype)
    out_deg = jnp.clip(jax.ops.segment_sum(ones, src, num_segments=n_nodes), 1.0)
    in_deg = jnp.clip(jax.ops.segment_sum(ones, dst, num_segments=n_nodes), 1.0)
    norm_src = out_deg ** -0.5
    norm_dst = in_deg ** -0.5
    x = _graph_conv_both(feats, src, dst, norm_src, norm_dst, W1, b1, n_nodes)
    x = jax.nn.relu(x)
    x = _graph_conv_both(x, src, dst, norm_src, norm_dst, W2, b2, n_nodes)
    return x

if __name__ == "__main__":
    import jax
    _d = setup_inputs()
    print(jax.jit(kernel)(*tuple(_d.values())))

</pallas_src>

<mosaic_0001>
#map = affine_map<(d0, d1) -> (0, 0)>
#map1 = affine_map<(d0, d1) -> (0, 0, 0)>
module attributes {stable_mosaic.version = 14 : i64} {
  func.func @_sc_gather_scatter(%arg0: i32, %arg1: i32, %arg2: memref<10000x128xf32, #tpu.memory_space<hbm>>, %arg3: memref<2528x2x128xi32, #tpu.memory_space<hbm>>, %arg4: memref<20032x128xf32, #tpu.memory_space<hbm>>, %arg5: memref<128x128xf32, #tpu.memory_space<vmem>>, %arg6: memref<128x128xf32, #tpu.memory_space<vmem>>, %arg7: memref<128x128xf32, #tpu.memory_space<vmem>>, %arg8: memref<2x2x128xi32, #tpu.memory_space<vmem>>, %arg9: memref<2x2x128xi32, #tpu.memory_space<vmem>>, %arg10: memref<2x2x128xi32, #tpu.memory_space<vmem>>, %arg11: memref<10016x128xf32, #tpu.memory_space<vmem_shared>>, %arg12: memref<!tpu.dma_semaphore, #tpu.memory_space<semaphore_mem>>, %arg13: memref<!tpu.dma_semaphore, #tpu.memory_space<semaphore_mem>>, %arg14: memref<!tpu.dma_semaphore, #tpu.memory_space<semaphore_mem>>, %arg15: memref<!tpu.dma_semaphore, #tpu.memory_space<semaphore_mem>>) attributes {dimension_semantics = [#tpu.dimension_semantics<core_parallel>, #tpu.dimension_semantics<subcore_parallel>], iteration_bounds = array<i64: 2, 16>, scalar_prefetch = 0 : i64, scratch_operands = 11 : i64, tpu.core_type = #tpu.core_type<sc_vector_subcore>, window_params = [{transform_indices = #map}, {transform_indices = #map1}, {transform_indices = #map}]} {
    %eq3A = arith.constant 1 : i32
    %eq3A_0 = arith.cmpi eq, %arg0, %eq3A : i32
    %mul3A = arith.constant 115 : i32
    %mul3A_1 = arith.muli %arg1, %mul3A : i32
    %mul3A_2 = arith.constant 43 : i32
    %mul3A_3 = arith.muli %arg1, %mul3A_2 : i32
    %add3A = arith.constant 1840 : i32
    %add3A_4 = arith.addi %add3A, %mul3A_3 : i32
    %select_n3A = arith.select %eq3A_0, %mul3A_1, %add3A_4 : i32
    %jit3A = arith.constant 18 : i32
    %jit3A_5 = arith.constant 6 : i32
    %select_n3A_6 = arith.select %eq3A_0, %jit3A, %jit3A_5 : i32
    %mul3A_7 = arith.constant 6 : i32
    %mul3A_8 = arith.muli %mul3A_7, %select_n3A_6 : i32
    %add3A_9 = arith.addi %select_n3A, %mul3A_8 : i32
    %scan3A = arith.constant 0 : i32
    %scan3A_10 = arith.constant 0 : i32
    %scan3A_11 = arith.constant 1024 : i32
    %scan3A_12 = arith.addi %scan3A_10, %scan3A_11 : i32
    %scan3A_13 = arith.constant 1 : i32
    scf.for %scan3A_244 = %scan3A_10 to %scan3A_12 step %scan3A_13  : i32 {
      %broadcast_in_dim3A = arith.constant 0.000000e+00 : f32
      %broadcast_in_dim3A_245 = vector.broadcast %broadcast_in_dim3A : f32 to vector<16xf32>
      %jit3A_246 = arith.constant 8 : i32
      %div3A = arith.divsi %scan3A_244, %jit3A_246 : i32
      %sign3A = arith.constant 0 : i32
      %sign3A_247 = arith.cmpi sgt, %scan3A_244, %sign3A : i32
      %sign3A_248 = arith.extui %sign3A_247 : i1 to i32
      %sign3A_249 = arith.constant 0 : i32
      %sign3A_250 = arith.cmpi slt, %scan3A_244, %sign3A_249 : i32
      %sign3A_251 = arith.extui %sign3A_250 : i1 to i32
      %sign3A_252 = arith.subi %sign3A_248, %sign3A_251 : i32
      %sign3A_253 = arith.constant 0 : i32
      %sign3A_254 = arith.cmpi sgt, %jit3A_246, %sign3A_253 : i32
      %sign3A_255 = arith.extui %sign3A_254 : i1 to i32
      %sign3A_256 = arith.constant 0 : i32
      %sign3A_257 = arith.cmpi slt, %jit3A_246, %sign3A_256 : i32
      %sign3A_258 = arith.extui %sign3A_257 : i1 to i32
      %sign3A_259 = arith.subi %sign3A_255, %sign3A_258 : i32
      %ne3A = arith.cmpi ne, %sign3A_252, %sign3A_259 : i32
      %rem3A = arith.remsi %scan3A_244, %jit3A_246 : i32
      %ne3A_260 = arith.constant 0 : i32
      %ne3A_261 = arith.cmpi ne, %rem3A, %ne3A_260 : i32
      %and3A = arith.andi %ne3A, %ne3A_261 : i1
      %sub3A = arith.constant 1 : i32
      %sub3A_262 = arith.subi %div3A, %sub3A : i32
      %select_n3A_263 = arith.select %and3A, %sub3A_262, %div3A : i32
      %jit3A_264 = arith.constant 8 : i32
      %eq3A_265 = arith.constant 0 : i32
      %eq3A_266 = arith.cmpi eq, %jit3A_264, %eq3A_265 : i32
      %jit3A_267 = arith.constant 1 : i32
      %select_n3A_268 = arith.select %eq3A_266, %jit3A_267, %jit3A_264 : i32
      %rem3A_269 = arith.remsi %scan3A_244, %select_n3A_268 : i32
      %ne3A_270 = arith.constant 0 : i32
      %ne3A_271 = arith.cmpi ne, %rem3A_269, %ne3A_270 : i32
      %lt3A = arith.constant 0 : i32
      %lt3A_272 = arith.cmpi slt, %rem3A_269, %lt3A : i32
      %lt3A_273 = arith.constant 0 : i32
      %lt3A_274 = arith.cmpi slt, %select_n3A_268, %lt3A_273 : i32
      %ne3A_275 = arith.xori %lt3A_272, %lt3A_274 : i1
      %and3A_276 = arith.andi %ne3A_275, %ne3A_271 : i1
      %add3A_277 = arith.addi %rem3A_269, %select_n3A_268 : i32
      %select_n3A_278 = arith.select %and3A_276, %add3A_277, %rem3A_269 : i32
      %mul3A_279 = arith.constant 16 : i32
      %mul3A_280 = arith.muli %select_n3A_278, %mul3A_279 : i32
      %swap3A = arith.index_cast %select_n3A_263 : i32 to index
      %swap3A_281 = arith.index_cast %mul3A_280 : i32 to index
      %swap3A_282 = tpu.vector_load %arg5[%swap3A, %swap3A_281] {strides = array<i32>} : memref<128x128xf32, #tpu.memory_space<vmem>>, vector<1x16xf32>,
      %swap3A_283 = vector.shape_cast %swap3A_282 : vector<1x16xf32> to vector<16xf32>
      %swap3A_284 = vector.shape_cast %broadcast_in_dim3A_245 : vector<16xf32> to vector<1x16xf32>
      tpu.vector_store %arg5[%swap3A, %swap3A_281], %swap3A_284 {strides = array<i32>} : memref<128x128xf32, #tpu.memory_space<vmem>>, vector<1x16xf32>,
    }
    %scan3A_14 = arith.constant 1024 : i32
    %mul3A_15 = arith.constant 624 : i32
    %mul3A_16 = arith.muli %arg1, %mul3A_15 : i32
    %add3A_17 = arith.constant 0 : i32
    %add3A_18 = arith.addi %mul3A_16, %add3A_17 : i32
    "tpu.region"() ({
      %run_scoped3A_244 = tpu.sem_alloc : memref<!tpu.dma_semaphore, #tpu.memory_space<semaphore_mem>>
      %dma_start3A_245 = arith.constant 0 : i32
      %dma_start3A_246 = tpu.memref_slice %arg11[%add3A_18, %dma_start3A_245] : memref<10016x128xf32, #tpu.memory_space<vmem_shared>> -> memref<128x128xf32, #tpu.memory_space<vmem_shared>>
      %dma_start3A_247 = arith.constant 0 : i32
      %dma_start3A_248 = tpu.memref_slice %arg11[%add3A_18, %dma_start3A_247] : memref<10016x128xf32, #tpu.memory_space<vmem_shared>> -> memref<128x128xf32, #tpu.memory_space<vmem_shared>>
      tpu.enqueue_dma source(%arg5 : memref<128x128xf32, #tpu.memory_space<vmem>>) target(%dma_start3A_248 : memref<128x128xf32, #tpu.memory_space<vmem_shared>>) target_semaphore(%run_scoped3A_244 : memref<!tpu.dma_semaphore, #tpu.memory_space<semaphore_mem>>)
      %dma_wait3A_249 = arith.constant 0 : i32
      %dma_wait3A_250 = tpu.memref_slice %arg11[%add3A_18, %dma_wait3A_249] : memref<10016x128xf32, #tpu.memory_space<vmem_shared>> -> memref<128x128xf32, #tpu.memory_space<vmem_shared>>
      %dma_wait3A_251 = arith.constant 0 : i32
      %dma_wait3A_252 = tpu.memref_slice %arg11[%add3A_18, %dma_wait3A_251] : memref<10016x128xf32, #tpu.memory_space<vmem_shared>> -> memref<128x128xf32, #tpu.memory_space<vmem_shared>>
      tpu.wait_dma2 semaphore(%run_scoped3A_244 : memref<!tpu.dma_semaphore, #tpu.memory_space<semaphore_mem>>) src(%arg5 : memref<128x128xf32, #tpu.memory_space<vmem>>) dst(%dma_wait3A_252 : memref<128x128xf32, #tpu.memory_space<vmem_shared>>)
      tpu.yield
    }) : () -> ()
    %mul3A_19 = arith.constant 624 : i32
    %mul3A_20 = arith.muli %arg1, %mul3A_19 : i32
    %add3A_21 = arith.constant 128 : i32
    %add3A_22 = arith.addi %mul3A_20, %add3A_21 : i32
    "tpu.region"() ({
      %run_scoped3A_244 = tpu.sem_alloc : memref<!tpu.dma_semaphore, #tpu.memory_space<semaphore_mem>>
      %dma_start3A_245 = arith.constant 0 : i32
      %dma_start3A_246 = tpu.memref_slice %arg11[%add3A_22, %dma_start3A_245] : memref<10016x128xf32, #tpu.memory_space<vmem_shared>> -> memref<128x128xf32, #tpu.memory_space<vmem_shared>>
      %dma_start3A_247 = arith.constant 0 : i32
      %dma_start3A_248 = tpu.memref_slice %arg11[%add3A_22, %dma_start3A_247] : memref<10016x128xf32, #tpu.memory_space<vmem_shared>> -> memref<128x128xf32, #tpu.memory_space<vmem_shared>>
      tpu.enqueue_dma source(%arg5 : memref<128x128xf32, #tpu.memory_space<vmem>>) target(%dma_start3A_248 : memref<128x128xf32, #tpu.memory_space<vmem_shared>>) target_semaphore(%run_scoped3A_244 : memref<!tpu.dma_semaphore, #tpu.memory_space<semaphore_mem>>)
      %dma_wait3A_249 = arith.constant 0 : i32
      %dma_wait3A_250 = tpu.memref_slice %arg11[%add3A_22, %dma_wait3A_249] : memref<10016x128xf32, #tpu.memory_space<vmem_shared>> -> memref<128x128xf32, #tpu.memory_space<vmem_shared>>
      %dma_wait3A_251 = arith.constant 0 : i32
      %dma_wait3A_252 = tpu.memref_slice %arg11[%add3A_22, %dma_wait3A_251] : memref<10016x128xf32, #tpu.memory_space<vmem_shared>> -> memref<128x128xf32, #tpu.memory_space<vmem_shared>>
      tpu.wait_dma2 semaphore(%run_scoped3A_244 : memref<!tpu.dma_semaphore, #tpu.memory_space<semaphore_mem>>) src(%arg5 : memref<128x128xf32, #tpu.memory_space<vmem>>) dst(%dma_wait3A_252 : memref<128x128xf32, #tpu.memory_space<vmem_shared>>)
      tpu.yield
    }) : () -> ()
    %mul3A_23 = arith.constant 624 : i32
    %mul3A_24 = arith.muli %arg1, %mul3A_23 : i32
    %add3A_25 = arith.constant 256 : i32
    %add3A_26 = arith.addi %mul3A_24, %add3A_25 : i32
    "tpu.region"() ({
      %run_scoped3A_244 = tpu.sem_alloc : memref<!tpu.dma_semaphore, #tpu.memory_space<semaphore_mem>>
      %dma_start3A_245 = arith.constant 0 : i32
      %dma_start3A_246 = tpu.memref_slice %arg11[%add3A_26, %dma_start3A_245] : memref<10016x128xf32, #tpu.memory_space<vmem_shared>> -> memref<128x128xf32, #tpu.memory_space<vmem_shared>>
      %dma_start3A_247 = arith.constant 0 : i32
      %dma_start3A_248 = tpu.memref_slice %arg11[%add3A_26, %dma_start3A_247] : memref<10016x128xf32, #tpu.memory_space<vmem_shared>> -> memref<128x128xf32, #tpu.memory_space<vmem_shared>>
      tpu.enqueue_dma source(%arg5 : memref<128x128xf32, #tpu.memory_space<vmem>>) target(%dma_start3A_248 : memref<128x128xf32, #tpu.memory_space<vmem_shared>>) target_semaphore(%run_scoped3A_244 : memref<!tpu.dma_semaphore, #tpu.memory_space<semaphore_mem>>)
      %dma_wait3A_249 = arith.constant 0 : i32
      %dma_wait3A_250 = tpu.memref_slice %arg11[%add3A_26, %dma_wait3A_249] : memref<10016x128xf32, #tpu.memory_space<vmem_shared>> -> memref<128x128xf32, #tpu.memory_space<vmem_shared>>
      %dma_wait3A_251 = arith.constant 0 : i32
      %dma_wait3A_252 = tpu.memref_slice %arg11[%add3A_26, %dma_wait3A_251] : memref<10016x128xf32, #tpu.memory_space<vmem_shared>> -> memref<128x128xf32, #tpu.memory_space<vmem_shared>>
      tpu.wait_dma2 semaphore(%run_scoped3A_244 : memref<!tpu.dma_semaphore, #tpu.memory_space<semaphore_mem>>) src(%arg5 : memref<128x128xf32, #tpu.memory_space<vmem>>) dst(%dma_wait3A_252 : memref<128x128xf32, #tpu.memory_space<vmem_shared>>)
      tpu.yield
    }) : () -> ()
    %mul3A_27 = arith.constant 624 : i32
    %mul3A_28 = arith.muli %arg1, %mul3A_27 : i32
    %add3A_29 = arith.constant 384 : i32
    %add3A_30 = arith.addi %mul3A_28, %add3A_29 : i32
    "tpu.region"() ({
      %run_scoped3A_244 = tpu.sem_alloc : memref<!tpu.dma_semaphore, #tpu.memory_space<semaphore_mem>>
      %dma_start3A_245 = arith.constant 0 : i32
      %dma_start3A_246 = tpu.memref_slice %arg11[%add3A_30, %dma_start3A_245] : memref<10016x128xf32, #tpu.memory_space<vmem_shared>> -> memref<128x128xf32, #tpu.memory_space<vmem_shared>>
      %dma_start3A_247 = arith.constant 0 : i32
      %dma_start3A_248 = tpu.memref_slice %arg11[%add3A_30, %dma_start3A_247] : memref<10016x128xf32, #tpu.memory_space<vmem_shared>> -> memref<128x128xf32, #tpu.memory_space<vmem_shared>>
      tpu.enqueue_dma source(%arg5 : memref<128x128xf32, #tpu.memory_space<vmem>>) target(%dma_start3A_248 : memref<128x128xf32, #tpu.memory_space<vmem_shared>>) target_semaphore(%run_scoped3A_244 : memref<!tpu.dma_semaphore, #tpu.memory_space<semaphore_mem>>)
      %dma_wait3A_249 = arith.constant 0 : i32
      %dma_wait3A_250 = tpu.memref_slice %arg11[%add3A_30, %dma_wait3A_249] : memref<10016x128xf32, #tpu.memory_space<vmem_shared>> -> memref<128x128xf32, #tpu.memory_space<vmem_shared>>
      %dma_wait3A_251 = arith.constant 0 : i32
      %dma_wait3A_252 = tpu.memref_slice %arg11[%add3A_30, %dma_wait3A_251] : memref<10016x128xf32, #tpu.memory_space<vmem_shared>> -> memref<128x128xf32, #tpu.memory_space<vmem_shared>>
      tpu.wait_dma2 semaphore(%run_scoped3A_244 : memref<!tpu.dma_semaphore, #tpu.memory_space<semaphore_mem>>) src(%arg5 : memref<128x128xf32, #tpu.memory_space<vmem>>) dst(%dma_wait3A_252 : memref<128x128xf32, #tpu.memory_space<vmem_shared>>)
      tpu.yield
    }) : () -> ()
    %mul3A_31 = arith.constant 624 : i32
    %mul3A_32 = arith.muli %arg1, %mul3A_31 : i32
    %add3A_33 = arith.constant 512 : i32
    %add3A_34 = arith.addi %mul3A_32, %add3A_33 : i32
    "tpu.region"() ({
      %run_scoped3A_244 = tpu.sem_alloc : memref<!tpu.dma_semaphore, #tpu.memory_space<semaphore_mem>>
      %dma_start3A_245 = arith.constant 0 : i32
      %dma_start3A_246 = arith.constant 0 : i32
      %dma_start3A_247 = tpu.memref_slice %arg5[%dma_start3A_245, %dma_start3A_246] : memref<128x128xf32, #tpu.memory_space<vmem>> -> memref<112x128xf32, #tpu.memory_space<vmem>>
      %dma_start3A_248 = arith.constant 0 : i32
      %dma_start3A_249 = tpu.memref_slice %arg11[%add3A_34, %dma_start3A_248] : memref<10016x128xf32, #tpu.memory_space<vmem_shared>> -> memref<112x128xf32, #tpu.memory_space<vmem_shared>>
      %dma_start3A_250 = arith.constant 0 : i32
      %dma_start3A_251 = tpu.memref_slice %arg11[%add3A_34, %dma_start3A_250] : memref<10016x128xf32, #tpu.memory_space<vmem_shared>> -> memref<112x128xf32, #tpu.memory_space<vmem_shared>>
      %dma_start3A_252 = arith.constant 0 : i32
      %dma_start3A_253 = arith.constant 0 : i32
      %dma_start3A_254 = tpu.memref_slice %arg5[%dma_start3A_252, %dma_start3A_253] : memref<128x128xf32, #tpu.memory_space<vmem>> -> memref<112x128xf32, #tpu.memory_space<vmem>>
      tpu.enqueue_dma source(%dma_start3A_254 : memref<112x128xf32, #tpu.memory_space<vmem>>) target(%dma_start3A_251 : memref<112x128xf32, #tpu.memory_space<vmem_shared>>) target_semaphore(%run_scoped3A_244 : memref<!tpu.dma_semaphore, #tpu.memory_space<semaphore_mem>>)
      %dma_wait3A_255 = arith.constant 0 : i32
      %dma_wait3A_256 = arith.constant 0 : i32
      %dma_wait3A_257 = tpu.memref_slice %arg5[%dma_wait3A_255, %dma_wait3A_256] : memref<128x128xf32, #tpu.memory_space<vmem>> -> memref<112x128xf32, #tpu.memory_space<vmem>>
      %dma_wait3A_258 = arith.constant 0 : i32
      %dma_wait3A_259 = tpu.memref_slice %arg11[%add3A_34, %dma_wait3A_258] : memref<10016x128xf32, #tpu.memory_space<vmem_shared>> -> memref<112x128xf32, #tpu.memory_space<vmem_shared>>
      %dma_wait3A_260 = arith.constant 0 : i32
      %dma_wait3A_261 = tpu.memref_slice %arg11[%add3A_34, %dma_wait3A_260] : memref<10016x128xf32, #tpu.memory_space<vmem_shared>> -> memref<112x128xf32, #tpu.memory_space<vmem_shared>>
      %dma_wait3A_262 = arith.constant 0 : i32
      %dma_wait3A_263 = arith.constant 0 : i32
      %dma_wait3A_264 = tpu.memref_slice %arg5[%dma_wait3A_262, %dma_wait3A_263] : memref<128x128xf32, #tpu.memory_space<vmem>> -> memref<112x128xf32, #tpu.memory_space<vmem>>
      tpu.wait_dma2 semaphore(%run_scoped3A_244 : memref<!tpu.dma_semaphore, #tpu.memory_space<semaphore_mem>>) src(%dma_wait3A_264 : memref<112x128xf32, #tpu.memory_space<vmem>>) dst(%dma_wait3A_261 : memref<112x128xf32, #tpu.memory_space<vmem_shared>>)
      tpu.yield
    }) : () -> ()
    %eq3A_35 = arith.constant 0 : i32
    %eq3A_36 = arith.cmpi eq, %arg1, %eq3A_35 : i32
    %convert_element_type3A = arith.extui %eq3A_36 : i1 to i32
    %cond3A = arith.constant 0 : i32
    %cond3A_37 = arith.cmpi ne, %convert_element_type3A, %cond3A : i32
    scf.if %cond3A_37 {
      "tpu.region"() ({
        %run_scoped3A_244 = tpu.sem_alloc : memref<!tpu.dma_semaphore, #tpu.memory_space<semaphore_mem>>
        %dma_start3A_245 = arith.constant 0 : i32
        %dma_start3A_246 = arith.constant 0 : i32
        %dma_start3A_247 = tpu.memref_slice %arg5[%dma_start3A_245, %dma_start3A_246] : memref<128x128xf32, #tpu.memory_space<vmem>> -> memref<32x128xf32, #tpu.memory_space<vmem>>
        %dma_start3A_248 = arith.constant 9984 : i32
        %dma_start3A_249 = arith.constant 0 : i32
        %dma_start3A_250 = tpu.memref_slice %arg11[%dma_start3A_248, %dma_start3A_249] : memref<10016x128xf32, #tpu.memory_space<vmem_shared>> -> memref<32x128xf32, #tpu.memory_space<vmem_shared>>
        %dma_start3A_251 = arith.constant 9984 : i32
        %dma_start3A_252 = arith.constant 0 : i32
        %dma_start3A_253 = tpu.memref_slice %arg11[%dma_start3A_251, %dma_start3A_252] : memref<10016x128xf32, #tpu.memory_space<vmem_shared>> -> memref<32x128xf32, #tpu.memory_space<vmem_shared>>
        %dma_start3A_254 = arith.constant 0 : i32
        %dma_start3A_255 = arith.constant 0 : i32
        %dma_start3A_256 = tpu.memref_slice %arg5[%dma_start3A_254, %dma_start3A_255] : memref<128x128xf32, #tpu.memory_space<vmem>> -> memref<32x128xf32, #tpu.memory_space<vmem>>
        tpu.enqueue_dma source(%dma_start3A_256 : memref<32x128xf32, #tpu.memory_space<vmem>>) target(%dma_start3A_253 : memref<32x128xf32, #tpu.memory_space<vmem_shared>>) target_semaphore(%run_scoped3A_244 : memref<!tpu.dma_semaphore, #tpu.memory_space<semaphore_mem>>)
        %dma_wait3A_257 = arith.constant 0 : i32
        %dma_wait3A_258 = arith.constant 0 : i32
        %dma_wait3A_259 = tpu.memref_slice %arg5[%dma_wait3A_257, %dma_wait3A_258] : memref<128x128xf32, #tpu.memory_space<vmem>> -> memref<32x128xf32, #tpu.memory_space<vmem>>
        %dma_wait3A_260 = arith.constant 9984 : i32
        %dma_wait3A_261 = arith.constant 0 : i32
        %dma_wait3A_262 = tpu.memref_slice %arg11[%dma_wait3A_260, %dma_wait3A_261] : memref<10016x128xf32, #tpu.memory_space<vmem_shared>> -> memref<32x128xf32, #tpu.memory_space<vmem_shared>>
        %dma_wait3A_263 = arith.constant 9984 : i32
        %dma_wait3A_264 = arith.constant 0 : i32
        %dma_wait3A_265 = tpu.memref_slice %arg11[%dma_wait3A_263, %dma_wait3A_264] : memref<10016x128xf32, #tpu.memory_space<vmem_shared>> -> memref<32x128xf32, #tpu.memory_space<vmem_shared>>
        %dma_wait3A_266 = arith.constant 0 : i32
        %dma_wait3A_267 = arith.constant 0 : i32
        %dma_wait3A_268 = tpu.memref_slice %arg5[%dma_wait3A_266, %dma_wait3A_267] : memref<128x128xf32, #tpu.memory_space<vmem>> -> memref<32x128xf32, #tpu.memory_space<vmem>>
        tpu.wait_dma2 semaphore(%run_scoped3A_244 : memref<!tpu.dma_semaphore, #tpu.memory_space<semaphore_mem>>) src(%dma_wait3A_268 : memref<32x128xf32, #tpu.memory_space<vmem>>) dst(%dma_wait3A_265 : memref<32x128xf32, #tpu.memory_space<vmem_shared>>)
        tpu.yield
      }) : () -> ()
    } else {
    }
    %add3A_38 = arith.constant 0 : i32
    %add3A_39 = arith.addi %select_n3A, %add3A_38 : i32
    %run_scoped3A = arith.constant 0 : i32
    "tpu.region"() ({
      %run_scoped3A_244 = tpu.sem_alloc : memref<!tpu.dma_semaphore, #tpu.memory_space<semaphore_mem>>
      %dma_start3A_245 = arith.constant 0 : i32
      %dma_start3A_246 = arith.constant 0 : i32
      %dma_start3A_247 = tpu.memref_slice %arg8[%run_scoped3A, %dma_start3A_245, %dma_start3A_246] : memref<2x2x128xi32, #tpu.memory_space<vmem>> -> memref<1x2x128xi32, #tpu.memory_space<vmem>>
      %dma_start3A_248 = tpu.memref_squeeze %dma_start3A_247 : memref<1x2x128xi32, #tpu.memory_space<vmem>> -> memref<2x128xi32, #tpu.memory_space<vmem>>
      %dma_start3A_249 = arith.constant 0 : i32
      %dma_start3A_250 = arith.constant 0 : i32
      %dma_start3A_251 = tpu.memref_slice %arg3[%add3A_39, %dma_start3A_249, %dma_start3A_250] : memref<2528x2x128xi32, #tpu.memory_space<hbm>> -> memref<1x2x128xi32, #tpu.memory_space<hbm>>
      %dma_start3A_252 = tpu.memref_squeeze %dma_start3A_251 : memref<1x2x128xi32, #tpu.memory_space<hbm>> -> memref<2x128xi32, #tpu.memory_space<hbm>>
      %dma_start3A_253 = arith.constant 0 : i32
      %dma_start3A_254 = arith.constant 0 : i32
      %dma_start3A_255 = tpu.memref_slice %arg8[%run_scoped3A, %dma_start3A_253, %dma_start3A_254] : memref<2x2x128xi32, #tpu.memory_space<vmem>> -> memref<1x2x128xi32, #tpu.memory_space<vmem>>
      %dma_start3A_256 = tpu.memref_squeeze %dma_start3A_255 : memref<1x2x128xi32, #tpu.memory_space<vmem>> -> memref<2x128xi32, #tpu.memory_space<vmem>>
      %dma_start3A_257 = arith.constant 0 : i32
      %dma_start3A_258 = arith.constant 0 : i32
      %dma_start3A_259 = tpu.memref_slice %arg3[%add3A_39, %dma_start3A_257, %dma_start3A_258] : memref<2528x2x128xi32, #tpu.memory_space<hbm>> -> memref<1x2x128xi32, #tpu.memory_space<hbm>>
      %dma_start3A_260 = tpu.memref_squeeze %dma_start3A_259 : memref<1x2x128xi32, #tpu.memory_space<hbm>> -> memref<2x128xi32, #tpu.memory_space<hbm>>
      tpu.enqueue_dma source(%dma_start3A_260 : memref<2x128xi32, #tpu.memory_space<hbm>>) target(%dma_start3A_256 : memref<2x128xi32, #tpu.memory_space<vmem>>) target_semaphore(%run_scoped3A_244 : memref<!tpu.dma_semaphore, #tpu.memory_space<semaphore_mem>>)
      %dma_wait3A_261 = arith.constant 0 : i32
      %dma_wait3A_262 = arith.constant 0 : i32
      %dma_wait3A_263 = tpu.memref_slice %arg8[%run_scoped3A, %dma_wait3A_261, %dma_wait3A_262] : memref<2x2x128xi32, #tpu.memory_space<vmem>> -> memref<1x2x128xi32, #tpu.memory_space<vmem>>
      %dma_wait3A_264 = tpu.memref_squeeze %dma_wait3A_263 : memref<1x2x128xi32, #tpu.memory_space<vmem>> -> memref<2x128xi32, #tpu.memory_space<vmem>>
      %dma_wait3A_265 = arith.constant 0 : i32
      %dma_wait3A_266 = arith.constant 0 : i32
      %dma_wait3A_267 = tpu.memref_slice %arg3[%add3A_39, %dma_wait3A_265, %dma_wait3A_266] : memref<2528x2x128xi32, #tpu.memory_space<hbm>> -> memref<1x2x128xi32, #tpu.memory_space<hbm>>
      %dma_wait3A_268 = tpu.memref_squeeze %dma_wait3A_267 : memref<1x2x128xi32, #tpu.memory_space<hbm>> -> memref<2x128xi32, #tpu.memory_space<hbm>>
      %dma_wait3A_269 = arith.constant 0 : i32
      %dma_wait3A_270 = arith.constant 0 : i32
      %dma_wait3A_271 = tpu.memref_slice %arg8[%run_scoped3A, %dma_wait3A_269, %dma_wait3A_270] : memref<2x2x128xi32, #tpu.memory_space<vmem>> -> memref<1x2x128xi32, #tpu.memory_space<vmem>>
      %dma_wait3A_272 = tpu.memref_squeeze %dma_wait3A_271 : memref<1x2x128xi32, #tpu.memory_space<vmem>> -> memref<2x128xi32, #tpu.memory_space<vmem>>
      %dma_wait3A_273 = arith.constant 0 : i32
      %dma_wait3A_274 = arith.constant 0 : i32
      %dma_wait3A_275 = tpu.memref_slice %arg3[%add3A_39, %dma_wait3A_273, %dma_wait3A_274] : memref<2528x2x128xi32, #tpu.memory_space<hbm>> -> memref<1x2x128xi32, #tpu.memory_space<hbm>>
      %dma_wait3A_276 = tpu.memref_squeeze %dma_wait3A_275 : memref<1x2x128xi32, #tpu.memory_space<hbm>> -> memref<2x128xi32, #tpu.memory_space<hbm>>
      tpu.wait_dma2 semaphore(%run_scoped3A_244 : memref<!tpu.dma_semaphore, #tpu.memory_space<semaphore_mem>>) src(%dma_wait3A_276 : memref<2x128xi32, #tpu.memory_space<hbm>>) dst(%dma_wait3A_272 : memref<2x128xi32, #tpu.memory_space<vmem>>)
      tpu.yield
    }) : () -> ()
    %dma_start3A = arith.constant 0 : i32
    %dma_start3A_40 = arith.constant 0 : i32
    %dma_start3A_41 = arith.constant 0 : i32
    %dma_start3A_42 = tpu.memref_slice %arg8[%dma_start3A, %dma_start3A_40, %dma_start3A_41] : memref<2x2x128xi32, #tpu.memory_space<vmem>> -> memref<1x1x128xi32, #tpu.memory_space<vmem>>
    %dma_start3A_43 = tpu.memref_squeeze %dma_start3A_42 : memref<1x1x128xi32, #tpu.memory_space<vmem>> -> memref<128xi32, #tpu.memory_space<vmem>>
    %dma_start3A_44 = arith.constant 0 : i32
    %dma_start3A_45 = arith.constant 0 : i32
    %dma_start3A_46 = tpu.memref_slice %arg2[%dma_start3A_44, %dma_start3A_45] : memref<10000x128xf32, #tpu.memory_space<hbm>> -> memref<10000x128xf32, #tpu.memory_space<hbm>>
    tpu.enqueue_indirect_dma source(%dma_start3A_46 : memref<10000x128xf32, #tpu.memory_space<hbm>>) target(%arg5 : memref<128x128xf32, #tpu.memory_space<vmem>>) offsets(%dma_start3A_43 : memref<128xi32, #tpu.memory_space<vmem>>) semaphore(%arg12 : memref<!tpu.dma_semaphore, #tpu.memory_space<semaphore_mem>>)
    %add3A_47 = arith.constant 1 : i32
    %add3A_48 = arith.addi %select_n3A, %add3A_47 : i32
    %run_scoped3A_49 = arith.constant 0 : i32
    "tpu.region"() ({
      %run_scoped3A_244 = tpu.sem_alloc : memref<!tpu.dma_semaphore, #tpu.memory_space<semaphore_mem>>
      %dma_start3A_245 = arith.constant 0 : i32
      %dma_start3A_246 = arith.constant 0 : i32
      %dma_start3A_247 = tpu.memref_slice %arg9[%run_scoped3A_49, %dma_start3A_245, %dma_start3A_246] : memref<2x2x128xi32, #tpu.memory_space<vmem>> -> memref<1x2x128xi32, #tpu.memory_space<vmem>>
      %dma_start3A_248 = tpu.memref_squeeze %dma_start3A_247 : memref<1x2x128xi32, #tpu.memory_space<vmem>> -> memref<2x128xi32, #tpu.memory_space<vmem>>
      %dma_start3A_249 = arith.constant 0 : i32
      %dma_start3A_250 = arith.constant 0 : i32
      %dma_start3A_251 = tpu.memref_slice %arg3[%add3A_48, %dma_start3A_249, %dma_start3A_250] : memref<2528x2x128xi32, #tpu.memory_space<hbm>> -> memref<1x2x128xi32, #tpu.memory_space<hbm>>
      %dma_start3A_252 = tpu.memref_squeeze %dma_start3A_251 : memref<1x2x128xi32, #tpu.memory_space<hbm>> -> memref<2x128xi32, #tpu.memory_space<hbm>>
      %dma_start3A_253 = arith.constant 0 : i32
      %dma_start3A_254 = arith.constant 0 : i32
      %dma_start3A_255 = tpu.memref_slice %arg9[%run_scoped3A_49, %dma_start3A_253, %dma_start3A_254] : memref<2x2x128xi32, #tpu.memory_space<vmem>> -> memref<1x2x128xi32, #tpu.memory_space<vmem>>
      %dma_start3A_256 = tpu.memref_squeeze %dma_start3A_255 : memref<1x2x128xi32, #tpu.memory_space<vmem>> -> memref<2x128xi32, #tpu.memory_space<vmem>>
      %dma_start3A_257 = arith.constant 0 : i32
      %dma_start3A_258 = arith.constant 0 : i32
      %dma_start3A_259 = tpu.memref_slice %arg3[%add3A_48, %dma_start3A_257, %dma_start3A_258] : memref<2528x2x128xi32, #tpu.memory_space<hbm>> -> memref<1x2x128xi32, #tpu.memory_space<hbm>>
      %dma_start3A_260 = tpu.memref_squeeze %dma_start3A_259 : memref<1x2x128xi32, #tpu.memory_space<hbm>> -> memref<2x128xi32, #tpu.memory_space<hbm>>
      tpu.enqueue_dma source(%dma_start3A_260 : memref<2x128xi32, #tpu.memory_space<hbm>>) target(%dma_start3A_256 : memref<2x128xi32, #tpu.memory_space<vmem>>) target_semaphore(%run_scoped3A_244 : memref<!tpu.dma_semaphore, #tpu.memory_space<semaphore_mem>>)
      %dma_wait3A_261 = arith.constant 0 : i32
      %dma_wait3A_262 = arith.constant 0 : i32
      %dma_wait3A_263 = tpu.memref_slice %arg9[%run_scoped3A_49, %dma_wait3A_261, %dma_wait3A_262] : memref<2x2x128xi32, #tpu.memory_space<vmem>> -> memref<1x2x128xi32, #tpu.memory_space<vmem>>
      %dma_wait3A_264 = tpu.memref_squeeze %dma_wait3A_263 : memref<1x2x128xi32, #tpu.memory_space<vmem>> -> memref<2x128xi32, #tpu.memory_space<vmem>>
      %dma_wait3A_265 = arith.constant 0 : i32
      %dma_wait3A_266 = arith.constant 0 : i32
      %dma_wait3A_267 = tpu.memref_slice %arg3[%add3A_48, %dma_wait3A_265, %dma_wait3A_266] : memref<2528x2x128xi32, #tpu.memory_space<hbm>> -> memref<1x2x128xi32, #tpu.memory_space<hbm>>
      %dma_wait3A_268 = tpu.memref_squeeze %dma_wait3A_267 : memref<1x2x128xi32, #tpu.memory_space<hbm>> -> memref<2x128xi32, #tpu.memory_space<hbm>>
      %dma_wait3A_269 = arith.constant 0 : i32
      %dma_wait3A_270 = arith.constant 0 : i32
      %dma_wait3A_271 = tpu.memref_slice %arg9[%run_scoped3A_49, %dma_wait3A_269, %dma_wait3A_270] : memref<2x2x128xi32, #tpu.memory_space<vmem>> -> memref<1x2x128xi32, #tpu.memory_space<vmem>>
      %dma_wait3A_272 = tpu.memref_squeeze %dma_wait3A_271 : memref<1x2x128xi32, #tpu.memory_space<vmem>> -> memref<2x128xi32, #tpu.memory_space<vmem>>
      %dma_wait3A_273 = arith.constant 0 : i32
      %dma_wait3A_274 = arith.constant 0 : i32
      %dma_wait3A_275 = tpu.memref_slice %arg3[%add3A_48, %dma_wait3A_273, %dma_wait3A_274] : memref<2528x2x128xi32, #tpu.memory_space<hbm>> -> memref<1x2x128xi32, #tpu.memory_space<hbm>>
      %dma_wait3A_276 = tpu.memref_squeeze %dma_wait3A_275 : memref<1x2x128xi32, #tpu.memory_space<hbm>> -> memref<2x128xi32, #tpu.memory_space<hbm>>
      tpu.wait_dma2 semaphore(%run_scoped3A_244 : memref<!tpu.dma_semaphore, #tpu.memory_space<semaphore_mem>>) src(%dma_wait3A_276 : memref<2x128xi32, #tpu.memory_space<hbm>>) dst(%dma_wait3A_272 : memref<2x128xi32, #tpu.memory_space<vmem>>)
      tpu.yield
    }) : () -> ()
    %dma_start3A_50 = arith.constant 0 : i32
    %dma_start3A_51 = arith.constant 0 : i32
    %dma_start3A_52 = arith.constant 0 : i32
    %dma_start3A_53 = tpu.memref_slice %arg9[%dma_start3A_50, %dma_start3A_51, %dma_start3A_52] : memref<2x2x128xi32, #tpu.memory_space<vmem>> -> memref<1x1x128xi32, #tpu.memory_space<vmem>>
    %dma_start3A_54 = tpu.memref_squeeze %dma_start3A_53 : memref<1x1x128xi32, #tpu.memory_space<vmem>> -> memref<128xi32, #tpu.memory_space<vmem>>
    %dma_start3A_55 = arith.constant 0 : i32
    %dma_start3A_56 = arith.constant 0 : i32
    %dma_start3A_57 = tpu.memref_slice %arg2[%dma_start3A_55, %dma_start3A_56] : memref<10000x128xf32, #tpu.memory_space<hbm>> -> memref<10000x128xf32, #tpu.memory_space<hbm>>
    tpu.enqueue_indirect_dma source(%dma_start3A_57 : memref<10000x128xf32, #tpu.memory_space<hbm>>) target(%arg6 : memref<128x128xf32, #tpu.memory_space<vmem>>) offsets(%dma_start3A_54 : memref<128xi32, #tpu.memory_space<vmem>>) semaphore(%arg13 : memref<!tpu.dma_semaphore, #tpu.memory_space<semaphore_mem>>)
    %add3A_58 = arith.constant 2 : i32
    %add3A_59 = arith.addi %select_n3A, %add3A_58 : i32
    %run_scoped3A_60 = arith.constant 0 : i32
    "tpu.region"() ({
      %run_scoped3A_244 = tpu.sem_alloc : memref<!tpu.dma_semaphore, #tpu.memory_space<semaphore_mem>>
      %dma_start3A_245 = arith.constant 0 : i32
      %dma_start3A_246 = arith.constant 0 : i32
      %dma_start3A_247 = tpu.memref_slice %arg10[%run_scoped3A_60, %dma_start3A_245, %dma_start3A_246] : memref<2x2x128xi32, #tpu.memory_space<vmem>> -> memref<1x2x128xi32, #tpu.memory_space<vmem>>
      %dma_start3A_248 = tpu.memref_squeeze %dma_start3A_247 : memref<1x2x128xi32, #tpu.memory_space<vmem>> -> memref<2x128xi32, #tpu.memory_space<vmem>>
      %dma_start3A_249 = arith.constant 0 : i32
      %dma_start3A_250 = arith.constant 0 : i32
      %dma_start3A_251 = tpu.memref_slice %arg3[%add3A_59, %dma_start3A_249, %dma_start3A_250] : memref<2528x2x128xi32, #tpu.memory_space<hbm>> -> memref<1x2x128xi32, #tpu.memory_space<hbm>>
      %dma_start3A_252 = tpu.memref_squeeze %dma_start3A_251 : memref<1x2x128xi32, #tpu.memory_space<hbm>> -> memref<2x128xi32, #tpu.memory_space<hbm>>
      %dma_start3A_253 = arith.constant 0 : i32
      %dma_start3A_254 = arith.constant 0 : i32
      %dma_start3A_255 = tpu.memref_slice %arg10[%run_scoped3A_60, %dma_start3A_253, %dma_start3A_254] : memref<2x2x128xi32, #tpu.memory_space<vmem>> -> memref<1x2x128xi32, #tpu.memory_space<vmem>>
      %dma_start3A_256 = tpu.memref_squeeze %dma_start3A_255 : memref<1x2x128xi32, #tpu.memory_space<vmem>> -> memref<2x128xi32, #tpu.memory_space<vmem>>
      %dma_start3A_257 = arith.constant 0 : i32
      %dma_start3A_258 = arith.constant 0 : i32
      %dma_start3A_259 = tpu.memref_slice %arg3[%add3A_59, %dma_start3A_257, %dma_start3A_258] : memref<2528x2x128xi32, #tpu.memory_space<hbm>> -> memref<1x2x128xi32, #tpu.memory_space<hbm>>
      %dma_start3A_260 = tpu.memref_squeeze %dma_start3A_259 : memref<1x2x128xi32, #tpu.memory_space<hbm>> -> memref<2x128xi32, #tpu.memory_space<hbm>>
      tpu.enqueue_dma source(%dma_start3A_260 : memref<2x128xi32, #tpu.memory_space<hbm>>) target(%dma_start3A_256 : memref<2x128xi32, #tpu.memory_space<vmem>>) target_semaphore(%run_scoped3A_244 : memref<!tpu.dma_semaphore, #tpu.memory_space<semaphore_mem>>)
      %dma_wait3A_261 = arith.constant 0 : i32
      %dma_wait3A_262 = arith.constant 0 : i32
      %dma_wait3A_263 = tpu.memref_slice %arg10[%run_scoped3A_60, %dma_wait3A_261, %dma_wait3A_262] : memref<2x2x128xi32, #tpu.memory_space<vmem>> -> memref<1x2x128xi32, #tpu.memory_space<vmem>>
      %dma_wait3A_264 = tpu.memref_squeeze %dma_wait3A_263 : memref<1x2x128xi32, #tpu.memory_space<vmem>> -> memref<2x128xi32, #tpu.memory_space<vmem>>
      %dma_wait3A_265 = arith.constant 0 : i32
      %dma_wait3A_266 = arith.constant 0 : i32
      %dma_wait3A_267 = tpu.memref_slice %arg3[%add3A_59, %dma_wait3A_265, %dma_wait3A_266] : memref<2528x2x128xi32, #tpu.memory_space<hbm>> -> memref<1x2x128xi32, #tpu.memory_space<hbm>>
      %dma_wait3A_268 = tpu.memref_squeeze %dma_wait3A_267 : memref<1x2x128xi32, #tpu.memory_space<hbm>> -> memref<2x128xi32, #tpu.memory_space<hbm>>
      %dma_wait3A_269 = arith.constant 0 : i32
      %dma_wait3A_270 = arith.constant 0 : i32
      %dma_wait3A_271 = tpu.memref_slice %arg10[%run_scoped3A_60, %dma_wait3A_269, %dma_wait3A_270] : memref<2x2x128xi32, #tpu.memory_space<vmem>> -> memref<1x2x128xi32, #tpu.memory_space<vmem>>
      %dma_wait3A_272 = tpu.memref_squeeze %dma_wait3A_271 : memref<1x2x128xi32, #tpu.memory_space<vmem>> -> memref<2x128xi32, #tpu.memory_space<vmem>>
      %dma_wait3A_273 = arith.constant 0 : i32
      %dma_wait3A_274 = arith.constant 0 : i32
      %dma_wait3A_275 = tpu.memref_slice %arg3[%add3A_59, %dma_wait3A_273, %dma_wait3A_274] : memref<2528x2x128xi32, #tpu.memory_space<hbm>> -> memref<1x2x128xi32, #tpu.memory_space<hbm>>
      %dma_wait3A_276 = tpu.memref_squeeze %dma_wait3A_275 : memref<1x2x128xi32, #tpu.memory_space<hbm>> -> memref<2x128xi32, #tpu.memory_space<hbm>>
      tpu.wait_dma2 semaphore(%run_scoped3A_244 : memref<!tpu.dma_semaphore, #tpu.memory_space<semaphore_mem>>) src(%dma_wait3A_276 : memref<2x128xi32, #tpu.memory_space<hbm>>) dst(%dma_wait3A_272 : memref<2x128xi32, #tpu.memory_space<vmem>>)
      tpu.yield
    }) : () -> ()
    %dma_start3A_61 = arith.constant 0 : i32
    %dma_start3A_62 = arith.constant 0 : i32
    %dma_start3A_63 = arith.constant 0 : i32
    %dma_start3A_64 = tpu.memref_slice %arg10[%dma_start3A_61, %dma_start3A_62, %dma_start3A_63] : memref<2x2x128xi32, #tpu.memory_space<vmem>> -> memref<1x1x128xi32, #tpu.memory_space<vmem>>
    %dma_start3A_65 = tpu.memref_squeeze %dma_start3A_64 : memref<1x1x128xi32, #tpu.memory_space<vmem>> -> memref<128xi32, #tpu.memory_space<vmem>>
    %dma_start3A_66 = arith.constant 0 : i32
    %dma_start3A_67 = arith.constant 0 : i32
    %dma_start3A_68 = tpu.memref_slice %arg2[%dma_start3A_66, %dma_start3A_67] : memref<10000x128xf32, #tpu.memory_space<hbm>> -> memref<10000x128xf32, #tpu.memory_space<hbm>>
    tpu.enqueue_indirect_dma source(%dma_start3A_68 : memref<10000x128xf32, #tpu.memory_space<hbm>>) target(%arg7 : memref<128x128xf32, #tpu.memory_space<vmem>>) offsets(%dma_start3A_65 : memref<128xi32, #tpu.memory_space<vmem>>) semaphore(%arg14 : memref<!tpu.dma_semaphore, #tpu.memory_space<semaphore_mem>>)
    %barrier3A = arith.constant 0 : index
    tpu.barrier barrier_id(%barrier3A)
    %while3A = arith.constant 0 : i32
    %while3A_69 = arith.constant 0 : i32
    %while3A_70 = arith.subi %select_n3A_6, %while3A_69 : i32
    %while3A_71 = arith.addi %while3A_69, %while3A_70 : i32
    %while3A_72 = arith.constant 1 : i32
    %while3A_73 = arith.divsi %while3A_70, %while3A_72 : i32
    %while3A_74 = arith.muli %while3A_73, %while3A_72 : i32
    %while3A_75 = arith.addi %while3A_69, %while3A_74 : i32
    %while3A_76 = arith.constant 1 : i32
    scf.for %while3A_244 = %while3A_69 to %while3A_75 step %while3A_76  : i32 {
      %mul3A_245 = arith.constant 6 : i32
      %mul3A_246 = arith.muli %while3A_244, %mul3A_245 : i32
      %add3A_247 = arith.constant 0 : i32
      %add3A_248 = arith.addi %mul3A_246, %add3A_247 : i32
      %dma_wait3A_249 = arith.constant 0 : i32
      %dma_wait3A_250 = arith.constant 0 : i32
      %dma_wait3A_251 = tpu.memref_slice %arg2[%dma_wait3A_249, %dma_wait3A_250] : memref<10000x128xf32, #tpu.memory_space<hbm>> -> memref<128x128xf32, #tpu.memory_space<hbm>>
      %dma_wait3A_252 = arith.constant 0 : i32
      %dma_wait3A_253 = arith.constant 0 : i32
      %dma_wait3A_254 = tpu.memref_slice %arg2[%dma_wait3A_252, %dma_wait3A_253] : memref<10000x128xf32, #tpu.memory_space<hbm>> -> memref<128x128xf32, #tpu.memory_space<hbm>>
      tpu.wait_dma2 semaphore(%arg12 : memref<!tpu.dma_semaphore, #tpu.memory_space<semaphore_mem>>) src(%dma_wait3A_254 : memref<128x128xf32, #tpu.memory_space<hbm>>) dst(%arg5 : memref<128x128xf32, #tpu.memory_space<vmem>>)
      %dma_start3A_255 = arith.constant 0 : i32
      %dma_start3A_256 = arith.constant 1 : i32
      %dma_start3A_257 = arith.constant 0 : i32
      %dma_start3A_258 = tpu.memref_slice %arg8[%dma_start3A_255, %dma_start3A_256, %dma_start3A_257] : memref<2x2x128xi32, #tpu.memory_space<vmem>> -> memref<1x1x128xi32, #tpu.memory_space<vmem>>
      %dma_start3A_259 = tpu.memref_squeeze %dma_start3A_258 : memref<1x1x128xi32, #tpu.memory_space<vmem>> -> memref<128xi32, #tpu.memory_space<vmem>>
      %dma_start3A_260 = arith.constant 0 : i32
      %dma_start3A_261 = arith.constant 0 : i32
      %dma_start3A_262 = tpu.memref_slice %arg11[%dma_start3A_260, %dma_start3A_261] : memref<10016x128xf32, #tpu.memory_space<vmem_shared>> -> memref<10016x128xf32, #tpu.memory_space<vmem_shared>>
      tpu.enqueue_indirect_dma source(%arg5 : memref<128x128xf32, #tpu.memory_space<vmem>>) target(%dma_start3A_262 : memref<10016x128xf32, #tpu.memory_space<vmem_shared>>) offsets(%dma_start3A_259 : memref<128xi32, #tpu.memory_space<vmem>>) semaphore(%arg15 : memref<!tpu.dma_semaphore, #tpu.memory_space<semaphore_mem>>) {add = true}
      %add3A_263 = arith.addi %select_n3A, %add3A_248 : i32
      %add3A_264 = arith.constant 3 : i32
      %add3A_265 = arith.addi %add3A_263, %add3A_264 : i32
      %run_scoped3A_266 = arith.constant 1 : i32
      "tpu.region"() ({
        %run_scoped3A_461 = tpu.sem_alloc : memref<!tpu.dma_semaphore, #tpu.memory_space<semaphore_mem>>
        %dma_start3A_462 = arith.constant 0 : i32
        %dma_start3A_463 = arith.constant 0 : i32
        %dma_start3A_464 = tpu.memref_slice %arg8[%run_scoped3A_266, %dma_start3A_462, %dma_start3A_463] : memref<2x2x128xi32, #tpu.memory_space<vmem>> -> memref<1x2x128xi32, #tpu.memory_space<vmem>>
        %dma_start3A_465 = tpu.memref_squeeze %dma_start3A_464 : memref<1x2x128xi32, #tpu.memory_space<vmem>> -> memref<2x128xi32, #tpu.memory_space<vmem>>
        %dma_start3A_466 = arith.constant 0 : i32
        %dma_start3A_467 = arith.constant 0 : i32
        %dma_start3A_468 = tpu.memref_slice %arg3[%add3A_265, %dma_start3A_466, %dma_start3A_467] : memref<2528x2x128xi32, #tpu.memory_space<hbm>> -> memref<1x2x128xi32, #tpu.memory_space<hbm>>
        %dma_start3A_469 = tpu.memref_squeeze %dma_start3A_468 : memref<1x2x128xi32, #tpu.memory_space<hbm>> -> memref<2x128xi32, #tpu.memory_space<hbm>>
        %dma_start3A_470 = arith.constant 0 : i32
        %dma_start3A_471 = arith.constant 0 : i32
        %dma_start3A_472 = tpu.memref_slice %arg8[%run_scoped3A_266, %dma_start3A_470, %dma_start3A_471] : memref<2x2x128xi32, #tpu.memory_space<vmem>> -> memref<1x2x128xi32, #tpu.memory_space<vmem>>
        %dma_start3A_473 = tpu.memref_squeeze %dma_start3A_472 : memref<1x2x128xi32, #tpu.memory_space<vmem>> -> memref<2x128xi32, #tpu.memory_space<vmem>>
        %dma_start3A_474 = arith.constant 0 : i32
        %dma_start3A_475 = arith.constant 0 : i32
        %dma_start3A_476 = tpu.memref_slice %arg3[%add3A_265, %dma_start3A_474, %dma_start3A_475] : memref<2528x2x128xi32, #tpu.memory_space<hbm>> -> memref<1x2x128xi32, #tpu.memory_space<hbm>>
        %dma_start3A_477 = tpu.memref_squeeze %dma_start3A_476 : memref<1x2x128xi32, #tpu.memory_space<hbm>> -> memref<2x128xi32, #tpu.memory_space<hbm>>
        tpu.enqueue_dma source(%dma_start3A_477 : memref<2x128xi32, #tpu.memory_space<hbm>>) target(%dma_start3A_473 : memref<2x128xi32, #tpu.memory_space<vmem>>) target_semaphore(%run_scoped3A_461 : memref<!tpu.dma_semaphore, #tpu.memory_space<semaphore_mem>>)
        %dma_wait3A_478 = arith.constant 0 : i32
        %dma_wait3A_479 = arith.constant 0 : i32
        %dma_wait3A_480 = tpu.memref_slice %arg8[%run_scoped3A_266, %dma_wait3A_478, %dma_wait3A_479] : memref<2x2x128xi32, #tpu.memory_space<vmem>> -> memref<1x2x128xi32, #tpu.memory_space<vmem>>
        %dma_wait3A_481 = tpu.memref_squeeze %dma_wait3A_480 : memref<1x2x128xi32, #tpu.memory_space<vmem>> -> memref<2x128xi32, #tpu.memory_space<vmem>>
        %dma_wait3A_482 = arith.constant 0 : i32
        %dma_wait3A_483 = arith.constant 0 : i32
        %dma_wait3A_484 = tpu.memref_slice %arg3[%add3A_265, %dma_wait3A_482, %dma_wait3A_483] : memref<2528x2x128xi32, #tpu.memory_space<hbm>> -> memref<1x2x128xi32, #tpu.memory_space<hbm>>
        %dma_wait3A_485 = tpu.memref_squeeze %dma_wait3A_484 : memref<1x2x128xi32, #tpu.memory_space<hbm>> -> memref<2x128xi32, #tpu.memory_space<hbm>>
        %dma_wait3A_486 = arith.constant 0 : i32
        %dma_wait3A_487 = arith.constant 0 : i32
        %dma_wait3A_488 = tpu.memref_slice %arg8[%run_scoped3A_266, %dma_wait3A_486, %dma_wait3A_487] : memref<2x2x128xi32, #tpu.memory_space<vmem>> -> memref<1x2x128xi32, #tpu.memory_space<vmem>>
        %dma_wait3A_489 = tpu.memref_squeeze %dma_wait3A_488 : memref<1x2x128xi32, #tpu.memory_space<vmem>> -> memref<2x128xi32, #tpu.memory_space<vmem>>
        %dma_wait3A_490 = arith.constant 0 : i32
        %dma_wait3A_491 = arith.constant 0 : i32
        %dma_wait3A_492 = tpu.memref_slice %arg3[%add3A_265, %dma_wait3A_490, %dma_wait3A_491] : memref<2528x2x128xi32, #tpu.memory_space<hbm>> -> memref<1x2x128xi32, #tpu.memory_space<hbm>>
        %dma_wait3A_493 = tpu.memref_squeeze %dma_wait3A_492 : memref<1x2x128xi32, #tpu.memory_space<hbm>> -> memref<2x128xi32, #tpu.memory_space<hbm>>
        tpu.wait_dma2 semaphore(%run_scoped3A_461 : memref<!tpu.dma_semaphore, #tpu.memory_space<semaphore_mem>>) src(%dma_wait3A_493 : memref<2x128xi32, #tpu.memory_space<hbm>>) dst(%dma_wait3A_489 : memref<2x128xi32, #tpu.memory_space<vmem>>)
        tpu.yield
      }) : () -> ()
      %dma_wait3A_267 = arith.constant 0 : i32
      %dma_wait3A_268 = arith.constant 0 : i32
      %dma_wait3A_269 = tpu.memref_slice %arg2[%dma_wait3A_267, %dma_wait3A_268] : memref<10000x128xf32, #tpu.memory_space<hbm>> -> memref<128x128xf32, #tpu.memory_space<hbm>>
      %dma_wait3A_270 = arith.constant 0 : i32
      %dma_wait3A_271 = arith.constant 0 : i32
      %dma_wait3A_272 = tpu.memref_slice %arg2[%dma_wait3A_270, %dma_wait3A_271] : memref<10000x128xf32, #tpu.memory_space<hbm>> -> memref<128x128xf32, #tpu.memory_space<hbm>>
      tpu.wait_dma2 semaphore(%arg15 : memref<!tpu.dma_semaphore, #tpu.memory_space<semaphore_mem>>) src(%dma_wait3A_272 : memref<128x128xf32, #tpu.memory_space<hbm>>) dst(%arg5 : memref<128x128xf32, #tpu.memory_space<vmem>>)
      %dma_start3A_273 = arith.constant 1 : i32
      %dma_start3A_274 = arith.constant 0 : i32
      %dma_start3A_275 = arith.constant 0 : i32
      %dma_start3A_276 = tpu.memref_slice %arg8[%dma_start3A_273, %dma_start3A_274, %dma_start3A_275] : memref<2x2x128xi32, #tpu.memory_space<vmem>> -> memref<1x1x128xi32, #tpu.memory_space<vmem>>
      %dma_start3A_277 = tpu.memref_squeeze %dma_start3A_276 : memref<1x1x128xi32, #tpu.memory_space<vmem>> -> memref<128xi32, #tpu.memory_space<vmem>>
      %dma_start3A_278 = arith.constant 0 : i32
      %dma_start3A_279 = arith.constant 0 : i32
      %dma_start3A_280 = tpu.memref_slice %arg2[%dma_start3A_278, %dma_start3A_279] : memref<10000x128xf32, #tpu.memory_space<hbm>> -> memref<10000x128xf32, #tpu.memory_space<hbm>>
      tpu.enqueue_indirect_dma source(%dma_start3A_280 : memref<10000x128xf32, #tpu.memory_space<hbm>>) target(%arg5 : memref<128x128xf32, #tpu.memory_space<vmem>>) offsets(%dma_start3A_277 : memref<128xi32, #tpu.memory_space<vmem>>) semaphore(%arg12 : memref<!tpu.dma_semaphore, #tpu.memory_space<semaphore_mem>>)
      %mul3A_281 = arith.constant 6 : i32
      %mul3A_282 = arith.muli %while3A_244, %mul3A_281 : i32
      %add3A_283 = arith.constant 1 : i32
      %add3A_284 = arith.addi %mul3A_282, %add3A_283 : i32
      %dma_wait3A_285 = arith.constant 0 : i32
      %dma_wait3A_286 = arith.constant 0 : i32
      %dma_wait3A_287 = tpu.memref_slice %arg2[%dma_wait3A_285, %dma_wait3A_286] : memref<10000x128xf32, #tpu.memory_space<hbm>> -> memref<128x128xf32, #tpu.memory_space<hbm>>
      %dma_wait3A_288 = arith.constant 0 : i32
      %dma_wait3A_289 = arith.constant 0 : i32
      %dma_wait3A_290 = tpu.memref_slice %arg2[%dma_wait3A_288, %dma_wait3A_289] : memref<10000x128xf32, #tpu.memory_space<hbm>> -> memref<128x128xf32, #tpu.memory_space<hbm>>
      tpu.wait_dma2 semaphore(%arg13 : memref<!tpu.dma_semaphore, #tpu.memory_space<semaphore_mem>>) src(%dma_wait3A_290 : memref<128x128xf32, #tpu.memory_space<hbm>>) dst(%arg6 : memref<128x128xf32, #tpu.memory_space<vmem>>)
      %dma_start3A_291 = arith.constant 0 : i32
      %dma_start3A_292 = arith.constant 1 : i32
      %dma_start3A_293 = arith.constant 0 : i32
      %dma_start3A_294 = tpu.memref_slice %arg9[%dma_start3A_291, %dma_start3A_292, %dma_start3A_293] : memref<2x2x128xi32, #tpu.memory_space<vmem>> -> memref<1x1x128xi32, #tpu.memory_space<vmem>>
      %dma_start3A_295 = tpu.memref_squeeze %dma_start3A_294 : memref<1x1x128xi32, #tpu.memory_space<vmem>> -> memref<128xi32, #tpu.memory_space<vmem>>
      %dma_start3A_296 = arith.constant 0 : i32
      %dma_start3A_297 = arith.constant 0 : i32
      %dma_start3A_298 = tpu.memref_slice %arg11[%dma_start3A_296, %dma_start3A_297] : memref<10016x128xf32, #tpu.memory_space<vmem_shared>> -> memref<10016x128xf32, #tpu.memory_space<vmem_shared>>
      tpu.enqueue_indirect_dma source(%arg6 : memref<128x128xf32, #tpu.memory_space<vmem>>) target(%dma_start3A_298 : memref<10016x128xf32, #tpu.memory_space<vmem_shared>>) offsets(%dma_start3A_295 : memref<128xi32, #tpu.memory_space<vmem>>) semaphore(%arg15 : memref<!tpu.dma_semaphore, #tpu.memory_space<semaphore_mem>>) {add = true}
      %add3A_299 = arith.addi %select_n3A, %add3A_284 : i32
      %add3A_300 = arith.constant 3 : i32
      %add3A_301 = arith.addi %add3A_299, %add3A_300 : i32
      %run_scoped3A_302 = arith.constant 1 : i32
      "tpu.region"() ({
        %run_scoped3A_461 = tpu.sem_alloc : memref<!tpu.dma_semaphore, #tpu.memory_space<semaphore_mem>>
        %dma_start3A_462 = arith.constant 0 : i32
        %dma_start3A_463 = arith.constant 0 : i32
        %dma_start3A_464 = tpu.memref_slice %arg9[%run_scoped3A_302, %dma_start3A_462, %dma_start3A_463] : memref<2x2x128xi32, #tpu.memory_space<vmem>> -> memref<1x2x128xi32, #tpu.memory_space<vmem>>
        %dma_start3A_465 = tpu.memref_squeeze %dma_start3A_464 : memref<1x2x128xi32, #tpu.memory_space<vmem>> -> memref<2x128xi32, #tpu.memory_space<vmem>>
        %dma_start3A_466 = arith.constant 0 : i32
        %dma_start3A_467 = arith.constant 0 : i32
        %dma_start3A_468 = tpu.memref_slice %arg3[%add3A_301, %dma_start3A_466, %dma_start3A_467] : memref<2528x2x128xi32, #tpu.memory_space<hbm>> -> memref<1x2x128xi32, #tpu.memory_space<hbm>>
        %dma_start3A_469 = tpu.memref_squeeze %dma_start3A_468 : memref<1x2x128xi32, #tpu.memory_space<hbm>> -> memref<2x128xi32, #tpu.memory_space<hbm>>
        %dma_start3A_470 = arith.constant 0 : i32
        %dma_start3A_471 = arith.constant 0 : i32
        %dma_start3A_472 = tpu.memref_slice %arg9[%run_scoped3A_302, %dma_start3A_470, %dma_start3A_471] : memref<2x2x128xi32, #tpu.memory_space<vmem>> -> memref<1x2x128xi32, #tpu.memory_space<vmem>>
        %dma_start3A_473 = tpu.memref_squeeze %dma_start3A_472 : memref<1x2x128xi32, #tpu.memory_space<vmem>> -> memref<2x128xi32, #tpu.memory_space<vmem>>
        %dma_start3A_474 = arith.constant 0 : i32
        %dma_start3A_475 = arith.constant 0 : i32
        %dma_start3A_476 = tpu.memref_slice %arg3[%add3A_301, %dma_start3A_474, %dma_start3A_475] : memref<2528x2x128xi32, #tpu.memory_space<hbm>> -> memref<1x2x128xi32, #tpu.memory_space<hbm>>
        %dma_start3A_477 = tpu.memref_squeeze %dma_start3A_476 : memref<1x2x128xi32, #tpu.memory_space<hbm>> -> memref<2x128xi32, #tpu.memory_space<hbm>>
        tpu.enqueue_dma source(%dma_start3A_477 : memref<2x128xi32, #tpu.memory_space<hbm>>) target(%dma_start3A_473 : memref<2x128xi32, #tpu.memory_space<vmem>>) target_semaphore(%run_scoped3A_461 : memref<!tpu.dma_semaphore, #tpu.memory_space<semaphore_mem>>)
        %dma_wait3A_478 = arith.constant 0 : i32
        %dma_wait3A_479 = arith.constant 0 : i32
        %dma_wait3A_480 = tpu.memref_slice %arg9[%run_scoped3A_302, %dma_wait3A_478, %dma_wait3A_479] : memref<2x2x128xi32, #tpu.memory_space<vmem>> -> memref<1x2x128xi32, #tpu.memory_space<vmem>>
        %dma_wait3A_481 = tpu.memref_squeeze %dma_wait3A_480 : memref<1x2x128xi32, #tpu.memory_space<vmem>> -> memref<2x128xi32, #tpu.memory_space<vmem>>
        %dma_wait3A_482 = arith.constant 0 : i32
        %dma_wait3A_483 = arith.constant 0 : i32
        %dma_wait3A_484 = tpu.memref_slice %arg3[%add3A_301, %dma_wait3A_482, %dma_wait3A_483] : memref<2528x2x128xi32, #tpu.memory_space<hbm>> -> memref<1x2x128xi32, #tpu.memory_space<hbm>>
        %dma_wait3A_485 = tpu.memref_squeeze %dma_wait3A_484 : memref<1x2x128xi32, #tpu.memory_space<hbm>> -> memref<2x128xi32, #tpu.memory_space<hbm>>
        %dma_wait3A_486 = arith.constant 0 : i32
        %dma_wait3A_487 = arith.constant 0 : i32
        %dma_wait3A_488 = tpu.memref_slice %arg9[%run_scoped3A_302, %dma_wait3A_486, %dma_wait3A_487] : memref<2x2x128xi32, #tpu.memory_space<vmem>> -> memref<1x2x128xi32, #tpu.memory_space<vmem>>
        %dma_wait3A_489 = tpu.memref_squeeze %dma_wait3A_488 : memref<1x2x128xi32, #tpu.memory_space<vmem>> -> memref<2x128xi32, #tpu.memory_space<vmem>>
        %dma_wait3A_490 = arith.constant 0 : i32
        %dma_wait3A_491 = arith.constant 0 : i32
        %dma_wait3A_492 = tpu.memref_slice %arg3[%add3A_301, %dma_wait3A_490, %dma_wait3A_491] : memref<2528x2x128xi32, #tpu.memory_space<hbm>> -> memref<1x2x128xi32, #tpu.memory_space<hbm>>
        %dma_wait3A_493 = tpu.memref_squeeze %dma_wait3A_492 : memref<1x2x128xi32, #tpu.memory_space<hbm>> -> memref<2x128xi32, #tpu.memory_space<hbm>>
        tpu.wait_dma2 semaphore(%run_scoped3A_461 : memref<!tpu.dma_semaphore, #tpu.memory_space<semaphore_mem>>) src(%dma_wait3A_493 : memref<2x128xi32, #tpu.memory_space<hbm>>) dst(%dma_wait3A_489 : memref<2x128xi32, #tpu.memory_space<vmem>>)
        tpu.yield
      }) : () -> ()
      %dma_wait3A_303 = arith.constant 0 : i32
      %dma_wait3A_304 = arith.constant 0 : i32
      %dma_wait3A_305 = tpu.memref_slice %arg2[%dma_wait3A_303, %dma_wait3A_304] : memref<10000x128xf32, #tpu.memory_space<hbm>> -> memref<128x128xf32, #tpu.memory_space<hbm>>
      %dma_wait3A_306 = arith.constant 0 : i32
      %dma_wait3A_307 = arith.constant 0 : i32
      %dma_wait3A_308 = tpu.memref_slice %arg2[%dma_wait3A_306, %dma_wait3A_307] : memref<10000x128xf32, #tpu.memory_space<hbm>> -> memref<128x128xf32, #tpu.memory_space<hbm>>
      tpu.wait_dma2 semaphore(%arg15 : memref<!tpu.dma_semaphore, #tpu.memory_space<semaphore_mem>>) src(%dma_wait3A_308 : memref<128x128xf32, #tpu.memory_space<hbm>>) dst(%arg6 : memref<128x128xf32, #tpu.memory_space<vmem>>)
      %dma_start3A_309 = arith.constant 1 : i32
      %dma_start3A_310 = arith.constant 0 : i32
      %dma_start3A_311 = arith.constant 0 : i32
      %dma_start3A_312 = tpu.memref_slice %arg9[%dma_start3A_309, %dma_start3A_310, %dma_start3A_311] : memref<2x2x128xi32, #tpu.memory_space<vmem>> -> memref<1x1x128xi32, #tpu.memory_space<vmem>>
      %dma_start3A_313 = tpu.memref_squeeze %dma_start3A_312 : memref<1x1x128xi32, #tpu.memory_space<vmem>> -> memref<128xi32, #tpu.memory_space<vmem>>
      %dma_start3A_314 = arith.constant 0 : i32
      %dma_start3A_315 = arith.constant 0 : i32
      %dma_start3A_316 = tpu.memref_slice %arg2[%dma_start3A_314, %dma_start3A_315] : memref<10000x128xf32, #tpu.memory_space<hbm>> -> memref<10000x128xf32, #tpu.memory_space<hbm>>
      tpu.enqueue_indirect_dma source(%dma_start3A_316 : memref<10000x128xf32, #tpu.memory_space<hbm>>) target(%arg6 : memref<128x128xf32, #tpu.memory_space<vmem>>) offsets(%dma_start3A_313 : memref<128xi32, #tpu.memory_space<vmem>>) semaphore(%arg13 : memref<!tpu.dma_semaphore, #tpu.memory_space<semaphore_mem>>)
      %mul3A_317 = arith.constant 6 : i32
      %mul3A_318 = arith.muli %while3A_244, %mul3A_317 : i32
      %add3A_319 = arith.constant 2 : i32
      %add3A_320 = arith.addi %mul3A_318, %add3A_319 : i32
      %dma_wait3A_321 = arith.constant 0 : i32
      %dma_wait3A_322 = arith.constant 0 : i32
      %dma_wait3A_323 = tpu.memref_slice %arg2[%dma_wait3A_321, %dma_wait3A_322] : memref<10000x128xf32, #tpu.memory_space<hbm>> -> memref<128x128xf32, #tpu.memory_space<hbm>>
      %dma_wait3A_324 = arith.constant 0 : i32
      %dma_wait3A_325 = arith.constant 0 : i32
      %dma_wait3A_326 = tpu.memref_slice %arg2[%dma_wait3A_324, %dma_wait3A_325] : memref<10000x128xf32, #tpu.memory_space<hbm>> -> memref<128x128xf32, #tpu.memory_space<hbm>>
      tpu.wait_dma2 semaphore(%arg14 : memref<!tpu.dma_semaphore, #tpu.memory_space<semaphore_mem>>) src(%dma_wait3A_326 : memref<128x128xf32, #tpu.memory_space<hbm>>) dst(%arg7 : memref<128x128xf32, #tpu.memory_space<vmem>>)
      %dma_start3A_327 = arith.constant 0 : i32
      %dma_start3A_328 = arith.constant 1 : i32
      %dma_start3A_329 = arith.constant 0 : i32
      %dma_start3A_330 = tpu.memref_slice %arg10[%dma_start3A_327, %dma_start3A_328, %dma_start3A_329] : memref<2x2x128xi32, #tpu.memory_space<vmem>> -> memref<1x1x128xi32, #tpu.memory_space<vmem>>
      %dma_start3A_331 = tpu.memref_squeeze %dma_start3A_330 : memref<1x1x128xi32, #tpu.memory_space<vmem>> -> memref<128xi32, #tpu.memory_space<vmem>>
      %dma_start3A_332 = arith.constant 0 : i32
      %dma_start3A_333 = arith.constant 0 : i32
      %dma_start3A_334 = tpu.memref_slice %arg11[%dma_start3A_332, %dma_start3A_333] : memref<10016x128xf32, #tpu.memory_space<vmem_shared>> -> memref<10016x128xf32, #tpu.memory_space<vmem_shared>>
      tpu.enqueue_indirect_dma source(%arg7 : memref<128x128xf32, #tpu.memory_space<vmem>>) target(%dma_start3A_334 : memref<10016x128xf32, #tpu.memory_space<vmem_shared>>) offsets(%dma_start3A_331 : memref<128xi32, #tpu.memory_space<vmem>>) semaphore(%arg15 : memref<!tpu.dma_semaphore, #tpu.memory_space<semaphore_mem>>) {add = true}
      %add3A_335 = arith.addi %select_n3A, %add3A_320 : i32
      %add3A_336 = arith.constant 3 : i32
      %add3A_337 = arith.addi %add3A_335, %add3A_336 : i32
      %run_scoped3A_338 = arith.constant 1 : i32
      "tpu.region"() ({
        %run_scoped3A_461 = tpu.sem_alloc : memref<!tpu.dma_semaphore, #tpu.memory_space<semaphore_mem>>
        %dma_start3A_462 = arith.constant 0 : i32
        %dma_start3A_463 = arith.constant 0 : i32
        %dma_start3A_464 = tpu.memref_slice %arg10[%run_scoped3A_338, %dma_start3A_462, %dma_start3A_463] : memref<2x2x128xi32, #tpu.memory_space<vmem>> -> memref<1x2x128xi32, #tpu.memory_space<vmem>>
        %dma_start3A_465 = tpu.memref_squeeze %dma_start3A_464 : memref<1x2x128xi32, #tpu.memory_space<vmem>> -> memref<2x128xi32, #tpu.memory_space<vmem>>
        %dma_start3A_466 = arith.constant 0 : i32
        %dma_start3A_467 = arith.constant 0 : i32
        %dma_start3A_468 = tpu.memref_slice %arg3[%add3A_337, %dma_start3A_466, %dma_start3A_467] : memref<2528x2x128xi32, #tpu.memory_space<hbm>> -> memref<1x2x128xi32, #tpu.memory_space<hbm>>
        %dma_start3A_469 = tpu.memref_squeeze %dma_start3A_468 : memref<1x2x128xi32, #tpu.memory_space<hbm>> -> memref<2x128xi32, #tpu.memory_space<hbm>>
        %dma_start3A_470 = arith.constant 0 : i32
        %dma_start3A_471 = arith.constant 0 : i32
        %dma_start3A_472 = tpu.memref_slice %arg10[%run_scoped3A_338, %dma_start3A_470, %dma_start3A_471] : memref<2x2x128xi32, #tpu.memory_space<vmem>> -> memref<1x2x128xi32, #tpu.memory_space<vmem>>
        %dma_start3A_473 = tpu.memref_squeeze %dma_start3A_472 : memref<1x2x128xi32, #tpu.memory_space<vmem>> -> memref<2x128xi32, #tpu.memory_space<vmem>>
        %dma_start3A_474 = arith.constant 0 : i32
        %dma_start3A_475 = arith.constant 0 : i32
        %dma_start3A_476 = tpu.memref_slice %arg3[%add3A_337, %dma_start3A_474, %dma_start3A_475] : memref<2528x2x128xi32, #tpu.memory_space<hbm>> -> memref<1x2x128xi32, #tpu.memory_space<hbm>>
        %dma_start3A_477 = tpu.memref_squeeze %dma_start3A_476 : memref<1x2x128xi32, #tpu.memory_space<hbm>> -> memref<2x128xi32, #tpu.memory_space<hbm>>
        tpu.enqueue_dma source(%dma_start3A_477 : memref<2x128xi32, #tpu.memory_space<hbm>>) target(%dma_start3A_473 : memref<2x128xi32, #tpu.memory_space<vmem>>) target_semaphore(%run_scoped3A_461 : memref<!tpu.dma_semaphore, #tpu.memory_space<semaphore_mem>>)
        %dma_wait3A_478 = arith.constant 0 : i32
        %dma_wait3A_479 = arith.constant 0 : i32
        %dma_wait3A_480 = tpu.memref_slice %arg10[%run_scoped3A_338, %dma_wait3A_478, %dma_wait3A_479] : memref<2x2x128xi32, #tpu.memory_space<vmem>> -> memref<1x2x128xi32, #tpu.memory_space<vmem>>
        %dma_wait3A_481 = tpu.memref_squeeze %dma_wait3A_480 : memref<1x2x128xi32, #tpu.memory_space<vmem>> -> memref<2x128xi32, #tpu.memory_space<vmem>>
        %dma_wait3A_482 = arith.constant 0 : i32
        %dma_wait3A_483 = arith.constant 0 : i32
        %dma_wait3A_484 = tpu.memref_slice %arg3[%add3A_337, %dma_wait3A_482, %dma_wait3A_483] : memref<2528x2x128xi32, #tpu.memory_space<hbm>> -> memref<1x2x128xi32, #tpu.memory_space<hbm>>
        %dma_wait3A_485 = tpu.memref_squeeze %dma_wait3A_484 : memref<1x2x128xi32, #tpu.memory_space<hbm>> -> memref<2x128xi32, #tpu.memory_space<hbm>>
        %dma_wait3A_486 = arith.constant 0 : i32
        %dma_wait3A_487 = arith.constant 0 : i32
        %dma_wait3A_488 = tpu.memref_slice %arg10[%run_scoped3A_338, %dma_wait3A_486, %dma_wait3A_487] : memref<2x2x128xi32, #tpu.memory_space<vmem>> -> memref<1x2x128xi32, #tpu.memory_space<vmem>>
        %dma_wait3A_489 = tpu.memref_squeeze %dma_wait3A_488 : memref<1x2x128xi32, #tpu.memory_space<vmem>> -> memref<2x128xi32, #tpu.memory_space<vmem>>
        %dma_wait3A_490 = arith.constant 0 : i32
        %dma_wait3A_491 = arith.constant 0 : i32
        %dma_wait3A_492 = tpu.memref_slice %arg3[%add3A_337, %dma_wait3A_490, %dma_wait3A_491] : memref<2528x2x128xi32, #tpu.memory_space<hbm>> -> memref<1x2x128xi32, #tpu.memory_space<hbm>>
        %dma_wait3A_493 = tpu.memref_squeeze %dma_wait3A_492 : memref<1x2x128xi32, #tpu.memory_space<hbm>> -> memref<2x128xi32, #tpu.memory_space<hbm>>
        tpu.wait_dma2 semaphore(%run_scoped3A_461 : memref<!tpu.dma_semaphore, #tpu.memory_space<semaphore_mem>>) src(%dma_wait3A_493 : memref<2x128xi32, #tpu.memory_space<hbm>>) dst(%dma_wait3A_489 : memref<2x128xi32, #tpu.memory_space<vmem>>)
        tpu.yield
      }) : () -> ()
      %dma_wait3A_339 = arith.constant 0 : i32
      %dma_wait3A_340 = arith.constant 0 : i32
      %dma_wait3A_341 = tpu.memref_slice %arg2[%dma_wait3A_339, %dma_wait3A_340] : memref<10000x128xf32, #tpu.memory_space<hbm>> -> memref<128x128xf32, #tpu.memory_space<hbm>>
      %dma_wait3A_342 = arith.constant 0 : i32
      %dma_wait3A_343 = arith.constant 0 : i32
      %dma_wait3A_344 = tpu.memref_slice %arg2[%dma_wait3A_342, %dma_wait3A_343] : memref<10000x128xf32, #tpu.memory_space<hbm>> -> memref<128x128xf32, #tpu.memory_space<hbm>>
      tpu.wait_dma2 semaphore(%arg15 : memref<!tpu.dma_semaphore, #tpu.memory_space<semaphore_mem>>) src(%dma_wait3A_344 : memref<128x128xf32, #tpu.memory_space<hbm>>) dst(%arg7 : memref<128x128xf32, #tpu.memory_space<vmem>>)
      %dma_start3A_345 = arith.constant 1 : i32
      %dma_start3A_346 = arith.constant 0 : i32
      %dma_start3A_347 = arith.constant 0 : i32
      %dma_start3A_348 = tpu.memref_slice %arg10[%dma_start3A_345, %dma_start3A_346, %dma_start3A_347] : memref<2x2x128xi32, #tpu.memory_space<vmem>> -> memref<1x1x128xi32, #tpu.memory_space<vmem>>
      %dma_start3A_349 = tpu.memref_squeeze %dma_start3A_348 : memref<1x1x128xi32, #tpu.memory_space<vmem>> -> memref<128xi32, #tpu.memory_space<vmem>>
      %dma_start3A_350 = arith.constant 0 : i32
      %dma_start3A_351 = arith.constant 0 : i32
      %dma_start3A_352 = tpu.memref_slice %arg2[%dma_start3A_350, %dma_start3A_351] : memref<10000x128xf32, #tpu.memory_space<hbm>> -> memref<10000x128xf32, #tpu.memory_space<hbm>>
      tpu.enqueue_indirect_dma source(%dma_start3A_352 : memref<10000x128xf32, #tpu.memory_space<hbm>>) target(%arg7 : memref<128x128xf32, #tpu.memory_space<vmem>>) offsets(%dma_start3A_349 : memref<128xi32, #tpu.memory_space<vmem>>) semaphore(%arg14 : memref<!tpu.dma_semaphore, #tpu.memory_space<semaphore_mem>>)
      %mul3A_353 = arith.constant 6 : i32
      %mul3A_354 = arith.muli %while3A_244, %mul3A_353 : i32
      %add3A_355 = arith.constant 3 : i32
      %add3A_356 = arith.addi %mul3A_354, %add3A_355 : i32
      %dma_wait3A_357 = arith.constant 0 : i32
      %dma_wait3A_358 = arith.constant 0 : i32
      %dma_wait3A_359 = tpu.memref_slice %arg2[%dma_wait3A_357, %dma_wait3A_358] : memref<10000x128xf32, #tpu.memory_space<hbm>> -> memref<128x128xf32, #tpu.memory_space<hbm>>
      %dma_wait3A_360 = arith.constant 0 : i32
      %dma_wait3A_361 = arith.constant 0 : i32
      %dma_wait3A_362 = tpu.memref_slice %arg2[%dma_wait3A_360, %dma_wait3A_361] : memref<10000x128xf32, #tpu.memory_space<hbm>> -> memref<128x128xf32, #tpu.memory_space<hbm>>
      tpu.wait_dma2 semaphore(%arg12 : memref<!tpu.dma_semaphore, #tpu.memory_space<semaphore_mem>>) src(%dma_wait3A_362 : memref<128x128xf32, #tpu.memory_space<hbm>>) dst(%arg5 : memref<128x128xf32, #tpu.memory_space<vmem>>)
      %dma_start3A_363 = arith.constant 1 : i32
      %dma_start3A_364 = arith.constant 1 : i32
      %dma_start3A_365 = arith.constant 0 : i32
      %dma_start3A_366 = tpu.memref_slice %arg8[%dma_start3A_363, %dma_start3A_364, %dma_start3A_365] : memref<2x2x128xi32, #tpu.memory_space<vmem>> -> memref<1x1x128xi32, #tpu.memory_space<vmem>>
      %dma_start3A_367 = tpu.memref_squeeze %dma_start3A_366 : memref<1x1x128xi32, #tpu.memory_space<vmem>> -> memref<128xi32, #tpu.memory_space<vmem>>
      %dma_start3A_368 = arith.constant 0 : i32
      %dma_start3A_369 = arith.constant 0 : i32
      %dma_start3A_370 = tpu.memref_slice %arg11[%dma_start3A_368, %dma_start3A_369] : memref<10016x128xf32, #tpu.memory_space<vmem_shared>> -> memref<10016x128xf32, #tpu.memory_space<vmem_shared>>
      tpu.enqueue_indirect_dma source(%arg5 : memref<128x128xf32, #tpu.memory_space<vmem>>) target(%dma_start3A_370 : memref<10016x128xf32, #tpu.memory_space<vmem_shared>>) offsets(%dma_start3A_367 : memref<128xi32, #tpu.memory_space<vmem>>) semaphore(%arg15 : memref<!tpu.dma_semaphore, #tpu.memory_space<semaphore_mem>>) {add = true}
      %add3A_371 = arith.addi %select_n3A, %add3A_356 : i32
      %add3A_372 = arith.constant 3 : i32
      %add3A_373 = arith.addi %add3A_371, %add3A_372 : i32
      %run_scoped3A_374 = arith.constant 0 : i32
      "tpu.region"() ({
        %run_scoped3A_461 = tpu.sem_alloc : memref<!tpu.dma_semaphore, #tpu.memory_space<semaphore_mem>>
        %dma_start3A_462 = arith.constant 0 : i32
        %dma_start3A_463 = arith.constant 0 : i32
        %dma_start3A_464 = tpu.memref_slice %arg8[%run_scoped3A_374, %dma_start3A_462, %dma_start3A_463] : memref<2x2x128xi32, #tpu.memory_space<vmem>> -> memref<1x2x128xi32, #tpu.memory_space<vmem>>
        %dma_start3A_465 = tpu.memref_squeeze %dma_start3A_464 : memref<1x2x128xi32, #tpu.memory_space<vmem>> -> memref<2x128xi32, #tpu.memory_space<vmem>>
        %dma_start3A_466 = arith.constant 0 : i32
        %dma_start3A_467 = arith.constant 0 : i32
        %dma_start3A_468 = tpu.memref_slice %arg3[%add3A_373, %dma_start3A_466, %dma_start3A_467] : memref<2528x2x128xi32, #tpu.memory_space<hbm>> -> memref<1x2x128xi32, #tpu.memory_space<hbm>>
        %dma_start3A_469 = tpu.memref_squeeze %dma_start3A_468 : memref<1x2x128xi32, #tpu.memory_space<hbm>> -> memref<2x128xi32, #tpu.memory_space<hbm>>
        %dma_start3A_470 = arith.constant 0 : i32
        %dma_start3A_471 = arith.constant 0 : i32
        %dma_start3A_472 = tpu.memref_slice %arg8[%run_scoped3A_374, %dma_start3A_470, %dma_start3A_471] : memref<2x2x128xi32, #tpu.memory_space<vmem>> -> memref<1x2x128xi32, #tpu.memory_space<vmem>>
        %dma_start3A_473 = tpu.memref_squeeze %dma_start3A_472 : memref<1x2x128xi32, #tpu.memory_space<vmem>> -> memref<2x128xi32, #tpu.memory_space<vmem>>
        %dma_start3A_474 = arith.constant 0 : i32
        %dma_start3A_475 = arith.constant 0 : i32
        %dma_start3A_476 = tpu.memref_slice %arg3[%add3A_373, %dma_start3A_474, %dma_start3A_475] : memref<2528x2x128xi32, #tpu.memory_space<hbm>> -> memref<1x2x128xi32, #tpu.memory_space<hbm>>
        %dma_start3A_477 = tpu.memref_squeeze %dma_start3A_476 : memref<1x2x128xi32, #tpu.memory_space<hbm>> -> memref<2x128xi32, #tpu.memory_space<hbm>>
        tpu.enqueue_dma source(%dma_start3A_477 : memref<2x128xi32, #tpu.memory_space<hbm>>) target(%dma_start3A_473 : memref<2x128xi32, #tpu.memory_space<vmem>>) target_semaphore(%run_scoped3A_461 : memref<!tpu.dma_semaphore, #tpu.memory_space<semaphore_mem>>)
        %dma_wait3A_478 = arith.constant 0 : i32
        %dma_wait3A_479 = arith.constant 0 : i32
        %dma_wait3A_480 = tpu.memref_slice %arg8[%run_scoped3A_374, %dma_wait3A_478, %dma_wait3A_479] : memref<2x2x128xi32, #tpu.memory_space<vmem>> -> memref<1x2x128xi32, #tpu.memory_space<vmem>>
        %dma_wait3A_481 = tpu.memref_squeeze %dma_wait3A_480 : memref<1x2x128xi32, #tpu.memory_space<vmem>> -> memref<2x128xi32, #tpu.memory_space<vmem>>
        %dma_wait3A_482 = arith.constant 0 : i32
        %dma_wait3A_483 = arith.constant 0 : i32
        %dma_wait3A_484 = tpu.memref_slice %arg3[%add3A_373, %dma_wait3A_482, %dma_wait3A_483] : memref<2528x2x128xi32, #tpu.memory_space<hbm>> -> memref<1x2x128xi32, #tpu.memory_space<hbm>>
        %dma_wait3A_485 = tpu.memref_squeeze %dma_wait3A_484 : memref<1x2x128xi32, #tpu.memory_space<hbm>> -> memref<2x128xi32, #tpu.memory_space<hbm>>
        %dma_wait3A_486 = arith.constant 0 : i32
        %dma_wait3A_487 = arith.constant 0 : i32
        %dma_wait3A_488 = tpu.memref_slice %arg8[%run_scoped3A_374, %dma_wait3A_486, %dma_wait3A_487] : memref<2x2x128xi32, #tpu.memory_space<vmem>> -> memref<1x2x128xi32, #tpu.memory_space<vmem>>
        %dma_wait3A_489 = tpu.memref_squeeze %dma_wait3A_488 : memref<1x2x128xi32, #tpu.memory_space<vmem>> -> memref<2x128xi32, #tpu.memory_space<vmem>>
        %dma_wait3A_490 = arith.constant 0 : i32
        %dma_wait3A_491 = arith.constant 0 : i32
        %dma_wait3A_492 = tpu.memref_slice %arg3[%add3A_373, %dma_wait3A_490, %dma_wait3A_491] : memref<2528x2x128xi32, #tpu.memory_space<hbm>> -> memref<1x2x128xi32, #tpu.memory_space<hbm>>
        %dma_wait3A_493 = tpu.memref_squeeze %dma_wait3A_492 : memref<1x2x128xi32, #tpu.memory_space<hbm>> -> memref<2x128xi32, #tpu.memory_space<hbm>>
        tpu.wait_dma2 semaphore(%run_scoped3A_461 : memref<!tpu.dma_semaphore, #tpu.memory_space<semaphore_mem>>) src(%dma_wait3A_493 : memref<2x128xi32, #tpu.memory_space<hbm>>) dst(%dma_wait3A_489 : memref<2x128xi32, #tpu.memory_space<vmem>>)
        tpu.yield
      }) : () -> ()
      %dma_wait3A_375 = arith.constant 0 : i32
      %dma_wait3A_376 = arith.constant 0 : i32
      %dma_wait3A_377 = tpu.memref_slice %arg2[%dma_wait3A_375, %dma_wait3A_376] : memref<10000x128xf32, #tpu.memory_space<hbm>> -> memref<128x128xf32, #tpu.memory_space<hbm>>
      %dma_wait3A_378 = arith.constant 0 : i32
      %dma_wait3A_379 = arith.constant 0 : i32
      %dma_wait3A_380 = tpu.memref_slice %arg2[%dma_wait3A_378, %dma_wait3A_379] : memref<10000x128xf32, #tpu.memory_space<hbm>> -> memref<128x128xf32, #tpu.memory_space<hbm>>
      tpu.wait_dma2 semaphore(%arg15 : memref<!tpu.dma_semaphore, #tpu.memory_space<semaphore_mem>>) src(%dma_wait3A_380 : memref<128x128xf32, #tpu.memory_space<hbm>>) dst(%arg5 : memref<128x128xf32, #tpu.memory_space<vmem>>)
      %dma_start3A_381 = arith.constant 0 : i32
      %dma_start3A_382 = arith.constant 0 : i32
      %dma_start3A_383 = arith.constant 0 : i32
      %dma_start3A_384 = tpu.memref_slice %arg8[%dma_start3A_381, %dma_start3A_382, %dma_start3A_383] : memref<2x2x128xi32, #tpu.memory_space<vmem>> -> memref<1x1x128xi32, #tpu.memory_space<vmem>>
      %dma_start3A_385 = tpu.memref_squeeze %dma_start3A_384 : memref<1x1x128xi32, #tpu.memory_space<vmem>> -> memref<128xi32, #tpu.memory_space<vmem>>
      %dma_start3A_386 = arith.constant 0 : i32
      %dma_start3A_387 = arith.constant 0 : i32
      %dma_start3A_388 = tpu.memref_slice %arg2[%dma_start3A_386, %dma_start3A_387] : memref<10000x128xf32, #tpu.memory_space<hbm>> -> memref<10000x128xf32, #tpu.memory_space<hbm>>
      tpu.enqueue_indirect_dma source(%dma_start3A_388 : memref<10000x128xf32, #tpu.memory_space<hbm>>) target(%arg5 : memref<128x128xf32, #tpu.memory_space<vmem>>) offsets(%dma_start3A_385 : memref<128xi32, #tpu.memory_space<vmem>>) semaphore(%arg12 : memref<!tpu.dma_semaphore, #tpu.memory_space<semaphore_mem>>)
      %mul3A_389 = arith.constant 6 : i32
      %mul3A_390 = arith.muli %while3A_244, %mul3A_389 : i32
      %add3A_391 = arith.constant 4 : i32
      %add3A_392 = arith.addi %mul3A_390, %add3A_391 : i32
      %dma_wait3A_393 = arith.constant 0 : i32
      %dma_wait3A_394 = arith.constant 0 : i32
      %dma_wait3A_395 = tpu.memref_slice %arg2[%dma_wait3A_393, %dma_wait3A_394] : memref<10000x128xf32, #tpu.memory_space<hbm>> -> memref<128x128xf32, #tpu.memory_space<hbm>>
      %dma_wait3A_396 = arith.constant 0 : i32
      %dma_wait3A_397 = arith.constant 0 : i32
      %dma_wait3A_398 = tpu.memref_slice %arg2[%dma_wait3A_396, %dma_wait3A_397] : memref<10000x128xf32, #tpu.memory_space<hbm>> -> memref<128x128xf32, #tpu.memory_space<hbm>>
      tpu.wait_dma2 semaphore(%arg13 : memref<!tpu.dma_semaphore, #tpu.memory_space<semaphore_mem>>) src(%dma_wait3A_398 : memref<128x128xf32, #tpu.memory_space<hbm>>) dst(%arg6 : memref<128x128xf32, #tpu.memory_space<vmem>>)
      %dma_start3A_399 = arith.constant 1 : i32
      %dma_start3A_400 = arith.constant 1 : i32
      %dma_start3A_401 = arith.constant 0 : i32
      %dma_start3A_402 = tpu.memref_slice %arg9[%dma_start3A_399, %dma_start3A_400, %dma_start3A_401] : memref<2x2x128xi32, #tpu.memory_space<vmem>> -> memref<1x1x128xi32, #tpu.memory_space<vmem>>
      %dma_start3A_403 = tpu.memref_squeeze %dma_start3A_402 : memref<1x1x128xi32, #tpu.memory_space<vmem>> -> memref<128xi32, #tpu.memory_space<vmem>>
      %dma_start3A_404 = arith.constant 0 : i32
      %dma_start3A_405 = arith.constant 0 : i32
      %dma_start3A_406 = tpu.memref_slice %arg11[%dma_start3A_404, %dma_start3A_405] : memref<10016x128xf32, #tpu.memory_space<vmem_shared>> -> memref<10016x128xf32, #tpu.memory_space<vmem_shared>>
      tpu.enqueue_indirect_dma source(%arg6 : memref<128x128xf32, #tpu.memory_space<vmem>>) target(%dma_start3A_406 : memref<10016x128xf32, #tpu.memory_space<vmem_shared>>) offsets(%dma_start3A_403 : memref<128xi32, #tpu.memory_space<vmem>>) semaphore(%arg15 : memref<!tpu.dma_semaphore, #tpu.memory_space<semaphore_mem>>) {add = true}
      %add3A_407 = arith.addi %select_n3A, %add3A_392 : i32
      %add3A_408 = arith.constant 3 : i32
      %add3A_409 = arith.addi %add3A_407, %add3A_408 : i32
      %run_scoped3A_410 = arith.constant 0 : i32
      "tpu.region"() ({
        %run_scoped3A_461 = tpu.sem_alloc : memref<!tpu.dma_semaphore, #tpu.memory_space<semaphore_mem>>
        %dma_start3A_462 = arith.constant 0 : i32
        %dma_start3A_463 = arith.constant 0 : i32
        %dma_start3A_464 = tpu.memref_slice %arg9[%run_scoped3A_410, %dma_start3A_462, %dma_start3A_463] : memref<2x2x128xi32, #tpu.memory_space<vmem>> -> memref<1x2x128xi32, #tpu.memory_space<vmem>>
        %dma_start3A_465 = tpu.memref_squeeze %dma_start3A_464 : memref<1x2x128xi32, #tpu.memory_space<vmem>> -> memref<2x128xi32, #tpu.memory_space<vmem>>
        %dma_start3A_466 = arith.constant 0 : i32
        %dma_start3A_467 = arith.constant 0 : i32
        %dma_start3A_468 = tpu.memref_slice %arg3[%add3A_409, %dma_start3A_466, %dma_start3A_467] : memref<2528x2x128xi32, #tpu.memory_space<hbm>> -> memref<1x2x128xi32, #tpu.memory_space<hbm>>
        %dma_start3A_469 = tpu.memref_squeeze %dma_start3A_468 : memref<1x2x128xi32, #tpu.memory_space<hbm>> -> memref<2x128xi32, #tpu.memory_space<hbm>>
        %dma_start3A_470 = arith.constant 0 : i32
        %dma_start3A_471 = arith.constant 0 : i32
        %dma_start3A_472 = tpu.memref_slice %arg9[%run_scoped3A_410, %dma_start3A_470, %dma_start3A_471] : memref<2x2x128xi32, #tpu.memory_space<vmem>> -> memref<1x2x128xi32, #tpu.memory_space<vmem>>
        %dma_start3A_473 = tpu.memref_squeeze %dma_start3A_472 : memref<1x2x128xi32, #tpu.memory_space<vmem>> -> memref<2x128xi32, #tpu.memory_space<vmem>>
        %dma_start3A_474 = arith.constant 0 : i32
        %dma_start3A_475 = arith.constant 0 : i32
        %dma_start3A_476 = tpu.memref_slice %arg3[%add3A_409, %dma_start3A_474, %dma_start3A_475] : memref<2528x2x128xi32, #tpu.memory_space<hbm>> -> memref<1x2x128xi32, #tpu.memory_space<hbm>>
        %dma_start3A_477 = tpu.memref_squeeze %dma_start3A_476 : memref<1x2x128xi32, #tpu.memory_space<hbm>> -> memref<2x128xi32, #tpu.memory_space<hbm>>
        tpu.enqueue_dma source(%dma_start3A_477 : memref<2x128xi32, #tpu.memory_space<hbm>>) target(%dma_start3A_473 : memref<2x128xi32, #tpu.memory_space<vmem>>) target_semaphore(%run_scoped3A_461 : memref<!tpu.dma_semaphore, #tpu.memory_space<semaphore_mem>>)
        %dma_wait3A_478 = arith.constant 0 : i32
        %dma_wait3A_479 = arith.constant 0 : i32
        %dma_wait3A_480 = tpu.memref_slice %arg9[%run_scoped3A_410, %dma_wait3A_478, %dma_wait3A_479] : memref<2x2x128xi32, #tpu.memory_space<vmem>> -> memref<1x2x128xi32, #tpu.memory_space<vmem>>
        %dma_wait3A_481 = tpu.memref_squeeze %dma_wait3A_480 : memref<1x2x128xi32, #tpu.memory_space<vmem>> -> memref<2x128xi32, #tpu.memory_space<vmem>>
        %dma_wait3A_482 = arith.constant 0 : i32
        %dma_wait3A_483 = arith.constant 0 : i32
        %dma_wait3A_484 = tpu.memref_slice %arg3[%add3A_409, %dma_wait3A_482, %dma_wait3A_483] : memref<2528x2x128xi32, #tpu.memory_space<hbm>> -> memref<1x2x128xi32, #tpu.memory_space<hbm>>
        %dma_wait3A_485 = tpu.memref_squeeze %dma_wait3A_484 : memref<1x2x128xi32, #tpu.memory_space<hbm>> -> memref<2x128xi32, #tpu.memory_space<hbm>>
        %dma_wait3A_486 = arith.constant 0 : i32
        %dma_wait3A_487 = arith.constant 0 : i32
        %dma_wait3A_488 = tpu.memref_slice %arg9[%run_scoped3A_410, %dma_wait3A_486, %dma_wait3A_487] : memref<2x2x128xi32, #tpu.memory_space<vmem>> -> memref<1x2x128xi32, #tpu.memory_space<vmem>>
        %dma_wait3A_489 = tpu.memref_squeeze %dma_wait3A_488 : memref<1x2x128xi32, #tpu.memory_space<vmem>> -> memref<2x128xi32, #tpu.memory_space<vmem>>
        %dma_wait3A_490 = arith.constant 0 : i32
        %dma_wait3A_491 = arith.constant 0 : i32
        %dma_wait3A_492 = tpu.memref_slice %arg3[%add3A_409, %dma_wait3A_490, %dma_wait3A_491] : memref<2528x2x128xi32, #tpu.memory_space<hbm>> -> memref<1x2x128xi32, #tpu.memory_space<hbm>>
        %dma_wait3A_493 = tpu.memref_squeeze %dma_wait3A_492 : memref<1x2x128xi32, #tpu.memory_space<hbm>> -> memref<2x128xi32, #tpu.memory_space<hbm>>
        tpu.wait_dma2 semaphore(%run_scoped3A_461 : memref<!tpu.dma_semaphore, #tpu.memory_space<semaphore_mem>>) src(%dma_wait3A_493 : memref<2x128xi32, #tpu.memory_space<hbm>>) dst(%dma_wait3A_489 : memref<2x128xi32, #tpu.memory_space<vmem>>)
        tpu.yield
      }) : () -> ()
      %dma_wait3A_411 = arith.constant 0 : i32
      %dma_wait3A_412 = arith.constant 0 : i32
      %dma_wait3A_413 = tpu.memref_slice %arg2[%dma_wait3A_411, %dma_wait3A_412] : memref<10000x128xf32, #tpu.memory_space<hbm>> -> memref<128x128xf32, #tpu.memory_space<hbm>>
      %dma_wait3A_414 = arith.constant 0 : i32
      %dma_wait3A_415 = arith.constant 0 : i32
      %dma_wait3A_416 = tpu.memref_slice %arg2[%dma_wait3A_414, %dma_wait3A_415] : memref<10000x128xf32, #tpu.memory_space<hbm>> -> memref<128x128xf32, #tpu.memory_space<hbm>>
      tpu.wait_dma2 semaphore(%arg15 : memref<!tpu.dma_semaphore, #tpu.memory_space<semaphore_mem>>) src(%dma_wait3A_416 : memref<128x128xf32, #tpu.memory_space<hbm>>) dst(%arg6 : memref<128x128xf32, #tpu.memory_space<vmem>>)
      %dma_start3A_417 = arith.constant 0 : i32
      %dma_start3A_418 = arith.constant 0 : i32
      %dma_start3A_419 = arith.constant 0 : i32
      %dma_start3A_420 = tpu.memref_slice %arg9[%dma_start3A_417, %dma_start3A_418, %dma_start3A_419] : memref<2x2x128xi32, #tpu.memory_space<vmem>> -> memref<1x1x128xi32, #tpu.memory_space<vmem>>
      %dma_start3A_421 = tpu.memref_squeeze %dma_start3A_420 : memref<1x1x128xi32, #tpu.memory_space<vmem>> -> memref<128xi32, #tpu.memory_space<vmem>>
      %dma_start3A_422 = arith.constant 0 : i32
      %dma_start3A_423 = arith.constant 0 : i32
      %dma_start3A_424 = tpu.memref_slice %arg2[%dma_start3A_422, %dma_start3A_423] : memref<10000x128xf32, #tpu.memory_space<hbm>> -> memref<10000x128xf32, #tpu.memory_space<hbm>>
      tpu.enqueue_indirect_dma source(%dma_start3A_424 : memref<10000x128xf32, #tpu.memory_space<hbm>>) target(%arg6 : memref<128x128xf32, #tpu.memory_space<vmem>>) offsets(%dma_start3A_421 : memref<128xi32, #tpu.memory_space<vmem>>) semaphore(%arg13 : memref<!tpu.dma_semaphore, #tpu.memory_space<semaphore_mem>>)
      %mul3A_425 = arith.constant 6 : i32
      %mul3A_426 = arith.muli %while3A_244, %mul3A_425 : i32
      %add3A_427 = arith.constant 5 : i32
      %add3A_428 = arith.addi %mul3A_426, %add3A_427 : i32
      %dma_wait3A_429 = arith.constant 0 : i32
      %dma_wait3A_430 = arith.constant 0 : i32
      %dma_wait3A_431 = tpu.memref_slice %arg2[%dma_wait3A_429, %dma_wait3A_430] : memref<10000x128xf32, #tpu.memory_space<hbm>> -> memref<128x128xf32, #tpu.memory_space<hbm>>
      %dma_wait3A_432 = arith.constant 0 : i32
      %dma_wait3A_433 = arith.constant 0 : i32
      %dma_wait3A_434 = tpu.memref_slice %arg2[%dma_wait3A_432, %dma_wait3A_433] : memref<10000x128xf32, #tpu.memory_space<hbm>> -> memref<128x128xf32, #tpu.memory_space<hbm>>
      tpu.wait_dma2 semaphore(%arg14 : memref<!tpu.dma_semaphore, #tpu.memory_space<semaphore_mem>>) src(%dma_wait3A_434 : memref<128x128xf32, #tpu.memory_space<hbm>>) dst(%arg7 : memref<128x128xf32, #tpu.memory_space<vmem>>)
      %dma_start3A_435 = arith.constant 1 : i32
      %dma_start3A_436 = arith.constant 1 : i32
      %dma_start3A_437 = arith.constant 0 : i32
      %dma_start3A_438 = tpu.memref_slice %arg10[%dma_start3A_435, %dma_start3A_436, %dma_start3A_437] : memref<2x2x128xi32, #tpu.memory_space<vmem>> -> memref<1x1x128xi32, #tpu.memory_space<vmem>>
      %dma_start3A_439 = tpu.memref_squeeze %dma_start3A_438 : memref<1x1x128xi32, #tpu.memory_space<vmem>> -> memref<128xi32, #tpu.memory_space<vmem>>
      %dma_start3A_440 = arith.constant 0 : i32
      %dma_start3A_441 = arith.constant 0 : i32
      %dma_start3A_442 = tpu.memref_slice %arg11[%dma_start3A_440, %dma_start3A_441] : memref<10016x128xf32, #tpu.memory_space<vmem_shared>> -> memref<10016x128xf32, #tpu.memory_space<vmem_shared>>
      tpu.enqueue_indirect_dma source(%arg7 : memref<128x128xf32, #tpu.memory_space<vmem>>) target(%dma_start3A_442 : memref<10016x128xf32, #tpu.memory_space<vmem_shared>>) offsets(%dma_start3A_439 : memref<128xi32, #tpu.memory_space<vmem>>) semaphore(%arg15 : memref<!tpu.dma_semaphore, #tpu.memory_space<semaphore_mem>>) {add = true}
      %add3A_443 = arith.addi %select_n3A, %add3A_428 : i32
      %add3A_444 = arith.constant 3 : i32
      %add3A_445 = arith.addi %add3A_443, %add3A_444 : i32
      %run_scoped3A_446 = arith.constant 0 : i32
      "tpu.region"() ({
        %run_scoped3A_461 = tpu.sem_alloc : memref<!tpu.dma_semaphore, #tpu.memory_space<semaphore_mem>>
        %dma_start3A_462 = arith.constant 0 : i32
        %dma_start3A_463 = arith.constant 0 : i32
        %dma_start3A_464 = tpu.memref_slice %arg10[%run_scoped3A_446, %dma_start3A_462, %dma_start3A_463] : memref<2x2x128xi32, #tpu.memory_space<vmem>> -> memref<1x2x128xi32, #tpu.memory_space<vmem>>
        %dma_start3A_465 = tpu.memref_squeeze %dma_start3A_464 : memref<1x2x128xi32, #tpu.memory_space<vmem>> -> memref<2x128xi32, #tpu.memory_space<vmem>>
        %dma_start3A_466 = arith.constant 0 : i32
        %dma_start3A_467 = arith.constant 0 : i32
        %dma_start3A_468 = tpu.memref_slice %arg3[%add3A_445, %dma_start3A_466, %dma_start3A_467] : memref<2528x2x128xi32, #tpu.memory_space<hbm>> -> memref<1x2x128xi32, #tpu.memory_space<hbm>>
        %dma_start3A_469 = tpu.memref_squeeze %dma_start3A_468 : memref<1x2x128xi32, #tpu.memory_space<hbm>> -> memref<2x128xi32, #tpu.memory_space<hbm>>
        %dma_start3A_470 = arith.constant 0 : i32
        %dma_start3A_471 = arith.constant 0 : i32
        %dma_start3A_472 = tpu.memref_slice %arg10[%run_scoped3A_446, %dma_start3A_470, %dma_start3A_471] : memref<2x2x128xi32, #tpu.memory_space<vmem>> -> memref<1x2x128xi32, #tpu.memory_space<vmem>>
        %dma_start3A_473 = tpu.memref_squeeze %dma_start3A_472 : memref<1x2x128xi32, #tpu.memory_space<vmem>> -> memref<2x128xi32, #tpu.memory_space<vmem>>
        %dma_start3A_474 = arith.constant 0 : i32
        %dma_start3A_475 = arith.constant 0 : i32
        %dma_start3A_476 = tpu.memref_slice %arg3[%add3A_445, %dma_start3A_474, %dma_start3A_475] : memref<2528x2x128xi32, #tpu.memory_space<hbm>> -> memref<1x2x128xi32, #tpu.memory_space<hbm>>
        %dma_start3A_477 = tpu.memref_squeeze %dma_start3A_476 : memref<1x2x128xi32, #tpu.memory_space<hbm>> -> memref<2x128xi32, #tpu.memory_space<hbm>>
        tpu.enqueue_dma source(%dma_start3A_477 : memref<2x128xi32, #tpu.memory_space<hbm>>) target(%dma_start3A_473 : memref<2x128xi32, #tpu.memory_space<vmem>>) target_semaphore(%run_scoped3A_461 : memref<!tpu.dma_semaphore, #tpu.memory_space<semaphore_mem>>)
        %dma_wait3A_478 = arith.constant 0 : i32
        %dma_wait3A_479 = arith.constant 0 : i32
        %dma_wait3A_480 = tpu.memref_slice %arg10[%run_scoped3A_446, %dma_wait3A_478, %dma_wait3A_479] : memref<2x2x128xi32, #tpu.memory_space<vmem>> -> memref<1x2x128xi32, #tpu.memory_space<vmem>>
        %dma_wait3A_481 = tpu.memref_squeeze %dma_wait3A_480 : memref<1x2x128xi32, #tpu.memory_space<vmem>> -> memref<2x128xi32, #tpu.memory_space<vmem>>
        %dma_wait3A_482 = arith.constant 0 : i32
        %dma_wait3A_483 = arith.constant 0 : i32
        %dma_wait3A_484 = tpu.memref_slice %arg3[%add3A_445, %dma_wait3A_482, %dma_wait3A_483] : memref<2528x2x128xi32, #tpu.memory_space<hbm>> -> memref<1x2x128xi32, #tpu.memory_space<hbm>>
        %dma_wait3A_485 = tpu.memref_squeeze %dma_wait3A_484 : memref<1x2x128xi32, #tpu.memory_space<hbm>> -> memref<2x128xi32, #tpu.memory_space<hbm>>
        %dma_wait3A_486 = arith.constant 0 : i32
        %dma_wait3A_487 = arith.constant 0 : i32
        %dma_wait3A_488 = tpu.memref_slice %arg10[%run_scoped3A_446, %dma_wait3A_486, %dma_wait3A_487] : memref<2x2x128xi32, #tpu.memory_space<vmem>> -> memref<1x2x128xi32, #tpu.memory_space<vmem>>
        %dma_wait3A_489 = tpu.memref_squeeze %dma_wait3A_488 : memref<1x2x128xi32, #tpu.memory_space<vmem>> -> memref<2x128xi32, #tpu.memory_space<vmem>>
        %dma_wait3A_490 = arith.constant 0 : i32
        %dma_wait3A_491 = arith.constant 0 : i32
        %dma_wait3A_492 = tpu.memref_slice %arg3[%add3A_445, %dma_wait3A_490, %dma_wait3A_491] : memref<2528x2x128xi32, #tpu.memory_space<hbm>> -> memref<1x2x128xi32, #tpu.memory_space<hbm>>
        %dma_wait3A_493 = tpu.memref_squeeze %dma_wait3A_492 : memref<1x2x128xi32, #tpu.memory_space<hbm>> -> memref<2x128xi32, #tpu.memory_space<hbm>>
        tpu.wait_dma2 semaphore(%run_scoped3A_461 : memref<!tpu.dma_semaphore, #tpu.memory_space<semaphore_mem>>) src(%dma_wait3A_493 : memref<2x128xi32, #tpu.memory_space<hbm>>) dst(%dma_wait3A_489 : memref<2x128xi32, #tpu.memory_space<vmem>>)
        tpu.yield
      }) : () -> ()
      %dma_wait3A_447 = arith.constant 0 : i32
      %dma_wait3A_448 = arith.constant 0 : i32
      %dma_wait3A_449 = tpu.memref_slice %arg2[%dma_wait3A_447, %dma_wait3A_448] : memref<10000x128xf32, #tpu.memory_space<hbm>> -> memref<128x128xf32, #tpu.memory_space<hbm>>
      %dma_wait3A_450 = arith.constant 0 : i32
      %dma_wait3A_451 = arith.constant 0 : i32
      %dma_wait3A_452 = tpu.memref_slice %arg2[%dma_wait3A_450, %dma_wait3A_451] : memref<10000x128xf32, #tpu.memory_space<hbm>> -> memref<128x128xf32, #tpu.memory_space<hbm>>
      tpu.wait_dma2 semaphore(%arg15 : memref<!tpu.dma_semaphore, #tpu.memory_space<semaphore_mem>>) src(%dma_wait3A_452 : memref<128x128xf32, #tpu.memory_space<hbm>>) dst(%arg7 : memref<128x128xf32, #tpu.memory_space<vmem>>)
      %dma_start3A_453 = arith.constant 0 : i32
      %dma_start3A_454 = arith.constant 0 : i32
      %dma_start3A_455 = arith.constant 0 : i32
      %dma_start3A_456 = tpu.memref_slice %arg10[%dma_start3A_453, %dma_start3A_454, %dma_start3A_455] : memref<2x2x128xi32, #tpu.memory_space<vmem>> -> memref<1x1x128xi32, #tpu.memory_space<vmem>>
      %dma_start3A_457 = tpu.memref_squeeze %dma_start3A_456 : memref<1x1x128xi32, #tpu.memory_space<vmem>> -> memref<128xi32, #tpu.memory_space<vmem>>
      %dma_start3A_458 = arith.constant 0 : i32
      %dma_start3A_459 = arith.constant 0 : i32
      %dma_start3A_460 = tpu.memref_slice %arg2[%dma_start3A_458, %dma_start3A_459] : memref<10000x128xf32, #tpu.memory_space<hbm>> -> memref<10000x128xf32, #tpu.memory_space<hbm>>
      tpu.enqueue_indirect_dma source(%dma_start3A_460 : memref<10000x128xf32, #tpu.memory_space<hbm>>) target(%arg7 : memref<128x128xf32, #tpu.memory_space<vmem>>) offsets(%dma_start3A_457 : memref<128xi32, #tpu.memory_space<vmem>>) semaphore(%arg14 : memref<!tpu.dma_semaphore, #tpu.memory_space<semaphore_mem>>)
    }
    %while3A_77 = arith.constant 1 : i32
    scf.for %while3A_244 = %while3A_75 to %while3A_71 step %while3A_77  : i32 {
      %mul3A_245 = arith.constant 6 : i32
      %mul3A_246 = arith.muli %while3A_244, %mul3A_245 : i32
      %add3A_247 = arith.constant 0 : i32
      %add3A_248 = arith.addi %mul3A_246, %add3A_247 : i32
      %dma_wait3A_249 = arith.constant 0 : i32
      %dma_wait3A_250 = arith.constant 0 : i32
      %dma_wait3A_251 = tpu.memref_slice %arg2[%dma_wait3A_249, %dma_wait3A_250] : memref<10000x128xf32, #tpu.memory_space<hbm>> -> memref<128x128xf32, #tpu.memory_space<hbm>>
      %dma_wait3A_252 = arith.constant 0 : i32
      %dma_wait3A_253 = arith.constant 0 : i32
      %dma_wait3A_254 = tpu.memref_slice %arg2[%dma_wait3A_252, %dma_wait3A_253] : memref<10000x128xf32, #tpu.memory_space<hbm>> -> memref<128x128xf32, #tpu.memory_space<hbm>>
      tpu.wait_dma2 semaphore(%arg12 : memref<!tpu.dma_semaphore, #tpu.memory_space<semaphore_mem>>) src(%dma_wait3A_254 : memref<128x128xf32, #tpu.memory_space<hbm>>) dst(%arg5 : memref<128x128xf32, #tpu.memory_space<vmem>>)
      %dma_start3A_255 = arith.constant 0 : i32
      %dma_start3A_256 = arith.constant 1 : i32
      %dma_start3A_257 = arith.constant 0 : i32
      %dma_start3A_258 = tpu.memref_slice %arg8[%dma_start3A_255, %dma_start3A_256, %dma_start3A_257] : memref<2x2x128xi32, #tpu.memory_space<vmem>> -> memref<1x1x128xi32, #tpu.memory_space<vmem>>
      %dma_start3A_259 = tpu.memref_squeeze %dma_start3A_258 : memref<1x1x128xi32, #tpu.memory_space<vmem>> -> memref<128xi32, #tpu.memory_space<vmem>>
      %dma_start3A_260 = arith.constant 0 : i32
      %dma_start3A_261 = arith.constant 0 : i32
      %dma_start3A_262 = tpu.memref_slice %arg11[%dma_start3A_260, %dma_start3A_261] : memref<10016x128xf32, #tpu.memory_space<vmem_shared>> -> memref<10016x128xf32, #tpu.memory_space<vmem_shared>>
      tpu.enqueue_indirect_dma source(%arg5 : memref<128x128xf32, #tpu.memory_space<vmem>>) target(%dma_start3A_262 : memref<10016x128xf32, #tpu.memory_space<vmem_shared>>) offsets(%dma_start3A_259 : memref<128xi32, #tpu.memory_space<vmem>>) semaphore(%arg15 : memref<!tpu.dma_semaphore, #tpu.memory_space<semaphore_mem>>) {add = true}
      %add3A_263 = arith.addi %select_n3A, %add3A_248 : i32
      %add3A_264 = arith.constant 3 : i32
      %add3A_265 = arith.addi %add3A_263, %add3A_264 : i32
      %run_scoped3A_266 = arith.constant 1 : i32
      "tpu.region"() ({
        %run_scoped3A_461 = tpu.sem_alloc : memref<!tpu.dma_semaphore, #tpu.memory_space<semaphore_mem>>
        %dma_start3A_462 = arith.constant 0 : i32
        %dma_start3A_463 = arith.constant 0 : i32
        %dma_start3A_464 = tpu.memref_slice %arg8[%run_scoped3A_266, %dma_start3A_462, %dma_start3A_463] : memref<2x2x128xi32, #tpu.memory_space<vmem>> -> memref<1x2x128xi32, #tpu.memory_space<vmem>>
        %dma_start3A_465 = tpu.memref_squeeze %dma_start3A_464 : memref<1x2x128xi32, #tpu.memory_space<vmem>> -> memref<2x128xi32, #tpu.memory_space<vmem>>
        %dma_start3A_466 = arith.constant 0 : i32
        %dma_start3A_467 = arith.constant 0 : i32
        %dma_start3A_468 = tpu.memref_slice %arg3[%add3A_265, %dma_start3A_466, %dma_start3A_467] : memref<2528x2x128xi32, #tpu.memory_space<hbm>> -> memref<1x2x128xi32, #tpu.memory_space<hbm>>
        %dma_start3A_469 = tpu.memref_squeeze %dma_start3A_468 : memref<1x2x128xi32, #tpu.memory_space<hbm>> -> memref<2x128xi32, #tpu.memory_space<hbm>>
        %dma_start3A_470 = arith.constant 0 : i32
        %dma_start3A_471 = arith.constant 0 : i32
        %dma_start3A_472 = tpu.memref_slice %arg8[%run_scoped3A_266, %dma_start3A_470, %dma_start3A_471] : memref<2x2x128xi32, #tpu.memory_space<vmem>> -> memref<1x2x128xi32, #tpu.memory_space<vmem>>
        %dma_start3A_473 = tpu.memref_squeeze %dma_start3A_472 : memref<1x2x128xi32, #tpu.memory_space<vmem>> -> memref<2x128xi32, #tpu.memory_space<vmem>>
        %dma_start3A_474 = arith.constant 0 : i32
        %dma_start3A_475 = arith.constant 0 : i32
        %dma_start3A_476 = tpu.memref_slice %arg3[%add3A_265, %dma_start3A_474, %dma_start3A_475] : memref<2528x2x128xi32, #tpu.memory_space<hbm>> -> memref<1x2x128xi32, #tpu.memory_space<hbm>>
        %dma_start3A_477 = tpu.memref_squeeze %dma_start3A_476 : memref<1x2x128xi32, #tpu.memory_space<hbm>> -> memref<2x128xi32, #tpu.memory_space<hbm>>
        tpu.enqueue_dma source(%dma_start3A_477 : memref<2x128xi32, #tpu.memory_space<hbm>>) target(%dma_start3A_473 : memref<2x128xi32, #tpu.memory_space<vmem>>) target_semaphore(%run_scoped3A_461 : memref<!tpu.dma_semaphore, #tpu.memory_space<semaphore_mem>>)
        %dma_wait3A_478 = arith.constant 0 : i32
        %dma_wait3A_479 = arith.constant 0 : i32
        %dma_wait3A_480 = tpu.memref_slice %arg8[%run_scoped3A_266, %dma_wait3A_478, %dma_wait3A_479] : memref<2x2x128xi32, #tpu.memory_space<vmem>> -> memref<1x2x128xi32, #tpu.memory_space<vmem>>
        %dma_wait3A_481 = tpu.memref_squeeze %dma_wait3A_480 : memref<1x2x128xi32, #tpu.memory_space<vmem>> -> memref<2x128xi32, #tpu.memory_space<vmem>>
        %dma_wait3A_482 = arith.constant 0 : i32
        %dma_wait3A_483 = arith.constant 0 : i32
        %dma_wait3A_484 = tpu.memref_slice %arg3[%add3A_265, %dma_wait3A_482, %dma_wait3A_483] : memref<2528x2x128xi32, #tpu.memory_space<hbm>> -> memref<1x2x128xi32, #tpu.memory_space<hbm>>
        %dma_wait3A_485 = tpu.memref_squeeze %dma_wait3A_484 : memref<1x2x128xi32, #tpu.memory_space<hbm>> -> memref<2x128xi32, #tpu.memory_space<hbm>>
        %dma_wait3A_486 = arith.constant 0 : i32
        %dma_wait3A_487 = arith.constant 0 : i32
        %dma_wait3A_488 = tpu.memref_slice %arg8[%run_scoped3A_266, %dma_wait3A_486, %dma_wait3A_487] : memref<2x2x128xi32, #tpu.memory_space<vmem>> -> memref<1x2x128xi32, #tpu.memory_space<vmem>>
        %dma_wait3A_489 = tpu.memref_squeeze %dma_wait3A_488 : memref<1x2x128xi32, #tpu.memory_space<vmem>> -> memref<2x128xi32, #tpu.memory_space<vmem>>
        %dma_wait3A_490 = arith.constant 0 : i32
        %dma_wait3A_491 = arith.constant 0 : i32
        %dma_wait3A_492 = tpu.memref_slice %arg3[%add3A_265, %dma_wait3A_490, %dma_wait3A_491] : memref<2528x2x128xi32, #tpu.memory_space<hbm>> -> memref<1x2x128xi32, #tpu.memory_space<hbm>>
        %dma_wait3A_493 = tpu.memref_squeeze %dma_wait3A_492 : memref<1x2x128xi32, #tpu.memory_space<hbm>> -> memref<2x128xi32, #tpu.memory_space<hbm>>
        tpu.wait_dma2 semaphore(%run_scoped3A_461 : memref<!tpu.dma_semaphore, #tpu.memory_space<semaphore_mem>>) src(%dma_wait3A_493 : memref<2x128xi32, #tpu.memory_space<hbm>>) dst(%dma_wait3A_489 : memref<2x128xi32, #tpu.memory_space<vmem>>)
        tpu.yield
      }) : () -> ()
      %dma_wait3A_267 = arith.constant 0 : i32
      %dma_wait3A_268 = arith.constant 0 : i32
      %dma_wait3A_269 = tpu.memref_slice %arg2[%dma_wait3A_267, %dma_wait3A_268] : memref<10000x128xf32, #tpu.memory_space<hbm>> -> memref<128x128xf32, #tpu.memory_space<hbm>>
      %dma_wait3A_270 = arith.constant 0 : i32
      %dma_wait3A_271 = arith.constant 0 : i32
      %dma_wait3A_272 = tpu.memref_slice %arg2[%dma_wait3A_270, %dma_wait3A_271] : memref<10000x128xf32, #tpu.memory_space<hbm>> -> memref<128x128xf32, #tpu.memory_space<hbm>>
      tpu.wait_dma2 semaphore(%arg15 : memref<!tpu.dma_semaphore, #tpu.memory_space<semaphore_mem>>) src(%dma_wait3A_272 : memref<128x128xf32, #tpu.memory_space<hbm>>) dst(%arg5 : memref<128x128xf32, #tpu.memory_space<vmem>>)
      %dma_start3A_273 = arith.constant 1 : i32
      %dma_start3A_274 = arith.constant 0 : i32
      %dma_start3A_275 = arith.constant 0 : i32
      %dma_start3A_276 = tpu.memref_slice %arg8[%dma_start3A_273, %dma_start3A_274, %dma_start3A_275] : memref<2x2x128xi32, #tpu.memory_space<vmem>> -> memref<1x1x128xi32, #tpu.memory_space<vmem>>
      %dma_start3A_277 = tpu.memref_squeeze %dma_start3A_276 : memref<1x1x128xi32, #tpu.memory_space<vmem>> -> memref<128xi32, #tpu.memory_space<vmem>>
      %dma_start3A_278 = arith.constant 0 : i32
      %dma_start3A_279 = arith.constant 0 : i32
      %dma_start3A_280 = tpu.memref_slice %arg2[%dma_start3A_278, %dma_start3A_279] : memref<10000x128xf32, #tpu.memory_space<hbm>> -> memref<10000x128xf32, #tpu.memory_space<hbm>>
      tpu.enqueue_indirect_dma source(%dma_start3A_280 : memref<10000x128xf32, #tpu.memory_space<hbm>>) target(%arg5 : memref<128x128xf32, #tpu.memory_space<vmem>>) offsets(%dma_start3A_277 : memref<128xi32, #tpu.memory_space<vmem>>) semaphore(%arg12 : memref<!tpu.dma_semaphore, #tpu.memory_space<semaphore_mem>>)
      %mul3A_281 = arith.constant 6 : i32
      %mul3A_282 = arith.muli %while3A_244, %mul3A_281 : i32
      %add3A_283 = arith.constant 1 : i32
      %add3A_284 = arith.addi %mul3A_282, %add3A_283 : i32
      %dma_wait3A_285 = arith.constant 0 : i32
      %dma_wait3A_286 = arith.constant 0 : i32
      %dma_wait3A_287 = tpu.memref_slice %arg2[%dma_wait3A_285, %dma_wait3A_286] : memref<10000x128xf32, #tpu.memory_space<hbm>> -> memref<128x128xf32, #tpu.memory_space<hbm>>
      %dma_wait3A_288 = arith.constant 0 : i32
      %dma_wait3A_289 = arith.constant 0 : i32
      %dma_wait3A_290 = tpu.memref_slice %arg2[%dma_wait3A_288, %dma_wait3A_289] : memref<10000x128xf32, #tpu.memory_space<hbm>> -> memref<128x128xf32, #tpu.memory_space<hbm>>
      tpu.wait_dma2 semaphore(%arg13 : memref<!tpu.dma_semaphore, #tpu.memory_space<semaphore_mem>>) src(%dma_wait3A_290 : memref<128x128xf32, #tpu.memory_space<hbm>>) dst(%arg6 : memref<128x128xf32, #tpu.memory_space<vmem>>)
      %dma_start3A_291 = arith.constant 0 : i32
      %dma_start3A_292 = arith.constant 1 : i32
      %dma_start3A_293 = arith.constant 0 : i32
      %dma_start3A_294 = tpu.memref_slice %arg9[%dma_start3A_291, %dma_start3A_292, %dma_start3A_293] : memref<2x2x128xi32, #tpu.memory_space<vmem>> -> memref<1x1x128xi32, #tpu.memory_space<vmem>>
      %dma_start3A_295 = tpu.memref_squeeze %dma_start3A_294 : memref<1x1x128xi32, #tpu.memory_space<vmem>> -> memref<128xi32, #tpu.memory_space<vmem>>
      %dma_start3A_296 = arith.constant 0 : i32
      %dma_start3A_297 = arith.constant 0 : i32
      %dma_start3A_298 = tpu.memref_slice %arg11[%dma_start3A_296, %dma_start3A_297] : memref<10016x128xf32, #tpu.memory_space<vmem_shared>> -> memref<10016x128xf32, #tpu.memory_space<vmem_shared>>
      tpu.enqueue_indirect_dma source(%arg6 : memref<128x128xf32, #tpu.memory_space<vmem>>) target(%dma_start3A_298 : memref<10016x128xf32, #tpu.memory_space<vmem_shared>>) offsets(%dma_start3A_295 : memref<128xi32, #tpu.memory_space<vmem>>) semaphore(%arg15 : memref<!tpu.dma_semaphore, #tpu.memory_space<semaphore_mem>>) {add = true}
      %add3A_299 = arith.addi %select_n3A, %add3A_284 : i32
      %add3A_300 = arith.constant 3 : i32
      %add3A_301 = arith.addi %add3A_299, %add3A_300 : i32
      %run_scoped3A_302 = arith.constant 1 : i32
      "tpu.region"() ({
        %run_scoped3A_461 = tpu.sem_alloc : memref<!tpu.dma_semaphore, #tpu.memory_space<semaphore_mem>>
        %dma_start3A_462 = arith.constant 0 : i32
        %dma_start3A_463 = arith.constant 0 : i32
        %dma_start3A_464 = tpu.memref_slice %arg9[%run_scoped3A_302, %dma_start3A_462, %dma_start3A_463] : memref<2x2x128xi32, #tpu.memory_space<vmem>> -> memref<1x2x128xi32, #tpu.memory_space<vmem>>
        %dma_start3A_465 = tpu.memref_squeeze %dma_start3A_464 : memref<1x2x128xi32, #tpu.memory_space<vmem>> -> memref<2x128xi32, #tpu.memory_space<vmem>>
        %dma_start3A_466 = arith.constant 0 : i32
        %dma_start3A_467 = arith.constant 0 : i32
        %dma_start3A_468 = tpu.memref_slice %arg3[%add3A_301, %dma_start3A_466, %dma_start3A_467] : memref<2528x2x128xi32, #tpu.memory_space<hbm>> -> memref<1x2x128xi32, #tpu.memory_space<hbm>>
        %dma_start3A_469 = tpu.memref_squeeze %dma_start3A_468 : memref<1x2x128xi32, #tpu.memory_space<hbm>> -> memref<2x128xi32, #tpu.memory_space<hbm>>
        %dma_start3A_470 = arith.constant 0 : i32
        %dma_start3A_471 = arith.constant 0 : i32
        %dma_start3A_472 = tpu.memref_slice %arg9[%run_scoped3A_302, %dma_start3A_470, %dma_start3A_471] : memref<2x2x128xi32, #tpu.memory_space<vmem>> -> memref<1x2x128xi32, #tpu.memory_space<vmem>>
        %dma_start3A_473 = tpu.memref_squeeze %dma_start3A_472 : memref<1x2x128xi32, #tpu.memory_space<vmem>> -> memref<2x128xi32, #tpu.memory_space<vmem>>
        %dma_start3A_474 = arith.constant 0 : i32
        %dma_start3A_475 = arith.constant 0 : i32
        %dma_start3A_476 = tpu.memref_slice %arg3[%add3A_301, %dma_start3A_474, %dma_start3A_475] : memref<2528x2x128xi32, #tpu.memory_space<hbm>> -> memref<1x2x128xi32, #tpu.memory_space<hbm>>
        %dma_start3A_477 = tpu.memref_squeeze %dma_start3A_476 : memref<1x2x128xi32, #tpu.memory_space<hbm>> -> memref<2x128xi32, #tpu.memory_space<hbm>>
        tpu.enqueue_dma source(%dma_start3A_477 : memref<2x128xi32, #tpu.memory_space<hbm>>) target(%dma_start3A_473 : memref<2x128xi32, #tpu.memory_space<vmem>>) target_semaphore(%run_scoped3A_461 : memref<!tpu.dma_semaphore, #tpu.memory_space<semaphore_mem>>)
        %dma_wait3A_478 = arith.constant 0 : i32
        %dma_wait3A_479 = arith.constant 0 : i32
        %dma_wait3A_480 = tpu.memref_slice %arg9[%run_scoped3A_302, %dma_wait3A_478, %dma_wait3A_479] : memref<2x2x128xi32, #tpu.memory_space<vmem>> -> memref<1x2x128xi32, #tpu.memory_space<vmem>>
        %dma_wait3A_481 = tpu.memref_squeeze %dma_wait3A_480 : memref<1x2x128xi32, #tpu.memory_space<vmem>> -> memref<2x128xi32, #tpu.memory_space<vmem>>
        %dma_wait3A_482 = arith.constant 0 : i32
        %dma_wait3A_483 = arith.constant 0 : i32
        %dma_wait3A_484 = tpu.memref_slice %arg3[%add3A_301, %dma_wait3A_482, %dma_wait3A_483] : memref<2528x2x128xi32, #tpu.memory_space<hbm>> -> memref<1x2x128xi32, #tpu.memory_space<hbm>>
        %dma_wait3A_485 = tpu.memref_squeeze %dma_wait3A_484 : memref<1x2x128xi32, #tpu.memory_space<hbm>> -> memref<2x128xi32, #tpu.memory_space<hbm>>
        %dma_wait3A_486 = arith.constant 0 : i32
        %dma_wait3A_487 = arith.constant 0 : i32
        %dma_wait3A_488 = tpu.memref_slice %arg9[%run_scoped3A_302, %dma_wait3A_486, %dma_wait3A_487] : memref<2x2x128xi32, #tpu.memory_space<vmem>> -> memref<1x2x128xi32, #tpu.memory_space<vmem>>
        %dma_wait3A_489 = tpu.memref_squeeze %dma_wait3A_488 : memref<1x2x128xi32, #tpu.memory_space<vmem>> -> memref<2x128xi32, #tpu.memory_space<vmem>>
        %dma_wait3A_490 = arith.constant 0 : i32
        %dma_wait3A_491 = arith.constant 0 : i32
        %dma_wait3A_492 = tpu.memref_slice %arg3[%add3A_301, %dma_wait3A_490, %dma_wait3A_491] : memref<2528x2x128xi32, #tpu.memory_space<hbm>> -> memref<1x2x128xi32, #tpu.memory_space<hbm>>
        %dma_wait3A_493 = tpu.memref_squeeze %dma_wait3A_492 : memref<1x2x128xi32, #tpu.memory_space<hbm>> -> memref<2x128xi32, #tpu.memory_space<hbm>>
        tpu.wait_dma2 semaphore(%run_scoped3A_461 : memref<!tpu.dma_semaphore, #tpu.memory_space<semaphore_mem>>) src(%dma_wait3A_493 : memref<2x128xi32, #tpu.memory_space<hbm>>) dst(%dma_wait3A_489 : memref<2x128xi32, #tpu.memory_space<vmem>>)
        tpu.yield
      }) : () -> ()
      %dma_wait3A_303 = arith.constant 0 : i32
      %dma_wait3A_304 = arith.constant 0 : i32
      %dma_wait3A_305 = tpu.memref_slice %arg2[%dma_wait3A_303, %dma_wait3A_304] : memref<10000x128xf32, #tpu.memory_space<hbm>> -> memref<128x128xf32, #tpu.memory_space<hbm>>
      %dma_wait3A_306 = arith.constant 0 : i32
      %dma_wait3A_307 = arith.constant 0 : i32
      %dma_wait3A_308 = tpu.memref_slice %arg2[%dma_wait3A_306, %dma_wait3A_307] : memref<10000x128xf32, #tpu.memory_space<hbm>> -> memref<128x128xf32, #tpu.memory_space<hbm>>
      tpu.wait_dma2 semaphore(%arg15 : memref<!tpu.dma_semaphore, #tpu.memory_space<semaphore_mem>>) src(%dma_wait3A_308 : memref<128x128xf32, #tpu.memory_space<hbm>>) dst(%arg6 : memref<128x128xf32, #tpu.memory_space<vmem>>)
      %dma_start3A_309 = arith.constant 1 : i32
      %dma_start3A_310 = arith.constant 0 : i32
      %dma_start3A_311 = arith.constant 0 : i32
      %dma_start3A_312 = tpu.memref_slice %arg9[%dma_start3A_309, %dma_start3A_310, %dma_start3A_311] : memref<2x2x128xi32, #tpu.memory_space<vmem>> -> memref<1x1x128xi32, #tpu.memory_space<vmem>>
      %dma_start3A_313 = tpu.memref_squeeze %dma_start3A_312 : memref<1x1x128xi32, #tpu.memory_space<vmem>> -> memref<128xi32, #tpu.memory_space<vmem>>
      %dma_start3A_314 = arith.constant 0 : i32
      %dma_start3A_315 = arith.constant 0 : i32
      %dma_start3A_316 = tpu.memref_slice %arg2[%dma_start3A_314, %dma_start3A_315] : memref<10000x128xf32, #tpu.memory_space<hbm>> -> memref<10000x128xf32, #tpu.memory_space<hbm>>
      tpu.enqueue_indirect_dma source(%dma_start3A_316 : memref<10000x128xf32, #tpu.memory_space<hbm>>) target(%arg6 : memref<128x128xf32, #tpu.memory_space<vmem>>) offsets(%dma_start3A_313 : memref<128xi32, #tpu.memory_space<vmem>>) semaphore(%arg13 : memref<!tpu.dma_semaphore, #tpu.memory_space<semaphore_mem>>)
      %mul3A_317 = arith.constant 6 : i32
      %mul3A_318 = arith.muli %while3A_244, %mul3A_317 : i32
      %add3A_319 = arith.constant 2 : i32
      %add3A_320 = arith.addi %mul3A_318, %add3A_319 : i32
      %dma_wait3A_321 = arith.constant 0 : i32
      %dma_wait3A_322 = arith.constant 0 : i32
      %dma_wait3A_323 = tpu.memref_slice %arg2[%dma_wait3A_321, %dma_wait3A_322] : memref<10000x128xf32, #tpu.memory_space<hbm>> -> memref<128x128xf32, #tpu.memory_space<hbm>>
      %dma_wait3A_324 = arith.constant 0 : i32
      %dma_wait3A_325 = arith.constant 0 : i32
      %dma_wait3A_326 = tpu.memref_slice %arg2[%dma_wait3A_324, %dma_wait3A_325] : memref<10000x128xf32, #tpu.memory_space<hbm>> -> memref<128x128xf32, #tpu.memory_space<hbm>>
      tpu.wait_dma2 semaphore(%arg14 : memref<!tpu.dma_semaphore, #tpu.memory_space<semaphore_mem>>) src(%dma_wait3A_326 : memref<128x128xf32, #tpu.memory_space<hbm>>) dst(%arg7 : memref<128x128xf32, #tpu.memory_space<vmem>>)
      %dma_start3A_327 = arith.constant 0 : i32
      %dma_start3A_328 = arith.constant 1 : i32
      %dma_start3A_329 = arith.constant 0 : i32
      %dma_start3A_330 = tpu.memref_slice %arg10[%dma_start3A_327, %dma_start3A_328, %dma_start3A_329] : memref<2x2x128xi32, #tpu.memory_space<vmem>> -> memref<1x1x128xi32, #tpu.memory_space<vmem>>
      %dma_start3A_331 = tpu.memref_squeeze %dma_start3A_330 : memref<1x1x128xi32, #tpu.memory_space<vmem>> -> memref<128xi32, #tpu.memory_space<vmem>>
      %dma_start3A_332 = arith.constant 0 : i32
      %dma_start3A_333 = arith.constant 0 : i32
      %dma_start3A_334 = tpu.memref_slice %arg11[%dma_start3A_332, %dma_start3A_333] : memref<10016x128xf32, #tpu.memory_space<vmem_shared>> -> memref<10016x128xf32, #tpu.memory_space<vmem_shared>>
      tpu.enqueue_indirect_dma source(%arg7 : memref<128x128xf32, #tpu.memory_space<vmem>>) target(%dma_start3A_334 : memref<10016x128xf32, #tpu.memory_space<vmem_shared>>) offsets(%dma_start3A_331 : memref<128xi32, #tpu.memory_space<vmem>>) semaphore(%arg15 : memref<!tpu.dma_semaphore, #tpu.memory_space<semaphore_mem>>) {add = true}
      %add3A_335 = arith.addi %select_n3A, %add3A_320 : i32
      %add3A_336 = arith.constant 3 : i32
      %add3A_337 = arith.addi %add3A_335, %add3A_336 : i32
      %run_scoped3A_338 = arith.constant 1 : i32
      "tpu.region"() ({
        %run_scoped3A_461 = tpu.sem_alloc : memref<!tpu.dma_semaphore, #tpu.memory_space<semaphore_mem>>
        %dma_start3A_462 = arith.constant 0 : i32
        %dma_start3A_463 = arith.constant 0 : i32
        %dma_start3A_464 = tpu.memref_slice %arg10[%run_scoped3A_338, %dma_start3A_462, %dma_start3A_463] : memref<2x2x128xi32, #tpu.memory_space<vmem>> -> memref<1x2x128xi32, #tpu.memory_space<vmem>>
        %dma_start3A_465 = tpu.memref_squeeze %dma_start3A_464 : memref<1x2x128xi32, #tpu.memory_space<vmem>> -> memref<2x128xi32, #tpu.memory_space<vmem>>
        %dma_start3A_466 = arith.constant 0 : i32
        %dma_start3A_467 = arith.constant 0 : i32
        %dma_start3A_468 = tpu.memref_slice %arg3[%add3A_337, %dma_start3A_466, %dma_start3A_467] : memref<2528x2x128xi32, #tpu.memory_space<hbm>> -> memref<1x2x128xi32, #tpu.memory_space<hbm>>
        %dma_start3A_469 = tpu.memref_squeeze %dma_start3A_468 : memref<1x2x128xi32, #tpu.memory_space<hbm>> -> memref<2x128xi32, #tpu.memory_space<hbm>>
        %dma_start3A_470 = arith.constant 0 : i32
        %dma_start3A_471 = arith.constant 0 : i32
        %dma_start3A_472 = tpu.memref_slice %arg10[%run_scoped3A_338, %dma_start3A_470, %dma_start3A_471] : memref<2x2x128xi32, #tpu.memory_space<vmem>> -> memref<1x2x128xi32, #tpu.memory_space<vmem>>
        %dma_start3A_473 = tpu.memref_squeeze %dma_start3A_472 : memref<1x2x128xi32, #tpu.memory_space<vmem>> -> memref<2x128xi32, #tpu.memory_space<vmem>>
        %dma_start3A_474 = arith.constant 0 : i32
        %dma_start3A_475 = arith.constant 0 : i32
        %dma_start3A_476 = tpu.memref_slice %arg3[%add3A_337, %dma_start3A_474, %dma_start3A_475] : memref<2528x2x128xi32, #tpu.memory_space<hbm>> -> memref<1x2x128xi32, #tpu.memory_space<hbm>>
        %dma_start3A_477 = tpu.memref_squeeze %dma_start3A_476 : memref<1x2x128xi32, #tpu.memory_space<hbm>> -> memref<2x128xi32, #tpu.memory_space<hbm>>
        tpu.enqueue_dma source(%dma_start3A_477 : memref<2x128xi32, #tpu.memory_space<hbm>>) target(%dma_start3A_473 : memref<2x128xi32, #tpu.memory_space<vmem>>) target_semaphore(%run_scoped3A_461 : memref<!tpu.dma_semaphore, #tpu.memory_space<semaphore_mem>>)
        %dma_wait3A_478 = arith.constant 0 : i32
        %dma_wait3A_479 = arith.constant 0 : i32
        %dma_wait3A_480 = tpu.memref_slice %arg10[%run_scoped3A_338, %dma_wait3A_478, %dma_wait3A_479] : memref<2x2x128xi32, #tpu.memory_space<vmem>> -> memref<1x2x128xi32, #tpu.memory_space<vmem>>
        %dma_wait3A_481 = tpu.memref_squeeze %dma_wait3A_480 : memref<1x2x128xi32, #tpu.memory_space<vmem>> -> memref<2x128xi32, #tpu.memory_space<vmem>>
        %dma_wait3A_482 = arith.constant 0 : i32
        %dma_wait3A_483 = arith.constant 0 : i32
        %dma_wait3A_484 = tpu.memref_slice %arg3[%add3A_337, %dma_wait3A_482, %dma_wait3A_483] : memref<2528x2x128xi32, #tpu.memory_space<hbm>> -> memref<1x2x128xi32, #tpu.memory_space<hbm>>
        %dma_wait3A_485 = tpu.memref_squeeze %dma_wait3A_484 : memref<1x2x128xi32, #tpu.memory_space<hbm>> -> memref<2x128xi32, #tpu.memory_space<hbm>>
        %dma_wait3A_486 = arith.constant 0 : i32
        %dma_wait3A_487 = arith.constant 0 : i32
        %dma_wait3A_488 = tpu.memref_slice %arg10[%run_scoped3A_338, %dma_wait3A_486, %dma_wait3A_487] : memref<2x2x128xi32, #tpu.memory_space<vmem>> -> memref<1x2x128xi32, #tpu.memory_space<vmem>>
        %dma_wait3A_489 = tpu.memref_squeeze %dma_wait3A_488 : memref<1x2x128xi32, #tpu.memory_space<vmem>> -> memref<2x128xi32, #tpu.memory_space<vmem>>
        %dma_wait3A_490 = arith.constant 0 : i32
        %dma_wait3A_491 = arith.constant 0 : i32
        %dma_wait3A_492 = tpu.memref_slice %arg3[%add3A_337, %dma_wait3A_490, %dma_wait3A_491] : memref<2528x2x128xi32, #tpu.memory_space<hbm>> -> memref<1x2x128xi32, #tpu.memory_space<hbm>>
        %dma_wait3A_493 = tpu.memref_squeeze %dma_wait3A_492 : memref<1x2x128xi32, #tpu.memory_space<hbm>> -> memref<2x128xi32, #tpu.memory_space<hbm>>
        tpu.wait_dma2 semaphore(%run_scoped3A_461 : memref<!tpu.dma_semaphore, #tpu.memory_space<semaphore_mem>>) src(%dma_wait3A_493 : memref<2x128xi32, #tpu.memory_space<hbm>>) dst(%dma_wait3A_489 : memref<2x128xi32, #tpu.memory_space<vmem>>)
        tpu.yield
      }) : () -> ()
      %dma_wait3A_339 = arith.constant 0 : i32
      %dma_wait3A_340 = arith.constant 0 : i32
      %dma_wait3A_341 = tpu.memref_slice %arg2[%dma_wait3A_339, %dma_wait3A_340] : memref<10000x128xf32, #tpu.memory_space<hbm>> -> memref<128x128xf32, #tpu.memory_space<hbm>>
      %dma_wait3A_342 = arith.constant 0 : i32
      %dma_wait3A_343 = arith.constant 0 : i32
      %dma_wait3A_344 = tpu.memref_slice %arg2[%dma_wait3A_342, %dma_wait3A_343] : memref<10000x128xf32, #tpu.memory_space<hbm>> -> memref<128x128xf32, #tpu.memory_space<hbm>>
      tpu.wait_dma2 semaphore(%arg15 : memref<!tpu.dma_semaphore, #tpu.memory_space<semaphore_mem>>) src(%dma_wait3A_344 : memref<128x128xf32, #tpu.memory_space<hbm>>) dst(%arg7 : memref<128x128xf32, #tpu.memory_space<vmem>>)
      %dma_start3A_345 = arith.constant 1 : i32
      %dma_start3A_346 = arith.constant 0 : i32
      %dma_start3A_347 = arith.constant 0 : i32
      %dma_start3A_348 = tpu.memref_slice %arg10[%dma_start3A_345, %dma_start3A_346, %dma_start3A_347] : memref<2x2x128xi32, #tpu.memory_space<vmem>> -> memref<1x1x128xi32, #tpu.memory_space<vmem>>
      %dma_start3A_349 = tpu.memref_squeeze %dma_start3A_348 : memref<1x1x128xi32, #tpu.memory_space<vmem>> -> memref<128xi32, #tpu.memory_space<vmem>>
      %dma_start3A_350 = arith.constant 0 : i32
      %dma_start3A_351 = arith.constant 0 : i32
      %dma_start3A_352 = tpu.memref_slice %arg2[%dma_start3A_350, %dma_start3A_351] : memref<10000x128xf32, #tpu.memory_space<hbm>> -> memref<10000x128xf32, #tpu.memory_space<hbm>>
      tpu.enqueue_indirect_dma source(%dma_start3A_352 : memref<10000x128xf32, #tpu.memory_space<hbm>>) target(%arg7 : memref<128x128xf32, #tpu.memory_space<vmem>>) offsets(%dma_start3A_349 : memref<128xi32, #tpu.memory_space<vmem>>) semaphore(%arg14 : memref<!tpu.dma_semaphore, #tpu.memory_space<semaphore_mem>>)
      %mul3A_353 = arith.constant 6 : i32
      %mul3A_354 = arith.muli %while3A_244, %mul3A_353 : i32
      %add3A_355 = arith.constant 3 : i32
      %add3A_356 = arith.addi %mul3A_354, %add3A_355 : i32
      %dma_wait3A_357 = arith.constant 0 : i32
      %dma_wait3A_358 = arith.constant 0 : i32
      %dma_wait3A_359 = tpu.memref_slice %arg2[%dma_wait3A_357, %dma_wait3A_358] : memref<10000x128xf32, #tpu.memory_space<hbm>> -> memref<128x128xf32, #tpu.memory_space<hbm>>
      %dma_wait3A_360 = arith.constant 0 : i32
      %dma_wait3A_361 = arith.constant 0 : i32
      %dma_wait3A_362 = tpu.memref_slice %arg2[%dma_wait3A_360, %dma_wait3A_361] : memref<10000x128xf32, #tpu.memory_space<hbm>> -> memref<128x128xf32, #tpu.memory_space<hbm>>
      tpu.wait_dma2 semaphore(%arg12 : memref<!tpu.dma_semaphore, #tpu.memory_space<semaphore_mem>>) src(%dma_wait3A_362 : memref<128x128xf32, #tpu.memory_space<hbm>>) dst(%arg5 : memref<128x128xf32, #tpu.memory_space<vmem>>)
      %dma_start3A_363 = arith.constant 1 : i32
      %dma_start3A_364 = arith.constant 1 : i32
      %dma_start3A_365 = arith.constant 0 : i32
      %dma_start3A_366 = tpu.memref_slice %arg8[%dma_start3A_363, %dma_start3A_364, %dma_start3A_365] : memref<2x2x128xi32, #tpu.memory_space<vmem>> -> memref<1x1x128xi32, #tpu.memory_space<vmem>>
      %dma_start3A_367 = tpu.memref_squeeze %dma_start3A_366 : memref<1x1x128xi32, #tpu.memory_space<vmem>> -> memref<128xi32, #tpu.memory_space<vmem>>
      %dma_start3A_368 = arith.constant 0 : i32
      %dma_start3A_369 = arith.constant 0 : i32
      %dma_start3A_370 = tpu.memref_slice %arg11[%dma_start3A_368, %dma_start3A_369] : memref<10016x128xf32, #tpu.memory_space<vmem_shared>> -> memref<10016x128xf32, #tpu.memory_space<vmem_shared>>
      tpu.enqueue_indirect_dma source(%arg5 : memref<128x128xf32, #tpu.memory_space<vmem>>) target(%dma_start3A_370 : memref<10016x128xf32, #tpu.memory_space<vmem_shared>>) offsets(%dma_start3A_367 : memref<128xi32, #tpu.memory_space<vmem>>) semaphore(%arg15 : memref<!tpu.dma_semaphore, #tpu.memory_space<semaphore_mem>>) {add = true}
      %add3A_371 = arith.addi %select_n3A, %add3A_356 : i32
      %add3A_372 = arith.constant 3 : i32
      %add3A_373 = arith.addi %add3A_371, %add3A_372 : i32
      %run_scoped3A_374 = arith.constant 0 : i32
      "tpu.region"() ({
        %run_scoped3A_461 = tpu.sem_alloc : memref<!tpu.dma_semaphore, #tpu.memory_space<semaphore_mem>>
        %dma_start3A_462 = arith.constant 0 : i32
        %dma_start3A_463 = arith.constant 0 : i32
        %dma_start3A_464 = tpu.memref_slice %arg8[%run_scoped3A_374, %dma_start3A_462, %dma_start3A_463] : memref<2x2x128xi32, #tpu.memory_space<vmem>> -> memref<1x2x128xi32, #tpu.memory_space<vmem>>
        %dma_start3A_465 = tpu.memref_squeeze %dma_start3A_464 : memref<1x2x128xi32, #tpu.memory_space<vmem>> -> memref<2x128xi32, #tpu.memory_space<vmem>>
        %dma_start3A_466 = arith.constant 0 : i32
        %dma_start3A_467 = arith.constant 0 : i32
        %dma_start3A_468 = tpu.memref_slice %arg3[%add3A_373, %dma_start3A_466, %dma_start3A_467] : memref<2528x2x128xi32, #tpu.memory_space<hbm>> -> memref<1x2x128xi32, #tpu.memory_space<hbm>>
        %dma_start3A_469 = tpu.memref_squeeze %dma_start3A_468 : memref<1x2x128xi32, #tpu.memory_space<hbm>> -> memref<2x128xi32, #tpu.memory_space<hbm>>
        %dma_start3A_470 = arith.constant 0 : i32
        %dma_start3A_471 = arith.constant 0 : i32
        %dma_start3A_472 = tpu.memref_slice %arg8[%run_scoped3A_374, %dma_start3A_470, %dma_start3A_471] : memref<2x2x128xi32, #tpu.memory_space<vmem>> -> memref<1x2x128xi32, #tpu.memory_space<vmem>>
        %dma_start3A_473 = tpu.memref_squeeze %dma_start3A_472 : memref<1x2x128xi32, #tpu.memory_space<vmem>> -> memref<2x128xi32, #tpu.memory_space<vmem>>
        %dma_start3A_474 = arith.constant 0 : i32
        %dma_start3A_475 = arith.constant 0 : i32
        %dma_start3A_476 = tpu.memref_slice %arg3[%add3A_373, %dma_start3A_474, %dma_start3A_475] : memref<2528x2x128xi32, #tpu.memory_space<hbm>> -> memref<1x2x128xi32, #tpu.memory_space<hbm>>
        %dma_start3A_477 = tpu.memref_squeeze %dma_start3A_476 : memref<1x2x128xi32, #tpu.memory_space<hbm>> -> memref<2x128xi32, #tpu.memory_space<hbm>>
        tpu.enqueue_dma source(%dma_start3A_477 : memref<2x128xi32, #tpu.memory_space<hbm>>) target(%dma_start3A_473 : memref<2x128xi32, #tpu.memory_space<vmem>>) target_semaphore(%run_scoped3A_461 : memref<!tpu.dma_semaphore, #tpu.memory_space<semaphore_mem>>)
        %dma_wait3A_478 = arith.constant 0 : i32
        %dma_wait3A_479 = arith.constant 0 : i32
        %dma_wait3A_480 = tpu.memref_slice %arg8[%run_scoped3A_374, %dma_wait3A_478, %dma_wait3A_479] : memref<2x2x128xi32, #tpu.memory_space<vmem>> -> memref<1x2x128xi32, #tpu.memory_space<vmem>>
        %dma_wait3A_481 = tpu.memref_squeeze %dma_wait3A_480 : memref<1x2x128xi32, #tpu.memory_space<vmem>> -> memref<2x128xi32, #tpu.memory_space<vmem>>
        %dma_wait3A_482 = arith.constant 0 : i32
        %dma_wait3A_483 = arith.constant 0 : i32
        %dma_wait3A_484 = tpu.memref_slice %arg3[%add3A_373, %dma_wait3A_482, %dma_wait3A_483] : memref<2528x2x128xi32, #tpu.memory_space<hbm>> -> memref<1x2x128xi32, #tpu.memory_space<hbm>>
        %dma_wait3A_485 = tpu.memref_squeeze %dma_wait3A_484 : memref<1x2x128xi32, #tpu.memory_space<hbm>> -> memref<2x128xi32, #tpu.memory_space<hbm>>
        %dma_wait3A_486 = arith.constant 0 : i32
        %dma_wait3A_487 = arith.constant 0 : i32
        %dma_wait3A_488 = tpu.memref_slice %arg8[%run_scoped3A_374, %dma_wait3A_486, %dma_wait3A_487] : memref<2x2x128xi32, #tpu.memory_space<vmem>> -> memref<1x2x128xi32, #tpu.memory_space<vmem>>
        %dma_wait3A_489 = tpu.memref_squeeze %dma_wait3A_488 : memref<1x2x128xi32, #tpu.memory_space<vmem>> -> memref<2x128xi32, #tpu.memory_space<vmem>>
        %dma_wait3A_490 = arith.constant 0 : i32
        %dma_wait3A_491 = arith.constant 0 : i32
        %dma_wait3A_492 = tpu.memref_slice %arg3[%add3A_373, %dma_wait3A_490, %dma_wait3A_491] : memref<2528x2x128xi32, #tpu.memory_space<hbm>> -> memref<1x2x128xi32, #tpu.memory_space<hbm>>
        %dma_wait3A_493 = tpu.memref_squeeze %dma_wait3A_492 : memref<1x2x128xi32, #tpu.memory_space<hbm>> -> memref<2x128xi32, #tpu.memory_space<hbm>>
        tpu.wait_dma2 semaphore(%run_scoped3A_461 : memref<!tpu.dma_semaphore, #tpu.memory_space<semaphore_mem>>) src(%dma_wait3A_493 : memref<2x128xi32, #tpu.memory_space<hbm>>) dst(%dma_wait3A_489 : memref<2x128xi32, #tpu.memory_space<vmem>>)
        tpu.yield
      }) : () -> ()
      %dma_wait3A_375 = arith.constant 0 : i32
      %dma_wait3A_376 = arith.constant 0 : i32
      %dma_wait3A_377 = tpu.memref_slice %arg2[%dma_wait3A_375, %dma_wait3A_376] : memref<10000x128xf32, #tpu.memory_space<hbm>> -> memref<128x128xf32, #tpu.memory_space<hbm>>
      %dma_wait3A_378 = arith.constant 0 : i32
      %dma_wait3A_379 = arith.constant 0 : i32
      %dma_wait3A_380 = tpu.memref_slice %arg2[%dma_wait3A_378, %dma_wait3A_379] : memref<10000x128xf32, #tpu.memory_space<hbm>> -> memref<128x128xf32, #tpu.memory_space<hbm>>
      tpu.wait_dma2 semaphore(%arg15 : memref<!tpu.dma_semaphore, #tpu.memory_space<semaphore_mem>>) src(%dma_wait3A_380 : memref<128x128xf32, #tpu.memory_space<hbm>>) dst(%arg5 : memref<128x128xf32, #tpu.memory_space<vmem>>)
      %dma_start3A_381 = arith.constant 0 : i32
      %dma_start3A_382 = arith.constant 0 : i32
      %dma_start3A_383 = arith.constant 0 : i32
      %dma_start3A_384 = tpu.memref_slice %arg8[%dma_start3A_381, %dma_start3A_382, %dma_start3A_383] : memref<2x2x128xi32, #tpu.memory_space<vmem>> -> memref<1x1x128xi32, #tpu.memory_space<vmem>>
      %dma_start3A_385 = tpu.memref_squeeze %dma_start3A_384 : memref<1x1x128xi32, #tpu.memory_space<vmem>> -> memref<128xi32, #tpu.memory_space<vmem>>
      %dma_start3A_386 = arith.constant 0 : i32
      %dma_start3A_387 = arith.constant 0 : i32
      %dma_start3A_388 = tpu.memref_slice %arg2[%dma_start3A_386, %dma_start3A_387] : memref<10000x128xf32, #tpu.memory_space<hbm>> -> memref<10000x128xf32, #tpu.memory_space<hbm>>
      tpu.enqueue_indirect_dma source(%dma_start3A_388 : memref<10000x128xf32, #tpu.memory_space<hbm>>) target(%arg5 : memref<128x128xf32, #tpu.memory_space<vmem>>) offsets(%dma_start3A_385 : memref<128xi32, #tpu.memory_space<vmem>>) semaphore(%arg12 : memref<!tpu.dma_semaphore, #tpu.memory_space<semaphore_mem>>)
      %mul3A_389 = arith.constant 6 : i32
      %mul3A_390 = arith.muli %while3A_244, %mul3A_389 : i32
      %add3A_391 = arith.constant 4 : i32
      %add3A_392 = arith.addi %mul3A_390, %add3A_391 : i32
      %dma_wait3A_393 = arith.constant 0 : i32
      %dma_wait3A_394 = arith.constant 0 : i32
      %dma_wait3A_395 = tpu.memref_slice %arg2[%dma_wait3A_393, %dma_wait3A_394] : memref<10000x128xf32, #tpu.memory_space<hbm>> -> memref<128x128xf32, #tpu.memory_space<hbm>>
      %dma_wait3A_396 = arith.constant 0 : i32
      %dma_wait3A_397 = arith.constant 0 : i32
      %dma_wait3A_398 = tpu.memref_slice %arg2[%dma_wait3A_396, %dma_wait3A_397] : memref<10000x128xf32, #tpu.memory_space<hbm>> -> memref<128x128xf32, #tpu.memory_space<hbm>>
      tpu.wait_dma2 semaphore(%arg13 : memref<!tpu.dma_semaphore, #tpu.memory_space<semaphore_mem>>) src(%dma_wait3A_398 : memref<128x128xf32, #tpu.memory_space<hbm>>) dst(%arg6 : memref<128x128xf32, #tpu.memory_space<vmem>>)
      %dma_start3A_399 = arith.constant 1 : i32
      %dma_start3A_400 = arith.constant 1 : i32
      %dma_start3A_401 = arith.constant 0 : i32
      %dma_start3A_402 = tpu.memref_slice %arg9[%dma_start3A_399, %dma_start3A_400, %dma_start3A_401] : memref<2x2x128xi32, #tpu.memory_space<vmem>> -> memref<1x1x128xi32, #tpu.memory_space<vmem>>
      %dma_start3A_403 = tpu.memref_squeeze %dma_start3A_402 : memref<1x1x128xi32, #tpu.memory_space<vmem>> -> memref<128xi32, #tpu.memory_space<vmem>>
      %dma_start3A_404 = arith.constant 0 : i32
      %dma_start3A_405 = arith.constant 0 : i32
      %dma_start3A_406 = tpu.memref_slice %arg11[%dma_start3A_404, %dma_start3A_405] : memref<10016x128xf32, #tpu.memory_space<vmem_shared>> -> memref<10016x128xf32, #tpu.memory_space<vmem_shared>>
      tpu.enqueue_indirect_dma source(%arg6 : memref<128x128xf32, #tpu.memory_space<vmem>>) target(%dma_start3A_406 : memref<10016x128xf32, #tpu.memory_space<vmem_shared>>) offsets(%dma_start3A_403 : memref<128xi32, #tpu.memory_space<vmem>>) semaphore(%arg15 : memref<!tpu.dma_semaphore, #tpu.memory_space<semaphore_mem>>) {add = true}
      %add3A_407 = arith.addi %select_n3A, %add3A_392 : i32
      %add3A_408 = arith.constant 3 : i32
      %add3A_409 = arith.addi %add3A_407, %add3A_408 : i32
      %run_scoped3A_410 = arith.constant 0 : i32
      "tpu.region"() ({
        %run_scoped3A_461 = tpu.sem_alloc : memref<!tpu.dma_semaphore, #tpu.memory_space<semaphore_mem>>
        %dma_start3A_462 = arith.constant 0 : i32
        %dma_start3A_463 = arith.constant 0 : i32
        %dma_start3A_464 = tpu.memref_slice %arg9[%run_scoped3A_410, %dma_start3A_462, %dma_start3A_463] : memref<2x2x128xi32, #tpu.memory_space<vmem>> -> memref<1x2x128xi32, #tpu.memory_space<vmem>>
        %dma_start3A_465 = tpu.memref_squeeze %dma_start3A_464 : memref<1x2x128xi32, #tpu.memory_space<vmem>> -> memref<2x128xi32, #tpu.memory_space<vmem>>
        %dma_start3A_466 = arith.constant 0 : i32
        %dma_start3A_467 = arith.constant 0 : i32
        %dma_start3A_468 = tpu.memref_slice %arg3[%add3A_409, %dma_start3A_466, %dma_start3A_467] : memref<2528x2x128xi32, #tpu.memory_space<hbm>> -> memref<1x2x128xi32, #tpu.memory_space<hbm>>
        %dma_start3A_469 = tpu.memref_squeeze %dma_start3A_468 : memref<1x2x128xi32, #tpu.memory_space<hbm>> -> memref<2x128xi32, #tpu.memory_space<hbm>>
        %dma_start3A_470 = arith.constant 0 : i32
        %dma_start3A_471 = arith.constant 0 : i32
        %dma_start3A_472 = tpu.memref_slice %arg9[%run_scoped3A_410, %dma_start3A_470, %dma_start3A_471] : memref<2x2x128xi32, #tpu.memory_space<vmem>> -> memref<1x2x128xi32, #tpu.memory_space<vmem>>
        %dma_start3A_473 = tpu.memref_squeeze %dma_start3A_472 : memref<1x2x128xi32, #tpu.memory_space<vmem>> -> memref<2x128xi32, #tpu.memory_space<vmem>>
        %dma_start3A_474 = arith.constant 0 : i32
        %dma_start3A_475 = arith.constant 0 : i32
        %dma_start3A_476 = tpu.memref_slice %arg3[%add3A_409, %dma_start3A_474, %dma_start3A_475] : memref<2528x2x128xi32, #tpu.memory_space<hbm>> -> memref<1x2x128xi32, #tpu.memory_space<hbm>>
        %dma_start3A_477 = tpu.memref_squeeze %dma_start3A_476 : memref<1x2x128xi32, #tpu.memory_space<hbm>> -> memref<2x128xi32, #tpu.memory_space<hbm>>
        tpu.enqueue_dma source(%dma_start3A_477 : memref<2x128xi32, #tpu.memory_space<hbm>>) target(%dma_start3A_473 : memref<2x128xi32, #tpu.memory_space<vmem>>) target_semaphore(%run_scoped3A_461 : memref<!tpu.dma_semaphore, #tpu.memory_space<semaphore_mem>>)
        %dma_wait3A_478 = arith.constant 0 : i32
        %dma_wait3A_479 = arith.constant 0 : i32
        %dma_wait3A_480 = tpu.memref_slice %arg9[%run_scoped3A_410, %dma_wait3A_478, %dma_wait3A_479] : memref<2x2x128xi32, #tpu.memory_space<vmem>> -> memref<1x2x128xi32, #tpu.memory_space<vmem>>
        %dma_wait3A_481 = tpu.memref_squeeze %dma_wait3A_480 : memref<1x2x128xi32, #tpu.memory_space<vmem>> -> memref<2x128xi32, #tpu.memory_space<vmem>>
        %dma_wait3A_482 = arith.constant 0 : i32
        %dma_wait3A_483 = arith.constant 0 : i32
        %dma_wait3A_484 = tpu.memref_slice %arg3[%add3A_409, %dma_wait3A_482, %dma_wait3A_483] : memref<2528x2x128xi32, #tpu.memory_space<hbm>> -> memref<1x2x128xi32, #tpu.memory_space<hbm>>
        %dma_wait3A_485 = tpu.memref_squeeze %dma_wait3A_484 : memref<1x2x128xi32, #tpu.memory_space<hbm>> -> memref<2x128xi32, #tpu.memory_space<hbm>>
        %dma_wait3A_486 = arith.constant 0 : i32
        %dma_wait3A_487 = arith.constant 0 : i32
        %dma_wait3A_488 = tpu.memref_slice %arg9[%run_scoped3A_410, %dma_wait3A_486, %dma_wait3A_487] : memref<2x2x128xi32, #tpu.memory_space<vmem>> -> memref<1x2x128xi32, #tpu.memory_space<vmem>>
        %dma_wait3A_489 = tpu.memref_squeeze %dma_wait3A_488 : memref<1x2x128xi32, #tpu.memory_space<vmem>> -> memref<2x128xi32, #tpu.memory_space<vmem>>
        %dma_wait3A_490 = arith.constant 0 : i32
        %dma_wait3A_491 = arith.constant 0 : i32
        %dma_wait3A_492 = tpu.memref_slice %arg3[%add3A_409, %dma_wait3A_490, %dma_wait3A_491] : memref<2528x2x128xi32, #tpu.memory_space<hbm>> -> memref<1x2x128xi32, #tpu.memory_space<hbm>>
        %dma_wait3A_493 = tpu.memref_squeeze %dma_wait3A_492 : memref<1x2x128xi32, #tpu.memory_space<hbm>> -> memref<2x128xi32, #tpu.memory_space<hbm>>
        tpu.wait_dma2 semaphore(%run_scoped3A_461 : memref<!tpu.dma_semaphore, #tpu.memory_space<semaphore_mem>>) src(%dma_wait3A_493 : memref<2x128xi32, #tpu.memory_space<hbm>>) dst(%dma_wait3A_489 : memref<2x128xi32, #tpu.memory_space<vmem>>)
        tpu.yield
      }) : () -> ()
      %dma_wait3A_411 = arith.constant 0 : i32
      %dma_wait3A_412 = arith.constant 0 : i32
      %dma_wait3A_413 = tpu.memref_slice %arg2[%dma_wait3A_411, %dma_wait3A_412] : memref<10000x128xf32, #tpu.memory_space<hbm>> -> memref<128x128xf32, #tpu.memory_space<hbm>>
      %dma_wait3A_414 = arith.constant 0 : i32
      %dma_wait3A_415 = arith.constant 0 : i32
      %dma_wait3A_416 = tpu.memref_slice %arg2[%dma_wait3A_414, %dma_wait3A_415] : memref<10000x128xf32, #tpu.memory_space<hbm>> -> memref<128x128xf32, #tpu.memory_space<hbm>>
      tpu.wait_dma2 semaphore(%arg15 : memref<!tpu.dma_semaphore, #tpu.memory_space<semaphore_mem>>) src(%dma_wait3A_416 : memref<128x128xf32, #tpu.memory_space<hbm>>) dst(%arg6 : memref<128x128xf32, #tpu.memory_space<vmem>>)
      %dma_start3A_417 = arith.constant 0 : i32
      %dma_start3A_418 = arith.constant 0 : i32
      %dma_start3A_419 = arith.constant 0 : i32
      %dma_start3A_420 = tpu.memref_slice %arg9[%dma_start3A_417, %dma_start3A_418, %dma_start3A_419] : memref<2x2x128xi32, #tpu.memory_space<vmem>> -> memref<1x1x128xi32, #tpu.memory_space<vmem>>
      %dma_start3A_421 = tpu.memref_squeeze %dma_start3A_420 : memref<1x1x128xi32, #tpu.memory_space<vmem>> -> memref<128xi32, #tpu.memory_space<vmem>>
      %dma_start3A_422 = arith.constant 0 : i32
      %dma_start3A_423 = arith.constant 0 : i32
      %dma_start3A_424 = tpu.memref_slice %arg2[%dma_start3A_422, %dma_start3A_423] : memref<10000x128xf32, #tpu.memory_space<hbm>> -> memref<10000x128xf32, #tpu.memory_space<hbm>>
      tpu.enqueue_indirect_dma source(%dma_start3A_424 : memref<10000x128xf32, #tpu.memory_space<hbm>>) target(%arg6 : memref<128x128xf32, #tpu.memory_space<vmem>>) offsets(%dma_start3A_421 : memref<128xi32, #tpu.memory_space<vmem>>) semaphore(%arg13 : memref<!tpu.dma_semaphore, #tpu.memory_space<semaphore_mem>>)
      %mul3A_425 = arith.constant 6 : i32
      %mul3A_426 = arith.muli %while3A_244, %mul3A_425 : i32
      %add3A_427 = arith.constant 5 : i32
      %add3A_428 = arith.addi %mul3A_426, %add3A_427 : i32
      %dma_wait3A_429 = arith.constant 0 : i32
      %dma_wait3A_430 = arith.constant 0 : i32
      %dma_wait3A_431 = tpu.memref_slice %arg2[%dma_wait3A_429, %dma_wait3A_430] : memref<10000x128xf32, #tpu.memory_space<hbm>> -> memref<128x128xf32, #tpu.memory_space<hbm>>
      %dma_wait3A_432 = arith.constant 0 : i32
      %dma_wait3A_433 = arith.constant 0 : i32
      %dma_wait3A_434 = tpu.memref_slice %arg2[%dma_wait3A_432, %dma_wait3A_433] : memref<10000x128xf32, #tpu.memory_space<hbm>> -> memref<128x128xf32, #tpu.memory_space<hbm>>
      tpu.wait_dma2 semaphore(%arg14 : memref<!tpu.dma_semaphore, #tpu.memory_space<semaphore_mem>>) src(%dma_wait3A_434 : memref<128x128xf32, #tpu.memory_space<hbm>>) dst(%arg7 : memref<128x128xf32, #tpu.memory_space<vmem>>)
      %dma_start3A_435 = arith.constant 1 : i32
      %dma_start3A_436 = arith.constant 1 : i32
      %dma_start3A_437 = arith.constant 0 : i32
      %dma_start3A_438 = tpu.memref_slice %arg10[%dma_start3A_435, %dma_start3A_436, %dma_start3A_437] : memref<2x2x128xi32, #tpu.memory_space<vmem>> -> memref<1x1x128xi32, #tpu.memory_space<vmem>>
      %dma_start3A_439 = tpu.memref_squeeze %dma_start3A_438 : memref<1x1x128xi32, #tpu.memory_space<vmem>> -> memref<128xi32, #tpu.memory_space<vmem>>
      %dma_start3A_440 = arith.constant 0 : i32
      %dma_start3A_441 = arith.constant 0 : i32
      %dma_start3A_442 = tpu.memref_slice %arg11[%dma_start3A_440, %dma_start3A_441] : memref<10016x128xf32, #tpu.memory_space<vmem_shared>> -> memref<10016x128xf32, #tpu.memory_space<vmem_shared>>
      tpu.enqueue_indirect_dma source(%arg7 : memref<128x128xf32, #tpu.memory_space<vmem>>) target(%dma_start3A_442 : memref<10016x128xf32, #tpu.memory_space<vmem_shared>>) offsets(%dma_start3A_439 : memref<128xi32, #tpu.memory_space<vmem>>) semaphore(%arg15 : memref<!tpu.dma_semaphore, #tpu.memory_space<semaphore_mem>>) {add = true}
      %add3A_443 = arith.addi %select_n3A, %add3A_428 : i32
      %add3A_444 = arith.constant 3 : i32
      %add3A_445 = arith.addi %add3A_443, %add3A_444 : i32
      %run_scoped3A_446 = arith.constant 0 : i32
      "tpu.region"() ({
        %run_scoped3A_461 = tpu.sem_alloc : memref<!tpu.dma_semaphore, #tpu.memory_space<semaphore_mem>>
        %dma_start3A_462 = arith.constant 0 : i32
        %dma_start3A_463 = arith.constant 0 : i32
        %dma_start3A_464 = tpu.memref_slice %arg10[%run_scoped3A_446, %dma_start3A_462, %dma_start3A_463] : memref<2x2x128xi32, #tpu.memory_space<vmem>> -> memref<1x2x128xi32, #tpu.memory_space<vmem>>
        %dma_start3A_465 = tpu.memref_squeeze %dma_start3A_464 : memref<1x2x128xi32, #tpu.memory_space<vmem>> -> memref<2x128xi32, #tpu.memory_space<vmem>>
        %dma_start3A_466 = arith.constant 0 : i32
        %dma_start3A_467 = arith.constant 0 : i32
        %dma_start3A_468 = tpu.memref_slice %arg3[%add3A_445, %dma_start3A_466, %dma_start3A_467] : memref<2528x2x128xi32, #tpu.memory_space<hbm>> -> memref<1x2x128xi32, #tpu.memory_space<hbm>>
        %dma_start3A_469 = tpu.memref_squeeze %dma_start3A_468 : memref<1x2x128xi32, #tpu.memory_space<hbm>> -> memref<2x128xi32, #tpu.memory_space<hbm>>
        %dma_start3A_470 = arith.constant 0 : i32
        %dma_start3A_471 = arith.constant 0 : i32
        %dma_start3A_472 = tpu.memref_slice %arg10[%run_scoped3A_446, %dma_start3A_470, %dma_start3A_471] : memref<2x2x128xi32, #tpu.memory_space<vmem>> -> memref<1x2x128xi32, #tpu.memory_space<vmem>>
        %dma_start3A_473 = tpu.memref_squeeze %dma_start3A_472 : memref<1x2x128xi32, #tpu.memory_space<vmem>> -> memref<2x128xi32, #tpu.memory_space<vmem>>
        %dma_start3A_474 = arith.constant 0 : i32
        %dma_start3A_475 = arith.constant 0 : i32
        %dma_start3A_476 = tpu.memref_slice %arg3[%add3A_445, %dma_start3A_474, %dma_start3A_475] : memref<2528x2x128xi32, #tpu.memory_space<hbm>> -> memref<1x2x128xi32, #tpu.memory_space<hbm>>
        %dma_start3A_477 = tpu.memref_squeeze %dma_start3A_476 : memref<1x2x128xi32, #tpu.memory_space<hbm>> -> memref<2x128xi32, #tpu.memory_space<hbm>>
        tpu.enqueue_dma source(%dma_start3A_477 : memref<2x128xi32, #tpu.memory_space<hbm>>) target(%dma_start3A_473 : memref<2x128xi32, #tpu.memory_space<vmem>>) target_semaphore(%run_scoped3A_461 : memref<!tpu.dma_semaphore, #tpu.memory_space<semaphore_mem>>)
        %dma_wait3A_478 = arith.constant 0 : i32
        %dma_wait3A_479 = arith.constant 0 : i32
        %dma_wait3A_480 = tpu.memref_slice %arg10[%run_scoped3A_446, %dma_wait3A_478, %dma_wait3A_479] : memref<2x2x128xi32, #tpu.memory_space<vmem>> -> memref<1x2x128xi32, #tpu.memory_space<vmem>>
        %dma_wait3A_481 = tpu.memref_squeeze %dma_wait3A_480 : memref<1x2x128xi32, #tpu.memory_space<vmem>> -> memref<2x128xi32, #tpu.memory_space<vmem>>
        %dma_wait3A_482 = arith.constant 0 : i32
        %dma_wait3A_483 = arith.constant 0 : i32
        %dma_wait3A_484 = tpu.memref_slice %arg3[%add3A_445, %dma_wait3A_482, %dma_wait3A_483] : memref<2528x2x128xi32, #tpu.memory_space<hbm>> -> memref<1x2x128xi32, #tpu.memory_space<hbm>>
        %dma_wait3A_485 = tpu.memref_squeeze %dma_wait3A_484 : memref<1x2x128xi32, #tpu.memory_space<hbm>> -> memref<2x128xi32, #tpu.memory_space<hbm>>
        %dma_wait3A_486 = arith.constant 0 : i32
        %dma_wait3A_487 = arith.constant 0 : i32
        %dma_wait3A_488 = tpu.memref_slice %arg10[%run_scoped3A_446, %dma_wait3A_486, %dma_wait3A_487] : memref<2x2x128xi32, #tpu.memory_space<vmem>> -> memref<1x2x128xi32, #tpu.memory_space<vmem>>
        %dma_wait3A_489 = tpu.memref_squeeze %dma_wait3A_488 : memref<1x2x128xi32, #tpu.memory_space<vmem>> -> memref<2x128xi32, #tpu.memory_space<vmem>>
        %dma_wait3A_490 = arith.constant 0 : i32
        %dma_wait3A_491 = arith.constant 0 : i32
        %dma_wait3A_492 = tpu.memref_slice %arg3[%add3A_445, %dma_wait3A_490, %dma_wait3A_491] : memref<2528x2x128xi32, #tpu.memory_space<hbm>> -> memref<1x2x128xi32, #tpu.memory_space<hbm>>
        %dma_wait3A_493 = tpu.memref_squeeze %dma_wait3A_492 : memref<1x2x128xi32, #tpu.memory_space<hbm>> -> memref<2x128xi32, #tpu.memory_space<hbm>>
        tpu.wait_dma2 semaphore(%run_scoped3A_461 : memref<!tpu.dma_semaphore, #tpu.memory_space<semaphore_mem>>) src(%dma_wait3A_493 : memref<2x128xi32, #tpu.memory_space<hbm>>) dst(%dma_wait3A_489 : memref<2x128xi32, #tpu.memory_space<vmem>>)
        tpu.yield
      }) : () -> ()
      %dma_wait3A_447 = arith.constant 0 : i32
      %dma_wait3A_448 = arith.constant 0 : i32
      %dma_wait3A_449 = tpu.memref_slice %arg2[%dma_wait3A_447, %dma_wait3A_448] : memref<10000x128xf32, #tpu.memory_space<hbm>> -> memref<128x128xf32, #tpu.memory_space<hbm>>
      %dma_wait3A_450 = arith.constant 0 : i32
      %dma_wait3A_451 = arith.constant 0 : i32
      %dma_wait3A_452 = tpu.memref_slice %arg2[%dma_wait3A_450, %dma_wait3A_451] : memref<10000x128xf32, #tpu.memory_space<hbm>> -> memref<128x128xf32, #tpu.memory_space<hbm>>
      tpu.wait_dma2 semaphore(%arg15 : memref<!tpu.dma_semaphore, #tpu.memory_space<semaphore_mem>>) src(%dma_wait3A_452 : memref<128x128xf32, #tpu.memory_space<hbm>>) dst(%arg7 : memref<128x128xf32, #tpu.memory_space<vmem>>)
      %dma_start3A_453 = arith.constant 0 : i32
      %dma_start3A_454 = arith.constant 0 : i32
      %dma_start3A_455 = arith.constant 0 : i32
      %dma_start3A_456 = tpu.memref_slice %arg10[%dma_start3A_453, %dma_start3A_454, %dma_start3A_455] : memref<2x2x128xi32, #tpu.memory_space<vmem>> -> memref<1x1x128xi32, #tpu.memory_space<vmem>>
      %dma_start3A_457 = tpu.memref_squeeze %dma_start3A_456 : memref<1x1x128xi32, #tpu.memory_space<vmem>> -> memref<128xi32, #tpu.memory_space<vmem>>
      %dma_start3A_458 = arith.constant 0 : i32
      %dma_start3A_459 = arith.constant 0 : i32
      %dma_start3A_460 = tpu.memref_slice %arg2[%dma_start3A_458, %dma_start3A_459] : memref<10000x128xf32, #tpu.memory_space<hbm>> -> memref<10000x128xf32, #tpu.memory_space<hbm>>
      tpu.enqueue_indirect_dma source(%dma_start3A_460 : memref<10000x128xf32, #tpu.memory_space<hbm>>) target(%arg7 : memref<128x128xf32, #tpu.memory_space<vmem>>) offsets(%dma_start3A_457 : memref<128xi32, #tpu.memory_space<vmem>>) semaphore(%arg14 : memref<!tpu.dma_semaphore, #tpu.memory_space<semaphore_mem>>)
    }
    %dma_wait3A = arith.constant 0 : i32
    %dma_wait3A_78 = arith.constant 0 : i32
    %dma_wait3A_79 = tpu.memref_slice %arg2[%dma_wait3A, %dma_wait3A_78] : memref<10000x128xf32, #tpu.memory_space<hbm>> -> memref<128x128xf32, #tpu.memory_space<hbm>>
    %dma_wait3A_80 = arith.constant 0 : i32
    %dma_wait3A_81 = arith.constant 0 : i32
    %dma_wait3A_82 = tpu.memref_slice %arg2[%dma_wait3A_80, %dma_wait3A_81] : memref<10000x128xf32, #tpu.memory_space<hbm>> -> memref<128x128xf32, #tpu.memory_space<hbm>>
    tpu.wait_dma2 semaphore(%arg12 : memref<!tpu.dma_semaphore, #tpu.memory_space<semaphore_mem>>) src(%dma_wait3A_82 : memref<128x128xf32, #tpu.memory_space<hbm>>) dst(%arg5 : memref<128x128xf32, #tpu.memory_space<vmem>>)
    %dma_start3A_83 = arith.constant 0 : i32
    %dma_start3A_84 = arith.constant 1 : i32
    %dma_start3A_85 = arith.constant 0 : i32
    %dma_start3A_86 = tpu.memref_slice %arg8[%dma_start3A_83, %dma_start3A_84, %dma_start3A_85] : memref<2x2x128xi32, #tpu.memory_space<vmem>> -> memref<1x1x128xi32, #tpu.memory_space<vmem>>
    %dma_start3A_87 = tpu.memref_squeeze %dma_start3A_86 : memref<1x1x128xi32, #tpu.memory_space<vmem>> -> memref<128xi32, #tpu.memory_space<vmem>>
    %dma_start3A_88 = arith.constant 0 : i32
    %dma_start3A_89 = arith.constant 0 : i32
    %dma_start3A_90 = tpu.memref_slice %arg11[%dma_start3A_88, %dma_start3A_89] : memref<10016x128xf32, #tpu.memory_space<vmem_shared>> -> memref<10016x128xf32, #tpu.memory_space<vmem_shared>>
    tpu.enqueue_indirect_dma source(%arg5 : memref<128x128xf32, #tpu.memory_space<vmem>>) target(%dma_start3A_90 : memref<10016x128xf32, #tpu.memory_space<vmem_shared>>) offsets(%dma_start3A_87 : memref<128xi32, #tpu.memory_space<vmem>>) semaphore(%arg15 : memref<!tpu.dma_semaphore, #tpu.memory_space<semaphore_mem>>) {add = true}
    %add3A_91 = arith.constant 0 : i32
    %add3A_92 = arith.addi %add3A_9, %add3A_91 : i32
    %add3A_93 = arith.constant 3 : i32
    %add3A_94 = arith.addi %add3A_92, %add3A_93 : i32
    %run_scoped3A_95 = arith.constant 1 : i32
    "tpu.region"() ({
      %run_scoped3A_244 = tpu.sem_alloc : memref<!tpu.dma_semaphore, #tpu.memory_space<semaphore_mem>>
      %dma_start3A_245 = arith.constant 0 : i32
      %dma_start3A_246 = arith.constant 0 : i32
      %dma_start3A_247 = tpu.memref_slice %arg8[%run_scoped3A_95, %dma_start3A_245, %dma_start3A_246] : memref<2x2x128xi32, #tpu.memory_space<vmem>> -> memref<1x2x128xi32, #tpu.memory_space<vmem>>
      %dma_start3A_248 = tpu.memref_squeeze %dma_start3A_247 : memref<1x2x128xi32, #tpu.memory_space<vmem>> -> memref<2x128xi32, #tpu.memory_space<vmem>>
      %dma_start3A_249 = arith.constant 0 : i32
      %dma_start3A_250 = arith.constant 0 : i32
      %dma_start3A_251 = tpu.memref_slice %arg3[%add3A_94, %dma_start3A_249, %dma_start3A_250] : memref<2528x2x128xi32, #tpu.memory_space<hbm>> -> memref<1x2x128xi32, #tpu.memory_space<hbm>>
      %dma_start3A_252 = tpu.memref_squeeze %dma_start3A_251 : memref<1x2x128xi32, #tpu.memory_space<hbm>> -> memref<2x128xi32, #tpu.memory_space<hbm>>
      %dma_start3A_253 = arith.constant 0 : i32
      %dma_start3A_254 = arith.constant 0 : i32
      %dma_start3A_255 = tpu.memref_slice %arg8[%run_scoped3A_95, %dma_start3A_253, %dma_start3A_254] : memref<2x2x128xi32, #tpu.memory_space<vmem>> -> memref<1x2x128xi32, #tpu.memory_space<vmem>>
      %dma_start3A_256 = tpu.memref_squeeze %dma_start3A_255 : memref<1x2x128xi32, #tpu.memory_space<vmem>> -> memref<2x128xi32, #tpu.memory_space<vmem>>
      %dma_start3A_257 = arith.constant 0 : i32
      %dma_start3A_258 = arith.constant 0 : i32
      %dma_start3A_259 = tpu.memref_slice %arg3[%add3A_94, %dma_start3A_257, %dma_start3A_258] : memref<2528x2x128xi32, #tpu.memory_space<hbm>> -> memref<1x2x128xi32, #tpu.memory_space<hbm>>
      %dma_start3A_260 = tpu.memref_squeeze %dma_start3A_259 : memref<1x2x128xi32, #tpu.memory_space<hbm>> -> memref<2x128xi32, #tpu.memory_space<hbm>>
      tpu.enqueue_dma source(%dma_start3A_260 : memref<2x128xi32, #tpu.memory_space<hbm>>) target(%dma_start3A_256 : memref<2x128xi32, #tpu.memory_space<vmem>>) target_semaphore(%run_scoped3A_244 : memref<!tpu.dma_semaphore, #tpu.memory_space<semaphore_mem>>)
      %dma_wait3A_261 = arith.constant 0 : i32
      %dma_wait3A_262 = arith.constant 0 : i32
      %dma_wait3A_263 = tpu.memref_slice %arg8[%run_scoped3A_95, %dma_wait3A_261, %dma_wait3A_262] : memref<2x2x128xi32, #tpu.memory_space<vmem>> -> memref<1x2x128xi32, #tpu.memory_space<vmem>>
      %dma_wait3A_264 = tpu.memref_squeeze %dma_wait3A_263 : memref<1x2x128xi32, #tpu.memory_space<vmem>> -> memref<2x128xi32, #tpu.memory_space<vmem>>
      %dma_wait3A_265 = arith.constant 0 : i32
      %dma_wait3A_266 = arith.constant 0 : i32
      %dma_wait3A_267 = tpu.memref_slice %arg3[%add3A_94, %dma_wait3A_265, %dma_wait3A_266] : memref<2528x2x128xi32, #tpu.memory_space<hbm>> -> memref<1x2x128xi32, #tpu.memory_space<hbm>>
      %dma_wait3A_268 = tpu.memref_squeeze %dma_wait3A_267 : memref<1x2x128xi32, #tpu.memory_space<hbm>> -> memref<2x128xi32, #tpu.memory_space<hbm>>
      %dma_wait3A_269 = arith.constant 0 : i32
      %dma_wait3A_270 = arith.constant 0 : i32
      %dma_wait3A_271 = tpu.memref_slice %arg8[%run_scoped3A_95, %dma_wait3A_269, %dma_wait3A_270] : memref<2x2x128xi32, #tpu.memory_space<vmem>> -> memref<1x2x128xi32, #tpu.memory_space<vmem>>
      %dma_wait3A_272 = tpu.memref_squeeze %dma_wait3A_271 : memref<1x2x128xi32, #tpu.memory_space<vmem>> -> memref<2x128xi32, #tpu.memory_space<vmem>>
      %dma_wait3A_273 = arith.constant 0 : i32
      %dma_wait3A_274 = arith.constant 0 : i32
      %dma_wait3A_275 = tpu.memref_slice %arg3[%add3A_94, %dma_wait3A_273, %dma_wait3A_274] : memref<2528x2x128xi32, #tpu.memory_space<hbm>> -> memref<1x2x128xi32, #tpu.memory_space<hbm>>
      %dma_wait3A_276 = tpu.memref_squeeze %dma_wait3A_275 : memref<1x2x128xi32, #tpu.memory_space<hbm>> -> memref<2x128xi32, #tpu.memory_space<hbm>>
      tpu.wait_dma2 semaphore(%run_scoped3A_244 : memref<!tpu.dma_semaphore, #tpu.memory_space<semaphore_mem>>) src(%dma_wait3A_276 : memref<2x128xi32, #tpu.memory_space<hbm>>) dst(%dma_wait3A_272 : memref<2x128xi32, #tpu.memory_space<vmem>>)
      tpu.yield
    }) : () -> ()
    %dma_wait3A_96 = arith.constant 0 : i32
    %dma_wait3A_97 = arith.constant 0 : i32
    %dma_wait3A_98 = tpu.memref_slice %arg2[%dma_wait3A_96, %dma_wait3A_97] : memref<10000x128xf32, #tpu.memory_space<hbm>> -> memref<128x128xf32, #tpu.memory_space<hbm>>
    %dma_wait3A_99 = arith.constant 0 : i32
    %dma_wait3A_100 = arith.constant 0 : i32
    %dma_wait3A_101 = tpu.memref_slice %arg2[%dma_wait3A_99, %dma_wait3A_100] : memref<10000x128xf32, #tpu.memory_space<hbm>> -> memref<128x128xf32, #tpu.memory_space<hbm>>
    tpu.wait_dma2 semaphore(%arg15 : memref<!tpu.dma_semaphore, #tpu.memory_space<semaphore_mem>>) src(%dma_wait3A_101 : memref<128x128xf32, #tpu.memory_space<hbm>>) dst(%arg5 : memref<128x128xf32, #tpu.memory_space<vmem>>)
    %dma_start3A_102 = arith.constant 1 : i32
    %dma_start3A_103 = arith.constant 0 : i32
    %dma_start3A_104 = arith.constant 0 : i32
    %dma_start3A_105 = tpu.memref_slice %arg8[%dma_start3A_102, %dma_start3A_103, %dma_start3A_104] : memref<2x2x128xi32, #tpu.memory_space<vmem>> -> memref<1x1x128xi32, #tpu.memory_space<vmem>>
    %dma_start3A_106 = tpu.memref_squeeze %dma_start3A_105 : memref<1x1x128xi32, #tpu.memory_space<vmem>> -> memref<128xi32, #tpu.memory_space<vmem>>
    %dma_start3A_107 = arith.constant 0 : i32
    %dma_start3A_108 = arith.constant 0 : i32
    %dma_start3A_109 = tpu.memref_slice %arg2[%dma_start3A_107, %dma_start3A_108] : memref<10000x128xf32, #tpu.memory_space<hbm>> -> memref<10000x128xf32, #tpu.memory_space<hbm>>
    tpu.enqueue_indirect_dma source(%dma_start3A_109 : memref<10000x128xf32, #tpu.memory_space<hbm>>) target(%arg5 : memref<128x128xf32, #tpu.memory_space<vmem>>) offsets(%dma_start3A_106 : memref<128xi32, #tpu.memory_space<vmem>>) semaphore(%arg12 : memref<!tpu.dma_semaphore, #tpu.memory_space<semaphore_mem>>)
    %dma_wait3A_110 = arith.constant 0 : i32
    %dma_wait3A_111 = arith.constant 0 : i32
    %dma_wait3A_112 = tpu.memref_slice %arg2[%dma_wait3A_110, %dma_wait3A_111] : memref<10000x128xf32, #tpu.memory_space<hbm>> -> memref<128x128xf32, #tpu.memory_space<hbm>>
    %dma_wait3A_113 = arith.constant 0 : i32
    %dma_wait3A_114 = arith.constant 0 : i32
    %dma_wait3A_115 = tpu.memref_slice %arg2[%dma_wait3A_113, %dma_wait3A_114] : memref<10000x128xf32, #tpu.memory_space<hbm>> -> memref<128x128xf32, #tpu.memory_space<hbm>>
    tpu.wait_dma2 semaphore(%arg13 : memref<!tpu.dma_semaphore, #tpu.memory_space<semaphore_mem>>) src(%dma_wait3A_115 : memref<128x128xf32, #tpu.memory_space<hbm>>) dst(%arg6 : memref<128x128xf32, #tpu.memory_space<vmem>>)
    %dma_start3A_116 = arith.constant 0 : i32
    %dma_start3A_117 = arith.constant 1 : i32
    %dma_start3A_118 = arith.constant 0 : i32
    %dma_start3A_119 = tpu.memref_slice %arg9[%dma_start3A_116, %dma_start3A_117, %dma_start3A_118] : memref<2x2x128xi32, #tpu.memory_space<vmem>> -> memref<1x1x128xi32, #tpu.memory_space<vmem>>
    %dma_start3A_120 = tpu.memref_squeeze %dma_start3A_119 : memref<1x1x128xi32, #tpu.memory_space<vmem>> -> memref<128xi32, #tpu.memory_space<vmem>>
    %dma_start3A_121 = arith.constant 0 : i32
    %dma_start3A_122 = arith.constant 0 : i32
    %dma_start3A_123 = tpu.memref_slice %arg11[%dma_start3A_121, %dma_start3A_122] : memref<10016x128xf32, #tpu.memory_space<vmem_shared>> -> memref<10016x128xf32, #tpu.memory_space<vmem_shared>>
    tpu.enqueue_indirect_dma source(%arg6 : memref<128x128xf32, #tpu.memory_space<vmem>>) target(%dma_start3A_123 : memref<10016x128xf32, #tpu.memory_space<vmem_shared>>) offsets(%dma_start3A_120 : memref<128xi32, #tpu.memory_space<vmem>>) semaphore(%arg15 : memref<!tpu.dma_semaphore, #tpu.memory_space<semaphore_mem>>) {add = true}
    %add3A_124 = arith.constant 1 : i32
    %add3A_125 = arith.addi %add3A_9, %add3A_124 : i32
    %add3A_126 = arith.constant 3 : i32
    %add3A_127 = arith.addi %add3A_125, %add3A_126 : i32
    %run_scoped3A_128 = arith.constant 1 : i32
    "tpu.region"() ({
      %run_scoped3A_244 = tpu.sem_alloc : memref<!tpu.dma_semaphore, #tpu.memory_space<semaphore_mem>>
      %dma_start3A_245 = arith.constant 0 : i32
      %dma_start3A_246 = arith.constant 0 : i32
      %dma_start3A_247 = tpu.memref_slice %arg9[%run_scoped3A_128, %dma_start3A_245, %dma_start3A_246] : memref<2x2x128xi32, #tpu.memory_space<vmem>> -> memref<1x2x128xi32, #tpu.memory_space<vmem>>
      %dma_start3A_248 = tpu.memref_squeeze %dma_start3A_247 : memref<1x2x128xi32, #tpu.memory_space<vmem>> -> memref<2x128xi32, #tpu.memory_space<vmem>>
      %dma_start3A_249 = arith.constant 0 : i32
      %dma_start3A_250 = arith.constant 0 : i32
      %dma_start3A_251 = tpu.memref_slice %arg3[%add3A_127, %dma_start3A_249, %dma_start3A_250] : memref<2528x2x128xi32, #tpu.memory_space<hbm>> -> memref<1x2x128xi32, #tpu.memory_space<hbm>>
      %dma_start3A_252 = tpu.memref_squeeze %dma_start3A_251 : memref<1x2x128xi32, #tpu.memory_space<hbm>> -> memref<2x128xi32, #tpu.memory_space<hbm>>
      %dma_start3A_253 = arith.constant 0 : i32
      %dma_start3A_254 = arith.constant 0 : i32
      %dma_start3A_255 = tpu.memref_slice %arg9[%run_scoped3A_128, %dma_start3A_253, %dma_start3A_254] : memref<2x2x128xi32, #tpu.memory_space<vmem>> -> memref<1x2x128xi32, #tpu.memory_space<vmem>>
      %dma_start3A_256 = tpu.memref_squeeze %dma_start3A_255 : memref<1x2x128xi32, #tpu.memory_space<vmem>> -> memref<2x128xi32, #tpu.memory_space<vmem>>
      %dma_start3A_257 = arith.constant 0 : i32
      %dma_start3A_258 = arith.constant 0 : i32
      %dma_start3A_259 = tpu.memref_slice %arg3[%add3A_127, %dma_start3A_257, %dma_start3A_258] : memref<2528x2x128xi32, #tpu.memory_space<hbm>> -> memref<1x2x128xi32, #tpu.memory_space<hbm>>
      %dma_start3A_260 = tpu.memref_squeeze %dma_start3A_259 : memref<1x2x128xi32, #tpu.memory_space<hbm>> -> memref<2x128xi32, #tpu.memory_space<hbm>>
      tpu.enqueue_dma source(%dma_start3A_260 : memref<2x128xi32, #tpu.memory_space<hbm>>) target(%dma_start3A_256 : memref<2x128xi32, #tpu.memory_space<vmem>>) target_semaphore(%run_scoped3A_244 : memref<!tpu.dma_semaphore, #tpu.memory_space<semaphore_mem>>)
      %dma_wait3A_261 = arith.constant 0 : i32
      %dma_wait3A_262 = arith.constant 0 : i32
      %dma_wait3A_263 = tpu.memref_slice %arg9[%run_scoped3A_128, %dma_wait3A_261, %dma_wait3A_262] : memref<2x2x128xi32, #tpu.memory_space<vmem>> -> memref<1x2x128xi32, #tpu.memory_space<vmem>>
      %dma_wait3A_264 = tpu.memref_squeeze %dma_wait3A_263 : memref<1x2x128xi32, #tpu.memory_space<vmem>> -> memref<2x128xi32, #tpu.memory_space<vmem>>
      %dma_wait3A_265 = arith.constant 0 : i32
      %dma_wait3A_266 = arith.constant 0 : i32
      %dma_wait3A_267 = tpu.memref_slice %arg3[%add3A_127, %dma_wait3A_265, %dma_wait3A_266] : memref<2528x2x128xi32, #tpu.memory_space<hbm>> -> memref<1x2x128xi32, #tpu.memory_space<hbm>>
      %dma_wait3A_268 = tpu.memref_squeeze %dma_wait3A_267 : memref<1x2x128xi32, #tpu.memory_space<hbm>> -> memref<2x128xi32, #tpu.memory_space<hbm>>
      %dma_wait3A_269 = arith.constant 0 : i32
      %dma_wait3A_270 = arith.constant 0 : i32
      %dma_wait3A_271 = tpu.memref_slice %arg9[%run_scoped3A_128, %dma_wait3A_269, %dma_wait3A_270] : memref<2x2x128xi32, #tpu.memory_space<vmem>> -> memref<1x2x128xi32, #tpu.memory_space<vmem>>
      %dma_wait3A_272 = tpu.memref_squeeze %dma_wait3A_271 : memref<1x2x128xi32, #tpu.memory_space<vmem>> -> memref<2x128xi32, #tpu.memory_space<vmem>>
      %dma_wait3A_273 = arith.constant 0 : i32
      %dma_wait3A_274 = arith.constant 0 : i32
      %dma_wait3A_275 = tpu.memref_slice %arg3[%add3A_127, %dma_wait3A_273, %dma_wait3A_274] : memref<2528x2x128xi32, #tpu.memory_space<hbm>> -> memref<1x2x128xi32, #tpu.memory_space<hbm>>
      %dma_wait3A_276 = tpu.memref_squeeze %dma_wait3A_275 : memref<1x2x128xi32, #tpu.memory_space<hbm>> -> memref<2x128xi32, #tpu.memory_space<hbm>>
      tpu.wait_dma2 semaphore(%run_scoped3A_244 : memref<!tpu.dma_semaphore, #tpu.memory_space<semaphore_mem>>) src(%dma_wait3A_276 : memref<2x128xi32, #tpu.memory_space<hbm>>) dst(%dma_wait3A_272 : memref<2x128xi32, #tpu.memory_space<vmem>>)
      tpu.yield
    }) : () -> ()
    %dma_wait3A_129 = arith.constant 0 : i32
    %dma_wait3A_130 = arith.constant 0 : i32
    %dma_wait3A_131 = tpu.memref_slice %arg2[%dma_wait3A_129, %dma_wait3A_130] : memref<10000x128xf32, #tpu.memory_space<hbm>> -> memref<128x128xf32, #tpu.memory_space<hbm>>
    %dma_wait3A_132 = arith.constant 0 : i32
    %dma_wait3A_133 = arith.constant 0 : i32
    %dma_wait3A_134 = tpu.memref_slice %arg2[%dma_wait3A_132, %dma_wait3A_133] : memref<10000x128xf32, #tpu.memory_space<hbm>> -> memref<128x128xf32, #tpu.memory_space<hbm>>
    tpu.wait_dma2 semaphore(%arg15 : memref<!tpu.dma_semaphore, #tpu.memory_space<semaphore_mem>>) src(%dma_wait3A_134 : memref<128x128xf32, #tpu.memory_space<hbm>>) dst(%arg6 : memref<128x128xf32, #tpu.memory_space<vmem>>)
    %dma_start3A_135 = arith.constant 1 : i32
    %dma_start3A_136 = arith.constant 0 : i32
    %dma_start3A_137 = arith.constant 0 : i32
    %dma_start3A_138 = tpu.memref_slice %arg9[%dma_start3A_135, %dma_start3A_136, %dma_start3A_137] : memref<2x2x128xi32, #tpu.memory_space<vmem>> -> memref<1x1x128xi32, #tpu.memory_space<vmem>>
    %dma_start3A_139 = tpu.memref_squeeze %dma_start3A_138 : memref<1x1x128xi32, #tpu.memory_space<vmem>> -> memref<128xi32, #tpu.memory_space<vmem>>
    %dma_start3A_140 = arith.constant 0 : i32
    %dma_start3A_141 = arith.constant 0 : i32
    %dma_start3A_142 = tpu.memref_slice %arg2[%dma_start3A_140, %dma_start3A_141] : memref<10000x128xf32, #tpu.memory_space<hbm>> -> memref<10000x128xf32, #tpu.memory_space<hbm>>
    tpu.enqueue_indirect_dma source(%dma_start3A_142 : memref<10000x128xf32, #tpu.memory_space<hbm>>) target(%arg6 : memref<128x128xf32, #tpu.memory_space<vmem>>) offsets(%dma_start3A_139 : memref<128xi32, #tpu.memory_space<vmem>>) semaphore(%arg13 : memref<!tpu.dma_semaphore, #tpu.memory_space<semaphore_mem>>)
    %dma_wait3A_143 = arith.constant 0 : i32
    %dma_wait3A_144 = arith.constant 0 : i32
    %dma_wait3A_145 = tpu.memref_slice %arg2[%dma_wait3A_143, %dma_wait3A_144] : memref<10000x128xf32, #tpu.memory_space<hbm>> -> memref<128x128xf32, #tpu.memory_space<hbm>>
    %dma_wait3A_146 = arith.constant 0 : i32
    %dma_wait3A_147 = arith.constant 0 : i32
    %dma_wait3A_148 = tpu.memref_slice %arg2[%dma_wait3A_146, %dma_wait3A_147] : memref<10000x128xf32, #tpu.memory_space<hbm>> -> memref<128x128xf32, #tpu.memory_space<hbm>>
    tpu.wait_dma2 semaphore(%arg14 : memref<!tpu.dma_semaphore, #tpu.memory_space<semaphore_mem>>) src(%dma_wait3A_148 : memref<128x128xf32, #tpu.memory_space<hbm>>) dst(%arg7 : memref<128x128xf32, #tpu.memory_space<vmem>>)
    %dma_start3A_149 = arith.constant 0 : i32
    %dma_start3A_150 = arith.constant 1 : i32
    %dma_start3A_151 = arith.constant 0 : i32
    %dma_start3A_152 = tpu.memref_slice %arg10[%dma_start3A_149, %dma_start3A_150, %dma_start3A_151] : memref<2x2x128xi32, #tpu.memory_space<vmem>> -> memref<1x1x128xi32, #tpu.memory_space<vmem>>
    %dma_start3A_153 = tpu.memref_squeeze %dma_start3A_152 : memref<1x1x128xi32, #tpu.memory_space<vmem>> -> memref<128xi32, #tpu.memory_space<vmem>>
    %dma_start3A_154 = arith.constant 0 : i32
    %dma_start3A_155 = arith.constant 0 : i32
    %dma_start3A_156 = tpu.memref_slice %arg11[%dma_start3A_154, %dma_start3A_155] : memref<10016x128xf32, #tpu.memory_space<vmem_shared>> -> memref<10016x128xf32, #tpu.memory_space<vmem_shared>>
    tpu.enqueue_indirect_dma source(%arg7 : memref<128x128xf32, #tpu.memory_space<vmem>>) target(%dma_start3A_156 : memref<10016x128xf32, #tpu.memory_space<vmem_shared>>) offsets(%dma_start3A_153 : memref<128xi32, #tpu.memory_space<vmem>>) semaphore(%arg15 : memref<!tpu.dma_semaphore, #tpu.memory_space<semaphore_mem>>) {add = true}
    %add3A_157 = arith.constant 2 : i32
    %add3A_158 = arith.addi %add3A_9, %add3A_157 : i32
    %add3A_159 = arith.constant 3 : i32
    %add3A_160 = arith.addi %add3A_158, %add3A_159 : i32
    %run_scoped3A_161 = arith.constant 1 : i32
    "tpu.region"() ({
      %run_scoped3A_244 = tpu.sem_alloc : memref<!tpu.dma_semaphore, #tpu.memory_space<semaphore_mem>>
      %dma_start3A_245 = arith.constant 0 : i32
      %dma_start3A_246 = arith.constant 0 : i32
      %dma_start3A_247 = tpu.memref_slice %arg10[%run_scoped3A_161, %dma_start3A_245, %dma_start3A_246] : memref<2x2x128xi32, #tpu.memory_space<vmem>> -> memref<1x2x128xi32, #tpu.memory_space<vmem>>
      %dma_start3A_248 = tpu.memref_squeeze %dma_start3A_247 : memref<1x2x128xi32, #tpu.memory_space<vmem>> -> memref<2x128xi32, #tpu.memory_space<vmem>>
      %dma_start3A_249 = arith.constant 0 : i32
      %dma_start3A_250 = arith.constant 0 : i32
      %dma_start3A_251 = tpu.memref_slice %arg3[%add3A_160, %dma_start3A_249, %dma_start3A_250] : memref<2528x2x128xi32, #tpu.memory_space<hbm>> -> memref<1x2x128xi32, #tpu.memory_space<hbm>>
      %dma_start3A_252 = tpu.memref_squeeze %dma_start3A_251 : memref<1x2x128xi32, #tpu.memory_space<hbm>> -> memref<2x128xi32, #tpu.memory_space<hbm>>
      %dma_start3A_253 = arith.constant 0 : i32
      %dma_start3A_254 = arith.constant 0 : i32
      %dma_start3A_255 = tpu.memref_slice %arg10[%run_scoped3A_161, %dma_start3A_253, %dma_start3A_254] : memref<2x2x128xi32, #tpu.memory_space<vmem>> -> memref<1x2x128xi32, #tpu.memory_space<vmem>>
      %dma_start3A_256 = tpu.memref_squeeze %dma_start3A_255 : memref<1x2x128xi32, #tpu.memory_space<vmem>> -> memref<2x128xi32, #tpu.memory_space<vmem>>
      %dma_start3A_257 = arith.constant 0 : i32
      %dma_start3A_258 = arith.constant 0 : i32
      %dma_start3A_259 = tpu.memref_slice %arg3[%add3A_160, %dma_start3A_257, %dma_start3A_258] : memref<2528x2x128xi32, #tpu.memory_space<hbm>> -> memref<1x2x128xi32, #tpu.memory_space<hbm>>
      %dma_start3A_260 = tpu.memref_squeeze %dma_start3A_259 : memref<1x2x128xi32, #tpu.memory_space<hbm>> -> memref<2x128xi32, #tpu.memory_space<hbm>>
      tpu.enqueue_dma source(%dma_start3A_260 : memref<2x128xi32, #tpu.memory_space<hbm>>) target(%dma_start3A_256 : memref<2x128xi32, #tpu.memory_space<vmem>>) target_semaphore(%run_scoped3A_244 : memref<!tpu.dma_semaphore, #tpu.memory_space<semaphore_mem>>)
      %dma_wait3A_261 = arith.constant 0 : i32
      %dma_wait3A_262 = arith.constant 0 : i32
      %dma_wait3A_263 = tpu.memref_slice %arg10[%run_scoped3A_161, %dma_wait3A_261, %dma_wait3A_262] : memref<2x2x128xi32, #tpu.memory_space<vmem>> -> memref<1x2x128xi32, #tpu.memory_space<vmem>>
      %dma_wait3A_264 = tpu.memref_squeeze %dma_wait3A_263 : memref<1x2x128xi32, #tpu.memory_space<vmem>> -> memref<2x128xi32, #tpu.memory_space<vmem>>
      %dma_wait3A_265 = arith.constant 0 : i32
      %dma_wait3A_266 = arith.constant 0 : i32
      %dma_wait3A_267 = tpu.memref_slice %arg3[%add3A_160, %dma_wait3A_265, %dma_wait3A_266] : memref<2528x2x128xi32, #tpu.memory_space<hbm>> -> memref<1x2x128xi32, #tpu.memory_space<hbm>>
      %dma_wait3A_268 = tpu.memref_squeeze %dma_wait3A_267 : memref<1x2x128xi32, #tpu.memory_space<hbm>> -> memref<2x128xi32, #tpu.memory_space<hbm>>
      %dma_wait3A_269 = arith.constant 0 : i32
      %dma_wait3A_270 = arith.constant 0 : i32
      %dma_wait3A_271 = tpu.memref_slice %arg10[%run_scoped3A_161, %dma_wait3A_269, %dma_wait3A_270] : memref<2x2x128xi32, #tpu.memory_space<vmem>> -> memref<1x2x128xi32, #tpu.memory_space<vmem>>
      %dma_wait3A_272 = tpu.memref_squeeze %dma_wait3A_271 : memref<1x2x128xi32, #tpu.memory_space<vmem>> -> memref<2x128xi32, #tpu.memory_space<vmem>>
      %dma_wait3A_273 = arith.constant 0 : i32
      %dma_wait3A_274 = arith.constant 0 : i32
      %dma_wait3A_275 = tpu.memref_slice %arg3[%add3A_160, %dma_wait3A_273, %dma_wait3A_274] : memref<2528x2x128xi32, #tpu.memory_space<hbm>> -> memref<1x2x128xi32, #tpu.memory_space<hbm>>
      %dma_wait3A_276 = tpu.memref_squeeze %dma_wait3A_275 : memref<1x2x128xi32, #tpu.memory_space<hbm>> -> memref<2x128xi32, #tpu.memory_space<hbm>>
      tpu.wait_dma2 semaphore(%run_scoped3A_244 : memref<!tpu.dma_semaphore, #tpu.memory_space<semaphore_mem>>) src(%dma_wait3A_276 : memref<2x128xi32, #tpu.memory_space<hbm>>) dst(%dma_wait3A_272 : memref<2x128xi32, #tpu.memory_space<vmem>>)
      tpu.yield
    }) : () -> ()
    %dma_wait3A_162 = arith.constant 0 : i32
    %dma_wait3A_163 = arith.constant 0 : i32
    %dma_wait3A_164 = tpu.memref_slice %arg2[%dma_wait3A_162, %dma_wait3A_163] : memref<10000x128xf32, #tpu.memory_space<hbm>> -> memref<128x128xf32, #tpu.memory_space<hbm>>
    %dma_wait3A_165 = arith.constant 0 : i32
    %dma_wait3A_166 = arith.constant 0 : i32
    %dma_wait3A_167 = tpu.memref_slice %arg2[%dma_wait3A_165, %dma_wait3A_166] : memref<10000x128xf32, #tpu.memory_space<hbm>> -> memref<128x128xf32, #tpu.memory_space<hbm>>
    tpu.wait_dma2 semaphore(%arg15 : memref<!tpu.dma_semaphore, #tpu.memory_space<semaphore_mem>>) src(%dma_wait3A_167 : memref<128x128xf32, #tpu.memory_space<hbm>>) dst(%arg7 : memref<128x128xf32, #tpu.memory_space<vmem>>)
    %dma_start3A_168 = arith.constant 1 : i32
    %dma_start3A_169 = arith.constant 0 : i32
    %dma_start3A_170 = arith.constant 0 : i32
    %dma_start3A_171 = tpu.memref_slice %arg10[%dma_start3A_168, %dma_start3A_169, %dma_start3A_170] : memref<2x2x128xi32, #tpu.memory_space<vmem>> -> memref<1x1x128xi32, #tpu.memory_space<vmem>>
    %dma_start3A_172 = tpu.memref_squeeze %dma_start3A_171 : memref<1x1x128xi32, #tpu.memory_space<vmem>> -> memref<128xi32, #tpu.memory_space<vmem>>
    %dma_start3A_173 = arith.constant 0 : i32
    %dma_start3A_174 = arith.constant 0 : i32
    %dma_start3A_175 = tpu.memref_slice %arg2[%dma_start3A_173, %dma_start3A_174] : memref<10000x128xf32, #tpu.memory_space<hbm>> -> memref<10000x128xf32, #tpu.memory_space<hbm>>
    tpu.enqueue_indirect_dma source(%dma_start3A_175 : memref<10000x128xf32, #tpu.memory_space<hbm>>) target(%arg7 : memref<128x128xf32, #tpu.memory_space<vmem>>) offsets(%dma_start3A_172 : memref<128xi32, #tpu.memory_space<vmem>>) semaphore(%arg14 : memref<!tpu.dma_semaphore, #tpu.memory_space<semaphore_mem>>)
    %dma_wait3A_176 = arith.constant 0 : i32
    %dma_wait3A_177 = arith.constant 0 : i32
    %dma_wait3A_178 = tpu.memref_slice %arg2[%dma_wait3A_176, %dma_wait3A_177] : memref<10000x128xf32, #tpu.memory_space<hbm>> -> memref<128x128xf32, #tpu.memory_space<hbm>>
    %dma_wait3A_179 = arith.constant 0 : i32
    %dma_wait3A_180 = arith.constant 0 : i32
    %dma_wait3A_181 = tpu.memref_slice %arg2[%dma_wait3A_179, %dma_wait3A_180] : memref<10000x128xf32, #tpu.memory_space<hbm>> -> memref<128x128xf32, #tpu.memory_space<hbm>>
    tpu.wait_dma2 semaphore(%arg12 : memref<!tpu.dma_semaphore, #tpu.memory_space<semaphore_mem>>) src(%dma_wait3A_181 : memref<128x128xf32, #tpu.memory_space<hbm>>) dst(%arg5 : memref<128x128xf32, #tpu.memory_space<vmem>>)
    %dma_start3A_182 = arith.constant 1 : i32
    %dma_start3A_183 = arith.constant 1 : i32
    %dma_start3A_184 = arith.constant 0 : i32
    %dma_start3A_185 = tpu.memref_slice %arg8[%dma_start3A_182, %dma_start3A_183, %dma_start3A_184] : memref<2x2x128xi32, #tpu.memory_space<vmem>> -> memref<1x1x128xi32, #tpu.memory_space<vmem>>
    %dma_start3A_186 = tpu.memref_squeeze %dma_start3A_185 : memref<1x1x128xi32, #tpu.memory_space<vmem>> -> memref<128xi32, #tpu.memory_space<vmem>>
    %dma_start3A_187 = arith.constant 0 : i32
    %dma_start3A_188 = arith.constant 0 : i32
    %dma_start3A_189 = tpu.memref_slice %arg11[%dma_start3A_187, %dma_start3A_188] : memref<10016x128xf32, #tpu.memory_space<vmem_shared>> -> memref<10016x128xf32, #tpu.memory_space<vmem_shared>>
    tpu.enqueue_indirect_dma source(%arg5 : memref<128x128xf32, #tpu.memory_space<vmem>>) target(%dma_start3A_189 : memref<10016x128xf32, #tpu.memory_space<vmem_shared>>) offsets(%dma_start3A_186 : memref<128xi32, #tpu.memory_space<vmem>>) semaphore(%arg15 : memref<!tpu.dma_semaphore, #tpu.memory_space<semaphore_mem>>) {add = true}
    %add3A_190 = arith.constant 6 : i32
    %add3A_191 = arith.addi %add3A_9, %add3A_190 : i32
    %run_scoped3A_192 = arith.constant 0 : i32
    "tpu.region"() ({
      %run_scoped3A_244 = tpu.sem_alloc : memref<!tpu.dma_semaphore, #tpu.memory_space<semaphore_mem>>
      %dma_start3A_245 = arith.constant 0 : i32
      %dma_start3A_246 = arith.constant 0 : i32
      %dma_start3A_247 = tpu.memref_slice %arg8[%run_scoped3A_192, %dma_start3A_245, %dma_start3A_246] : memref<2x2x128xi32, #tpu.memory_space<vmem>> -> memref<1x2x128xi32, #tpu.memory_space<vmem>>
      %dma_start3A_248 = tpu.memref_squeeze %dma_start3A_247 : memref<1x2x128xi32, #tpu.memory_space<vmem>> -> memref<2x128xi32, #tpu.memory_space<vmem>>
      %dma_start3A_249 = arith.constant 0 : i32
      %dma_start3A_250 = arith.constant 0 : i32
      %dma_start3A_251 = tpu.memref_slice %arg3[%add3A_191, %dma_start3A_249, %dma_start3A_250] : memref<2528x2x128xi32, #tpu.memory_space<hbm>> -> memref<1x2x128xi32, #tpu.memory_space<hbm>>
      %dma_start3A_252 = tpu.memref_squeeze %dma_start3A_251 : memref<1x2x128xi32, #tpu.memory_space<hbm>> -> memref<2x128xi32, #tpu.memory_space<hbm>>
      %dma_start3A_253 = arith.constant 0 : i32
      %dma_start3A_254 = arith.constant 0 : i32
      %dma_start3A_255 = tpu.memref_slice %arg8[%run_scoped3A_192, %dma_start3A_253, %dma_start3A_254] : memref<2x2x128xi32, #tpu.memory_space<vmem>> -> memref<1x2x128xi32, #tpu.memory_space<vmem>>
      %dma_start3A_256 = tpu.memref_squeeze %dma_start3A_255 : memref<1x2x128xi32, #tpu.memory_space<vmem>> -> memref<2x128xi32, #tpu.memory_space<vmem>>
      %dma_start3A_257 = arith.constant 0 : i32
      %dma_start3A_258 = arith.constant 0 : i32
      %dma_start3A_259 = tpu.memref_slice %arg3[%add3A_191, %dma_start3A_257, %dma_start3A_258] : memref<2528x2x128xi32, #tpu.memory_space<hbm>> -> memref<1x2x128xi32, #tpu.memory_space<hbm>>
      %dma_start3A_260 = tpu.memref_squeeze %dma_start3A_259 : memref<1x2x128xi32, #tpu.memory_space<hbm>> -> memref<2x128xi32, #tpu.memory_space<hbm>>
      tpu.enqueue_dma source(%dma_start3A_260 : memref<2x128xi32, #tpu.memory_space<hbm>>) target(%dma_start3A_256 : memref<2x128xi32, #tpu.memory_space<vmem>>) target_semaphore(%run_scoped3A_244 : memref<!tpu.dma_semaphore, #tpu.memory_space<semaphore_mem>>)
      %dma_wait3A_261 = arith.constant 0 : i32
      %dma_wait3A_262 = arith.constant 0 : i32
      %dma_wait3A_263 = tpu.memref_slice %arg8[%run_scoped3A_192, %dma_wait3A_261, %dma_wait3A_262] : memref<2x2x128xi32, #tpu.memory_space<vmem>> -> memref<1x2x128xi32, #tpu.memory_space<vmem>>
      %dma_wait3A_264 = tpu.memref_squeeze %dma_wait3A_263 : memref<1x2x128xi32, #tpu.memory_space<vmem>> -> memref<2x128xi32, #tpu.memory_space<vmem>>
      %dma_wait3A_265 = arith.constant 0 : i32
      %dma_wait3A_266 = arith.constant 0 : i32
      %dma_wait3A_267 = tpu.memref_slice %arg3[%add3A_191, %dma_wait3A_265, %dma_wait3A_266] : memref<2528x2x128xi32, #tpu.memory_space<hbm>> -> memref<1x2x128xi32, #tpu.memory_space<hbm>>
      %dma_wait3A_268 = tpu.memref_squeeze %dma_wait3A_267 : memref<1x2x128xi32, #tpu.memory_space<hbm>> -> memref<2x128xi32, #tpu.memory_space<hbm>>
      %dma_wait3A_269 = arith.constant 0 : i32
      %dma_wait3A_270 = arith.constant 0 : i32
      %dma_wait3A_271 = tpu.memref_slice %arg8[%run_scoped3A_192, %dma_wait3A_269, %dma_wait3A_270] : memref<2x2x128xi32, #tpu.memory_space<vmem>> -> memref<1x2x128xi32, #tpu.memory_space<vmem>>
      %dma_wait3A_272 = tpu.memref_squeeze %dma_wait3A_271 : memref<1x2x128xi32, #tpu.memory_space<vmem>> -> memref<2x128xi32, #tpu.memory_space<vmem>>
      %dma_wait3A_273 = arith.constant 0 : i32
      %dma_wait3A_274 = arith.constant 0 : i32
      %dma_wait3A_275 = tpu.memref_slice %arg3[%add3A_191, %dma_wait3A_273, %dma_wait3A_274] : memref<2528x2x128xi32, #tpu.memory_space<hbm>> -> memref<1x2x128xi32, #tpu.memory_space<hbm>>
      %dma_wait3A_276 = tpu.memref_squeeze %dma_wait3A_275 : memref<1x2x128xi32, #tpu.memory_space<hbm>> -> memref<2x128xi32, #tpu.memory_space<hbm>>
      tpu.wait_dma2 semaphore(%run_scoped3A_244 : memref<!tpu.dma_semaphore, #tpu.memory_space<semaphore_mem>>) src(%dma_wait3A_276 : memref<2x128xi32, #tpu.memory_space<hbm>>) dst(%dma_wait3A_272 : memref<2x128xi32, #tpu.memory_space<vmem>>)
      tpu.yield
    }) : () -> ()
    %dma_wait3A_193 = arith.constant 0 : i32
    %dma_wait3A_194 = arith.constant 0 : i32
    %dma_wait3A_195 = tpu.memref_slice %arg2[%dma_wait3A_193, %dma_wait3A_194] : memref<10000x128xf32, #tpu.memory_space<hbm>> -> memref<128x128xf32, #tpu.memory_space<hbm>>
    %dma_wait3A_196 = arith.constant 0 : i32
    %dma_wait3A_197 = arith.constant 0 : i32
    %dma_wait3A_198 = tpu.memref_slice %arg2[%dma_wait3A_196, %dma_wait3A_197] : memref<10000x128xf32, #tpu.memory_space<hbm>> -> memref<128x128xf32, #tpu.memory_space<hbm>>
    tpu.wait_dma2 semaphore(%arg15 : memref<!tpu.dma_semaphore, #tpu.memory_space<semaphore_mem>>) src(%dma_wait3A_198 : memref<128x128xf32, #tpu.memory_space<hbm>>) dst(%arg5 : memref<128x128xf32, #tpu.memory_space<vmem>>)
    %dma_start3A_199 = arith.constant 0 : i32
    %dma_start3A_200 = arith.constant 0 : i32
    %dma_start3A_201 = arith.constant 0 : i32
    %dma_start3A_202 = tpu.memref_slice %arg8[%dma_start3A_199, %dma_start3A_200, %dma_start3A_201] : memref<2x2x128xi32, #tpu.memory_space<vmem>> -> memref<1x1x128xi32, #tpu.memory_space<vmem>>
    %dma_start3A_203 = tpu.memref_squeeze %dma_start3A_202 : memref<1x1x128xi32, #tpu.memory_space<vmem>> -> memref<128xi32, #tpu.memory_space<vmem>>
    %dma_start3A_204 = arith.constant 0 : i32
    %dma_start3A_205 = arith.constant 0 : i32
    %dma_start3A_206 = tpu.memref_slice %arg2[%dma_start3A_204, %dma_start3A_205] : memref<10000x128xf32, #tpu.memory_space<hbm>> -> memref<10000x128xf32, #tpu.memory_space<hbm>>
    tpu.enqueue_indirect_dma source(%dma_start3A_206 : memref<10000x128xf32, #tpu.memory_space<hbm>>) target(%arg5 : memref<128x128xf32, #tpu.memory_space<vmem>>) offsets(%dma_start3A_203 : memref<128xi32, #tpu.memory_space<vmem>>) semaphore(%arg12 : memref<!tpu.dma_semaphore, #tpu.memory_space<semaphore_mem>>)
    %dma_wait3A_207 = arith.constant 0 : i32
    %dma_wait3A_208 = arith.constant 0 : i32
    %dma_wait3A_209 = tpu.memref_slice %arg2[%dma_wait3A_207, %dma_wait3A_208] : memref<10000x128xf32, #tpu.memory_space<hbm>> -> memref<128x128xf32, #tpu.memory_space<hbm>>
    %dma_wait3A_210 = arith.constant 0 : i32
    %dma_wait3A_211 = arith.constant 0 : i32
    %dma_wait3A_212 = tpu.memref_slice %arg2[%dma_wait3A_210, %dma_wait3A_211] : memref<10000x128xf32, #tpu.memory_space<hbm>> -> memref<128x128xf32, #tpu.memory_space<hbm>>
    tpu.wait_dma2 semaphore(%arg13 : memref<!tpu.dma_semaphore, #tpu.memory_space<semaphore_mem>>) src(%dma_wait3A_212 : memref<128x128xf32, #tpu.memory_space<hbm>>) dst(%arg6 : memref<128x128xf32, #tpu.memory_space<vmem>>)
    %run_scoped3A_213 = arith.constant 1 : i32
    %run_scoped3A_214 = arith.constant 1 : i32
    "tpu.region"() ({
      %run_scoped3A_244 = tpu.sem_alloc : memref<!tpu.dma_semaphore, #tpu.memory_space<semaphore_mem>>
      %dma_start3A_245 = arith.constant 0 : i32
      %dma_start3A_246 = tpu.memref_slice %arg9[%run_scoped3A_213, %run_scoped3A_214, %dma_start3A_245] : memref<2x2x128xi32, #tpu.memory_space<vmem>> -> memref<1x1x128xi32, #tpu.memory_space<vmem>>
      %dma_start3A_247 = tpu.memref_squeeze %dma_start3A_246 : memref<1x1x128xi32, #tpu.memory_space<vmem>> -> memref<128xi32, #tpu.memory_space<vmem>>
      %dma_start3A_248 = arith.constant 0 : i32
      %dma_start3A_249 = arith.constant 0 : i32
      %dma_start3A_250 = tpu.memref_slice %arg11[%dma_start3A_248, %dma_start3A_249] : memref<10016x128xf32, #tpu.memory_space<vmem_shared>> -> memref<10016x128xf32, #tpu.memory_space<vmem_shared>>
      tpu.enqueue_indirect_dma source(%arg6 : memref<128x128xf32, #tpu.memory_space<vmem>>) target(%dma_start3A_250 : memref<10016x128xf32, #tpu.memory_space<vmem_shared>>) offsets(%dma_start3A_247 : memref<128xi32, #tpu.memory_space<vmem>>) semaphore(%run_scoped3A_244 : memref<!tpu.dma_semaphore, #tpu.memory_space<semaphore_mem>>) {add = true}
      %dma_wait3A_251 = arith.constant 0 : i32
      %dma_wait3A_252 = tpu.memref_slice %arg9[%run_scoped3A_213, %run_scoped3A_214, %dma_wait3A_251] : memref<2x2x128xi32, #tpu.memory_space<vmem>> -> memref<1x1x128xi32, #tpu.memory_space<vmem>>
      %dma_wait3A_253 = tpu.memref_squeeze %dma_wait3A_252 : memref<1x1x128xi32, #tpu.memory_space<vmem>> -> memref<128xi32, #tpu.memory_space<vmem>>
      %dma_wait3A_254 = arith.constant 0 : i32
      %dma_wait3A_255 = arith.constant 0 : i32
      %dma_wait3A_256 = tpu.memref_slice %arg11[%dma_wait3A_254, %dma_wait3A_255] : memref<10016x128xf32, #tpu.memory_space<vmem_shared>> -> memref<10016x128xf32, #tpu.memory_space<vmem_shared>>
      tpu.wait_indirect_dma semaphore(%run_scoped3A_244 : memref<!tpu.dma_semaphore, #tpu.memory_space<semaphore_mem>>) src(%arg6 : memref<128x128xf32, #tpu.memory_space<vmem>>) dst(%dma_wait3A_256 : memref<10016x128xf32, #tpu.memory_space<vmem_shared>>)
      tpu.yield
    }) : () -> ()
    %dma_wait3A_215 = arith.constant 0 : i32
    %dma_wait3A_216 = arith.constant 0 : i32
    %dma_wait3A_217 = tpu.memref_slice %arg2[%dma_wait3A_215, %dma_wait3A_216] : memref<10000x128xf32, #tpu.memory_space<hbm>> -> memref<128x128xf32, #tpu.memory_space<hbm>>
    %dma_wait3A_218 = arith.constant 0 : i32
    %dma_wait3A_219 = arith.constant 0 : i32
    %dma_wait3A_220 = tpu.memref_slice %arg2[%dma_wait3A_218, %dma_wait3A_219] : memref<10000x128xf32, #tpu.memory_space<hbm>> -> memref<128x128xf32, #tpu.memory_space<hbm>>
    tpu.wait_dma2 semaphore(%arg14 : memref<!tpu.dma_semaphore, #tpu.memory_space<semaphore_mem>>) src(%dma_wait3A_220 : memref<128x128xf32, #tpu.memory_space<hbm>>) dst(%arg7 : memref<128x128xf32, #tpu.memory_space<vmem>>)
    %run_scoped3A_221 = arith.constant 1 : i32
    %run_scoped3A_222 = arith.constant 1 : i32
    "tpu.region"() ({
      %run_scoped3A_244 = tpu.sem_alloc : memref<!tpu.dma_semaphore, #tpu.memory_space<semaphore_mem>>
      %dma_start3A_245 = arith.constant 0 : i32
      %dma_start3A_246 = tpu.memref_slice %arg10[%run_scoped3A_221, %run_scoped3A_222, %dma_start3A_245] : memref<2x2x128xi32, #tpu.memory_space<vmem>> -> memref<1x1x128xi32, #tpu.memory_space<vmem>>
      %dma_start3A_247 = tpu.memref_squeeze %dma_start3A_246 : memref<1x1x128xi32, #tpu.memory_space<vmem>> -> memref<128xi32, #tpu.memory_space<vmem>>
      %dma_start3A_248 = arith.constant 0 : i32
      %dma_start3A_249 = arith.constant 0 : i32
      %dma_start3A_250 = tpu.memref_slice %arg11[%dma_start3A_248, %dma_start3A_249] : memref<10016x128xf32, #tpu.memory_space<vmem_shared>> -> memref<10016x128xf32, #tpu.memory_space<vmem_shared>>
      tpu.enqueue_indirect_dma source(%arg7 : memref<128x128xf32, #tpu.memory_space<vmem>>) target(%dma_start3A_250 : memref<10016x128xf32, #tpu.memory_space<vmem_shared>>) offsets(%dma_start3A_247 : memref<128xi32, #tpu.memory_space<vmem>>) semaphore(%run_scoped3A_244 : memref<!tpu.dma_semaphore, #tpu.memory_space<semaphore_mem>>) {add = true}
      %dma_wait3A_251 = arith.constant 0 : i32
      %dma_wait3A_252 = tpu.memref_slice %arg10[%run_scoped3A_221, %run_scoped3A_222, %dma_wait3A_251] : memref<2x2x128xi32, #tpu.memory_space<vmem>> -> memref<1x1x128xi32, #tpu.memory_space<vmem>>
      %dma_wait3A_253 = tpu.memref_squeeze %dma_wait3A_252 : memref<1x1x128xi32, #tpu.memory_space<vmem>> -> memref<128xi32, #tpu.memory_space<vmem>>
      %dma_wait3A_254 = arith.constant 0 : i32
      %dma_wait3A_255 = arith.constant 0 : i32
      %dma_wait3A_256 = tpu.memref_slice %arg11[%dma_wait3A_254, %dma_wait3A_255] : memref<10016x128xf32, #tpu.memory_space<vmem_shared>> -> memref<10016x128xf32, #tpu.memory_space<vmem_shared>>
      tpu.wait_indirect_dma semaphore(%run_scoped3A_244 : memref<!tpu.dma_semaphore, #tpu.memory_space<semaphore_mem>>) src(%arg7 : memref<128x128xf32, #tpu.memory_space<vmem>>) dst(%dma_wait3A_256 : memref<10016x128xf32, #tpu.memory_space<vmem_shared>>)
      tpu.yield
    }) : () -> ()
    %dma_wait3A_223 = arith.constant 0 : i32
    %dma_wait3A_224 = arith.constant 0 : i32
    %dma_wait3A_225 = tpu.memref_slice %arg2[%dma_wait3A_223, %dma_wait3A_224] : memref<10000x128xf32, #tpu.memory_space<hbm>> -> memref<128x128xf32, #tpu.memory_space<hbm>>
    %dma_wait3A_226 = arith.constant 0 : i32
    %dma_wait3A_227 = arith.constant 0 : i32
    %dma_wait3A_228 = tpu.memref_slice %arg2[%dma_wait3A_226, %dma_wait3A_227] : memref<10000x128xf32, #tpu.memory_space<hbm>> -> memref<128x128xf32, #tpu.memory_space<hbm>>
    tpu.wait_dma2 semaphore(%arg12 : memref<!tpu.dma_semaphore, #tpu.memory_space<semaphore_mem>>) src(%dma_wait3A_228 : memref<128x128xf32, #tpu.memory_space<hbm>>) dst(%arg5 : memref<128x128xf32, #tpu.memory_space<vmem>>)
    %run_scoped3A_229 = arith.constant 0 : i32
    %run_scoped3A_230 = arith.constant 1 : i32
    "tpu.region"() ({
      %run_scoped3A_244 = tpu.sem_alloc : memref<!tpu.dma_semaphore, #tpu.memory_space<semaphore_mem>>
      %dma_start3A_245 = arith.constant 0 : i32
      %dma_start3A_246 = tpu.memref_slice %arg8[%run_scoped3A_229, %run_scoped3A_230, %dma_start3A_245] : memref<2x2x128xi32, #tpu.memory_space<vmem>> -> memref<1x1x128xi32, #tpu.memory_space<vmem>>
      %dma_start3A_247 = tpu.memref_squeeze %dma_start3A_246 : memref<1x1x128xi32, #tpu.memory_space<vmem>> -> memref<128xi32, #tpu.memory_space<vmem>>
      %dma_start3A_248 = arith.constant 0 : i32
      %dma_start3A_249 = arith.constant 0 : i32
      %dma_start3A_250 = tpu.memref_slice %arg11[%dma_start3A_248, %dma_start3A_249] : memref<10016x128xf32, #tpu.memory_space<vmem_shared>> -> memref<10016x128xf32, #tpu.memory_space<vmem_shared>>
      tpu.enqueue_indirect_dma source(%arg5 : memref<128x128xf32, #tpu.memory_space<vmem>>) target(%dma_start3A_250 : memref<10016x128xf32, #tpu.memory_space<vmem_shared>>) offsets(%dma_start3A_247 : memref<128xi32, #tpu.memory_space<vmem>>) semaphore(%run_scoped3A_244 : memref<!tpu.dma_semaphore, #tpu.memory_space<semaphore_mem>>) {add = true}
      %dma_wait3A_251 = arith.constant 0 : i32
      %dma_wait3A_252 = tpu.memref_slice %arg8[%run_scoped3A_229, %run_scoped3A_230, %dma_wait3A_251] : memref<2x2x128xi32, #tpu.memory_space<vmem>> -> memref<1x1x128xi32, #tpu.memory_space<vmem>>
      %dma_wait3A_253 = tpu.memref_squeeze %dma_wait3A_252 : memref<1x1x128xi32, #tpu.memory_space<vmem>> -> memref<128xi32, #tpu.memory_space<vmem>>
      %dma_wait3A_254 = arith.constant 0 : i32
      %dma_wait3A_255 = arith.constant 0 : i32
      %dma_wait3A_256 = tpu.memref_slice %arg11[%dma_wait3A_254, %dma_wait3A_255] : memref<10016x128xf32, #tpu.memory_space<vmem_shared>> -> memref<10016x128xf32, #tpu.memory_space<vmem_shared>>
      tpu.wait_indirect_dma semaphore(%run_scoped3A_244 : memref<!tpu.dma_semaphore, #tpu.memory_space<semaphore_mem>>) src(%arg5 : memref<128x128xf32, #tpu.memory_space<vmem>>) dst(%dma_wait3A_256 : memref<10016x128xf32, #tpu.memory_space<vmem_shared>>)
      tpu.yield
    }) : () -> ()
    %barrier3A_231 = arith.constant 0 : index
    tpu.barrier barrier_id(%barrier3A_231)
    %mul3A_232 = arith.constant 624 : i32
    %mul3A_233 = arith.muli %arg1, %mul3A_232 : i32
    %mul3A_234 = arith.constant 10016 : i32
    %mul3A_235 = arith.muli %arg0, %mul3A_234 : i32
    %mul3A_236 = arith.constant 624 : i32
    %mul3A_237 = arith.muli %arg1, %mul3A_236 : i32
    %add3A_238 = arith.addi %mul3A_235, %mul3A_237 : i32
    "tpu.region"() ({
      %run_scoped3A_244 = tpu.sem_alloc : memref<!tpu.dma_semaphore, #tpu.memory_space<semaphore_mem>>
      %dma_start3A_245 = arith.constant 0 : i32
      %dma_start3A_246 = tpu.memref_slice %arg4[%add3A_238, %dma_start3A_245] : memref<20032x128xf32, #tpu.memory_space<hbm>> -> memref<624x128xf32, #tpu.memory_space<hbm>>
      %dma_start3A_247 = arith.constant 0 : i32
      %dma_start3A_248 = tpu.memref_slice %arg11[%mul3A_233, %dma_start3A_247] : memref<10016x128xf32, #tpu.memory_space<vmem_shared>> -> memref<624x128xf32, #tpu.memory_space<vmem_shared>>
      tpu.enqueue_dma source(%dma_start3A_248 : memref<624x128xf32, #tpu.memory_space<vmem_shared>>) target(%dma_start3A_246 : memref<624x128xf32, #tpu.memory_space<hbm>>) target_semaphore(%run_scoped3A_244 : memref<!tpu.dma_semaphore, #tpu.memory_space<semaphore_mem>>)
      %dma_wait3A_249 = arith.constant 0 : i32
      %dma_wait3A_250 = tpu.memref_slice %arg4[%add3A_238, %dma_wait3A_249] : memref<20032x128xf32, #tpu.memory_space<hbm>> -> memref<624x128xf32, #tpu.memory_space<hbm>>
      %dma_wait3A_251 = arith.constant 0 : i32
      %dma_wait3A_252 = tpu.memref_slice %arg11[%mul3A_233, %dma_wait3A_251] : memref<10016x128xf32, #tpu.memory_space<vmem_shared>> -> memref<624x128xf32, #tpu.memory_space<vmem_shared>>
      tpu.wait_dma2 semaphore(%run_scoped3A_244 : memref<!tpu.dma_semaphore, #tpu.memory_space<semaphore_mem>>) src(%dma_wait3A_252 : memref<624x128xf32, #tpu.memory_space<vmem_shared>>) dst(%dma_wait3A_250 : memref<624x128xf32, #tpu.memory_space<hbm>>)
      tpu.yield
    }) : () -> ()
    %eq3A_239 = arith.constant 0 : i32
    %eq3A_240 = arith.cmpi eq, %arg1, %eq3A_239 : i32
    %convert_element_type3A_241 = arith.extui %eq3A_240 : i1 to i32
    %cond3A_242 = arith.constant 0 : i32
    %cond3A_243 = arith.cmpi ne, %convert_element_type3A_241, %cond3A_242 : i32
    scf.if %cond3A_243 {
      %mul3A_244 = arith.constant 10016 : i32
      %mul3A_245 = arith.muli %arg0, %mul3A_244 : i32
      %add3A_246 = arith.constant 9984 : i32
      %add3A_247 = arith.addi %mul3A_245, %add3A_246 : i32
      "tpu.region"() ({
        %run_scoped3A_248 = tpu.sem_alloc : memref<!tpu.dma_semaphore, #tpu.memory_space<semaphore_mem>>
        %dma_start3A_249 = arith.constant 0 : i32
        %dma_start3A_250 = tpu.memref_slice %arg4[%add3A_247, %dma_start3A_249] : memref<20032x128xf32, #tpu.memory_space<hbm>> -> memref<32x128xf32, #tpu.memory_space<hbm>>
        %dma_start3A_251 = arith.constant 9984 : i32
        %dma_start3A_252 = arith.constant 0 : i32
        %dma_start3A_253 = tpu.memref_slice %arg11[%dma_start3A_251, %dma_start3A_252] : memref<10016x128xf32, #tpu.memory_space<vmem_shared>> -> memref<32x128xf32, #tpu.memory_space<vmem_shared>>
        tpu.enqueue_dma source(%dma_start3A_253 : memref<32x128xf32, #tpu.memory_space<vmem_shared>>) target(%dma_start3A_250 : memref<32x128xf32, #tpu.memory_space<hbm>>) target_semaphore(%run_scoped3A_248 : memref<!tpu.dma_semaphore, #tpu.memory_space<semaphore_mem>>)
        %dma_wait3A_254 = arith.constant 0 : i32
        %dma_wait3A_255 = tpu.memref_slice %arg4[%add3A_247, %dma_wait3A_254] : memref<20032x128xf32, #tpu.memory_space<hbm>> -> memref<32x128xf32, #tpu.memory_space<hbm>>
        %dma_wait3A_256 = arith.constant 9984 : i32
        %dma_wait3A_257 = arith.constant 0 : i32
        %dma_wait3A_258 = tpu.memref_slice %arg11[%dma_wait3A_256, %dma_wait3A_257] : memref<10016x128xf32, #tpu.memory_space<vmem_shared>> -> memref<32x128xf32, #tpu.memory_space<vmem_shared>>
        tpu.wait_dma2 semaphore(%run_scoped3A_248 : memref<!tpu.dma_semaphore, #tpu.memory_space<semaphore_mem>>) src(%dma_wait3A_258 : memref<32x128xf32, #tpu.memory_space<vmem_shared>>) dst(%dma_wait3A_255 : memref<32x128xf32, #tpu.memory_space<hbm>>)
        tpu.yield
      }) : () -> ()
    } else {
    }
    return
  }
}

#map = affine_map<(d0, d1) -> (0, 0)>
#map1 = affine_map<(d0, d1) -> (0, 0, 0)>
module attributes {stable_mosaic.version = 14 : i64} {
  func.func @_sc_gather_scatter(%arg0: i32, %arg1: i32, %arg2: memref<10000x128xf32, #tpu.memory_space<hbm>>, %arg3: memref<2528x2x128xi32, #tpu.memory_space<hbm>>, %arg4: memref<20032x128xf32, #tpu.memory_space<hbm>>, %arg5: memref<128x128xf32, #tpu.memory_space<vmem>>, %arg6: memref<128x128xf32, #tpu.memory_space<vmem>>, %arg7: memref<128x128xf32, #tpu.memory_space<vmem>>, %arg8: memref<2x2x128xi32, #tpu.memory_space<vmem>>, %arg9: memref<2x2x128xi32, #tpu.memory_space<vmem>>, %arg10: memref<2x2x128xi32, #tpu.memory_space<vmem>>, %arg11: memref<10016x128xf32, #tpu.memory_space<vmem_shared>>, %arg12: memref<!tpu.dma_semaphore, #tpu.memory_space<semaphore_mem>>, %arg13: memref<!tpu.dma_semaphore, #tpu.memory_space<semaphore_mem>>, %arg14: memref<!tpu.dma_semaphore, #tpu.memory_space<semaphore_mem>>, %arg15: memref<!tpu.dma_semaphore, #tpu.memory_space<semaphore_mem>>) attributes {dimension_semantics = [#tpu.dimension_semantics<core_parallel>, #tpu.dimension_semantics<subcore_parallel>], iteration_bounds = array<i64: 2, 16>, scalar_prefetch = 0 : i64, scratch_operands = 11 : i64, tpu.core_type = #tpu.core_type<sc_vector_subcore>, window_params = [{transform_indices = #map}, {transform_indices = #map1}, {transform_indices = #map}]} {
    %eq3A = arith.constant 1 : i32
    %eq3A_0 = arith.cmpi eq, %arg0, %eq3A : i32
    %mul3A = arith.constant 115 : i32
    %mul3A_1 = arith.muli %arg1, %mul3A : i32
    %mul3A_2 = arith.constant 43 : i32
    %mul3A_3 = arith.muli %arg1, %mul3A_2 : i32
    %add3A = arith.constant 1840 : i32
    %add3A_4 = arith.addi %add3A, %mul3A_3 : i32
    %select_n3A = arith.select %eq3A_0, %mul3A_1, %add3A_4 : i32
    %jit3A = arith.constant 18 : i32
    %jit3A_5 = arith.constant 6 : i32
    %select_n3A_6 = arith.select %eq3A_0, %jit3A, %jit3A_5 : i32
    %mul3A_7 = arith.constant 6 : i32
    %mul3A_8 = arith.muli %mul3A_7, %select_n3A_6 : i32
    %add3A_9 = arith.addi %select_n3A, %mul3A_8 : i32
    %scan3A = arith.constant 0 : i32
    %scan3A_10 = arith.constant 0 : i32
    %scan3A_11 = arith.constant 1024 : i32
    %scan3A_12 = arith.addi %scan3A_10, %scan3A_11 : i32
    %scan3A_13 = arith.constant 1 : i32
    scf.for %scan3A_244 = %scan3A_10 to %scan3A_12 step %scan3A_13  : i32 {
      %broadcast_in_dim3A = arith.constant 0.000000e+00 : f32
      %broadcast_in_dim3A_245 = vector.broadcast %broadcast_in_dim3A : f32 to vector<16xf32>
      %jit3A_246 = arith.constant 8 : i32
      %div3A = arith.divsi %scan3A_244, %jit3A_246 : i32
      %sign3A = arith.constant 0 : i32
      %sign3A_247 = arith.cmpi sgt, %scan3A_244, %sign3A : i32
      %sign3A_248 = arith.extui %sign3A_247 : i1 to i32
      %sign3A_249 = arith.constant 0 : i32
      %sign3A_250 = arith.cmpi slt, %scan3A_244, %sign3A_249 : i32
      %sign3A_251 = arith.extui %sign3A_250 : i1 to i32
      %sign3A_252 = arith.subi %sign3A_248, %sign3A_251 : i32
      %sign3A_253 = arith.constant 0 : i32
      %sign3A_254 = arith.cmpi sgt, %jit3A_246, %sign3A_253 : i32
      %sign3A_255 = arith.extui %sign3A_254 : i1 to i32
      %sign3A_256 = arith.constant 0 : i32
      %sign3A_257 = arith.cmpi slt, %jit3A_246, %sign3A_256 : i32
      %sign3A_258 = arith.extui %sign3A_257 : i1 to i32
      %sign3A_259 = arith.subi %sign3A_255, %sign3A_258 : i32
      %ne3A = arith.cmpi ne, %sign3A_252, %sign3A_259 : i32
      %rem3A = arith.remsi %scan3A_244, %jit3A_246 : i32
      %ne3A_260 = arith.constant 0 : i32
      %ne3A_261 = arith.cmpi ne, %rem3A, %ne3A_260 : i32
      %and3A = arith.andi %ne3A, %ne3A_261 : i1
      %sub3A = arith.constant 1 : i32
      %sub3A_262 = arith.subi %div3A, %sub3A : i32
      %select_n3A_263 = arith.select %and3A, %sub3A_262, %div3A : i32
      %jit3A_264 = arith.constant 8 : i32
      %eq3A_265 = arith.constant 0 : i32
      %eq3A_266 = arith.cmpi eq, %jit3A_264, %eq3A_265 : i32
      %jit3A_267 = arith.constant 1 : i32
      %select_n3A_268 = arith.select %eq3A_266, %jit3A_267, %jit3A_264 : i32
      %rem3A_269 = arith.remsi %scan3A_244, %select_n3A_268 : i32
      %ne3A_270 = arith.constant 0 : i32
      %ne3A_271 = arith.cmpi ne, %rem3A_269, %ne3A_270 : i32
      %lt3A = arith.constant 0 : i32
      %lt3A_272 = arith.cmpi slt, %rem3A_269, %lt3A : i32
      %lt3A_273 = arith.constant 0 : i32
      %lt3A_274 = arith.cmpi slt, %select_n3A_268, %lt3A_273 : i32
      %ne3A_275 = arith.xori %lt3A_272, %lt3A_274 : i1
      %and3A_276 = arith.andi %ne3A_275, %ne3A_271 : i1
      %add3A_277 = arith.addi %rem3A_269, %select_n3A_268 : i32
      %select_n3A_278 = arith.select %and3A_276, %add3A_277, %rem3A_269 : i32
      %mul3A_279 = arith.constant 16 : i32
      %mul3A_280 = arith.muli %select_n3A_278, %mul3A_279 : i32
      %swap3A = arith.index_cast %select_n3A_263 : i32 to index
      %swap3A_281 = arith.index_cast %mul3A_280 : i32 to index
      %swap3A_282 = tpu.vector_load %arg5[%swap3A, %swap3A_281] {strides = array<i32>} : memref<128x128xf32, #tpu.memory_space<vmem>>, vector<1x16xf32>,
      %swap3A_283 = vector.shape_cast %swap3A_282 : vector<1x16xf32> to vector<16xf32>
      %swap3A_284 = vector.shape_cast %broadcast_in_dim3A_245 : vector<16xf32> to vector<1x16xf32>
      tpu.vector_store %arg5[%swap3A, %swap3A_281], %swap3A_284 {strides = array<i32>} : memref<128x128xf32, #tpu.memory_space<vmem>>, vector<1x16xf32>,
    }
    %scan3A_14 = arith.constant 1024 : i32
    %mul3A_15 = arith.constant 624 : i32
    %mul3A_16 = arith.muli %arg1, %mul3A_15 : i32
    %add3A_17 = arith.constant 0 : i32
    %add3A_18 = arith.addi %mul3A_16, %add3A_17 : i32
    "tpu.region"() ({
      %run_scoped3A_244 = tpu.sem_alloc : memref<!tpu.dma_semaphore, #tpu.memory_space<semaphore_mem>>
      %dma_start3A_245 = arith.constant 0 : i32
      %dma_start3A_246 = tpu.memref_slice %arg11[%add3A_18, %dma_start3A_245] : memref<10016x128xf32, #tpu.memory_space<vmem_shared>> -> memref<128x128xf32, #tpu.memory_space<vmem_shared>>
      %dma_start3A_247 = arith.constant 0 : i32
      %dma_start3A_248 = tpu.memref_slice %arg11[%add3A_18, %dma_start3A_247] : memref<10016x128xf32, #tpu.memory_space<vmem_shared>> -> memref<128x128xf32, #tpu.memory_space<vmem_shared>>
      tpu.enqueue_dma source(%arg5 : memref<128x128xf32, #tpu.memory_space<vmem>>) target(%dma_start3A_248 : memref<128x128xf32, #tpu.memory_space<vmem_shared>>) target_semaphore(%run_scoped3A_244 : memref<!tpu.dma_semaphore, #tpu.memory_space<semaphore_mem>>)
      %dma_wait3A_249 = arith.constant 0 : i32
      %dma_wait3A_250 = tpu.memref_slice %arg11[%add3A_18, %dma_wait3A_249] : memref<10016x128xf32, #tpu.memory_space<vmem_shared>> -> memref<128x128xf32, #tpu.memory_space<vmem_shared>>
      %dma_wait3A_251 = arith.constant 0 : i32
      %dma_wait3A_252 = tpu.memref_slice %arg11[%add3A_18, %dma_wait3A_251] : memref<10016x128xf32, #tpu.memory_space<vmem_shared>> -> memref<128x128xf32, #tpu.memory_space<vmem_shared>>
      tpu.wait_dma2 semaphore(%run_scoped3A_244 : memref<!tpu.dma_semaphore, #tpu.memory_space<semaphore_mem>>) src(%arg5 : memref<128x128xf32, #tpu.memory_space<vmem>>) dst(%dma_wait3A_252 : memref<128x128xf32, #tpu.memory_space<vmem_shared>>)
      tpu.yield
    }) : () -> ()
    %mul3A_19 = arith.constant 624 : i32
    %mul3A_20 = arith.muli %arg1, %mul3A_19 : i32
    %add3A_21 = arith.constant 128 : i32
    %add3A_22 = arith.addi %mul3A_20, %add3A_21 : i32
    "tpu.region"() ({
      %run_scoped3A_244 = tpu.sem_alloc : memref<!tpu.dma_semaphore, #tpu.memory_space<semaphore_mem>>
      %dma_start3A_245 = arith.constant 0 : i32
      %dma_start3A_246 = tpu.memref_slice %arg11[%add3A_22, %dma_start3A_245] : memref<10016x128xf32, #tpu.memory_space<vmem_shared>> -> memref<128x128xf32, #tpu.memory_space<vmem_shared>>
      %dma_start3A_247 = arith.constant 0 : i32
      %dma_start3A_248 = tpu.memref_slice %arg11[%add3A_22, %dma_start3A_247] : memref<10016x128xf32, #tpu.memory_space<vmem_shared>> -> memref<128x128xf32, #tpu.memory_space<vmem_shared>>
      tpu.enqueue_dma source(%arg5 : memref<128x128xf32, #tpu.memory_space<vmem>>) target(%dma_start3A_248 : memref<128x128xf32, #tpu.memory_space<vmem_shared>>) target_semaphore(%run_scoped3A_244 : memref<!tpu.dma_semaphore, #tpu.memory_space<semaphore_mem>>)
      %dma_wait3A_249 = arith.constant 0 : i32
      %dma_wait3A_250 = tpu.memref_slice %arg11[%add3A_22, %dma_wait3A_249] : memref<10016x128xf32, #tpu.memory_space<vmem_shared>> -> memref<128x128xf32, #tpu.memory_space<vmem_shared>>
      %dma_wait3A_251 = arith.constant 0 : i32
      %dma_wait3A_252 = tpu.memref_slice %arg11[%add3A_22, %dma_wait3A_251] : memref<10016x128xf32, #tpu.memory_space<vmem_shared>> -> memref<128x128xf32, #tpu.memory_space<vmem_shared>>
      tpu.wait_dma2 semaphore(%run_scoped3A_244 : memref<!tpu.dma_semaphore, #tpu.memory_space<semaphore_mem>>) src(%arg5 : memref<128x128xf32, #tpu.memory_space<vmem>>) dst(%dma_wait3A_252 : memref<128x128xf32, #tpu.memory_space<vmem_shared>>)
      tpu.yield
    }) : () -> ()
    %mul3A_23 = arith.constant 624 : i32
    %mul3A_24 = arith.muli %arg1, %mul3A_23 : i32
    %add3A_25 = arith.constant 256 : i32
    %add3A_26 = arith.addi %mul3A_24, %add3A_25 : i32
    "tpu.region"() ({
      %run_scoped3A_244 = tpu.sem_alloc : memref<!tpu.dma_semaphore, #tpu.memory_space<semaphore_mem>>
      %dma_start3A_245 = arith.constant 0 : i32
      %dma_start3A_246 = tpu.memref_slice %arg11[%add3A_26, %dma_start3A_245] : memref<10016x128xf32, #tpu.memory_space<vmem_shared>> -> memref<128x128xf32, #tpu.memory_space<vmem_shared>>
      %dma_start3A_247 = arith.constant 0 : i32
      %dma_start3A_248 = tpu.memref_slice %arg11[%add3A_26, %dma_start3A_247] : memref<10016x128xf32, #tpu.memory_space<vmem_shared>> -> memref<128x128xf32, #tpu.memory_space<vmem_shared>>
      tpu.enqueue_dma source(%arg5 : memref<128x128xf32, #tpu.memory_space<vmem>>) target(%dma_start3A_248 : memref<128x128xf32, #tpu.memory_space<vmem_shared>>) target_semaphore(%run_scoped3A_244 : memref<!tpu.dma_semaphore, #tpu.memory_space<semaphore_mem>>)
      %dma_wait3A_249 = arith.constant 0 : i32
      %dma_wait3A_250 = tpu.memref_slice %arg11[%add3A_26, %dma_wait3A_249] : memref<10016x128xf32, #tpu.memory_space<vmem_shared>> -> memref<128x128xf32, #tpu.memory_space<vmem_shared>>
      %dma_wait3A_251 = arith.constant 0 : i32
      %dma_wait3A_252 = tpu.memref_slice %arg11[%add3A_26, %dma_wait3A_251] : memref<10016x128xf32, #tpu.memory_space<vmem_shared>> -> memref<128x128xf32, #tpu.memory_space<vmem_shared>>
      tpu.wait_dma2 semaphore(%run_scoped3A_244 : memref<!tpu.dma_semaphore, #tpu.memory_space<semaphore_mem>>) src(%arg5 : memref<128x128xf32, #tpu.memory_space<vmem>>) dst(%dma_wait3A_252 : memref<128x128xf32, #tpu.memory_space<vmem_shared>>)
      tpu.yield
    }) : () -> ()
    %mul3A_27 = arith.constant 624 : i32
    %mul3A_28 = arith.muli %arg1, %mul3A_27 : i32
    %add3A_29 = arith.constant 384 : i32
    %add3A_30 = arith.addi %mul3A_28, %add3A_29 : i32
    "tpu.region"() ({
      %run_scoped3A_244 = tpu.sem_alloc : memref<!tpu.dma_semaphore, #tpu.memory_space<semaphore_mem>>
      %dma_start3A_245 = arith.constant 0 : i32
      %dma_start3A_246 = tpu.memref_slice %arg11[%add3A_30, %dma_start3A_245] : memref<10016x128xf32, #tpu.memory_space<vmem_shared>> -> memref<128x128xf32, #tpu.memory_space<vmem_shared>>
      %dma_start3A_247 = arith.constant 0 : i32
      %dma_start3A_248 = tpu.memref_slice %arg11[%add3A_30, %dma_start3A_247] : memref<10016x128xf32, #tpu.memory_space<vmem_shared>> -> memref<128x128xf32, #tpu.memory_space<vmem_shared>>
      tpu.enqueue_dma source(%arg5 : memref<128x128xf32, #tpu.memory_space<vmem>>) target(%dma_start3A_248 : memref<128x128xf32, #tpu.memory_space<vmem_shared>>) target_semaphore(%run_scoped3A_244 : memref<!tpu.dma_semaphore, #tpu.memory_space<semaphore_mem>>)
      %dma_wait3A_249 = arith.constant 0 : i32
      %dma_wait3A_250 = tpu.memref_slice %arg11[%add3A_30, %dma_wait3A_249] : memref<10016x128xf32, #tpu.memory_space<vmem_shared>> -> memref<128x128xf32, #tpu.memory_space<vmem_shared>>
      %dma_wait3A_251 = arith.constant 0 : i32
      %dma_wait3A_252 = tpu.memref_slice %arg11[%add3A_30, %dma_wait3A_251] : memref<10016x128xf32, #tpu.memory_space<vmem_shared>> -> memref<128x128xf32, #tpu.memory_space<vmem_shared>>
      tpu.wait_dma2 semaphore(%run_scoped3A_244 : memref<!tpu.dma_semaphore, #tpu.memory_space<semaphore_mem>>) src(%arg5 : memref<128x128xf32, #tpu.memory_space<vmem>>) dst(%dma_wait3A_252 : memref<128x128xf32, #tpu.memory_space<vmem_shared>>)
      tpu.yield
    }) : () -> ()
    %mul3A_31 = arith.constant 624 : i32
    %mul3A_32 = arith.muli %arg1, %mul3A_31 : i32
    %add3A_33 = arith.constant 512 : i32
    %add3A_34 = arith.addi %mul3A_32, %add3A_33 : i32
    "tpu.region"() ({
      %run_scoped3A_244 = tpu.sem_alloc : memref<!tpu.dma_semaphore, #tpu.memory_space<semaphore_mem>>
      %dma_start3A_245 = arith.constant 0 : i32
      %dma_start3A_246 = arith.constant 0 : i32
      %dma_start3A_247 = tpu.memref_slice %arg5[%dma_start3A_245, %dma_start3A_246] : memref<128x128xf32, #tpu.memory_space<vmem>> -> memref<112x128xf32, #tpu.memory_space<vmem>>
      %dma_start3A_248 = arith.constant 0 : i32
      %dma_start3A_249 = tpu.memref_slice %arg11[%add3A_34, %dma_start3A_248] : memref<10016x128xf32, #tpu.memory_space<vmem_shared>> -> memref<112x128xf32, #tpu.memory_space<vmem_shared>>
      %dma_start3A_250 = arith.constant 0 : i32
      %dma_start3A_251 = tpu.memref_slice %arg11[%add3A_34, %dma_start3A_250] : memref<10016x128xf32, #tpu.memory_space<vmem_shared>> -> memref<112x128xf32, #tpu.memory_space<vmem_shared>>
      %dma_start3A_252 = arith.constant 0 : i32
      %dma_start3A_253 = arith.constant 0 : i32
      %dma_start3A_254 = tpu.memref_slice %arg5[%dma_start3A_252, %dma_start3A_253] : memref<128x128xf32, #tpu.memory_space<vmem>> -> memref<112x128xf32, #tpu.memory_space<vmem>>
      tpu.enqueue_dma source(%dma_start3A_254 : memref<112x128xf32, #tpu.memory_space<vmem>>) target(%dma_start3A_251 : memref<112x128xf32, #tpu.memory_space<vmem_shared>>) target_semaphore(%run_scoped3A_244 : memref<!tpu.dma_semaphore, #tpu.memory_space<semaphore_mem>>)
      %dma_wait3A_255 = arith.constant 0 : i32
      %dma_wait3A_256 = arith.constant 0 : i32
      %dma_wait3A_257 = tpu.memref_slice %arg5[%dma_wait3A_255, %dma_wait3A_256] : memref<128x128xf32, #tpu.memory_space<vmem>> -> memref<112x128xf32, #tpu.memory_space<vmem>>
      %dma_wait3A_258 = arith.constant 0 : i32
      %dma_wait3A_259 = tpu.memref_slice %arg11[%add3A_34, %dma_wait3A_258] : memref<10016x128xf32, #tpu.memory_space<vmem_shared>> -> memref<112x128xf32, #tpu.memory_space<vmem_shared>>
      %dma_wait3A_260 = arith.constant 0 : i32
      %dma_wait3A_261 = tpu.memref_slice %arg11[%add3A_34, %dma_wait3A_260] : memref<10016x128xf32, #tpu.memory_space<vmem_shared>> -> memref<112x128xf32, #tpu.memory_space<vmem_shared>>
      %dma_wait3A_262 = arith.constant 0 : i32
      %dma_wait3A_263 = arith.constant 0 : i32
      %dma_wait3A_264 = tpu.memref_slice %arg5[%dma_wait3A_262, %dma_wait3A_263] : memref<128x128xf32, #tpu.memory_space<vmem>> -> memref<112x128xf32, #tpu.memory_space<vmem>>
      tpu.wait_dma2 semaphore(%run_scoped3A_244 : memref<!tpu.dma_semaphore, #tpu.memory_space<semaphore_mem>>) src(%dma_wait3A_264 : memref<112x128xf32, #tpu.memory_space<vmem>>) dst(%dma_wait3A_261 : memref<112x128xf32, #tpu.memory_space<vmem_shared>>)
      tpu.yield
    }) : () -> ()
    %eq3A_35 = arith.constant 0 : i32
    %eq3A_36 = arith.cmpi eq, %arg1, %eq3A_35 : i32
    %convert_element_type3A = arith.extui %eq3A_36 : i1 to i32
    %cond3A = arith.constant 0 : i32
    %cond3A_37 = arith.cmpi ne, %convert_element_type3A, %cond3A : i32
    scf.if %cond3A_37 {
      "tpu.region"() ({
        %run_scoped3A_244 = tpu.sem_alloc : memref<!tpu.dma_semaphore, #tpu.memory_space<semaphore_mem>>
        %dma_start3A_245 = arith.constant 0 : i32
        %dma_start3A_246 = arith.constant 0 : i32
        %dma_start3A_247 = tpu.memref_slice %arg5[%dma_start3A_245, %dma_start3A_246] : memref<128x128xf32, #tpu.memory_space<vmem>> -> memref<32x128xf32, #tpu.memory_space<vmem>>
        %dma_start3A_248 = arith.constant 9984 : i32
        %dma_start3A_249 = arith.constant 0 : i32
        %dma_start3A_250 = tpu.memref_slice %arg11[%dma_start3A_248, %dma_start3A_249] : memref<10016x128xf32, #tpu.memory_space<vmem_shared>> -> memref<32x128xf32, #tpu.memory_space<vmem_shared>>
        %dma_start3A_251 = arith.constant 9984 : i32
        %dma_start3A_252 = arith.constant 0 : i32
        %dma_start3A_253 = tpu.memref_slice %arg11[%dma_start3A_251, %dma_start3A_252] : memref<10016x128xf32, #tpu.memory_space<vmem_shared>> -> memref<32x128xf32, #tpu.memory_space<vmem_shared>>
        %dma_start3A_254 = arith.constant 0 : i32
        %dma_start3A_255 = arith.constant 0 : i32
        %dma_start3A_256 = tpu.memref_slice %arg5[%dma_start3A_254, %dma_start3A_255] : memref<128x128xf32, #tpu.memory_space<vmem>> -> memref<32x128xf32, #tpu.memory_space<vmem>>
        tpu.enqueue_dma source(%dma_start3A_256 : memref<32x128xf32, #tpu.memory_space<vmem>>) target(%dma_start3A_253 : memref<32x128xf32, #tpu.memory_space<vmem_shared>>) target_semaphore(%run_scoped3A_244 : memref<!tpu.dma_semaphore, #tpu.memory_space<semaphore_mem>>)
        %dma_wait3A_257 = arith.constant 0 : i32
        %dma_wait3A_258 = arith.constant 0 : i32
        %dma_wait3A_259 = tpu.memref_slice %arg5[%dma_wait3A_257, %dma_wait3A_258] : memref<128x128xf32, #tpu.memory_space<vmem>> -> memref<32x128xf32, #tpu.memory_space<vmem>>
        %dma_wait3A_260 = arith.constant 9984 : i32
        %dma_wait3A_261 = arith.constant 0 : i32
        %dma_wait3A_262 = tpu.memref_slice %arg11[%dma_wait3A_260, %dma_wait3A_261] : memref<10016x128xf32, #tpu.memory_space<vmem_shared>> -> memref<32x128xf32, #tpu.memory_space<vmem_shared>>
        %dma_wait3A_263 = arith.constant 9984 : i32
        %dma_wait3A_264 = arith.constant 0 : i32
        %dma_wait3A_265 = tpu.memref_slice %arg11[%dma_wait3A_263, %dma_wait3A_264] : memref<10016x128xf32, #tpu.memory_space<vmem_shared>> -> memref<32x128xf32, #tpu.memory_space<vmem_shared>>
        %dma_wait3A_266 = arith.constant 0 : i32
        %dma_wait3A_267 = arith.constant 0 : i32
        %dma_wait3A_268 = tpu.memref_slice %arg5[%dma_wait3A_266, %dma_wait3A_267] : memref<128x128xf32, #tpu.memory_space<vmem>> -> memref<32x128xf32, #tpu.memory_space<vmem>>
        tpu.wait_dma2 semaphore(%run_scoped3A_244 : memref<!tpu.dma_semaphore, #tpu.memory_space<semaphore_mem>>) src(%dma_wait3A_268 : memref<32x128xf32, #tpu.memory_space<vmem>>) dst(%dma_wait3A_265 : memref<32x128xf32, #tpu.memory_space<vmem_shared>>)
        tpu.yield
      }) : () -> ()
    } else {
    }
    %add3A_38 = arith.constant 0 : i32
    %add3A_39 = arith.addi %select_n3A, %add3A_38 : i32
    %run_scoped3A = arith.constant 0 : i32
    "tpu.region"() ({
      %run_scoped3A_244 = tpu.sem_alloc : memref<!tpu.dma_semaphore, #tpu.memory_space<semaphore_mem>>
      %dma_start3A_245 = arith.constant 0 : i32
      %dma_start3A_246 = arith.constant 0 : i32
      %dma_start3A_247 = tpu.memref_slice %arg8[%run_scoped3A, %dma_start3A_245, %dma_start3A_246] : memref<2x2x128xi32, #tpu.memory_space<vmem>> -> memref<1x2x128xi32, #tpu.memory_space<vmem>>
      %dma_start3A_248 = tpu.memref_squeeze %dma_start3A_247 : memref<1x2x128xi32, #tpu.memory_space<vmem>> -> memref<2x128xi32, #tpu.memory_space<vmem>>
      %dma_start3A_249 = arith.constant 0 : i32
      %dma_start3A_250 = arith.constant 0 : i32
      %dma_start3A_251 = tpu.memref_slice %arg3[%add3A_39, %dma_start3A_249, %dma_start3A_250] : memref<2528x2x128xi32, #tpu.memory_space<hbm>> -> memref<1x2x128xi32, #tpu.memory_space<hbm>>
      %dma_start3A_252 = tpu.memref_squeeze %dma_start3A_251 : memref<1x2x128xi32, #tpu.memory_space<hbm>> -> memref<2x128xi32, #tpu.memory_space<hbm>>
      %dma_start3A_253 = arith.constant 0 : i32
      %dma_start3A_254 = arith.constant 0 : i32
      %dma_start3A_255 = tpu.memref_slice %arg8[%run_scoped3A, %dma_start3A_253, %dma_start3A_254] : memref<2x2x128xi32, #tpu.memory_space<vmem>> -> memref<1x2x128xi32, #tpu.memory_space<vmem>>
      %dma_start3A_256 = tpu.memref_squeeze %dma_start3A_255 : memref<1x2x128xi32, #tpu.memory_space<vmem>> -> memref<2x128xi32, #tpu.memory_space<vmem>>
      %dma_start3A_257 = arith.constant 0 : i32
      %dma_start3A_258 = arith.constant 0 : i32
      %dma_start3A_259 = tpu.memref_slice %arg3[%add3A_39, %dma_start3A_257, %dma_start3A_258] : memref<2528x2x128xi32, #tpu.memory_space<hbm>> -> memref<1x2x128xi32, #tpu.memory_space<hbm>>
      %dma_start3A_260 = tpu.memref_squeeze %dma_start3A_259 : memref<1x2x128xi32, #tpu.memory_space<hbm>> -> memref<2x128xi32, #tpu.memory_space<hbm>>
      tpu.enqueue_dma source(%dma_start3A_260 : memref<2x128xi32, #tpu.memory_space<hbm>>) target(%dma_start3A_256 : memref<2x128xi32, #tpu.memory_space<vmem>>) target_semaphore(%run_scoped3A_244 : memref<!tpu.dma_semaphore, #tpu.memory_space<semaphore_mem>>)
      %dma_wait3A_261 = arith.constant 0 : i32
      %dma_wait3A_262 = arith.constant 0 : i32
      %dma_wait3A_263 = tpu.memref_slice %arg8[%run_scoped3A, %dma_wait3A_261, %dma_wait3A_262] : memref<2x2x128xi32, #tpu.memory_space<vmem>> -> memref<1x2x128xi32, #tpu.memory_space<vmem>>
      %dma_wait3A_264 = tpu.memref_squeeze %dma_wait3A_263 : memref<1x2x128xi32, #tpu.memory_space<vmem>> -> memref<2x128xi32, #tpu.memory_space<vmem>>
      %dma_wait3A_265 = arith.constant 0 : i32
      %dma_wait3A_266 = arith.constant 0 : i32
      %dma_wait3A_267 = tpu.memref_slice %arg3[%add3A_39, %dma_wait3A_265, %dma_wait3A_266] : memref<2528x2x128xi32, #tpu.memory_space<hbm>> -> memref<1x2x128xi32, #tpu.memory_space<hbm>>
      %dma_wait3A_268 = tpu.memref_squeeze %dma_wait3A_267 : memref<1x2x128xi32, #tpu.memory_space<hbm>> -> memref<2x128xi32, #tpu.memory_space<hbm>>
      %dma_wait3A_269 = arith.constant 0 : i32
      %dma_wait3A_270 = arith.constant 0 : i32
      %dma_wait3A_271 = tpu.memref_slice %arg8[%run_scoped3A, %dma_wait3A_269, %dma_wait3A_270] : memref<2x2x128xi32, #tpu.memory_space<vmem>> -> memref<1x2x128xi32, #tpu.memory_space<vmem>>
      %dma_wait3A_272 = tpu.memref_squeeze %dma_wait3A_271 : memref<1x2x128xi32, #tpu.memory_space<vmem>> -> memref<2x128xi32, #tpu.memory_space<vmem>>
      %dma_wait3A_273 = arith.constant 0 : i32
      %dma_wait3A_274 = arith.constant 0 : i32
      %dma_wait3A_275 = tpu.memref_slice %arg3[%add3A_39, %dma_wait3A_273, %dma_wait3A_274] : memref<2528x2x128xi32, #tpu.memory_space<hbm>> -> memref<1x2x128xi32, #tpu.memory_space<hbm>>
      %dma_wait3A_276 = tpu.memref_squeeze %dma_wait3A_275 : memref<1x2x128xi32, #tpu.memory_space<hbm>> -> memref<2x128xi32, #tpu.memory_space<hbm>>
      tpu.wait_dma2 semaphore(%run_scoped3A_244 : memref<!tpu.dma_semaphore, #tpu.memory_space<semaphore_mem>>) src(%dma_wait3A_276 : memref<2x128xi32, #tpu.memory_space<hbm>>) dst(%dma_wait3A_272 : memref<2x128xi32, #tpu.memory_space<vmem>>)
      tpu.yield
    }) : () -> ()
    %dma_start3A = arith.constant 0 : i32
    %dma_start3A_40 = arith.constant 0 : i32
    %dma_start3A_41 = arith.constant 0 : i32
    %dma_start3A_42 = tpu.memref_slice %arg8[%dma_start3A, %dma_start3A_40, %dma_start3A_41] : memref<2x2x128xi32, #tpu.memory_space<vmem>> -> memref<1x1x128xi32, #tpu.memory_space<vmem>>
    %dma_start3A_43 = tpu.memref_squeeze %dma_start3A_42 : memref<1x1x128xi32, #tpu.memory_space<vmem>> -> memref<128xi32, #tpu.memory_space<vmem>>
    %dma_start3A_44 = arith.constant 0 : i32
    %dma_start3A_45 = arith.constant 0 : i32
    %dma_start3A_46 = tpu.memref_slice %arg2[%dma_start3A_44, %dma_start3A_45] : memref<10000x128xf32, #tpu.memory_space<hbm>> -> memref<10000x128xf32, #tpu.memory_space<hbm>>
    tpu.enqueue_indirect_dma source(%dma_start3A_46 : memref<10000x128xf32, #tpu.memory_space<hbm>>) target(%arg5 : memref<128x128xf32, #tpu.memory_space<vmem>>) offsets(%dma_start3A_43 : memref<128xi32, #tpu.memory_space<vmem>>) semaphore(%arg12 : memref<!tpu.dma_semaphore, #tpu.memory_space<semaphore_mem>>)
    %add3A_47 = arith.constant 1 : i32
    %add3A_48 = arith.addi %select_n3A, %add3A_47 : i32
    %run_scoped3A_49 = arith.constant 0 : i32
    "tpu.region"() ({
      %run_scoped3A_244 = tpu.sem_alloc : memref<!tpu.dma_semaphore, #tpu.memory_space<semaphore_mem>>
      %dma_start3A_245 = arith.constant 0 : i32
      %dma_start3A_246 = arith.constant 0 : i32
      %dma_start3A_247 = tpu.memref_slice %arg9[%run_scoped3A_49, %dma_start3A_245, %dma_start3A_246] : memref<2x2x128xi32, #tpu.memory_space<vmem>> -> memref<1x2x128xi32, #tpu.memory_space<vmem>>
      %dma_start3A_248 = tpu.memref_squeeze %dma_start3A_247 : memref<1x2x128xi32, #tpu.memory_space<vmem>> -> memref<2x128xi32, #tpu.memory_space<vmem>>
      %dma_start3A_249 = arith.constant 0 : i32
      %dma_start3A_250 = arith.constant 0 : i32
      %dma_start3A_251 = tpu.memref_slice %arg3[%add3A_48, %dma_start3A_249, %dma_start3A_250] : memref<2528x2x128xi32, #tpu.memory_space<hbm>> -> memref<1x2x128xi32, #tpu.memory_space<hbm>>
      %dma_start3A_252 = tpu.memref_squeeze %dma_start3A_251 : memref<1x2x128xi32, #tpu.memory_space<hbm>> -> memref<2x128xi32, #tpu.memory_space<hbm>>
      %dma_start3A_253 = arith.constant 0 : i32
      %dma_start3A_254 = arith.constant 0 : i32
      %dma_start3A_255 = tpu.memref_slice %arg9[%run_scoped3A_49, %dma_start3A_253, %dma_start3A_254] : memref<2x2x128xi32, #tpu.memory_space<vmem>> -> memref<1x2x128xi32, #tpu.memory_space<vmem>>
      %dma_start3A_256 = tpu.memref_squeeze %dma_start3A_255 : memref<1x2x128xi32, #tpu.memory_space<vmem>> -> memref<2x128xi32, #tpu.memory_space<vmem>>
      %dma_start3A_257 = arith.constant 0 : i32
      %dma_start3A_258 = arith.constant 0 : i32
      %dma_start3A_259 = tpu.memref_slice %arg3[%add3A_48, %dma_start3A_257, %dma_start3A_258] : memref<2528x2x128xi32, #tpu.memory_space<hbm>> -> memref<1x2x128xi32, #tpu.memory_space<hbm>>
      %dma_start3A_260 = tpu.memref_squeeze %dma_start3A_259 : memref<1x2x128xi32, #tpu.memory_space<hbm>> -> memref<2x128xi32, #tpu.memory_space<hbm>>
      tpu.enqueue_dma source(%dma_start3A_260 : memref<2x128xi32, #tpu.memory_space<hbm>>) target(%dma_start3A_256 : memref<2x128xi32, #tpu.memory_space<vmem>>) target_semaphore(%run_scoped3A_244 : memref<!tpu.dma_semaphore, #tpu.memory_space<semaphore_mem>>)
      %dma_wait3A_261 = arith.constant 0 : i32
      %dma_wait3A_262 = arith.constant 0 : i32
      %dma_wait3A_263 = tpu.memref_slice %arg9[%run_scoped3A_49, %dma_wait3A_261, %dma_wait3A_262] : memref<2x2x128xi32, #tpu.memory_space<vmem>> -> memref<1x2x128xi32, #tpu.memory_space<vmem>>
      %dma_wait3A_264 = tpu.memref_squeeze %dma_wait3A_263 : memref<1x2x128xi32, #tpu.memory_space<vmem>> -> memref<2x128xi32, #tpu.memory_space<vmem>>
      %dma_wait3A_265 = arith.constant 0 : i32
      %dma_wait3A_266 = arith.constant 0 : i32
      %dma_wait3A_267 = tpu.memref_slice %arg3[%add3A_48, %dma_wait3A_265, %dma_wait3A_266] : memref<2528x2x128xi32, #tpu.memory_space<hbm>> -> memref<1x2x128xi32, #tpu.memory_space<hbm>>
      %dma_wait3A_268 = tpu.memref_squeeze %dma_wait3A_267 : memref<1x2x128xi32, #tpu.memory_space<hbm>> -> memref<2x128xi32, #tpu.memory_space<hbm>>
      %dma_wait3A_269 = arith.constant 0 : i32
      %dma_wait3A_270 = arith.constant 0 : i32
      %dma_wait3A_271 = tpu.memref_slice %arg9[%run_scoped3A_49, %dma_wait3A_269, %dma_wait3A_270] : memref<2x2x128xi32, #tpu.memory_space<vmem>> -> memref<1x2x128xi32, #tpu.memory_space<vmem>>
      %dma_wait3A_272 = tpu.memref_squeeze %dma_wait3A_271 : memref<1x2x128xi32, #tpu.memory_space<vmem>> -> memref<2x128xi32, #tpu.memory_space<vmem>>
      %dma_wait3A_273 = arith.constant 0 : i32
      %dma_wait3A_274 = arith.constant 0 : i32
      %dma_wait3A_275 = tpu.memref_slice %arg3[%add3A_48, %dma_wait3A_273, %dma_wait3A_274] : memref<2528x2x128xi32, #tpu.memory_space<hbm>> -> memref<1x2x128xi32, #tpu.memory_space<hbm>>
      %dma_wait3A_276 = tpu.memref_squeeze %dma_wait3A_275 : memref<1x2x128xi32, #tpu.memory_space<hbm>> -> memref<2x128xi32, #tpu.memory_space<hbm>>
      tpu.wait_dma2 semaphore(%run_scoped3A_244 : memref<!tpu.dma_semaphore, #tpu.memory_space<semaphore_mem>>) src(%dma_wait3A_276 : memref<2x128xi32, #tpu.memory_space<hbm>>) dst(%dma_wait3A_272 : memref<2x128xi32, #tpu.memory_space<vmem>>)
      tpu.yield
    }) : () -> ()
    %dma_start3A_50 = arith.constant 0 : i32
    %dma_start3A_51 = arith.constant 0 : i32
    %dma_start3A_52 = arith.constant 0 : i32
    %dma_start3A_53 = tpu.memref_slice %arg9[%dma_start3A_50, %dma_start3A_51, %dma_start3A_52] : memref<2x2x128xi32, #tpu.memory_space<vmem>> -> memref<1x1x128xi32, #tpu.memory_space<vmem>>
    %dma_start3A_54 = tpu.memref_squeeze %dma_start3A_53 : memref<1x1x128xi32, #tpu.memory_space<vmem>> -> memref<128xi32, #tpu.memory_space<vmem>>
    %dma_start3A_55 = arith.constant 0 : i32
    %dma_start3A_56 = arith.constant 0 : i32
    %dma_start3A_57 = tpu.memref_slice %arg2[%dma_start3A_55, %dma_start3A_56] : memref<10000x128xf32, #tpu.memory_space<hbm>> -> memref<10000x128xf32, #tpu.memory_space<hbm>>
    tpu.enqueue_indirect_dma source(%dma_start3A_57 : memref<10000x128xf32, #tpu.memory_space<hbm>>) target(%arg6 : memref<128x128xf32, #tpu.memory_space<vmem>>) offsets(%dma_start3A_54 : memref<128xi32, #tpu.memory_space<vmem>>) semaphore(%arg13 : memref<!tpu.dma_semaphore, #tpu.memory_space<semaphore_mem>>)
    %add3A_58 = arith.constant 2 : i32
    %add3A_59 = arith.addi %select_n3A, %add3A_58 : i32
    %run_scoped3A_60 = arith.constant 0 : i32
    "tpu.region"() ({
      %run_scoped3A_244 = tpu.sem_alloc : memref<!tpu.dma_semaphore, #tpu.memory_space<semaphore_mem>>
      %dma_start3A_245 = arith.constant 0 : i32
      %dma_start3A_246 = arith.constant 0 : i32
      %dma_start3A_247 = tpu.memref_slice %arg10[%run_scoped3A_60, %dma_start3A_245, %dma_start3A_246] : memref<2x2x128xi32, #tpu.memory_space<vmem>> -> memref<1x2x128xi32, #tpu.memory_space<vmem>>
      %dma_start3A_248 = tpu.memref_squeeze %dma_start3A_247 : memref<1x2x128xi32, #tpu.memory_space<vmem>> -> memref<2x128xi32, #tpu.memory_space<vmem>>
      %dma_start3A_249 = arith.constant 0 : i32
      %dma_start3A_250 = arith.constant 0 : i32
      %dma_start3A_251 = tpu.memref_slice %arg3[%add3A_59, %dma_start3A_249, %dma_start3A_250] : memref<2528x2x128xi32, #tpu.memory_space<hbm>> -> memref<1x2x128xi32, #tpu.memory_space<hbm>>
      %dma_start3A_252 = tpu.memref_squeeze %dma_start3A_251 : memref<1x2x128xi32, #tpu.memory_space<hbm>> -> memref<2x128xi32, #tpu.memory_space<hbm>>
      %dma_start3A_253 = arith.constant 0 : i32
      %dma_start3A_254 = arith.constant 0 : i32
      %dma_start3A_255 = tpu.memref_slice %arg10[%run_scoped3A_60, %dma_start3A_253, %dma_start3A_254] : memref<2x2x128xi32, #tpu.memory_space<vmem>> -> memref<1x2x128xi32, #tpu.memory_space<vmem>>
      %dma_start3A_256 = tpu.memref_squeeze %dma_start3A_255 : memref<1x2x128xi32, #tpu.memory_space<vmem>> -> memref<2x128xi32, #tpu.memory_space<vmem>>
      %dma_start3A_257 = arith.constant 0 : i32
      %dma_start3A_258 = arith.constant 0 : i32
      %dma_start3A_259 = tpu.memref_slice %arg3[%add3A_59, %dma_start3A_257, %dma_start3A_258] : memref<2528x2x128xi32, #tpu.memory_space<hbm>> -> memref<1x2x128xi32, #tpu.memory_space<hbm>>
      %dma_start3A_260 = tpu.memref_squeeze %dma_start3A_259 : memref<1x2x128xi32, #tpu.memory_space<hbm>> -> memref<2x128xi32, #tpu.memory_space<hbm>>
      tpu.enqueue_dma source(%dma_start3A_260 : memref<2x128xi32, #tpu.memory_space<hbm>>) target(%dma_start3A_256 : memref<2x128xi32, #tpu.memory_space<vmem>>) target_semaphore(%run_scoped3A_244 : memref<!tpu.dma_semaphore, #tpu.memory_space<semaphore_mem>>)
      %dma_wait3A_261 = arith.constant 0 : i32
      %dma_wait3A_262 = arith.constant 0 : i32
      %dma_wait3A_263 = tpu.memref_slice %arg10[%run_scoped3A_60, %dma_wait3A_261, %dma_wait3A_262] : memref<2x2x128xi32, #tpu.memory_space<vmem>> -> memref<1x2x128xi32, #tpu.memory_space<vmem>>
      %dma_wait3A_264 = tpu.memref_squeeze %dma_wait3A_263 : memref<1x2x128xi32, #tpu.memory_space<vmem>> -> memref<2x128xi32, #tpu.memory_space<vmem>>
      %dma_wait3A_265 = arith.constant 0 : i32
      %dma_wait3A_266 = arith.constant 0 : i32
      %dma_wait3A_267 = tpu.memref_slice %arg3[%add3A_59, %dma_wait3A_265, %dma_wait3A_266] : memref<2528x2x128xi32, #tpu.memory_space<hbm>> -> memref<1x2x128xi32, #tpu.memory_space<hbm>>
      %dma_wait3A_268 = tpu.memref_squeeze %dma_wait3A_267 : memref<1x2x128xi32, #tpu.memory_space<hbm>> -> memref<2x128xi32, #tpu.memory_space<hbm>>
      %dma_wait3A_269 = arith.constant 0 : i32
      %dma_wait3A_270 = arith.constant 0 : i32
      %dma_wait3A_271 = tpu.memref_slice %arg10[%run_scoped3A_60, %dma_wait3A_269, %dma_wait3A_270] : memref<2x2x128xi32, #tpu.memory_space<vmem>> -> memref<1x2x128xi32, #tpu.memory_space<vmem>>
      %dma_wait3A_272 = tpu.memref_squeeze %dma_wait3A_271 : memref<1x2x128xi32, #tpu.memory_space<vmem>> -> memref<2x128xi32, #tpu.memory_space<vmem>>
      %dma_wait3A_273 = arith.constant 0 : i32
      %dma_wait3A_274 = arith.constant 0 : i32
      %dma_wait3A_275 = tpu.memref_slice %arg3[%add3A_59, %dma_wait3A_273, %dma_wait3A_274] : memref<2528x2x128xi32, #tpu.memory_space<hbm>> -> memref<1x2x128xi32, #tpu.memory_space<hbm>>
      %dma_wait3A_276 = tpu.memref_squeeze %dma_wait3A_275 : memref<1x2x128xi32, #tpu.memory_space<hbm>> -> memref<2x128xi32, #tpu.memory_space<hbm>>
      tpu.wait_dma2 semaphore(%run_scoped3A_244 : memref<!tpu.dma_semaphore, #tpu.memory_space<semaphore_mem>>) src(%dma_wait3A_276 : memref<2x128xi32, #tpu.memory_space<hbm>>) dst(%dma_wait3A_272 : memref<2x128xi32, #tpu.memory_space<vmem>>)
      tpu.yield
    }) : () -> ()
    %dma_start3A_61 = arith.constant 0 : i32
    %dma_start3A_62 = arith.constant 0 : i32
    %dma_start3A_63 = arith.constant 0 : i32
    %dma_start3A_64 = tpu.memref_slice %arg10[%dma_start3A_61, %dma_start3A_62, %dma_start3A_63] : memref<2x2x128xi32, #tpu.memory_space<vmem>> -> memref<1x1x128xi32, #tpu.memory_space<vmem>>
    %dma_start3A_65 = tpu.memref_squeeze %dma_start3A_64 : memref<1x1x128xi32, #tpu.memory_space<vmem>> -> memref<128xi32, #tpu.memory_space<vmem>>
    %dma_start3A_66 = arith.constant 0 : i32
    %dma_start3A_67 = arith.constant 0 : i32
    %dma_start3A_68 = tpu.memref_slice %arg2[%dma_start3A_66, %dma_start3A_67] : memref<10000x128xf32, #tpu.memory_space<hbm>> -> memref<10000x128xf32, #tpu.memory_space<hbm>>
    tpu.enqueue_indirect_dma source(%dma_start3A_68 : memref<10000x128xf32, #tpu.memory_space<hbm>>) target(%arg7 : memref<128x128xf32, #tpu.memory_space<vmem>>) offsets(%dma_start3A_65 : memref<128xi32, #tpu.memory_space<vmem>>) semaphore(%arg14 : memref<!tpu.dma_semaphore, #tpu.memory_space<semaphore_mem>>)
    %barrier3A = arith.constant 0 : index
    tpu.barrier barrier_id(%barrier3A)
    %while3A = arith.constant 0 : i32
    %while3A_69 = arith.constant 0 : i32
    %while3A_70 = arith.subi %select_n3A_6, %while3A_69 : i32
    %while3A_71 = arith.addi %while3A_69, %while3A_70 : i32
    %while3A_72 = arith.constant 1 : i32
    %while3A_73 = arith.divsi %while3A_70, %while3A_72 : i32
    %while3A_74 = arith.muli %while3A_73, %while3A_72 : i32
    %while3A_75 = arith.addi %while3A_69, %while3A_74 : i32
    %while3A_76 = arith.constant 1 : i32
    scf.for %while3A_244 = %while3A_69 to %while3A_75 step %while3A_76  : i32 {
      %mul3A_245 = arith.constant 6 : i32
      %mul3A_246 = arith.muli %while3A_244, %mul3A_245 : i32
      %add3A_247 = arith.constant 0 : i32
      %add3A_248 = arith.addi %mul3A_246, %add3A_247 : i32
      %dma_wait3A_249 = arith.constant 0 : i32
      %dma_wait3A_250 = arith.constant 0 : i32
      %dma_wait3A_251 = tpu.memref_slice %arg2[%dma_wait3A_249, %dma_wait3A_250] : memref<10000x128xf32, #tpu.memory_space<hbm>> -> memref<128x128xf32, #tpu.memory_space<hbm>>
      %dma_wait3A_252 = arith.constant 0 : i32
      %dma_wait3A_253 = arith.constant 0 : i32
      %dma_wait3A_254 = tpu.memref_slice %arg2[%dma_wait3A_252, %dma_wait3A_253] : memref<10000x128xf32, #tpu.memory_space<hbm>> -> memref<128x128xf32, #tpu.memory_space<hbm>>
      tpu.wait_dma2 semaphore(%arg12 : memref<!tpu.dma_semaphore, #tpu.memory_space<semaphore_mem>>) src(%dma_wait3A_254 : memref<128x128xf32, #tpu.memory_space<hbm>>) dst(%arg5 : memref<128x128xf32, #tpu.memory_space<vmem>>)
      %dma_start3A_255 = arith.constant 0 : i32
      %dma_start3A_256 = arith.constant 1 : i32
      %dma_start3A_257 = arith.constant 0 : i32
      %dma_start3A_258 = tpu.memref_slice %arg8[%dma_start3A_255, %dma_start3A_256, %dma_start3A_257] : memref<2x2x128xi32, #tpu.memory_space<vmem>> -> memref<1x1x128xi32, #tpu.memory_space<vmem>>
      %dma_start3A_259 = tpu.memref_squeeze %dma_start3A_258 : memref<1x1x128xi32, #tpu.memory_space<vmem>> -> memref<128xi32, #tpu.memory_space<vmem>>
      %dma_start3A_260 = arith.constant 0 : i32
      %dma_start3A_261 = arith.constant 0 : i32
      %dma_start3A_262 = tpu.memref_slice %arg11[%dma_start3A_260, %dma_start3A_261] : memref<10016x128xf32, #tpu.memory_space<vmem_shared>> -> memref<10016x128xf32, #tpu.memory_space<vmem_shared>>
      tpu.enqueue_indirect_dma source(%arg5 : memref<128x128xf32, #tpu.memory_space<vmem>>) target(%dma_start3A_262 : memref<10016x128xf32, #tpu.memory_space<vmem_shared>>) offsets(%dma_start3A_259 : memref<128xi32, #tpu.memory_space<vmem>>) semaphore(%arg15 : memref<!tpu.dma_semaphore, #tpu.memory_space<semaphore_mem>>) {add = true}
      %add3A_263 = arith.addi %select_n3A, %add3A_248 : i32
      %add3A_264 = arith.constant 3 : i32
      %add3A_265 = arith.addi %add3A_263, %add3A_264 : i32
      %run_scoped3A_266 = arith.constant 1 : i32
      "tpu.region"() ({
        %run_scoped3A_461 = tpu.sem_alloc : memref<!tpu.dma_semaphore, #tpu.memory_space<semaphore_mem>>
        %dma_start3A_462 = arith.constant 0 : i32
        %dma_start3A_463 = arith.constant 0 : i32
        %dma_start3A_464 = tpu.memref_slice %arg8[%run_scoped3A_266, %dma_start3A_462, %dma_start3A_463] : memref<2x2x128xi32, #tpu.memory_space<vmem>> -> memref<1x2x128xi32, #tpu.memory_space<vmem>>
        %dma_start3A_465 = tpu.memref_squeeze %dma_start3A_464 : memref<1x2x128xi32, #tpu.memory_space<vmem>> -> memref<2x128xi32, #tpu.memory_space<vmem>>
        %dma_start3A_466 = arith.constant 0 : i32
        %dma_start3A_467 = arith.constant 0 : i32
        %dma_start3A_468 = tpu.memref_slice %arg3[%add3A_265, %dma_start3A_466, %dma_start3A_467] : memref<2528x2x128xi32, #tpu.memory_space<hbm>> -> memref<1x2x128xi32, #tpu.memory_space<hbm>>
        %dma_start3A_469 = tpu.memref_squeeze %dma_start3A_468 : memref<1x2x128xi32, #tpu.memory_space<hbm>> -> memref<2x128xi32, #tpu.memory_space<hbm>>
        %dma_start3A_470 = arith.constant 0 : i32
        %dma_start3A_471 = arith.constant 0 : i32
        %dma_start3A_472 = tpu.memref_slice %arg8[%run_scoped3A_266, %dma_start3A_470, %dma_start3A_471] : memref<2x2x128xi32, #tpu.memory_space<vmem>> -> memref<1x2x128xi32, #tpu.memory_space<vmem>>
        %dma_start3A_473 = tpu.memref_squeeze %dma_start3A_472 : memref<1x2x128xi32, #tpu.memory_space<vmem>> -> memref<2x128xi32, #tpu.memory_space<vmem>>
        %dma_start3A_474 = arith.constant 0 : i32
        %dma_start3A_475 = arith.constant 0 : i32
        %dma_start3A_476 = tpu.memref_slice %arg3[%add3A_265, %dma_start3A_474, %dma_start3A_475] : memref<2528x2x128xi32, #tpu.memory_space<hbm>> -> memref<1x2x128xi32, #tpu.memory_space<hbm>>
        %dma_start3A_477 = tpu.memref_squeeze %dma_start3A_476 : memref<1x2x128xi32, #tpu.memory_space<hbm>> -> memref<2x128xi32, #tpu.memory_space<hbm>>
        tpu.enqueue_dma source(%dma_start3A_477 : memref<2x128xi32, #tpu.memory_space<hbm>>) target(%dma_start3A_473 : memref<2x128xi32, #tpu.memory_space<vmem>>) target_semaphore(%run_scoped3A_461 : memref<!tpu.dma_semaphore, #tpu.memory_space<semaphore_mem>>)
        %dma_wait3A_478 = arith.constant 0 : i32
        %dma_wait3A_479 = arith.constant 0 : i32
        %dma_wait3A_480 = tpu.memref_slice %arg8[%run_scoped3A_266, %dma_wait3A_478, %dma_wait3A_479] : memref<2x2x128xi32, #tpu.memory_space<vmem>> -> memref<1x2x128xi32, #tpu.memory_space<vmem>>
        %dma_wait3A_481 = tpu.memref_squeeze %dma_wait3A_480 : memref<1x2x128xi32, #tpu.memory_space<vmem>> -> memref<2x128xi32, #tpu.memory_space<vmem>>
        %dma_wait3A_482 = arith.constant 0 : i32
        %dma_wait3A_483 = arith.constant 0 : i32
        %dma_wait3A_484 = tpu.memref_slice %arg3[%add3A_265, %dma_wait3A_482, %dma_wait3A_483] : memref<2528x2x128xi32, #tpu.memory_space<hbm>> -> memref<1x2x128xi32, #tpu.memory_space<hbm>>
        %dma_wait3A_485 = tpu.memref_squeeze %dma_wait3A_484 : memref<1x2x128xi32, #tpu.memory_space<hbm>> -> memref<2x128xi32, #tpu.memory_space<hbm>>
        %dma_wait3A_486 = arith.constant 0 : i32
        %dma_wait3A_487 = arith.constant 0 : i32
        %dma_wait3A_488 = tpu.memref_slice %arg8[%run_scoped3A_266, %dma_wait3A_486, %dma_wait3A_487] : memref<2x2x128xi32, #tpu.memory_space<vmem>> -> memref<1x2x128xi32, #tpu.memory_space<vmem>>
        %dma_wait3A_489 = tpu.memref_squeeze %dma_wait3A_488 : memref<1x2x128xi32, #tpu.memory_space<vmem>> -> memref<2x128xi32, #tpu.memory_space<vmem>>
        %dma_wait3A_490 = arith.constant 0 : i32
        %dma_wait3A_491 = arith.constant 0 : i32
        %dma_wait3A_492 = tpu.memref_slice %arg3[%add3A_265, %dma_wait3A_490, %dma_wait3A_491] : memref<2528x2x128xi32, #tpu.memory_space<hbm>> -> memref<1x2x128xi32, #tpu.memory_space<hbm>>
        %dma_wait3A_493 = tpu.memref_squeeze %dma_wait3A_492 : memref<1x2x128xi32, #tpu.memory_space<hbm>> -> memref<2x128xi32, #tpu.memory_space<hbm>>
        tpu.wait_dma2 semaphore(%run_scoped3A_461 : memref<!tpu.dma_semaphore, #tpu.memory_space<semaphore_mem>>) src(%dma_wait3A_493 : memref<2x128xi32, #tpu.memory_space<hbm>>) dst(%dma_wait3A_489 : memref<2x128xi32, #tpu.memory_space<vmem>>)
        tpu.yield
      }) : () -> ()
      %dma_wait3A_267 = arith.constant 0 : i32
      %dma_wait3A_268 = arith.constant 0 : i32
      %dma_wait3A_269 = tpu.memref_slice %arg2[%dma_wait3A_267, %dma_wait3A_268] : memref<10000x128xf32, #tpu.memory_space<hbm>> -> memref<128x128xf32, #tpu.memory_space<hbm>>
      %dma_wait3A_270 = arith.constant 0 : i32
      %dma_wait3A_271 = arith.constant 0 : i32
      %dma_wait3A_272 = tpu.memref_slice %arg2[%dma_wait3A_270, %dma_wait3A_271] : memref<10000x128xf32, #tpu.memory_space<hbm>> -> memref<128x128xf32, #tpu.memory_space<hbm>>
      tpu.wait_dma2 semaphore(%arg15 : memref<!tpu.dma_semaphore, #tpu.memory_space<semaphore_mem>>) src(%dma_wait3A_272 : memref<128x128xf32, #tpu.memory_space<hbm>>) dst(%arg5 : memref<128x128xf32, #tpu.memory_space<vmem>>)
      %dma_start3A_273 = arith.constant 1 : i32
      %dma_start3A_274 = arith.constant 0 : i32
      %dma_start3A_275 = arith.constant 0 : i32
      %dma_start3A_276 = tpu.memref_slice %arg8[%dma_start3A_273, %dma_start3A_274, %dma_start3A_275] : memref<2x2x128xi32, #tpu.memory_space<vmem>> -> memref<1x1x128xi32, #tpu.memory_space<vmem>>
      %dma_start3A_277 = tpu.memref_squeeze %dma_start3A_276 : memref<1x1x128xi32, #tpu.memory_space<vmem>> -> memref<128xi32, #tpu.memory_space<vmem>>
      %dma_start3A_278 = arith.constant 0 : i32
      %dma_start3A_279 = arith.constant 0 : i32
      %dma_start3A_280 = tpu.memref_slice %arg2[%dma_start3A_278, %dma_start3A_279] : memref<10000x128xf32, #tpu.memory_space<hbm>> -> memref<10000x128xf32, #tpu.memory_space<hbm>>
      tpu.enqueue_indirect_dma source(%dma_start3A_280 : memref<10000x128xf32, #tpu.memory_space<hbm>>) target(%arg5 : memref<128x128xf32, #tpu.memory_space<vmem>>) offsets(%dma_start3A_277 : memref<128xi32, #tpu.memory_space<vmem>>) semaphore(%arg12 : memref<!tpu.dma_semaphore, #tpu.memory_space<semaphore_mem>>)
      %mul3A_281 = arith.constant 6 : i32
      %mul3A_282 = arith.muli %while3A_244, %mul3A_281 : i32
      %add3A_283 = arith.constant 1 : i32
      %add3A_284 = arith.addi %mul3A_282, %add3A_283 : i32
      %dma_wait3A_285 = arith.constant 0 : i32
      %dma_wait3A_286 = arith.constant 0 : i32
      %dma_wait3A_287 = tpu.memref_slice %arg2[%dma_wait3A_285, %dma_wait3A_286] : memref<10000x128xf32, #tpu.memory_space<hbm>> -> memref<128x128xf32, #tpu.memory_space<hbm>>
      %dma_wait3A_288 = arith.constant 0 : i32
      %dma_wait3A_289 = arith.constant 0 : i32
      %dma_wait3A_290 = tpu.memref_slice %arg2[%dma_wait3A_288, %dma_wait3A_289] : memref<10000x128xf32, #tpu.memory_space<hbm>> -> memref<128x128xf32, #tpu.memory_space<hbm>>
      tpu.wait_dma2 semaphore(%arg13 : memref<!tpu.dma_semaphore, #tpu.memory_space<semaphore_mem>>) src(%dma_wait3A_290 : memref<128x128xf32, #tpu.memory_space<hbm>>) dst(%arg6 : memref<128x128xf32, #tpu.memory_space<vmem>>)
      %dma_start3A_291 = arith.constant 0 : i32
      %dma_start3A_292 = arith.constant 1 : i32
      %dma_start3A_293 = arith.constant 0 : i32
      %dma_start3A_294 = tpu.memref_slice %arg9[%dma_start3A_291, %dma_start3A_292, %dma_start3A_293] : memref<2x2x128xi32, #tpu.memory_space<vmem>> -> memref<1x1x128xi32, #tpu.memory_space<vmem>>
      %dma_start3A_295 = tpu.memref_squeeze %dma_start3A_294 : memref<1x1x128xi32, #tpu.memory_space<vmem>> -> memref<128xi32, #tpu.memory_space<vmem>>
      %dma_start3A_296 = arith.constant 0 : i32
      %dma_start3A_297 = arith.constant 0 : i32
      %dma_start3A_298 = tpu.memref_slice %arg11[%dma_start3A_296, %dma_start3A_297] : memref<10016x128xf32, #tpu.memory_space<vmem_shared>> -> memref<10016x128xf32, #tpu.memory_space<vmem_shared>>
      tpu.enqueue_indirect_dma source(%arg6 : memref<128x128xf32, #tpu.memory_space<vmem>>) target(%dma_start3A_298 : memref<10016x128xf32, #tpu.memory_space<vmem_shared>>) offsets(%dma_start3A_295 : memref<128xi32, #tpu.memory_space<vmem>>) semaphore(%arg15 : memref<!tpu.dma_semaphore, #tpu.memory_space<semaphore_mem>>) {add = true}
      %add3A_299 = arith.addi %select_n3A, %add3A_284 : i32
      %add3A_300 = arith.constant 3 : i32
      %add3A_301 = arith.addi %add3A_299, %add3A_300 : i32
      %run_scoped3A_302 = arith.constant 1 : i32
      "tpu.region"() ({
        %run_scoped3A_461 = tpu.sem_alloc : memref<!tpu.dma_semaphore, #tpu.memory_space<semaphore_mem>>
        %dma_start3A_462 = arith.constant 0 : i32
        %dma_start3A_463 = arith.constant 0 : i32
        %dma_start3A_464 = tpu.memref_slice %arg9[%run_scoped3A_302, %dma_start3A_462, %dma_start3A_463] : memref<2x2x128xi32, #tpu.memory_space<vmem>> -> memref<1x2x128xi32, #tpu.memory_space<vmem>>
        %dma_start3A_465 = tpu.memref_squeeze %dma_start3A_464 : memref<1x2x128xi32, #tpu.memory_space<vmem>> -> memref<2x128xi32, #tpu.memory_space<vmem>>
        %dma_start3A_466 = arith.constant 0 : i32
        %dma_start3A_467 = arith.constant 0 : i32
        %dma_start3A_468 = tpu.memref_slice %arg3[%add3A_301, %dma_start3A_466, %dma_start3A_467] : memref<2528x2x128xi32, #tpu.memory_space<hbm>> -> memref<1x2x128xi32, #tpu.memory_space<hbm>>
        %dma_start3A_469 = tpu.memref_squeeze %dma_start3A_468 : memref<1x2x128xi32, #tpu.memory_space<hbm>> -> memref<2x128xi32, #tpu.memory_space<hbm>>
        %dma_start3A_470 = arith.constant 0 : i32
        %dma_start3A_471 = arith.constant 0 : i32
        %dma_start3A_472 = tpu.memref_slice %arg9[%run_scoped3A_302, %dma_start3A_470, %dma_start3A_471] : memref<2x2x128xi32, #tpu.memory_space<vmem>> -> memref<1x2x128xi32, #tpu.memory_space<vmem>>
        %dma_start3A_473 = tpu.memref_squeeze %dma_start3A_472 : memref<1x2x128xi32, #tpu.memory_space<vmem>> -> memref<2x128xi32, #tpu.memory_space<vmem>>
        %dma_start3A_474 = arith.constant 0 : i32
        %dma_start3A_475 = arith.constant 0 : i32
        %dma_start3A_476 = tpu.memref_slice %arg3[%add3A_301, %dma_start3A_474, %dma_start3A_475] : memref<2528x2x128xi32, #tpu.memory_space<hbm>> -> memref<1x2x128xi32, #tpu.memory_space<hbm>>
        %dma_start3A_477 = tpu.memref_squeeze %dma_start3A_476 : memref<1x2x128xi32, #tpu.memory_space<hbm>> -> memref<2x128xi32, #tpu.memory_space<hbm>>
        tpu.enqueue_dma source(%dma_start3A_477 : memref<2x128xi32, #tpu.memory_space<hbm>>) target(%dma_start3A_473 : memref<2x128xi32, #tpu.memory_space<vmem>>) target_semaphore(%run_scoped3A_461 : memref<!tpu.dma_semaphore, #tpu.memory_space<semaphore_mem>>)
        %dma_wait3A_478 = arith.constant 0 : i32
        %dma_wait3A_479 = arith.constant 0 : i32
        %dma_wait3A_480 = tpu.memref_slice %arg9[%run_scoped3A_302, %dma_wait3A_478, %dma_wait3A_479] : memref<2x2x128xi32, #tpu.memory_space<vmem>> -> memref<1x2x128xi32, #tpu.memory_space<vmem>>
        %dma_wait3A_481 = tpu.memref_squeeze %dma_wait3A_480 : memref<1x2x128xi32, #tpu.memory_space<vmem>> -> memref<2x128xi32, #tpu.memory_space<vmem>>
        %dma_wait3A_482 = arith.constant 0 : i32
        %dma_wait3A_483 = arith.constant 0 : i32
        %dma_wait3A_484 = tpu.memref_slice %arg3[%add3A_301, %dma_wait3A_482, %dma_wait3A_483] : memref<2528x2x128xi32, #tpu.memory_space<hbm>> -> memref<1x2x128xi32, #tpu.memory_space<hbm>>
        %dma_wait3A_485 = tpu.memref_squeeze %dma_wait3A_484 : memref<1x2x128xi32, #tpu.memory_space<hbm>> -> memref<2x128xi32, #tpu.memory_space<hbm>>
        %dma_wait3A_486 = arith.constant 0 : i32
        %dma_wait3A_487 = arith.constant 0 : i32
        %dma_wait3A_488 = tpu.memref_slice %arg9[%run_scoped3A_302, %dma_wait3A_486, %dma_wait3A_487] : memref<2x2x128xi32, #tpu.memory_space<vmem>> -> memref<1x2x128xi32, #tpu.memory_space<vmem>>
        %dma_wait3A_489 = tpu.memref_squeeze %dma_wait3A_488 : memref<1x2x128xi32, #tpu.memory_space<vmem>> -> memref<2x128xi32, #tpu.memory_space<vmem>>
        %dma_wait3A_490 = arith.constant 0 : i32
        %dma_wait3A_491 = arith.constant 0 : i32
        %dma_wait3A_492 = tpu.memref_slice %arg3[%add3A_301, %dma_wait3A_490, %dma_wait3A_491] : memref<2528x2x128xi32, #tpu.memory_space<hbm>> -> memref<1x2x128xi32, #tpu.memory_space<hbm>>
        %dma_wait3A_493 = tpu.memref_squeeze %dma_wait3A_492 : memref<1x2x128xi32, #tpu.memory_space<hbm>> -> memref<2x128xi32, #tpu.memory_space<hbm>>
        tpu.wait_dma2 semaphore(%run_scoped3A_461 : memref<!tpu.dma_semaphore, #tpu.memory_space<semaphore_mem>>) src(%dma_wait3A_493 : memref<2x128xi32, #tpu.memory_space<hbm>>) dst(%dma_wait3A_489 : memref<2x128xi32, #tpu.memory_space<vmem>>)
        tpu.yield
      }) : () -> ()
      %dma_wait3A_303 = arith.constant 0 : i32
      %dma_wait3A_304 = arith.constant 0 : i32
      %dma_wait3A_305 = tpu.memref_slice %arg2[%dma_wait3A_303, %dma_wait3A_304] : memref<10000x128xf32, #tpu.memory_space<hbm>> -> memref<128x128xf32, #tpu.memory_space<hbm>>
      %dma_wait3A_306 = arith.constant 0 : i32
      %dma_wait3A_307 = arith.constant 0 : i32
      %dma_wait3A_308 = tpu.memref_slice %arg2[%dma_wait3A_306, %dma_wait3A_307] : memref<10000x128xf32, #tpu.memory_space<hbm>> -> memref<128x128xf32, #tpu.memory_space<hbm>>
      tpu.wait_dma2 semaphore(%arg15 : memref<!tpu.dma_semaphore, #tpu.memory_space<semaphore_mem>>) src(%dma_wait3A_308 : memref<128x128xf32, #tpu.memory_space<hbm>>) dst(%arg6 : memref<128x128xf32, #tpu.memory_space<vmem>>)
      %dma_start3A_309 = arith.constant 1 : i32
      %dma_start3A_310 = arith.constant 0 : i32
      %dma_start3A_311 = arith.constant 0 : i32
      %dma_start3A_312 = tpu.memref_slice %arg9[%dma_start3A_309, %dma_start3A_310, %dma_start3A_311] : memref<2x2x128xi32, #tpu.memory_space<vmem>> -> memref<1x1x128xi32, #tpu.memory_space<vmem>>
      %dma_start3A_313 = tpu.memref_squeeze %dma_start3A_312 : memref<1x1x128xi32, #tpu.memory_space<vmem>> -> memref<128xi32, #tpu.memory_space<vmem>>
      %dma_start3A_314 = arith.constant 0 : i32
      %dma_start3A_315 = arith.constant 0 : i32
      %dma_start3A_316 = tpu.memref_slice %arg2[%dma_start3A_314, %dma_start3A_315] : memref<10000x128xf32, #tpu.memory_space<hbm>> -> memref<10000x128xf32, #tpu.memory_space<hbm>>
      tpu.enqueue_indirect_dma source(%dma_start3A_316 : memref<10000x128xf32, #tpu.memory_space<hbm>>) target(%arg6 : memref<128x128xf32, #tpu.memory_space<vmem>>) offsets(%dma_start3A_313 : memref<128xi32, #tpu.memory_space<vmem>>) semaphore(%arg13 : memref<!tpu.dma_semaphore, #tpu.memory_space<semaphore_mem>>)
      %mul3A_317 = arith.constant 6 : i32
      %mul3A_318 = arith.muli %while3A_244, %mul3A_317 : i32
      %add3A_319 = arith.constant 2 : i32
      %add3A_320 = arith.addi %mul3A_318, %add3A_319 : i32
      %dma_wait3A_321 = arith.constant 0 : i32
      %dma_wait3A_322 = arith.constant 0 : i32
      %dma_wait3A_323 = tpu.memref_slice %arg2[%dma_wait3A_321, %dma_wait3A_322] : memref<10000x128xf32, #tpu.memory_space<hbm>> -> memref<128x128xf32, #tpu.memory_space<hbm>>
      %dma_wait3A_324 = arith.constant 0 : i32
      %dma_wait3A_325 = arith.constant 0 : i32
      %dma_wait3A_326 = tpu.memref_slice %arg2[%dma_wait3A_324, %dma_wait3A_325] : memref<10000x128xf32, #tpu.memory_space<hbm>> -> memref<128x128xf32, #tpu.memory_space<hbm>>
      tpu.wait_dma2 semaphore(%arg14 : memref<!tpu.dma_semaphore, #tpu.memory_space<semaphore_mem>>) src(%dma_wait3A_326 : memref<128x128xf32, #tpu.memory_space<hbm>>) dst(%arg7 : memref<128x128xf32, #tpu.memory_space<vmem>>)
      %dma_start3A_327 = arith.constant 0 : i32
      %dma_start3A_328 = arith.constant 1 : i32
      %dma_start3A_329 = arith.constant 0 : i32
      %dma_start3A_330 = tpu.memref_slice %arg10[%dma_start3A_327, %dma_start3A_328, %dma_start3A_329] : memref<2x2x128xi32, #tpu.memory_space<vmem>> -> memref<1x1x128xi32, #tpu.memory_space<vmem>>
      %dma_start3A_331 = tpu.memref_squeeze %dma_start3A_330 : memref<1x1x128xi32, #tpu.memory_space<vmem>> -> memref<128xi32, #tpu.memory_space<vmem>>
      %dma_start3A_332 = arith.constant 0 : i32
      %dma_start3A_333 = arith.constant 0 : i32
      %dma_start3A_334 = tpu.memref_slice %arg11[%dma_start3A_332, %dma_start3A_333] : memref<10016x128xf32, #tpu.memory_space<vmem_shared>> -> memref<10016x128xf32, #tpu.memory_space<vmem_shared>>
      tpu.enqueue_indirect_dma source(%arg7 : memref<128x128xf32, #tpu.memory_space<vmem>>) target(%dma_start3A_334 : memref<10016x128xf32, #tpu.memory_space<vmem_shared>>) offsets(%dma_start3A_331 : memref<128xi32, #tpu.memory_space<vmem>>) semaphore(%arg15 : memref<!tpu.dma_semaphore, #tpu.memory_space<semaphore_mem>>) {add = true}
      %add3A_335 = arith.addi %select_n3A, %add3A_320 : i32
      %add3A_336 = arith.constant 3 : i32
      %add3A_337 = arith.addi %add3A_335, %add3A_336 : i32
      %run_scoped3A_338 = arith.constant 1 : i32
      "tpu.region"() ({
        %run_scoped3A_461 = tpu.sem_alloc : memref<!tpu.dma_semaphore, #tpu.memory_space<semaphore_mem>>
        %dma_start3A_462 = arith.constant 0 : i32
        %dma_start3A_463 = arith.constant 0 : i32
        %dma_start3A_464 = tpu.memref_slice %arg10[%run_scoped3A_338, %dma_start3A_462, %dma_start3A_463] : memref<2x2x128xi32, #tpu.memory_space<vmem>> -> memref<1x2x128xi32, #tpu.memory_space<vmem>>
        %dma_start3A_465 = tpu.memref_squeeze %dma_start3A_464 : memref<1x2x128xi32, #tpu.memory_space<vmem>> -> memref<2x128xi32, #tpu.memory_space<vmem>>
        %dma_start3A_466 = arith.constant 0 : i32
        %dma_start3A_467 = arith.constant 0 : i32
        %dma_start3A_468 = tpu.memref_slice %arg3[%add3A_337, %dma_start3A_466, %dma_start3A_467] : memref<2528x2x128xi32, #tpu.memory_space<hbm>> -> memref<1x2x128xi32, #tpu.memory_space<hbm>>
        %dma_start3A_469 = tpu.memref_squeeze %dma_start3A_468 : memref<1x2x128xi32, #tpu.memory_space<hbm>> -> memref<2x128xi32, #tpu.memory_space<hbm>>
        %dma_start3A_470 = arith.constant 0 : i32
        %dma_start3A_471 = arith.constant 0 : i32
        %dma_start3A_472 = tpu.memref_slice %arg10[%run_scoped3A_338, %dma_start3A_470, %dma_start3A_471] : memref<2x2x128xi32, #tpu.memory_space<vmem>> -> memref<1x2x128xi32, #tpu.memory_space<vmem>>
        %dma_start3A_473 = tpu.memref_squeeze %dma_start3A_472 : memref<1x2x128xi32, #tpu.memory_space<vmem>> -> memref<2x128xi32, #tpu.memory_space<vmem>>
        %dma_start3A_474 = arith.constant 0 : i32
        %dma_start3A_475 = arith.constant 0 : i32
        %dma_start3A_476 = tpu.memref_slice %arg3[%add3A_337, %dma_start3A_474, %dma_start3A_475] : memref<2528x2x128xi32, #tpu.memory_space<hbm>> -> memref<1x2x128xi32, #tpu.memory_space<hbm>>
        %dma_start3A_477 = tpu.memref_squeeze %dma_start3A_476 : memref<1x2x128xi32, #tpu.memory_space<hbm>> -> memref<2x128xi32, #tpu.memory_space<hbm>>
        tpu.enqueue_dma source(%dma_start3A_477 : memref<2x128xi32, #tpu.memory_space<hbm>>) target(%dma_start3A_473 : memref<2x128xi32, #tpu.memory_space<vmem>>) target_semaphore(%run_scoped3A_461 : memref<!tpu.dma_semaphore, #tpu.memory_space<semaphore_mem>>)
        %dma_wait3A_478 = arith.constant 0 : i32
        %dma_wait3A_479 = arith.constant 0 : i32
        %dma_wait3A_480 = tpu.memref_slice %arg10[%run_scoped3A_338, %dma_wait3A_478, %dma_wait3A_479] : memref<2x2x128xi32, #tpu.memory_space<vmem>> -> memref<1x2x128xi32, #tpu.memory_space<vmem>>
        %dma_wait3A_481 = tpu.memref_squeeze %dma_wait3A_480 : memref<1x2x128xi32, #tpu.memory_space<vmem>> -> memref<2x128xi32, #tpu.memory_space<vmem>>
        %dma_wait3A_482 = arith.constant 0 : i32
        %dma_wait3A_483 = arith.constant 0 : i32
        %dma_wait3A_484 = tpu.memref_slice %arg3[%add3A_337, %dma_wait3A_482, %dma_wait3A_483] : memref<2528x2x128xi32, #tpu.memory_space<hbm>> -> memref<1x2x128xi32, #tpu.memory_space<hbm>>
        %dma_wait3A_485 = tpu.memref_squeeze %dma_wait3A_484 : memref<1x2x128xi32, #tpu.memory_space<hbm>> -> memref<2x128xi32, #tpu.memory_space<hbm>>
        %dma_wait3A_486 = arith.constant 0 : i32
        %dma_wait3A_487 = arith.constant 0 : i32
        %dma_wait3A_488 = tpu.memref_slice %arg10[%run_scoped3A_338, %dma_wait3A_486, %dma_wait3A_487] : memref<2x2x128xi32, #tpu.memory_space<vmem>> -> memref<1x2x128xi32, #tpu.memory_space<vmem>>
        %dma_wait3A_489 = tpu.memref_squeeze %dma_wait3A_488 : memref<1x2x128xi32, #tpu.memory_space<vmem>> -> memref<2x128xi32, #tpu.memory_space<vmem>>
        %dma_wait3A_490 = arith.constant 0 : i32
        %dma_wait3A_491 = arith.constant 0 : i32
        %dma_wait3A_492 = tpu.memref_slice %arg3[%add3A_337, %dma_wait3A_490, %dma_wait3A_491] : memref<2528x2x128xi32, #tpu.memory_space<hbm>> -> memref<1x2x128xi32, #tpu.memory_space<hbm>>
        %dma_wait3A_493 = tpu.memref_squeeze %dma_wait3A_492 : memref<1x2x128xi32, #tpu.memory_space<hbm>> -> memref<2x128xi32, #tpu.memory_space<hbm>>
        tpu.wait_dma2 semaphore(%run_scoped3A_461 : memref<!tpu.dma_semaphore, #tpu.memory_space<semaphore_mem>>) src(%dma_wait3A_493 : memref<2x128xi32, #tpu.memory_space<hbm>>) dst(%dma_wait3A_489 : memref<2x128xi32, #tpu.memory_space<vmem>>)
        tpu.yield
      }) : () -> ()
      %dma_wait3A_339 = arith.constant 0 : i32
      %dma_wait3A_340 = arith.constant 0 : i32
      %dma_wait3A_341 = tpu.memref_slice %arg2[%dma_wait3A_339, %dma_wait3A_340] : memref<10000x128xf32, #tpu.memory_space<hbm>> -> memref<128x128xf32, #tpu.memory_space<hbm>>
      %dma_wait3A_342 = arith.constant 0 : i32
      %dma_wait3A_343 = arith.constant 0 : i32
      %dma_wait3A_344 = tpu.memref_slice %arg2[%dma_wait3A_342, %dma_wait3A_343] : memref<10000x128xf32, #tpu.memory_space<hbm>> -> memref<128x128xf32, #tpu.memory_space<hbm>>
      tpu.wait_dma2 semaphore(%arg15 : memref<!tpu.dma_semaphore, #tpu.memory_space<semaphore_mem>>) src(%dma_wait3A_344 : memref<128x128xf32, #tpu.memory_space<hbm>>) dst(%arg7 : memref<128x128xf32, #tpu.memory_space<vmem>>)
      %dma_start3A_345 = arith.constant 1 : i32
      %dma_start3A_346 = arith.constant 0 : i32
      %dma_start3A_347 = arith.constant 0 : i32
      %dma_start3A_348 = tpu.memref_slice %arg10[%dma_start3A_345, %dma_start3A_346, %dma_start3A_347] : memref<2x2x128xi32, #tpu.memory_space<vmem>> -> memref<1x1x128xi32, #tpu.memory_space<vmem>>
      %dma_start3A_349 = tpu.memref_squeeze %dma_start3A_348 : memref<1x1x128xi32, #tpu.memory_space<vmem>> -> memref<128xi32, #tpu.memory_space<vmem>>
      %dma_start3A_350 = arith.constant 0 : i32
      %dma_start3A_351 = arith.constant 0 : i32
      %dma_start3A_352 = tpu.memref_slice %arg2[%dma_start3A_350, %dma_start3A_351] : memref<10000x128xf32, #tpu.memory_space<hbm>> -> memref<10000x128xf32, #tpu.memory_space<hbm>>
      tpu.enqueue_indirect_dma source(%dma_start3A_352 : memref<10000x128xf32, #tpu.memory_space<hbm>>) target(%arg7 : memref<128x128xf32, #tpu.memory_space<vmem>>) offsets(%dma_start3A_349 : memref<128xi32, #tpu.memory_space<vmem>>) semaphore(%arg14 : memref<!tpu.dma_semaphore, #tpu.memory_space<semaphore_mem>>)
      %mul3A_353 = arith.constant 6 : i32
      %mul3A_354 = arith.muli %while3A_244, %mul3A_353 : i32
      %add3A_355 = arith.constant 3 : i32
      %add3A_356 = arith.addi %mul3A_354, %add3A_355 : i32
      %dma_wait3A_357 = arith.constant 0 : i32
      %dma_wait3A_358 = arith.constant 0 : i32
      %dma_wait3A_359 = tpu.memref_slice %arg2[%dma_wait3A_357, %dma_wait3A_358] : memref<10000x128xf32, #tpu.memory_space<hbm>> -> memref<128x128xf32, #tpu.memory_space<hbm>>
      %dma_wait3A_360 = arith.constant 0 : i32
      %dma_wait3A_361 = arith.constant 0 : i32
      %dma_wait3A_362 = tpu.memref_slice %arg2[%dma_wait3A_360, %dma_wait3A_361] : memref<10000x128xf32, #tpu.memory_space<hbm>> -> memref<128x128xf32, #tpu.memory_space<hbm>>
      tpu.wait_dma2 semaphore(%arg12 : memref<!tpu.dma_semaphore, #tpu.memory_space<semaphore_mem>>) src(%dma_wait3A_362 : memref<128x128xf32, #tpu.memory_space<hbm>>) dst(%arg5 : memref<128x128xf32, #tpu.memory_space<vmem>>)
      %dma_start3A_363 = arith.constant 1 : i32
      %dma_start3A_364 = arith.constant 1 : i32
      %dma_start3A_365 = arith.constant 0 : i32
      %dma_start3A_366 = tpu.memref_slice %arg8[%dma_start3A_363, %dma_start3A_364, %dma_start3A_365] : memref<2x2x128xi32, #tpu.memory_space<vmem>> -> memref<1x1x128xi32, #tpu.memory_space<vmem>>
      %dma_start3A_367 = tpu.memref_squeeze %dma_start3A_366 : memref<1x1x128xi32, #tpu.memory_space<vmem>> -> memref<128xi32, #tpu.memory_space<vmem>>
      %dma_start3A_368 = arith.constant 0 : i32
      %dma_start3A_369 = arith.constant 0 : i32
      %dma_start3A_370 = tpu.memref_slice %arg11[%dma_start3A_368, %dma_start3A_369] : memref<10016x128xf32, #tpu.memory_space<vmem_shared>> -> memref<10016x128xf32, #tpu.memory_space<vmem_shared>>
      tpu.enqueue_indirect_dma source(%arg5 : memref<128x128xf32, #tpu.memory_space<vmem>>) target(%dma_start3A_370 : memref<10016x128xf32, #tpu.memory_space<vmem_shared>>) offsets(%dma_start3A_367 : memref<128xi32, #tpu.memory_space<vmem>>) semaphore(%arg15 : memref<!tpu.dma_semaphore, #tpu.memory_space<semaphore_mem>>) {add = true}
      %add3A_371 = arith.addi %select_n3A, %add3A_356 : i32
      %add3A_372 = arith.constant 3 : i32
      %add3A_373 = arith.addi %add3A_371, %add3A_372 : i32
      %run_scoped3A_374 = arith.constant 0 : i32
      "tpu.region"() ({
        %run_scoped3A_461 = tpu.sem_alloc : memref<!tpu.dma_semaphore, #tpu.memory_space<semaphore_mem>>
        %dma_start3A_462 = arith.constant 0 : i32
        %dma_start3A_463 = arith.constant 0 : i32
        %dma_start3A_464 = tpu.memref_slice %arg8[%run_scoped3A_374, %dma_start3A_462, %dma_start3A_463] : memref<2x2x128xi32, #tpu.memory_space<vmem>> -> memref<1x2x128xi32, #tpu.memory_space<vmem>>
        %dma_start3A_465 = tpu.memref_squeeze %dma_start3A_464 : memref<1x2x128xi32, #tpu.memory_space<vmem>> -> memref<2x128xi32, #tpu.memory_space<vmem>>
        %dma_start3A_466 = arith.constant 0 : i32
        %dma_start3A_467 = arith.constant 0 : i32
        %dma_start3A_468 = tpu.memref_slice %arg3[%add3A_373, %dma_start3A_466, %dma_start3A_467] : memref<2528x2x128xi32, #tpu.memory_space<hbm>> -> memref<1x2x128xi32, #tpu.memory_space<hbm>>
        %dma_start3A_469 = tpu.memref_squeeze %dma_start3A_468 : memref<1x2x128xi32, #tpu.memory_space<hbm>> -> memref<2x128xi32, #tpu.memory_space<hbm>>
        %dma_start3A_470 = arith.constant 0 : i32
        %dma_start3A_471 = arith.constant 0 : i32
        %dma_start3A_472 = tpu.memref_slice %arg8[%run_scoped3A_374, %dma_start3A_470, %dma_start3A_471] : memref<2x2x128xi32, #tpu.memory_space<vmem>> -> memref<1x2x128xi32, #tpu.memory_space<vmem>>
        %dma_start3A_473 = tpu.memref_squeeze %dma_start3A_472 : memref<1x2x128xi32, #tpu.memory_space<vmem>> -> memref<2x128xi32, #tpu.memory_space<vmem>>
        %dma_start3A_474 = arith.constant 0 : i32
        %dma_start3A_475 = arith.constant 0 : i32
        %dma_start3A_476 = tpu.memref_slice %arg3[%add3A_373, %dma_start3A_474, %dma_start3A_475] : memref<2528x2x128xi32, #tpu.memory_space<hbm>> -> memref<1x2x128xi32, #tpu.memory_space<hbm>>
        %dma_start3A_477 = tpu.memref_squeeze %dma_start3A_476 : memref<1x2x128xi32, #tpu.memory_space<hbm>> -> memref<2x128xi32, #tpu.memory_space<hbm>>
        tpu.enqueue_dma source(%dma_start3A_477 : memref<2x128xi32, #tpu.memory_space<hbm>>) target(%dma_start3A_473 : memref<2x128xi32, #tpu.memory_space<vmem>>) target_semaphore(%run_scoped3A_461 : memref<!tpu.dma_semaphore, #tpu.memory_space<semaphore_mem>>)
        %dma_wait3A_478 = arith.constant 0 : i32
        %dma_wait3A_479 = arith.constant 0 : i32
        %dma_wait3A_480 = tpu.memref_slice %arg8[%run_scoped3A_374, %dma_wait3A_478, %dma_wait3A_479] : memref<2x2x128xi32, #tpu.memory_space<vmem>> -> memref<1x2x128xi32, #tpu.memory_space<vmem>>
        %dma_wait3A_481 = tpu.memref_squeeze %dma_wait3A_480 : memref<1x2x128xi32, #tpu.memory_space<vmem>> -> memref<2x128xi32, #tpu.memory_space<vmem>>
        %dma_wait3A_482 = arith.constant 0 : i32
        %dma_wait3A_483 = arith.constant 0 : i32
        %dma_wait3A_484 = tpu.memref_slice %arg3[%add3A_373, %dma_wait3A_482, %dma_wait3A_483] : memref<2528x2x128xi32, #tpu.memory_space<hbm>> -> memref<1x2x128xi32, #tpu.memory_space<hbm>>
        %dma_wait3A_485 = tpu.memref_squeeze %dma_wait3A_484 : memref<1x2x128xi32, #tpu.memory_space<hbm>> -> memref<2x128xi32, #tpu.memory_space<hbm>>
        %dma_wait3A_486 = arith.constant 0 : i32
        %dma_wait3A_487 = arith.constant 0 : i32
        %dma_wait3A_488 = tpu.memref_slice %arg8[%run_scoped3A_374, %dma_wait3A_486, %dma_wait3A_487] : memref<2x2x128xi32, #tpu.memory_space<vmem>> -> memref<1x2x128xi32, #tpu.memory_space<vmem>>
        %dma_wait3A_489 = tpu.memref_squeeze %dma_wait3A_488 : memref<1x2x128xi32, #tpu.memory_space<vmem>> -> memref<2x128xi32, #tpu.memory_space<vmem>>
        %dma_wait3A_490 = arith.constant 0 : i32
        %dma_wait3A_491 = arith.constant 0 : i32
        %dma_wait3A_492 = tpu.memref_slice %arg3[%add3A_373, %dma_wait3A_490, %dma_wait3A_491] : memref<2528x2x128xi32, #tpu.memory_space<hbm>> -> memref<1x2x128xi32, #tpu.memory_space<hbm>>
        %dma_wait3A_493 = tpu.memref_squeeze %dma_wait3A_492 : memref<1x2x128xi32, #tpu.memory_space<hbm>> -> memref<2x128xi32, #tpu.memory_space<hbm>>
        tpu.wait_dma2 semaphore(%run_scoped3A_461 : memref<!tpu.dma_semaphore, #tpu.memory_space<semaphore_mem>>) src(%dma_wait3A_493 : memref<2x128xi32, #tpu.memory_space<hbm>>) dst(%dma_wait3A_489 : memref<2x128xi32, #tpu.memory_space<vmem>>)
        tpu.yield
      }) : () -> ()
      %dma_wait3A_375 = arith.constant 0 : i32
      %dma_wait3A_376 = arith.constant 0 : i32
      %dma_wait3A_377 = tpu.memref_slice %arg2[%dma_wait3A_375, %dma_wait3A_376] : memref<10000x128xf32, #tpu.memory_space<hbm>> -> memref<128x128xf32, #tpu.memory_space<hbm>>
      %dma_wait3A_378 = arith.constant 0 : i32
      %dma_wait3A_379 = arith.constant 0 : i32
      %dma_wait3A_380 = tpu.memref_slice %arg2[%dma_wait3A_378, %dma_wait3A_379] : memref<10000x128xf32, #tpu.memory_space<hbm>> -> memref<128x128xf32, #tpu.memory_space<hbm>>
      tpu.wait_dma2 semaphore(%arg15 : memref<!tpu.dma_semaphore, #tpu.memory_space<semaphore_mem>>) src(%dma_wait3A_380 : memref<128x128xf32, #tpu.memory_space<hbm>>) dst(%arg5 : memref<128x128xf32, #tpu.memory_space<vmem>>)
      %dma_start3A_381 = arith.constant 0 : i32
      %dma_start3A_382 = arith.constant 0 : i32
      %dma_start3A_383 = arith.constant 0 : i32
      %dma_start3A_384 = tpu.memref_slice %arg8[%dma_start3A_381, %dma_start3A_382, %dma_start3A_383] : memref<2x2x128xi32, #tpu.memory_space<vmem>> -> memref<1x1x128xi32, #tpu.memory_space<vmem>>
      %dma_start3A_385 = tpu.memref_squeeze %dma_start3A_384 : memref<1x1x128xi32, #tpu.memory_space<vmem>> -> memref<128xi32, #tpu.memory_space<vmem>>
      %dma_start3A_386 = arith.constant 0 : i32
      %dma_start3A_387 = arith.constant 0 : i32
      %dma_start3A_388 = tpu.memref_slice %arg2[%dma_start3A_386, %dma_start3A_387] : memref<10000x128xf32, #tpu.memory_space<hbm>> -> memref<10000x128xf32, #tpu.memory_space<hbm>>
      tpu.enqueue_indirect_dma source(%dma_start3A_388 : memref<10000x128xf32, #tpu.memory_space<hbm>>) target(%arg5 : memref<128x128xf32, #tpu.memory_space<vmem>>) offsets(%dma_start3A_385 : memref<128xi32, #tpu.memory_space<vmem>>) semaphore(%arg12 : memref<!tpu.dma_semaphore, #tpu.memory_space<semaphore_mem>>)
      %mul3A_389 = arith.constant 6 : i32
      %mul3A_390 = arith.muli %while3A_244, %mul3A_389 : i32
      %add3A_391 = arith.constant 4 : i32
      %add3A_392 = arith.addi %mul3A_390, %add3A_391 : i32
      %dma_wait3A_393 = arith.constant 0 : i32
      %dma_wait3A_394 = arith.constant 0 : i32
      %dma_wait3A_395 = tpu.memref_slice %arg2[%dma_wait3A_393, %dma_wait3A_394] : memref<10000x128xf32, #tpu.memory_space<hbm>> -> memref<128x128xf32, #tpu.memory_space<hbm>>
      %dma_wait3A_396 = arith.constant 0 : i32
      %dma_wait3A_397 = arith.constant 0 : i32
      %dma_wait3A_398 = tpu.memref_slice %arg2[%dma_wait3A_396, %dma_wait3A_397] : memref<10000x128xf32, #tpu.memory_space<hbm>> -> memref<128x128xf32, #tpu.memory_space<hbm>>
      tpu.wait_dma2 semaphore(%arg13 : memref<!tpu.dma_semaphore, #tpu.memory_space<semaphore_mem>>) src(%dma_wait3A_398 : memref<128x128xf32, #tpu.memory_space<hbm>>) dst(%arg6 : memref<128x128xf32, #tpu.memory_space<vmem>>)
      %dma_start3A_399 = arith.constant 1 : i32
      %dma_start3A_400 = arith.constant 1 : i32
      %dma_start3A_401 = arith.constant 0 : i32
      %dma_start3A_402 = tpu.memref_slice %arg9[%dma_start3A_399, %dma_start3A_400, %dma_start3A_401] : memref<2x2x128xi32, #tpu.memory_space<vmem>> -> memref<1x1x128xi32, #tpu.memory_space<vmem>>
      %dma_start3A_403 = tpu.memref_squeeze %dma_start3A_402 : memref<1x1x128xi32, #tpu.memory_space<vmem>> -> memref<128xi32, #tpu.memory_space<vmem>>
      %dma_start3A_404 = arith.constant 0 : i32
      %dma_start3A_405 = arith.constant 0 : i32
      %dma_start3A_406 = tpu.memref_slice %arg11[%dma_start3A_404, %dma_start3A_405] : memref<10016x128xf32, #tpu.memory_space<vmem_shared>> -> memref<10016x128xf32, #tpu.memory_space<vmem_shared>>
      tpu.enqueue_indirect_dma source(%arg6 : memref<128x128xf32, #tpu.memory_space<vmem>>) target(%dma_start3A_406 : memref<10016x128xf32, #tpu.memory_space<vmem_shared>>) offsets(%dma_start3A_403 : memref<128xi32, #tpu.memory_space<vmem>>) semaphore(%arg15 : memref<!tpu.dma_semaphore, #tpu.memory_space<semaphore_mem>>) {add = true}
      %add3A_407 = arith.addi %select_n3A, %add3A_392 : i32
      %add3A_408 = arith.constant 3 : i32
      %add3A_409 = arith.addi %add3A_407, %add3A_408 : i32
      %run_scoped3A_410 = arith.constant 0 : i32
      "tpu.region"() ({
        %run_scoped3A_461 = tpu.sem_alloc : memref<!tpu.dma_semaphore, #tpu.memory_space<semaphore_mem>>
        %dma_start3A_462 = arith.constant 0 : i32
        %dma_start3A_463 = arith.constant 0 : i32
        %dma_start3A_464 = tpu.memref_slice %arg9[%run_scoped3A_410, %dma_start3A_462, %dma_start3A_463] : memref<2x2x128xi32, #tpu.memory_space<vmem>> -> memref<1x2x128xi32, #tpu.memory_space<vmem>>
        %dma_start3A_465 = tpu.memref_squeeze %dma_start3A_464 : memref<1x2x128xi32, #tpu.memory_space<vmem>> -> memref<2x128xi32, #tpu.memory_space<vmem>>
        %dma_start3A_466 = arith.constant 0 : i32
        %dma_start3A_467 = arith.constant 0 : i32
        %dma_start3A_468 = tpu.memref_slice %arg3[%add3A_409, %dma_start3A_466, %dma_start3A_467] : memref<2528x2x128xi32, #tpu.memory_space<hbm>> -> memref<1x2x128xi32, #tpu.memory_space<hbm>>
        %dma_start3A_469 = tpu.memref_squeeze %dma_start3A_468 : memref<1x2x128xi32, #tpu.memory_space<hbm>> -> memref<2x128xi32, #tpu.memory_space<hbm>>
        %dma_start3A_470 = arith.constant 0 : i32
        %dma_start3A_471 = arith.constant 0 : i32
        %dma_start3A_472 = tpu.memref_slice %arg9[%run_scoped3A_410, %dma_start3A_470, %dma_start3A_471] : memref<2x2x128xi32, #tpu.memory_space<vmem>> -> memref<1x2x128xi32, #tpu.memory_space<vmem>>
        %dma_start3A_473 = tpu.memref_squeeze %dma_start3A_472 : memref<1x2x128xi32, #tpu.memory_space<vmem>> -> memref<2x128xi32, #tpu.memory_space<vmem>>
        %dma_start3A_474 = arith.constant 0 : i32
        %dma_start3A_475 = arith.constant 0 : i32
        %dma_start3A_476 = tpu.memref_slice %arg3[%add3A_409, %dma_start3A_474, %dma_start3A_475] : memref<2528x2x128xi32, #tpu.memory_space<hbm>> -> memref<1x2x128xi32, #tpu.memory_space<hbm>>
        %dma_start3A_477 = tpu.memref_squeeze %dma_start3A_476 : memref<1x2x128xi32, #tpu.memory_space<hbm>> -> memref<2x128xi32, #tpu.memory_space<hbm>>
        tpu.enqueue_dma source(%dma_start3A_477 : memref<2x128xi32, #tpu.memory_space<hbm>>) target(%dma_start3A_473 : memref<2x128xi32, #tpu.memory_space<vmem>>) target_semaphore(%run_scoped3A_461 : memref<!tpu.dma_semaphore, #tpu.memory_space<semaphore_mem>>)
        %dma_wait3A_478 = arith.constant 0 : i32
        %dma_wait3A_479 = arith.constant 0 : i32
        %dma_wait3A_480 = tpu.memref_slice %arg9[%run_scoped3A_410, %dma_wait3A_478, %dma_wait3A_479] : memref<2x2x128xi32, #tpu.memory_space<vmem>> -> memref<1x2x128xi32, #tpu.memory_space<vmem>>
        %dma_wait3A_481 = tpu.memref_squeeze %dma_wait3A_480 : memref<1x2x128xi32, #tpu.memory_space<vmem>> -> memref<2x128xi32, #tpu.memory_space<vmem>>
        %dma_wait3A_482 = arith.constant 0 : i32
        %dma_wait3A_483 = arith.constant 0 : i32
        %dma_wait3A_484 = tpu.memref_slice %arg3[%add3A_409, %dma_wait3A_482, %dma_wait3A_483] : memref<2528x2x128xi32, #tpu.memory_space<hbm>> -> memref<1x2x128xi32, #tpu.memory_space<hbm>>
        %dma_wait3A_485 = tpu.memref_squeeze %dma_wait3A_484 : memref<1x2x128xi32, #tpu.memory_space<hbm>> -> memref<2x128xi32, #tpu.memory_space<hbm>>
        %dma_wait3A_486 = arith.constant 0 : i32
        %dma_wait3A_487 = arith.constant 0 : i32
        %dma_wait3A_488 = tpu.memref_slice %arg9[%run_scoped3A_410, %dma_wait3A_486, %dma_wait3A_487] : memref<2x2x128xi32, #tpu.memory_space<vmem>> -> memref<1x2x128xi32, #tpu.memory_space<vmem>>
        %dma_wait3A_489 = tpu.memref_squeeze %dma_wait3A_488 : memref<1x2x128xi32, #tpu.memory_space<vmem>> -> memref<2x128xi32, #tpu.memory_space<vmem>>
        %dma_wait3A_490 = arith.constant 0 : i32
        %dma_wait3A_491 = arith.constant 0 : i32
        %dma_wait3A_492 = tpu.memref_slice %arg3[%add3A_409, %dma_wait3A_490, %dma_wait3A_491] : memref<2528x2x128xi32, #tpu.memory_space<hbm>> -> memref<1x2x128xi32, #tpu.memory_space<hbm>>
        %dma_wait3A_493 = tpu.memref_squeeze %dma_wait3A_492 : memref<1x2x128xi32, #tpu.memory_space<hbm>> -> memref<2x128xi32, #tpu.memory_space<hbm>>
        tpu.wait_dma2 semaphore(%run_scoped3A_461 : memref<!tpu.dma_semaphore, #tpu.memory_space<semaphore_mem>>) src(%dma_wait3A_493 : memref<2x128xi32, #tpu.memory_space<hbm>>) dst(%dma_wait3A_489 : memref<2x128xi32, #tpu.memory_space<vmem>>)
        tpu.yield
      }) : () -> ()
      %dma_wait3A_411 = arith.constant 0 : i32
      %dma_wait3A_412 = arith.constant 0 : i32
      %dma_wait3A_413 = tpu.memref_slice %arg2[%dma_wait3A_411, %dma_wait3A_412] : memref<10000x128xf32, #tpu.memory_space<hbm>> -> memref<128x128xf32, #tpu.memory_space<hbm>>
      %dma_wait3A_414 = arith.constant 0 : i32
      %dma_wait3A_415 = arith.constant 0 : i32
      %dma_wait3A_416 = tpu.memref_slice %arg2[%dma_wait3A_414, %dma_wait3A_415] : memref<10000x128xf32, #tpu.memory_space<hbm>> -> memref<128x128xf32, #tpu.memory_space<hbm>>
      tpu.wait_dma2 semaphore(%arg15 : memref<!tpu.dma_semaphore, #tpu.memory_space<semaphore_mem>>) src(%dma_wait3A_416 : memref<128x128xf32, #tpu.memory_space<hbm>>) dst(%arg6 : memref<128x128xf32, #tpu.memory_space<vmem>>)
      %dma_start3A_417 = arith.constant 0 : i32
      %dma_start3A_418 = arith.constant 0 : i32
      %dma_start3A_419 = arith.constant 0 : i32
      %dma_start3A_420 = tpu.memref_slice %arg9[%dma_start3A_417, %dma_start3A_418, %dma_start3A_419] : memref<2x2x128xi32, #tpu.memory_space<vmem>> -> memref<1x1x128xi32, #tpu.memory_space<vmem>>
      %dma_start3A_421 = tpu.memref_squeeze %dma_start3A_420 : memref<1x1x128xi32, #tpu.memory_space<vmem>> -> memref<128xi32, #tpu.memory_space<vmem>>
      %dma_start3A_422 = arith.constant 0 : i32
      %dma_start3A_423 = arith.constant 0 : i32
      %dma_start3A_424 = tpu.memref_slice %arg2[%dma_start3A_422, %dma_start3A_423] : memref<10000x128xf32, #tpu.memory_space<hbm>> -> memref<10000x128xf32, #tpu.memory_space<hbm>>
      tpu.enqueue_indirect_dma source(%dma_start3A_424 : memref<10000x128xf32, #tpu.memory_space<hbm>>) target(%arg6 : memref<128x128xf32, #tpu.memory_space<vmem>>) offsets(%dma_start3A_421 : memref<128xi32, #tpu.memory_space<vmem>>) semaphore(%arg13 : memref<!tpu.dma_semaphore, #tpu.memory_space<semaphore_mem>>)
      %mul3A_425 = arith.constant 6 : i32
      %mul3A_426 = arith.muli %while3A_244, %mul3A_425 : i32
      %add3A_427 = arith.constant 5 : i32
      %add3A_428 = arith.addi %mul3A_426, %add3A_427 : i32
      %dma_wait3A_429 = arith.constant 0 : i32
      %dma_wait3A_430 = arith.constant 0 : i32
      %dma_wait3A_431 = tpu.memref_slice %arg2[%dma_wait3A_429, %dma_wait3A_430] : memref<10000x128xf32, #tpu.memory_space<hbm>> -> memref<128x128xf32, #tpu.memory_space<hbm>>
      %dma_wait3A_432 = arith.constant 0 : i32
      %dma_wait3A_433 = arith.constant 0 : i32
      %dma_wait3A_434 = tpu.memref_slice %arg2[%dma_wait3A_432, %dma_wait3A_433] : memref<10000x128xf32, #tpu.memory_space<hbm>> -> memref<128x128xf32, #tpu.memory_space<hbm>>
      tpu.wait_dma2 semaphore(%arg14 : memref<!tpu.dma_semaphore, #tpu.memory_space<semaphore_mem>>) src(%dma_wait3A_434 : memref<128x128xf32, #tpu.memory_space<hbm>>) dst(%arg7 : memref<128x128xf32, #tpu.memory_space<vmem>>)
      %dma_start3A_435 = arith.constant 1 : i32
      %dma_start3A_436 = arith.constant 1 : i32
      %dma_start3A_437 = arith.constant 0 : i32
      %dma_start3A_438 = tpu.memref_slice %arg10[%dma_start3A_435, %dma_start3A_436, %dma_start3A_437] : memref<2x2x128xi32, #tpu.memory_space<vmem>> -> memref<1x1x128xi32, #tpu.memory_space<vmem>>
      %dma_start3A_439 = tpu.memref_squeeze %dma_start3A_438 : memref<1x1x128xi32, #tpu.memory_space<vmem>> -> memref<128xi32, #tpu.memory_space<vmem>>
      %dma_start3A_440 = arith.constant 0 : i32
      %dma_start3A_441 = arith.constant 0 : i32
      %dma_start3A_442 = tpu.memref_slice %arg11[%dma_start3A_440, %dma_start3A_441] : memref<10016x128xf32, #tpu.memory_space<vmem_shared>> -> memref<10016x128xf32, #tpu.memory_space<vmem_shared>>
      tpu.enqueue_indirect_dma source(%arg7 : memref<128x128xf32, #tpu.memory_space<vmem>>) target(%dma_start3A_442 : memref<10016x128xf32, #tpu.memory_space<vmem_shared>>) offsets(%dma_start3A_439 : memref<128xi32, #tpu.memory_space<vmem>>) semaphore(%arg15 : memref<!tpu.dma_semaphore, #tpu.memory_space<semaphore_mem>>) {add = true}
      %add3A_443 = arith.addi %select_n3A, %add3A_428 : i32
      %add3A_444 = arith.constant 3 : i32
      %add3A_445 = arith.addi %add3A_443, %add3A_444 : i32
      %run_scoped3A_446 = arith.constant 0 : i32
      "tpu.region"() ({
        %run_scoped3A_461 = tpu.sem_alloc : memref<!tpu.dma_semaphore, #tpu.memory_space<semaphore_mem>>
        %dma_start3A_462 = arith.constant 0 : i32
        %dma_start3A_463 = arith.constant 0 : i32
        %dma_start3A_464 = tpu.memref_slice %arg10[%run_scoped3A_446, %dma_start3A_462, %dma_start3A_463] : memref<2x2x128xi32, #tpu.memory_space<vmem>> -> memref<1x2x128xi32, #tpu.memory_space<vmem>>
        %dma_start3A_465 = tpu.memref_squeeze %dma_start3A_464 : memref<1x2x128xi32, #tpu.memory_space<vmem>> -> memref<2x128xi32, #tpu.memory_space<vmem>>
        %dma_start3A_466 = arith.constant 0 : i32
        %dma_start3A_467 = arith.constant 0 : i32
        %dma_start3A_468 = tpu.memref_slice %arg3[%add3A_445, %dma_start3A_466, %dma_start3A_467] : memref<2528x2x128xi32, #tpu.memory_space<hbm>> -> memref<1x2x128xi32, #tpu.memory_space<hbm>>
        %dma_start3A_469 = tpu.memref_squeeze %dma_start3A_468 : memref<1x2x128xi32, #tpu.memory_space<hbm>> -> memref<2x128xi32, #tpu.memory_space<hbm>>
        %dma_start3A_470 = arith.constant 0 : i32
        %dma_start3A_471 = arith.constant 0 : i32
        %dma_start3A_472 = tpu.memref_slice %arg10[%run_scoped3A_446, %dma_start3A_470, %dma_start3A_471] : memref<2x2x128xi32, #tpu.memory_space<vmem>> -> memref<1x2x128xi32, #tpu.memory_space<vmem>>
        %dma_start3A_473 = tpu.memref_squeeze %dma_start3A_472 : memref<1x2x128xi32, #tpu.memory_space<vmem>> -> memref<2x128xi32, #tpu.memory_space<vmem>>
        %dma_start3A_474 = arith.constant 0 : i32
        %dma_start3A_475 = arith.constant 0 : i32
        %dma_start3A_476 = tpu.memref_slice %arg3[%add3A_445, %dma_start3A_474, %dma_start3A_475] : memref<2528x2x128xi32, #tpu.memory_space<hbm>> -> memref<1x2x128xi32, #tpu.memory_space<hbm>>
        %dma_start3A_477 = tpu.memref_squeeze %dma_start3A_476 : memref<1x2x128xi32, #tpu.memory_space<hbm>> -> memref<2x128xi32, #tpu.memory_space<hbm>>
        tpu.enqueue_dma source(%dma_start3A_477 : memref<2x128xi32, #tpu.memory_space<hbm>>) target(%dma_start3A_473 : memref<2x128xi32, #tpu.memory_space<vmem>>) target_semaphore(%run_scoped3A_461 : memref<!tpu.dma_semaphore, #tpu.memory_space<semaphore_mem>>)
        %dma_wait3A_478 = arith.constant 0 : i32
        %dma_wait3A_479 = arith.constant 0 : i32
        %dma_wait3A_480 = tpu.memref_slice %arg10[%run_scoped3A_446, %dma_wait3A_478, %dma_wait3A_479] : memref<2x2x128xi32, #tpu.memory_space<vmem>> -> memref<1x2x128xi32, #tpu.memory_space<vmem>>
        %dma_wait3A_481 = tpu.memref_squeeze %dma_wait3A_480 : memref<1x2x128xi32, #tpu.memory_space<vmem>> -> memref<2x128xi32, #tpu.memory_space<vmem>>
        %dma_wait3A_482 = arith.constant 0 : i32
        %dma_wait3A_483 = arith.constant 0 : i32
        %dma_wait3A_484 = tpu.memref_slice %arg3[%add3A_445, %dma_wait3A_482, %dma_wait3A_483] : memref<2528x2x128xi32, #tpu.memory_space<hbm>> -> memref<1x2x128xi32, #tpu.memory_space<hbm>>
        %dma_wait3A_485 = tpu.memref_squeeze %dma_wait3A_484 : memref<1x2x128xi32, #tpu.memory_space<hbm>> -> memref<2x128xi32, #tpu.memory_space<hbm>>
        %dma_wait3A_486 = arith.constant 0 : i32
        %dma_wait3A_487 = arith.constant 0 : i32
        %dma_wait3A_488 = tpu.memref_slice %arg10[%run_scoped3A_446, %dma_wait3A_486, %dma_wait3A_487] : memref<2x2x128xi32, #tpu.memory_space<vmem>> -> memref<1x2x128xi32, #tpu.memory_space<vmem>>
        %dma_wait3A_489 = tpu.memref_squeeze %dma_wait3A_488 : memref<1x2x128xi32, #tpu.memory_space<vmem>> -> memref<2x128xi32, #tpu.memory_space<vmem>>
        %dma_wait3A_490 = arith.constant 0 : i32
        %dma_wait3A_491 = arith.constant 0 : i32
        %dma_wait3A_492 = tpu.memref_slice %arg3[%add3A_445, %dma_wait3A_490, %dma_wait3A_491] : memref<2528x2x128xi32, #tpu.memory_space<hbm>> -> memref<1x2x128xi32, #tpu.memory_space<hbm>>
        %dma_wait3A_493 = tpu.memref_squeeze %dma_wait3A_492 : memref<1x2x128xi32, #tpu.memory_space<hbm>> -> memref<2x128xi32, #tpu.memory_space<hbm>>
        tpu.wait_dma2 semaphore(%run_scoped3A_461 : memref<!tpu.dma_semaphore, #tpu.memory_space<semaphore_mem>>) src(%dma_wait3A_493 : memref<2x128xi32, #tpu.memory_space<hbm>>) dst(%dma_wait3A_489 : memref<2x128xi32, #tpu.memory_space<vmem>>)
        tpu.yield
      }) : () -> ()
      %dma_wait3A_447 = arith.constant 0 : i32
      %dma_wait3A_448 = arith.constant 0 : i32
      %dma_wait3A_449 = tpu.memref_slice %arg2[%dma_wait3A_447, %dma_wait3A_448] : memref<10000x128xf32, #tpu.memory_space<hbm>> -> memref<128x128xf32, #tpu.memory_space<hbm>>
      %dma_wait3A_450 = arith.constant 0 : i32
      %dma_wait3A_451 = arith.constant 0 : i32
      %dma_wait3A_452 = tpu.memref_slice %arg2[%dma_wait3A_450, %dma_wait3A_451] : memref<10000x128xf32, #tpu.memory_space<hbm>> -> memref<128x128xf32, #tpu.memory_space<hbm>>
      tpu.wait_dma2 semaphore(%arg15 : memref<!tpu.dma_semaphore, #tpu.memory_space<semaphore_mem>>) src(%dma_wait3A_452 : memref<128x128xf32, #tpu.memory_space<hbm>>) dst(%arg7 : memref<128x128xf32, #tpu.memory_space<vmem>>)
      %dma_start3A_453 = arith.constant 0 : i32
      %dma_start3A_454 = arith.constant 0 : i32
      %dma_start3A_455 = arith.constant 0 : i32
      %dma_start3A_456 = tpu.memref_slice %arg10[%dma_start3A_453, %dma_start3A_454, %dma_start3A_455] : memref<2x2x128xi32, #tpu.memory_space<vmem>> -> memref<1x1x128xi32, #tpu.memory_space<vmem>>
      %dma_start3A_457 = tpu.memref_squeeze %dma_start3A_456 : memref<1x1x128xi32, #tpu.memory_space<vmem>> -> memref<128xi32, #tpu.memory_space<vmem>>
      %dma_start3A_458 = arith.constant 0 : i32
      %dma_start3A_459 = arith.constant 0 : i32
      %dma_start3A_460 = tpu.memref_slice %arg2[%dma_start3A_458, %dma_start3A_459] : memref<10000x128xf32, #tpu.memory_space<hbm>> -> memref<10000x128xf32, #tpu.memory_space<hbm>>
      tpu.enqueue_indirect_dma source(%dma_start3A_460 : memref<10000x128xf32, #tpu.memory_space<hbm>>) target(%arg7 : memref<128x128xf32, #tpu.memory_space<vmem>>) offsets(%dma_start3A_457 : memref<128xi32, #tpu.memory_space<vmem>>) semaphore(%arg14 : memref<!tpu.dma_semaphore, #tpu.memory_space<semaphore_mem>>)
    }
    %while3A_77 = arith.constant 1 : i32
    scf.for %while3A_244 = %while3A_75 to %while3A_71 step %while3A_77  : i32 {
      %mul3A_245 = arith.constant 6 : i32
      %mul3A_246 = arith.muli %while3A_244, %mul3A_245 : i32
      %add3A_247 = arith.constant 0 : i32
      %add3A_248 = arith.addi %mul3A_246, %add3A_247 : i32
      %dma_wait3A_249 = arith.constant 0 : i32
      %dma_wait3A_250 = arith.constant 0 : i32
      %dma_wait3A_251 = tpu.memref_slice %arg2[%dma_wait3A_249, %dma_wait3A_250] : memref<10000x128xf32, #tpu.memory_space<hbm>> -> memref<128x128xf32, #tpu.memory_space<hbm>>
      %dma_wait3A_252 = arith.constant 0 : i32
      %dma_wait3A_253 = arith.constant 0 : i32
      %dma_wait3A_254 = tpu.memref_slice %arg2[%dma_wait3A_252, %dma_wait3A_253] : memref<10000x128xf32, #tpu.memory_space<hbm>> -> memref<128x128xf32, #tpu.memory_space<hbm>>
      tpu.wait_dma2 semaphore(%arg12 : memref<!tpu.dma_semaphore, #tpu.memory_space<semaphore_mem>>) src(%dma_wait3A_254 : memref<128x128xf32, #tpu.memory_space<hbm>>) dst(%arg5 : memref<128x128xf32, #tpu.memory_space<vmem>>)
      %dma_start3A_255 = arith.constant 0 : i32
      %dma_start3A_256 = arith.constant 1 : i32
      %dma_start3A_257 = arith.constant 0 : i32
      %dma_start3A_258 = tpu.memref_slice %arg8[%dma_start3A_255, %dma_start3A_256, %dma_start3A_257] : memref<2x2x128xi32, #tpu.memory_space<vmem>> -> memref<1x1x128xi32, #tpu.memory_space<vmem>>
      %dma_start3A_259 = tpu.memref_squeeze %dma_start3A_258 : memref<1x1x128xi32, #tpu.memory_space<vmem>> -> memref<128xi32, #tpu.memory_space<vmem>>
      %dma_start3A_260 = arith.constant 0 : i32
      %dma_start3A_261 = arith.constant 0 : i32
      %dma_start3A_262 = tpu.memref_slice %arg11[%dma_start3A_260, %dma_start3A_261] : memref<10016x128xf32, #tpu.memory_space<vmem_shared>> -> memref<10016x128xf32, #tpu.memory_space<vmem_shared>>
      tpu.enqueue_indirect_dma source(%arg5 : memref<128x128xf32, #tpu.memory_space<vmem>>) target(%dma_start3A_262 : memref<10016x128xf32, #tpu.memory_space<vmem_shared>>) offsets(%dma_start3A_259 : memref<128xi32, #tpu.memory_space<vmem>>) semaphore(%arg15 : memref<!tpu.dma_semaphore, #tpu.memory_space<semaphore_mem>>) {add = true}
      %add3A_263 = arith.addi %select_n3A, %add3A_248 : i32
      %add3A_264 = arith.constant 3 : i32
      %add3A_265 = arith.addi %add3A_263, %add3A_264 : i32
      %run_scoped3A_266 = arith.constant 1 : i32
      "tpu.region"() ({
        %run_scoped3A_461 = tpu.sem_alloc : memref<!tpu.dma_semaphore, #tpu.memory_space<semaphore_mem>>
        %dma_start3A_462 = arith.constant 0 : i32
        %dma_start3A_463 = arith.constant 0 : i32
        %dma_start3A_464 = tpu.memref_slice %arg8[%run_scoped3A_266, %dma_start3A_462, %dma_start3A_463] : memref<2x2x128xi32, #tpu.memory_space<vmem>> -> memref<1x2x128xi32, #tpu.memory_space<vmem>>
        %dma_start3A_465 = tpu.memref_squeeze %dma_start3A_464 : memref<1x2x128xi32, #tpu.memory_space<vmem>> -> memref<2x128xi32, #tpu.memory_space<vmem>>
        %dma_start3A_466 = arith.constant 0 : i32
        %dma_start3A_467 = arith.constant 0 : i32
        %dma_start3A_468 = tpu.memref_slice %arg3[%add3A_265, %dma_start3A_466, %dma_start3A_467] : memref<2528x2x128xi32, #tpu.memory_space<hbm>> -> memref<1x2x128xi32, #tpu.memory_space<hbm>>
        %dma_start3A_469 = tpu.memref_squeeze %dma_start3A_468 : memref<1x2x128xi32, #tpu.memory_space<hbm>> -> memref<2x128xi32, #tpu.memory_space<hbm>>
        %dma_start3A_470 = arith.constant 0 : i32
        %dma_start3A_471 = arith.constant 0 : i32
        %dma_start3A_472 = tpu.memref_slice %arg8[%run_scoped3A_266, %dma_start3A_470, %dma_start3A_471] : memref<2x2x128xi32, #tpu.memory_space<vmem>> -> memref<1x2x128xi32, #tpu.memory_space<vmem>>
        %dma_start3A_473 = tpu.memref_squeeze %dma_start3A_472 : memref<1x2x128xi32, #tpu.memory_space<vmem>> -> memref<2x128xi32, #tpu.memory_space<vmem>>
        %dma_start3A_474 = arith.constant 0 : i32
        %dma_start3A_475 = arith.constant 0 : i32
        %dma_start3A_476 = tpu.memref_slice %arg3[%add3A_265, %dma_start3A_474, %dma_start3A_475] : memref<2528x2x128xi32, #tpu.memory_space<hbm>> -> memref<1x2x128xi32, #tpu.memory_space<hbm>>
        %dma_start3A_477 = tpu.memref_squeeze %dma_start3A_476 : memref<1x2x128xi32, #tpu.memory_space<hbm>> -> memref<2x128xi32, #tpu.memory_space<hbm>>
        tpu.enqueue_dma source(%dma_start3A_477 : memref<2x128xi32, #tpu.memory_space<hbm>>) target(%dma_start3A_473 : memref<2x128xi32, #tpu.memory_space<vmem>>) target_semaphore(%run_scoped3A_461 : memref<!tpu.dma_semaphore, #tpu.memory_space<semaphore_mem>>)
        %dma_wait3A_478 = arith.constant 0 : i32
        %dma_wait3A_479 = arith.constant 0 : i32
        %dma_wait3A_480 = tpu.memref_slice %arg8[%run_scoped3A_266, %dma_wait3A_478, %dma_wait3A_479] : memref<2x2x128xi32, #tpu.memory_space<vmem>> -> memref<1x2x128xi32, #tpu.memory_space<vmem>>
        %dma_wait3A_481 = tpu.memref_squeeze %dma_wait3A_480 : memref<1x2x128xi32, #tpu.memory_space<vmem>> -> memref<2x128xi32, #tpu.memory_space<vmem>>
        %dma_wait3A_482 = arith.constant 0 : i32
        %dma_wait3A_483 = arith.constant 0 : i32
        %dma_wait3A_484 = tpu.memref_slice %arg3[%add3A_265, %dma_wait3A_482, %dma_wait3A_483] : memref<2528x2x128xi32, #tpu.memory_space<hbm>> -> memref<1x2x128xi32, #tpu.memory_space<hbm>>
        %dma_wait3A_485 = tpu.memref_squeeze %dma_wait3A_484 : memref<1x2x128xi32, #tpu.memory_space<hbm>> -> memref<2x128xi32, #tpu.memory_space<hbm>>
        %dma_wait3A_486 = arith.constant 0 : i32
        %dma_wait3A_487 = arith.constant 0 : i32
        %dma_wait3A_488 = tpu.memref_slice %arg8[%run_scoped3A_266, %dma_wait3A_486, %dma_wait3A_487] : memref<2x2x128xi32, #tpu.memory_space<vmem>> -> memref<1x2x128xi32, #tpu.memory_space<vmem>>
        %dma_wait3A_489 = tpu.memref_squeeze %dma_wait3A_488 : memref<1x2x128xi32, #tpu.memory_space<vmem>> -> memref<2x128xi32, #tpu.memory_space<vmem>>
        %dma_wait3A_490 = arith.constant 0 : i32
        %dma_wait3A_491 = arith.constant 0 : i32
        %dma_wait3A_492 = tpu.memref_slice %arg3[%add3A_265, %dma_wait3A_490, %dma_wait3A_491] : memref<2528x2x128xi32, #tpu.memory_space<hbm>> -> memref<1x2x128xi32, #tpu.memory_space<hbm>>
        %dma_wait3A_493 = tpu.memref_squeeze %dma_wait3A_492 : memref<1x2x128xi32, #tpu.memory_space<hbm>> -> memref<2x128xi32, #tpu.memory_space<hbm>>
        tpu.wait_dma2 semaphore(%run_scoped3A_461 : memref<!tpu.dma_semaphore, #tpu.memory_space<semaphore_mem>>) src(%dma_wait3A_493 : memref<2x128xi32, #tpu.memory_space<hbm>>) dst(%dma_wait3A_489 : memref<2x128xi32, #tpu.memory_space<vmem>>)
        tpu.yield
      }) : () -> ()
      %dma_wait3A_267 = arith.constant 0 : i32
      %dma_wait3A_268 = arith.constant 0 : i32
      %dma_wait3A_269 = tpu.memref_slice %arg2[%dma_wait3A_267, %dma_wait3A_268] : memref<10000x128xf32, #tpu.memory_space<hbm>> -> memref<128x128xf32, #tpu.memory_space<hbm>>
      %dma_wait3A_270 = arith.constant 0 : i32
      %dma_wait3A_271 = arith.constant 0 : i32
      %dma_wait3A_272 = tpu.memref_slice %arg2[%dma_wait3A_270, %dma_wait3A_271] : memref<10000x128xf32, #tpu.memory_space<hbm>> -> memref<128x128xf32, #tpu.memory_space<hbm>>
      tpu.wait_dma2 semaphore(%arg15 : memref<!tpu.dma_semaphore, #tpu.memory_space<semaphore_mem>>) src(%dma_wait3A_272 : memref<128x128xf32, #tpu.memory_space<hbm>>) dst(%arg5 : memref<128x128xf32, #tpu.memory_space<vmem>>)
      %dma_start3A_273 = arith.constant 1 : i32
      %dma_start3A_274 = arith.constant 0 : i32
      %dma_start3A_275 = arith.constant 0 : i32
      %dma_start3A_276 = tpu.memref_slice %arg8[%dma_start3A_273, %dma_start3A_274, %dma_start3A_275] : memref<2x2x128xi32, #tpu.memory_space<vmem>> -> memref<1x1x128xi32, #tpu.memory_space<vmem>>
      %dma_start3A_277 = tpu.memref_squeeze %dma_start3A_276 : memref<1x1x128xi32, #tpu.memory_space<vmem>> -> memref<128xi32, #tpu.memory_space<vmem>>
      %dma_start3A_278 = arith.constant 0 : i32
      %dma_start3A_279 = arith.constant 0 : i32
      %dma_start3A_280 = tpu.memref_slice %arg2[%dma_start3A_278, %dma_start3A_279] : memref<10000x128xf32, #tpu.memory_space<hbm>> -> memref<10000x128xf32, #tpu.memory_space<hbm>>
      tpu.enqueue_indirect_dma source(%dma_start3A_280 : memref<10000x128xf32, #tpu.memory_space<hbm>>) target(%arg5 : memref<128x128xf32, #tpu.memory_space<vmem>>) offsets(%dma_start3A_277 : memref<128xi32, #tpu.memory_space<vmem>>) semaphore(%arg12 : memref<!tpu.dma_semaphore, #tpu.memory_space<semaphore_mem>>)
      %mul3A_281 = arith.constant 6 : i32
      %mul3A_282 = arith.muli %while3A_244, %mul3A_281 : i32
      %add3A_283 = arith.constant 1 : i32
      %add3A_284 = arith.addi %mul3A_282, %add3A_283 : i32
      %dma_wait3A_285 = arith.constant 0 : i32
      %dma_wait3A_286 = arith.constant 0 : i32
      %dma_wait3A_287 = tpu.memref_slice %arg2[%dma_wait3A_285, %dma_wait3A_286] : memref<10000x128xf32, #tpu.memory_space<hbm>> -> memref<128x128xf32, #tpu.memory_space<hbm>>
      %dma_wait3A_288 = arith.constant 0 : i32
      %dma_wait3A_289 = arith.constant 0 : i32
      %dma_wait3A_290 = tpu.memref_slice %arg2[%dma_wait3A_288, %dma_wait3A_289] : memref<10000x128xf32, #tpu.memory_space<hbm>> -> memref<128x128xf32, #tpu.memory_space<hbm>>
      tpu.wait_dma2 semaphore(%arg13 : memref<!tpu.dma_semaphore, #tpu.memory_space<semaphore_mem>>) src(%dma_wait3A_290 : memref<128x128xf32, #tpu.memory_space<hbm>>) dst(%arg6 : memref<128x128xf32, #tpu.memory_space<vmem>>)
      %dma_start3A_291 = arith.constant 0 : i32
      %dma_start3A_292 = arith.constant 1 : i32
      %dma_start3A_293 = arith.constant 0 : i32
      %dma_start3A_294 = tpu.memref_slice %arg9[%dma_start3A_291, %dma_start3A_292, %dma_start3A_293] : memref<2x2x128xi32, #tpu.memory_space<vmem>> -> memref<1x1x128xi32, #tpu.memory_space<vmem>>
      %dma_start3A_295 = tpu.memref_squeeze %dma_start3A_294 : memref<1x1x128xi32, #tpu.memory_space<vmem>> -> memref<128xi32, #tpu.memory_space<vmem>>
      %dma_start3A_296 = arith.constant 0 : i32
      %dma_start3A_297 = arith.constant 0 : i32
      %dma_start3A_298 = tpu.memref_slice %arg11[%dma_start3A_296, %dma_start3A_297] : memref<10016x128xf32, #tpu.memory_space<vmem_shared>> -> memref<10016x128xf32, #tpu.memory_space<vmem_shared>>
      tpu.enqueue_indirect_dma source(%arg6 : memref<128x128xf32, #tpu.memory_space<vmem>>) target(%dma_start3A_298 : memref<10016x128xf32, #tpu.memory_space<vmem_shared>>) offsets(%dma_start3A_295 : memref<128xi32, #tpu.memory_space<vmem>>) semaphore(%arg15 : memref<!tpu.dma_semaphore, #tpu.memory_space<semaphore_mem>>) {add = true}
      %add3A_299 = arith.addi %select_n3A, %add3A_284 : i32
      %add3A_300 = arith.constant 3 : i32
      %add3A_301 = arith.addi %add3A_299, %add3A_300 : i32
      %run_scoped3A_302 = arith.constant 1 : i32
      "tpu.region"() ({
        %run_scoped3A_461 = tpu.sem_alloc : memref<!tpu.dma_semaphore, #tpu.memory_space<semaphore_mem>>
        %dma_start3A_462 = arith.constant 0 : i32
        %dma_start3A_463 = arith.constant 0 : i32
        %dma_start3A_464 = tpu.memref_slice %arg9[%run_scoped3A_302, %dma_start3A_462, %dma_start3A_463] : memref<2x2x128xi32, #tpu.memory_space<vmem>> -> memref<1x2x128xi32, #tpu.memory_space<vmem>>
        %dma_start3A_465 = tpu.memref_squeeze %dma_start3A_464 : memref<1x2x128xi32, #tpu.memory_space<vmem>> -> memref<2x128xi32, #tpu.memory_space<vmem>>
        %dma_start3A_466 = arith.constant 0 : i32
        %dma_start3A_467 = arith.constant 0 : i32
        %dma_start3A_468 = tpu.memref_slice %arg3[%add3A_301, %dma_start3A_466, %dma_start3A_467] : memref<2528x2x128xi32, #tpu.memory_space<hbm>> -> memref<1x2x128xi32, #tpu.memory_space<hbm>>
        %dma_start3A_469 = tpu.memref_squeeze %dma_start3A_468 : memref<1x2x128xi32, #tpu.memory_space<hbm>> -> memref<2x128xi32, #tpu.memory_space<hbm>>
        %dma_start3A_470 = arith.constant 0 : i32
        %dma_start3A_471 = arith.constant 0 : i32
        %dma_start3A_472 = tpu.memref_slice %arg9[%run_scoped3A_302, %dma_start3A_470, %dma_start3A_471] : memref<2x2x128xi32, #tpu.memory_space<vmem>> -> memref<1x2x128xi32, #tpu.memory_space<vmem>>
        %dma_start3A_473 = tpu.memref_squeeze %dma_start3A_472 : memref<1x2x128xi32, #tpu.memory_space<vmem>> -> memref<2x128xi32, #tpu.memory_space<vmem>>
        %dma_start3A_474 = arith.constant 0 : i32
        %dma_start3A_475 = arith.constant 0 : i32
        %dma_start3A_476 = tpu.memref_slice %arg3[%add3A_301, %dma_start3A_474, %dma_start3A_475] : memref<2528x2x128xi32, #tpu.memory_space<hbm>> -> memref<1x2x128xi32, #tpu.memory_space<hbm>>
        %dma_start3A_477 = tpu.memref_squeeze %dma_start3A_476 : memref<1x2x128xi32, #tpu.memory_space<hbm>> -> memref<2x128xi32, #tpu.memory_space<hbm>>
        tpu.enqueue_dma source(%dma_start3A_477 : memref<2x128xi32, #tpu.memory_space<hbm>>) target(%dma_start3A_473 : memref<2x128xi32, #tpu.memory_space<vmem>>) target_semaphore(%run_scoped3A_461 : memref<!tpu.dma_semaphore, #tpu.memory_space<semaphore_mem>>)
        %dma_wait3A_478 = arith.constant 0 : i32
        %dma_wait3A_479 = arith.constant 0 : i32
        %dma_wait3A_480 = tpu.memref_slice %arg9[%run_scoped3A_302, %dma_wait3A_478, %dma_wait3A_479] : memref<2x2x128xi32, #tpu.memory_space<vmem>> -> memref<1x2x128xi32, #tpu.memory_space<vmem>>
        %dma_wait3A_481 = tpu.memref_squeeze %dma_wait3A_480 : memref<1x2x128xi32, #tpu.memory_space<vmem>> -> memref<2x128xi32, #tpu.memory_space<vmem>>
        %dma_wait3A_482 = arith.constant 0 : i32
        %dma_wait3A_483 = arith.constant 0 : i32
        %dma_wait3A_484 = tpu.memref_slice %arg3[%add3A_301, %dma_wait3A_482, %dma_wait3A_483] : memref<2528x2x128xi32, #tpu.memory_space<hbm>> -> memref<1x2x128xi32, #tpu.memory_space<hbm>>
        %dma_wait3A_485 = tpu.memref_squeeze %dma_wait3A_484 : memref<1x2x128xi32, #tpu.memory_space<hbm>> -> memref<2x128xi32, #tpu.memory_space<hbm>>
        %dma_wait3A_486 = arith.constant 0 : i32
        %dma_wait3A_487 = arith.constant 0 : i32
        %dma_wait3A_488 = tpu.memref_slice %arg9[%run_scoped3A_302, %dma_wait3A_486, %dma_wait3A_487] : memref<2x2x128xi32, #tpu.memory_space<vmem>> -> memref<1x2x128xi32, #tpu.memory_space<vmem>>
        %dma_wait3A_489 = tpu.memref_squeeze %dma_wait3A_488 : memref<1x2x128xi32, #tpu.memory_space<vmem>> -> memref<2x128xi32, #tpu.memory_space<vmem>>
        %dma_wait3A_490 = arith.constant 0 : i32
        %dma_wait3A_491 = arith.constant 0 : i32
        %dma_wait3A_492 = tpu.memref_slice %arg3[%add3A_301, %dma_wait3A_490, %dma_wait3A_491] : memref<2528x2x128xi32, #tpu.memory_space<hbm>> -> memref<1x2x128xi32, #tpu.memory_space<hbm>>
        %dma_wait3A_493 = tpu.memref_squeeze %dma_wait3A_492 : memref<1x2x128xi32, #tpu.memory_space<hbm>> -> memref<2x128xi32, #tpu.memory_space<hbm>>
        tpu.wait_dma2 semaphore(%run_scoped3A_461 : memref<!tpu.dma_semaphore, #tpu.memory_space<semaphore_mem>>) src(%dma_wait3A_493 : memref<2x128xi32, #tpu.memory_space<hbm>>) dst(%dma_wait3A_489 : memref<2x128xi32, #tpu.memory_space<vmem>>)
        tpu.yield
      }) : () -> ()
      %dma_wait3A_303 = arith.constant 0 : i32
      %dma_wait3A_304 = arith.constant 0 : i32
      %dma_wait3A_305 = tpu.memref_slice %arg2[%dma_wait3A_303, %dma_wait3A_304] : memref<10000x128xf32, #tpu.memory_space<hbm>> -> memref<128x128xf32, #tpu.memory_space<hbm>>
      %dma_wait3A_306 = arith.constant 0 : i32
      %dma_wait3A_307 = arith.constant 0 : i32
      %dma_wait3A_308 = tpu.memref_slice %arg2[%dma_wait3A_306, %dma_wait3A_307] : memref<10000x128xf32, #tpu.memory_space<hbm>> -> memref<128x128xf32, #tpu.memory_space<hbm>>
      tpu.wait_dma2 semaphore(%arg15 : memref<!tpu.dma_semaphore, #tpu.memory_space<semaphore_mem>>) src(%dma_wait3A_308 : memref<128x128xf32, #tpu.memory_space<hbm>>) dst(%arg6 : memref<128x128xf32, #tpu.memory_space<vmem>>)
      %dma_start3A_309 = arith.constant 1 : i32
      %dma_start3A_310 = arith.constant 0 : i32
      %dma_start3A_311 = arith.constant 0 : i32
      %dma_start3A_312 = tpu.memref_slice %arg9[%dma_start3A_309, %dma_start3A_310, %dma_start3A_311] : memref<2x2x128xi32, #tpu.memory_space<vmem>> -> memref<1x1x128xi32, #tpu.memory_space<vmem>>
      %dma_start3A_313 = tpu.memref_squeeze %dma_start3A_312 : memref<1x1x128xi32, #tpu.memory_space<vmem>> -> memref<128xi32, #tpu.memory_space<vmem>>
      %dma_start3A_314 = arith.constant 0 : i32
      %dma_start3A_315 = arith.constant 0 : i32
      %dma_start3A_316 = tpu.memref_slice %arg2[%dma_start3A_314, %dma_start3A_315] : memref<10000x128xf32, #tpu.memory_space<hbm>> -> memref<10000x128xf32, #tpu.memory_space<hbm>>
      tpu.enqueue_indirect_dma source(%dma_start3A_316 : memref<10000x128xf32, #tpu.memory_space<hbm>>) target(%arg6 : memref<128x128xf32, #tpu.memory_space<vmem>>) offsets(%dma_start3A_313 : memref<128xi32, #tpu.memory_space<vmem>>) semaphore(%arg13 : memref<!tpu.dma_semaphore, #tpu.memory_space<semaphore_mem>>)
      %mul3A_317 = arith.constant 6 : i32
      %mul3A_318 = arith.muli %while3A_244, %mul3A_317 : i32
      %add3A_319 = arith.constant 2 : i32
      %add3A_320 = arith.addi %mul3A_318, %add3A_319 : i32
      %dma_wait3A_321 = arith.constant 0 : i32
      %dma_wait3A_322 = arith.constant 0 : i32
      %dma_wait3A_323 = tpu.memref_slice %arg2[%dma_wait3A_321, %dma_wait3A_322] : memref<10000x128xf32, #tpu.memory_space<hbm>> -> memref<128x128xf32, #tpu.memory_space<hbm>>
      %dma_wait3A_324 = arith.constant 0 : i32
      %dma_wait3A_325 = arith.constant 0 : i32
      %dma_wait3A_326 = tpu.memref_slice %arg2[%dma_wait3A_324, %dma_wait3A_325] : memref<10000x128xf32, #tpu.memory_space<hbm>> -> memref<128x128xf32, #tpu.memory_space<hbm>>
      tpu.wait_dma2 semaphore(%arg14 : memref<!tpu.dma_semaphore, #tpu.memory_space<semaphore_mem>>) src(%dma_wait3A_326 : memref<128x128xf32, #tpu.memory_space<hbm>>) dst(%arg7 : memref<128x128xf32, #tpu.memory_space<vmem>>)
      %dma_start3A_327 = arith.constant 0 : i32
      %dma_start3A_328 = arith.constant 1 : i32
      %dma_start3A_329 = arith.constant 0 : i32
      %dma_start3A_330 = tpu.memref_slice %arg10[%dma_start3A_327, %dma_start3A_328, %dma_start3A_329] : memref<2x2x128xi32, #tpu.memory_space<vmem>> -> memref<1x1x128xi32, #tpu.memory_space<vmem>>
      %dma_start3A_331 = tpu.memref_squeeze %dma_start3A_330 : memref<1x1x128xi32, #tpu.memory_space<vmem>> -> memref<128xi32, #tpu.memory_space<vmem>>
      %dma_start3A_332 = arith.constant 0 : i32
      %dma_start3A_333 = arith.constant 0 : i32
      %dma_start3A_334 = tpu.memref_slice %arg11[%dma_start3A_332, %dma_start3A_333] : memref<10016x128xf32, #tpu.memory_space<vmem_shared>> -> memref<10016x128xf32, #tpu.memory_space<vmem_shared>>
      tpu.enqueue_indirect_dma source(%arg7 : memref<128x128xf32, #tpu.memory_space<vmem>>) target(%dma_start3A_334 : memref<10016x128xf32, #tpu.memory_space<vmem_shared>>) offsets(%dma_start3A_331 : memref<128xi32, #tpu.memory_space<vmem>>) semaphore(%arg15 : memref<!tpu.dma_semaphore, #tpu.memory_space<semaphore_mem>>) {add = true}
      %add3A_335 = arith.addi %select_n3A, %add3A_320 : i32
      %add3A_336 = arith.constant 3 : i32
      %add3A_337 = arith.addi %add3A_335, %add3A_336 : i32
      %run_scoped3A_338 = arith.constant 1 : i32
      "tpu.region"() ({
        %run_scoped3A_461 = tpu.sem_alloc : memref<!tpu.dma_semaphore, #tpu.memory_space<semaphore_mem>>
        %dma_start3A_462 = arith.constant 0 : i32
        %dma_start3A_463 = arith.constant 0 : i32
        %dma_start3A_464 = tpu.memref_slice %arg10[%run_scoped3A_338, %dma_start3A_462, %dma_start3A_463] : memref<2x2x128xi32, #tpu.memory_space<vmem>> -> memref<1x2x128xi32, #tpu.memory_space<vmem>>
        %dma_start3A_465 = tpu.memref_squeeze %dma_start3A_464 : memref<1x2x128xi32, #tpu.memory_space<vmem>> -> memref<2x128xi32, #tpu.memory_space<vmem>>
        %dma_start3A_466 = arith.constant 0 : i32
        %dma_start3A_467 = arith.constant 0 : i32
        %dma_start3A_468 = tpu.memref_slice %arg3[%add3A_337, %dma_start3A_466, %dma_start3A_467] : memref<2528x2x128xi32, #tpu.memory_space<hbm>> -> memref<1x2x128xi32, #tpu.memory_space<hbm>>
        %dma_start3A_469 = tpu.memref_squeeze %dma_start3A_468 : memref<1x2x128xi32, #tpu.memory_space<hbm>> -> memref<2x128xi32, #tpu.memory_space<hbm>>
        %dma_start3A_470 = arith.constant 0 : i32
        %dma_start3A_471 = arith.constant 0 : i32
        %dma_start3A_472 = tpu.memref_slice %arg10[%run_scoped3A_338, %dma_start3A_470, %dma_start3A_471] : memref<2x2x128xi32, #tpu.memory_space<vmem>> -> memref<1x2x128xi32, #tpu.memory_space<vmem>>
        %dma_start3A_473 = tpu.memref_squeeze %dma_start3A_472 : memref<1x2x128xi32, #tpu.memory_space<vmem>> -> memref<2x128xi32, #tpu.memory_space<vmem>>
        %dma_start3A_474 = arith.constant 0 : i32
        %dma_start3A_475 = arith.constant 0 : i32
        %dma_start3A_476 = tpu.memref_slice %arg3[%add3A_337, %dma_start3A_474, %dma_start3A_475] : memref<2528x2x128xi32, #tpu.memory_space<hbm>> -> memref<1x2x128xi32, #tpu.memory_space<hbm>>
        %dma_start3A_477 = tpu.memref_squeeze %dma_start3A_476 : memref<1x2x128xi32, #tpu.memory_space<hbm>> -> memref<2x128xi32, #tpu.memory_space<hbm>>
        tpu.enqueue_dma source(%dma_start3A_477 : memref<2x128xi32, #tpu.memory_space<hbm>>) target(%dma_start3A_473 : memref<2x128xi32, #tpu.memory_space<vmem>>) target_semaphore(%run_scoped3A_461 : memref<!tpu.dma_semaphore, #tpu.memory_space<semaphore_mem>>)
        %dma_wait3A_478 = arith.constant 0 : i32
        %dma_wait3A_479 = arith.constant 0 : i32
        %dma_wait3A_480 = tpu.memref_slice %arg10[%run_scoped3A_338, %dma_wait3A_478, %dma_wait3A_479] : memref<2x2x128xi32, #tpu.memory_space<vmem>> -> memref<1x2x128xi32, #tpu.memory_space<vmem>>
        %dma_wait3A_481 = tpu.memref_squeeze %dma_wait3A_480 : memref<1x2x128xi32, #tpu.memory_space<vmem>> -> memref<2x128xi32, #tpu.memory_space<vmem>>
        %dma_wait3A_482 = arith.constant 0 : i32
        %dma_wait3A_483 = arith.constant 0 : i32
        %dma_wait3A_484 = tpu.memref_slice %arg3[%add3A_337, %dma_wait3A_482, %dma_wait3A_483] : memref<2528x2x128xi32, #tpu.memory_space<hbm>> -> memref<1x2x128xi32, #tpu.memory_space<hbm>>
        %dma_wait3A_485 = tpu.memref_squeeze %dma_wait3A_484 : memref<1x2x128xi32, #tpu.memory_space<hbm>> -> memref<2x128xi32, #tpu.memory_space<hbm>>
        %dma_wait3A_486 = arith.constant 0 : i32
        %dma_wait3A_487 = arith.constant 0 : i32
        %dma_wait3A_488 = tpu.memref_slice %arg10[%run_scoped3A_338, %dma_wait3A_486, %dma_wait3A_487] : memref<2x2x128xi32, #tpu.memory_space<vmem>> -> memref<1x2x128xi32, #tpu.memory_space<vmem>>
        %dma_wait3A_489 = tpu.memref_squeeze %dma_wait3A_488 : memref<1x2x128xi32, #tpu.memory_space<vmem>> -> memref<2x128xi32, #tpu.memory_space<vmem>>
        %dma_wait3A_490 = arith.constant 0 : i32
        %dma_wait3A_491 = arith.constant 0 : i32
        %dma_wait3A_492 = tpu.memref_slice %arg3[%add3A_337, %dma_wait3A_490, %dma_wait3A_491] : memref<2528x2x128xi32, #tpu.memory_space<hbm>> -> memref<1x2x128xi32, #tpu.memory_space<hbm>>
        %dma_wait3A_493 = tpu.memref_squeeze %dma_wait3A_492 : memref<1x2x128xi32, #tpu.memory_space<hbm>> -> memref<2x128xi32, #tpu.memory_space<hbm>>
        tpu.wait_dma2 semaphore(%run_scoped3A_461 : memref<!tpu.dma_semaphore, #tpu.memory_space<semaphore_mem>>) src(%dma_wait3A_493 : memref<2x128xi32, #tpu.memory_space<hbm>>) dst(%dma_wait3A_489 : memref<2x128xi32, #tpu.memory_space<vmem>>)
        tpu.yield
      }) : () -> ()
      %dma_wait3A_339 = arith.constant 0 : i32
      %dma_wait3A_340 = arith.constant 0 : i32
      %dma_wait3A_341 = tpu.memref_slice %arg2[%dma_wait3A_339, %dma_wait3A_340] : memref<10000x128xf32, #tpu.memory_space<hbm>> -> memref<128x128xf32, #tpu.memory_space<hbm>>
      %dma_wait3A_342 = arith.constant 0 : i32
      %dma_wait3A_343 = arith.constant 0 : i32
      %dma_wait3A_344 = tpu.memref_slice %arg2[%dma_wait3A_342, %dma_wait3A_343] : memref<10000x128xf32, #tpu.memory_space<hbm>> -> memref<128x128xf32, #tpu.memory_space<hbm>>
      tpu.wait_dma2 semaphore(%arg15 : memref<!tpu.dma_semaphore, #tpu.memory_space<semaphore_mem>>) src(%dma_wait3A_344 : memref<128x128xf32, #tpu.memory_space<hbm>>) dst(%arg7 : memref<128x128xf32, #tpu.memory_space<vmem>>)
      %dma_start3A_345 = arith.constant 1 : i32
      %dma_start3A_346 = arith.constant 0 : i32
      %dma_start3A_347 = arith.constant 0 : i32
      %dma_start3A_348 = tpu.memref_slice %arg10[%dma_start3A_345, %dma_start3A_346, %dma_start3A_347] : memref<2x2x128xi32, #tpu.memory_space<vmem>> -> memref<1x1x128xi32, #tpu.memory_space<vmem>>
      %dma_start3A_349 = tpu.memref_squeeze %dma_start3A_348 : memref<1x1x128xi32, #tpu.memory_space<vmem>> -> memref<128xi32, #tpu.memory_space<vmem>>
      %dma_start3A_350 = arith.constant 0 : i32
      %dma_start3A_351 = arith.constant 0 : i32
      %dma_start3A_352 = tpu.memref_slice %arg2[%dma_start3A_350, %dma_start3A_351] : memref<10000x128xf32, #tpu.memory_space<hbm>> -> memref<10000x128xf32, #tpu.memory_space<hbm>>
      tpu.enqueue_indirect_dma source(%dma_start3A_352 : memref<10000x128xf32, #tpu.memory_space<hbm>>) target(%arg7 : memref<128x128xf32, #tpu.memory_space<vmem>>) offsets(%dma_start3A_349 : memref<128xi32, #tpu.memory_space<vmem>>) semaphore(%arg14 : memref<!tpu.dma_semaphore, #tpu.memory_space<semaphore_mem>>)
      %mul3A_353 = arith.constant 6 : i32
      %mul3A_354 = arith.muli %while3A_244, %mul3A_353 : i32
      %add3A_355 = arith.constant 3 : i32
      %add3A_356 = arith.addi %mul3A_354, %add3A_355 : i32
      %dma_wait3A_357 = arith.constant 0 : i32
      %dma_wait3A_358 = arith.constant 0 : i32
      %dma_wait3A_359 = tpu.memref_slice %arg2[%dma_wait3A_357, %dma_wait3A_358] : memref<10000x128xf32, #tpu.memory_space<hbm>> -> memref<128x128xf32, #tpu.memory_space<hbm>>
      %dma_wait3A_360 = arith.constant 0 : i32
      %dma_wait3A_361 = arith.constant 0 : i32
      %dma_wait3A_362 = tpu.memref_slice %arg2[%dma_wait3A_360, %dma_wait3A_361] : memref<10000x128xf32, #tpu.memory_space<hbm>> -> memref<128x128xf32, #tpu.memory_space<hbm>>
      tpu.wait_dma2 semaphore(%arg12 : memref<!tpu.dma_semaphore, #tpu.memory_space<semaphore_mem>>) src(%dma_wait3A_362 : memref<128x128xf32, #tpu.memory_space<hbm>>) dst(%arg5 : memref<128x128xf32, #tpu.memory_space<vmem>>)
      %dma_start3A_363 = arith.constant 1 : i32
      %dma_start3A_364 = arith.constant 1 : i32
      %dma_start3A_365 = arith.constant 0 : i32
      %dma_start3A_366 = tpu.memref_slice %arg8[%dma_start3A_363, %dma_start3A_364, %dma_start3A_365] : memref<2x2x128xi32, #tpu.memory_space<vmem>> -> memref<1x1x128xi32, #tpu.memory_space<vmem>>
      %dma_start3A_367 = tpu.memref_squeeze %dma_start3A_366 : memref<1x1x128xi32, #tpu.memory_space<vmem>> -> memref<128xi32, #tpu.memory_space<vmem>>
      %dma_start3A_368 = arith.constant 0 : i32
      %dma_start3A_369 = arith.constant 0 : i32
      %dma_start3A_370 = tpu.memref_slice %arg11[%dma_start3A_368, %dma_start3A_369] : memref<10016x128xf32, #tpu.memory_space<vmem_shared>> -> memref<10016x128xf32, #tpu.memory_space<vmem_shared>>
      tpu.enqueue_indirect_dma source(%arg5 : memref<128x128xf32, #tpu.memory_space<vmem>>) target(%dma_start3A_370 : memref<10016x128xf32, #tpu.memory_space<vmem_shared>>) offsets(%dma_start3A_367 : memref<128xi32, #tpu.memory_space<vmem>>) semaphore(%arg15 : memref<!tpu.dma_semaphore, #tpu.memory_space<semaphore_mem>>) {add = true}
      %add3A_371 = arith.addi %select_n3A, %add3A_356 : i32
      %add3A_372 = arith.constant 3 : i32
      %add3A_373 = arith.addi %add3A_371, %add3A_372 : i32
      %run_scoped3A_374 = arith.constant 0 : i32
      "tpu.region"() ({
        %run_scoped3A_461 = tpu.sem_alloc : memref<!tpu.dma_semaphore, #tpu.memory_space<semaphore_mem>>
        %dma_start3A_462 = arith.constant 0 : i32
        %dma_start3A_463 = arith.constant 0 : i32
        %dma_start3A_464 = tpu.memref_slice %arg8[%run_scoped3A_374, %dma_start3A_462, %dma_start3A_463] : memref<2x2x128xi32, #tpu.memory_space<vmem>> -> memref<1x2x128xi32, #tpu.memory_space<vmem>>
        %dma_start3A_465 = tpu.memref_squeeze %dma_start3A_464 : memref<1x2x128xi32, #tpu.memory_space<vmem>> -> memref<2x128xi32, #tpu.memory_space<vmem>>
        %dma_start3A_466 = arith.constant 0 : i32
        %dma_start3A_467 = arith.constant 0 : i32
        %dma_start3A_468 = tpu.memref_slice %arg3[%add3A_373, %dma_start3A_466, %dma_start3A_467] : memref<2528x2x128xi32, #tpu.memory_space<hbm>> -> memref<1x2x128xi32, #tpu.memory_space<hbm>>
        %dma_start3A_469 = tpu.memref_squeeze %dma_start3A_468 : memref<1x2x128xi32, #tpu.memory_space<hbm>> -> memref<2x128xi32, #tpu.memory_space<hbm>>
        %dma_start3A_470 = arith.constant 0 : i32
        %dma_start3A_471 = arith.constant 0 : i32
        %dma_start3A_472 = tpu.memref_slice %arg8[%run_scoped3A_374, %dma_start3A_470, %dma_start3A_471] : memref<2x2x128xi32, #tpu.memory_space<vmem>> -> memref<1x2x128xi32, #tpu.memory_space<vmem>>
        %dma_start3A_473 = tpu.memref_squeeze %dma_start3A_472 : memref<1x2x128xi32, #tpu.memory_space<vmem>> -> memref<2x128xi32, #tpu.memory_space<vmem>>
        %dma_start3A_474 = arith.constant 0 : i32
        %dma_start3A_475 = arith.constant 0 : i32
        %dma_start3A_476 = tpu.memref_slice %arg3[%add3A_373, %dma_start3A_474, %dma_start3A_475] : memref<2528x2x128xi32, #tpu.memory_space<hbm>> -> memref<1x2x128xi32, #tpu.memory_space<hbm>>
        %dma_start3A_477 = tpu.memref_squeeze %dma_start3A_476 : memref<1x2x128xi32, #tpu.memory_space<hbm>> -> memref<2x128xi32, #tpu.memory_space<hbm>>
        tpu.enqueue_dma source(%dma_start3A_477 : memref<2x128xi32, #tpu.memory_space<hbm>>) target(%dma_start3A_473 : memref<2x128xi32, #tpu.memory_space<vmem>>) target_semaphore(%run_scoped3A_461 : memref<!tpu.dma_semaphore, #tpu.memory_space<semaphore_mem>>)
        %dma_wait3A_478 = arith.constant 0 : i32
        %dma_wait3A_479 = arith.constant 0 : i32
        %dma_wait3A_480 = tpu.memref_slice %arg8[%run_scoped3A_374, %dma_wait3A_478, %dma_wait3A_479] : memref<2x2x128xi32, #tpu.memory_space<vmem>> -> memref<1x2x128xi32, #tpu.memory_space<vmem>>
        %dma_wait3A_481 = tpu.memref_squeeze %dma_wait3A_480 : memref<1x2x128xi32, #tpu.memory_space<vmem>> -> memref<2x128xi32, #tpu.memory_space<vmem>>
        %dma_wait3A_482 = arith.constant 0 : i32
        %dma_wait3A_483 = arith.constant 0 : i32
        %dma_wait3A_484 = tpu.memref_slice %arg3[%add3A_373, %dma_wait3A_482, %dma_wait3A_483] : memref<2528x2x128xi32, #tpu.memory_space<hbm>> -> memref<1x2x128xi32, #tpu.memory_space<hbm>>
        %dma_wait3A_485 = tpu.memref_squeeze %dma_wait3A_484 : memref<1x2x128xi32, #tpu.memory_space<hbm>> -> memref<2x128xi32, #tpu.memory_space<hbm>>
        %dma_wait3A_486 = arith.constant 0 : i32
        %dma_wait3A_487 = arith.constant 0 : i32
        %dma_wait3A_488 = tpu.memref_slice %arg8[%run_scoped3A_374, %dma_wait3A_486, %dma_wait3A_487] : memref<2x2x128xi32, #tpu.memory_space<vmem>> -> memref<1x2x128xi32, #tpu.memory_space<vmem>>
        %dma_wait3A_489 = tpu.memref_squeeze %dma_wait3A_488 : memref<1x2x128xi32, #tpu.memory_space<vmem>> -> memref<2x128xi32, #tpu.memory_space<vmem>>
        %dma_wait3A_490 = arith.constant 0 : i32
        %dma_wait3A_491 = arith.constant 0 : i32
        %dma_wait3A_492 = tpu.memref_slice %arg3[%add3A_373, %dma_wait3A_490, %dma_wait3A_491] : memref<2528x2x128xi32, #tpu.memory_space<hbm>> -> memref<1x2x128xi32, #tpu.memory_space<hbm>>
        %dma_wait3A_493 = tpu.memref_squeeze %dma_wait3A_492 : memref<1x2x128xi32, #tpu.memory_space<hbm>> -> memref<2x128xi32, #tpu.memory_space<hbm>>
        tpu.wait_dma2 semaphore(%run_scoped3A_461 : memref<!tpu.dma_semaphore, #tpu.memory_space<semaphore_mem>>) src(%dma_wait3A_493 : memref<2x128xi32, #tpu.memory_space<hbm>>) dst(%dma_wait3A_489 : memref<2x128xi32, #tpu.memory_space<vmem>>)
        tpu.yield
      }) : () -> ()
      %dma_wait3A_375 = arith.constant 0 : i32
      %dma_wait3A_376 = arith.constant 0 : i32
      %dma_wait3A_377 = tpu.memref_slice %arg2[%dma_wait3A_375, %dma_wait3A_376] : memref<10000x128xf32, #tpu.memory_space<hbm>> -> memref<128x128xf32, #tpu.memory_space<hbm>>
      %dma_wait3A_378 = arith.constant 0 : i32
      %dma_wait3A_379 = arith.constant 0 : i32
      %dma_wait3A_380 = tpu.memref_slice %arg2[%dma_wait3A_378, %dma_wait3A_379] : memref<10000x128xf32, #tpu.memory_space<hbm>> -> memref<128x128xf32, #tpu.memory_space<hbm>>
      tpu.wait_dma2 semaphore(%arg15 : memref<!tpu.dma_semaphore, #tpu.memory_space<semaphore_mem>>) src(%dma_wait3A_380 : memref<128x128xf32, #tpu.memory_space<hbm>>) dst(%arg5 : memref<128x128xf32, #tpu.memory_space<vmem>>)
      %dma_start3A_381 = arith.constant 0 : i32
      %dma_start3A_382 = arith.constant 0 : i32
      %dma_start3A_383 = arith.constant 0 : i32
      %dma_start3A_384 = tpu.memref_slice %arg8[%dma_start3A_381, %dma_start3A_382, %dma_start3A_383] : memref<2x2x128xi32, #tpu.memory_space<vmem>> -> memref<1x1x128xi32, #tpu.memory_space<vmem>>
      %dma_start3A_385 = tpu.memref_squeeze %dma_start3A_384 : memref<1x1x128xi32, #tpu.memory_space<vmem>> -> memref<128xi32, #tpu.memory_space<vmem>>
      %dma_start3A_386 = arith.constant 0 : i32
      %dma_start3A_387 = arith.constant 0 : i32
      %dma_start3A_388 = tpu.memref_slice %arg2[%dma_start3A_386, %dma_start3A_387] : memref<10000x128xf32, #tpu.memory_space<hbm>> -> memref<10000x128xf32, #tpu.memory_space<hbm>>
      tpu.enqueue_indirect_dma source(%dma_start3A_388 : memref<10000x128xf32, #tpu.memory_space<hbm>>) target(%arg5 : memref<128x128xf32, #tpu.memory_space<vmem>>) offsets(%dma_start3A_385 : memref<128xi32, #tpu.memory_space<vmem>>) semaphore(%arg12 : memref<!tpu.dma_semaphore, #tpu.memory_space<semaphore_mem>>)
      %mul3A_389 = arith.constant 6 : i32
      %mul3A_390 = arith.muli %while3A_244, %mul3A_389 : i32
      %add3A_391 = arith.constant 4 : i32
      %add3A_392 = arith.addi %mul3A_390, %add3A_391 : i32
      %dma_wait3A_393 = arith.constant 0 : i32
      %dma_wait3A_394 = arith.constant 0 : i32
      %dma_wait3A_395 = tpu.memref_slice %arg2[%dma_wait3A_393, %dma_wait3A_394] : memref<10000x128xf32, #tpu.memory_space<hbm>> -> memref<128x128xf32, #tpu.memory_space<hbm>>
      %dma_wait3A_396 = arith.constant 0 : i32
      %dma_wait3A_397 = arith.constant 0 : i32
      %dma_wait3A_398 = tpu.memref_slice %arg2[%dma_wait3A_396, %dma_wait3A_397] : memref<10000x128xf32, #tpu.memory_space<hbm>> -> memref<128x128xf32, #tpu.memory_space<hbm>>
      tpu.wait_dma2 semaphore(%arg13 : memref<!tpu.dma_semaphore, #tpu.memory_space<semaphore_mem>>) src(%dma_wait3A_398 : memref<128x128xf32, #tpu.memory_space<hbm>>) dst(%arg6 : memref<128x128xf32, #tpu.memory_space<vmem>>)
      %dma_start3A_399 = arith.constant 1 : i32
      %dma_start3A_400 = arith.constant 1 : i32
      %dma_start3A_401 = arith.constant 0 : i32
      %dma_start3A_402 = tpu.memref_slice %arg9[%dma_start3A_399, %dma_start3A_400, %dma_start3A_401] : memref<2x2x128xi32, #tpu.memory_space<vmem>> -> memref<1x1x128xi32, #tpu.memory_space<vmem>>
      %dma_start3A_403 = tpu.memref_squeeze %dma_start3A_402 : memref<1x1x128xi32, #tpu.memory_space<vmem>> -> memref<128xi32, #tpu.memory_space<vmem>>
      %dma_start3A_404 = arith.constant 0 : i32
      %dma_start3A_405 = arith.constant 0 : i32
      %dma_start3A_406 = tpu.memref_slice %arg11[%dma_start3A_404, %dma_start3A_405] : memref<10016x128xf32, #tpu.memory_space<vmem_shared>> -> memref<10016x128xf32, #tpu.memory_space<vmem_shared>>
      tpu.enqueue_indirect_dma source(%arg6 : memref<128x128xf32, #tpu.memory_space<vmem>>) target(%dma_start3A_406 : memref<10016x128xf32, #tpu.memory_space<vmem_shared>>) offsets(%dma_start3A_403 : memref<128xi32, #tpu.memory_space<vmem>>) semaphore(%arg15 : memref<!tpu.dma_semaphore, #tpu.memory_space<semaphore_mem>>) {add = true}
      %add3A_407 = arith.addi %select_n3A, %add3A_392 : i32
      %add3A_408 = arith.constant 3 : i32
      %add3A_409 = arith.addi %add3A_407, %add3A_408 : i32
      %run_scoped3A_410 = arith.constant 0 : i32
      "tpu.region"() ({
        %run_scoped3A_461 = tpu.sem_alloc : memref<!tpu.dma_semaphore, #tpu.memory_space<semaphore_mem>>
        %dma_start3A_462 = arith.constant 0 : i32
        %dma_start3A_463 = arith.constant 0 : i32
        %dma_start3A_464 = tpu.memref_slice %arg9[%run_scoped3A_410, %dma_start3A_462, %dma_start3A_463] : memref<2x2x128xi32, #tpu.memory_space<vmem>> -> memref<1x2x128xi32, #tpu.memory_space<vmem>>
        %dma_start3A_465 = tpu.memref_squeeze %dma_start3A_464 : memref<1x2x128xi32, #tpu.memory_space<vmem>> -> memref<2x128xi32, #tpu.memory_space<vmem>>
        %dma_start3A_466 = arith.constant 0 : i32
        %dma_start3A_467 = arith.constant 0 : i32
        %dma_start3A_468 = tpu.memref_slice %arg3[%add3A_409, %dma_start3A_466, %dma_start3A_467] : memref<2528x2x128xi32, #tpu.memory_space<hbm>> -> memref<1x2x128xi32, #tpu.memory_space<hbm>>
        %dma_start3A_469 = tpu.memref_squeeze %dma_start3A_468 : memref<1x2x128xi32, #tpu.memory_space<hbm>> -> memref<2x128xi32, #tpu.memory_space<hbm>>
        %dma_start3A_470 = arith.constant 0 : i32
        %dma_start3A_471 = arith.constant 0 : i32
        %dma_start3A_472 = tpu.memref_slice %arg9[%run_scoped3A_410, %dma_start3A_470, %dma_start3A_471] : memref<2x2x128xi32, #tpu.memory_space<vmem>> -> memref<1x2x128xi32, #tpu.memory_space<vmem>>
        %dma_start3A_473 = tpu.memref_squeeze %dma_start3A_472 : memref<1x2x128xi32, #tpu.memory_space<vmem>> -> memref<2x128xi32, #tpu.memory_space<vmem>>
        %dma_start3A_474 = arith.constant 0 : i32
        %dma_start3A_475 = arith.constant 0 : i32
        %dma_start3A_476 = tpu.memref_slice %arg3[%add3A_409, %dma_start3A_474, %dma_start3A_475] : memref<2528x2x128xi32, #tpu.memory_space<hbm>> -> memref<1x2x128xi32, #tpu.memory_space<hbm>>
        %dma_start3A_477 = tpu.memref_squeeze %dma_start3A_476 : memref<1x2x128xi32, #tpu.memory_space<hbm>> -> memref<2x128xi32, #tpu.memory_space<hbm>>
        tpu.enqueue_dma source(%dma_start3A_477 : memref<2x128xi32, #tpu.memory_space<hbm>>) target(%dma_start3A_473 : memref<2x128xi32, #tpu.memory_space<vmem>>) target_semaphore(%run_scoped3A_461 : memref<!tpu.dma_semaphore, #tpu.memory_space<semaphore_mem>>)
        %dma_wait3A_478 = arith.constant 0 : i32
        %dma_wait3A_479 = arith.constant 0 : i32
        %dma_wait3A_480 = tpu.memref_slice %arg9[%run_scoped3A_410, %dma_wait3A_478, %dma_wait3A_479] : memref<2x2x128xi32, #tpu.memory_space<vmem>> -> memref<1x2x128xi32, #tpu.memory_space<vmem>>
        %dma_wait3A_481 = tpu.memref_squeeze %dma_wait3A_480 : memref<1x2x128xi32, #tpu.memory_space<vmem>> -> memref<2x128xi32, #tpu.memory_space<vmem>>
        %dma_wait3A_482 = arith.constant 0 : i32
        %dma_wait3A_483 = arith.constant 0 : i32
        %dma_wait3A_484 = tpu.memref_slice %arg3[%add3A_409, %dma_wait3A_482, %dma_wait3A_483] : memref<2528x2x128xi32, #tpu.memory_space<hbm>> -> memref<1x2x128xi32, #tpu.memory_space<hbm>>
        %dma_wait3A_485 = tpu.memref_squeeze %dma_wait3A_484 : memref<1x2x128xi32, #tpu.memory_space<hbm>> -> memref<2x128xi32, #tpu.memory_space<hbm>>
        %dma_wait3A_486 = arith.constant 0 : i32
        %dma_wait3A_487 = arith.constant 0 : i32
        %dma_wait3A_488 = tpu.memref_slice %arg9[%run_scoped3A_410, %dma_wait3A_486, %dma_wait3A_487] : memref<2x2x128xi32, #tpu.memory_space<vmem>> -> memref<1x2x128xi32, #tpu.memory_space<vmem>>
        %dma_wait3A_489 = tpu.memref_squeeze %dma_wait3A_488 : memref<1x2x128xi32, #tpu.memory_space<vmem>> -> memref<2x128xi32, #tpu.memory_space<vmem>>
        %dma_wait3A_490 = arith.constant 0 : i32
        %dma_wait3A_491 = arith.constant 0 : i32
        %dma_wait3A_492 = tpu.memref_slice %arg3[%add3A_409, %dma_wait3A_490, %dma_wait3A_491] : memref<2528x2x128xi32, #tpu.memory_space<hbm>> -> memref<1x2x128xi32, #tpu.memory_space<hbm>>
        %dma_wait3A_493 = tpu.memref_squeeze %dma_wait3A_492 : memref<1x2x128xi32, #tpu.memory_space<hbm>> -> memref<2x128xi32, #tpu.memory_space<hbm>>
        tpu.wait_dma2 semaphore(%run_scoped3A_461 : memref<!tpu.dma_semaphore, #tpu.memory_space<semaphore_mem>>) src(%dma_wait3A_493 : memref<2x128xi32, #tpu.memory_space<hbm>>) dst(%dma_wait3A_489 : memref<2x128xi32, #tpu.memory_space<vmem>>)
        tpu.yield
      }) : () -> ()
      %dma_wait3A_411 = arith.constant 0 : i32
      %dma_wait3A_412 = arith.constant 0 : i32
      %dma_wait3A_413 = tpu.memref_slice %arg2[%dma_wait3A_411, %dma_wait3A_412] : memref<10000x128xf32, #tpu.memory_space<hbm>> -> memref<128x128xf32, #tpu.memory_space<hbm>>
      %dma_wait3A_414 = arith.constant 0 : i32
      %dma_wait3A_415 = arith.constant 0 : i32
      %dma_wait3A_416 = tpu.memref_slice %arg2[%dma_wait3A_414, %dma_wait3A_415] : memref<10000x128xf32, #tpu.memory_space<hbm>> -> memref<128x128xf32, #tpu.memory_space<hbm>>
      tpu.wait_dma2 semaphore(%arg15 : memref<!tpu.dma_semaphore, #tpu.memory_space<semaphore_mem>>) src(%dma_wait3A_416 : memref<128x128xf32, #tpu.memory_space<hbm>>) dst(%arg6 : memref<128x128xf32, #tpu.memory_space<vmem>>)
      %dma_start3A_417 = arith.constant 0 : i32
      %dma_start3A_418 = arith.constant 0 : i32
      %dma_start3A_419 = arith.constant 0 : i32
      %dma_start3A_420 = tpu.memref_slice %arg9[%dma_start3A_417, %dma_start3A_418, %dma_start3A_419] : memref<2x2x128xi32, #tpu.memory_space<vmem>> -> memref<1x1x128xi32, #tpu.memory_space<vmem>>
      %dma_start3A_421 = tpu.memref_squeeze %dma_start3A_420 : memref<1x1x128xi32, #tpu.memory_space<vmem>> -> memref<128xi32, #tpu.memory_space<vmem>>
      %dma_start3A_422 = arith.constant 0 : i32
      %dma_start3A_423 = arith.constant 0 : i32
      %dma_start3A_424 = tpu.memref_slice %arg2[%dma_start3A_422, %dma_start3A_423] : memref<10000x128xf32, #tpu.memory_space<hbm>> -> memref<10000x128xf32, #tpu.memory_space<hbm>>
      tpu.enqueue_indirect_dma source(%dma_start3A_424 : memref<10000x128xf32, #tpu.memory_space<hbm>>) target(%arg6 : memref<128x128xf32, #tpu.memory_space<vmem>>) offsets(%dma_start3A_421 : memref<128xi32, #tpu.memory_space<vmem>>) semaphore(%arg13 : memref<!tpu.dma_semaphore, #tpu.memory_space<semaphore_mem>>)
      %mul3A_425 = arith.constant 6 : i32
      %mul3A_426 = arith.muli %while3A_244, %mul3A_425 : i32
      %add3A_427 = arith.constant 5 : i32
      %add3A_428 = arith.addi %mul3A_426, %add3A_427 : i32
      %dma_wait3A_429 = arith.constant 0 : i32
      %dma_wait3A_430 = arith.constant 0 : i32
      %dma_wait3A_431 = tpu.memref_slice %arg2[%dma_wait3A_429, %dma_wait3A_430] : memref<10000x128xf32, #tpu.memory_space<hbm>> -> memref<128x128xf32, #tpu.memory_space<hbm>>
      %dma_wait3A_432 = arith.constant 0 : i32
      %dma_wait3A_433 = arith.constant 0 : i32
      %dma_wait3A_434 = tpu.memref_slice %arg2[%dma_wait3A_432, %dma_wait3A_433] : memref<10000x128xf32, #tpu.memory_space<hbm>> -> memref<128x128xf32, #tpu.memory_space<hbm>>
      tpu.wait_dma2 semaphore(%arg14 : memref<!tpu.dma_semaphore, #tpu.memory_space<semaphore_mem>>) src(%dma_wait3A_434 : memref<128x128xf32, #tpu.memory_space<hbm>>) dst(%arg7 : memref<128x128xf32, #tpu.memory_space<vmem>>)
      %dma_start3A_435 = arith.constant 1 : i32
      %dma_start3A_436 = arith.constant 1 : i32
      %dma_start3A_437 = arith.constant 0 : i32
      %dma_start3A_438 = tpu.memref_slice %arg10[%dma_start3A_435, %dma_start3A_436, %dma_start3A_437] : memref<2x2x128xi32, #tpu.memory_space<vmem>> -> memref<1x1x128xi32, #tpu.memory_space<vmem>>
      %dma_start3A_439 = tpu.memref_squeeze %dma_start3A_438 : memref<1x1x128xi32, #tpu.memory_space<vmem>> -> memref<128xi32, #tpu.memory_space<vmem>>
      %dma_start3A_440 = arith.constant 0 : i32
      %dma_start3A_441 = arith.constant 0 : i32
      %dma_start3A_442 = tpu.memref_slice %arg11[%dma_start3A_440, %dma_start3A_441] : memref<10016x128xf32, #tpu.memory_space<vmem_shared>> -> memref<10016x128xf32, #tpu.memory_space<vmem_shared>>
      tpu.enqueue_indirect_dma source(%arg7 : memref<128x128xf32, #tpu.memory_space<vmem>>) target(%dma_start3A_442 : memref<10016x128xf32, #tpu.memory_space<vmem_shared>>) offsets(%dma_start3A_439 : memref<128xi32, #tpu.memory_space<vmem>>) semaphore(%arg15 : memref<!tpu.dma_semaphore, #tpu.memory_space<semaphore_mem>>) {add = true}
      %add3A_443 = arith.addi %select_n3A, %add3A_428 : i32
      %add3A_444 = arith.constant 3 : i32
      %add3A_445 = arith.addi %add3A_443, %add3A_444 : i32
      %run_scoped3A_446 = arith.constant 0 : i32
      "tpu.region"() ({
        %run_scoped3A_461 = tpu.sem_alloc : memref<!tpu.dma_semaphore, #tpu.memory_space<semaphore_mem>>
        %dma_start3A_462 = arith.constant 0 : i32
        %dma_start3A_463 = arith.constant 0 : i32
        %dma_start3A_464 = tpu.memref_slice %arg10[%run_scoped3A_446, %dma_start3A_462, %dma_start3A_463] : memref<2x2x128xi32, #tpu.memory_space<vmem>> -> memref<1x2x128xi32, #tpu.memory_space<vmem>>
        %dma_start3A_465 = tpu.memref_squeeze %dma_start3A_464 : memref<1x2x128xi32, #tpu.memory_space<vmem>> -> memref<2x128xi32, #tpu.memory_space<vmem>>
        %dma_start3A_466 = arith.constant 0 : i32
        %dma_start3A_467 = arith.constant 0 : i32
        %dma_start3A_468 = tpu.memref_slice %arg3[%add3A_445, %dma_start3A_466, %dma_start3A_467] : memref<2528x2x128xi32, #tpu.memory_space<hbm>> -> memref<1x2x128xi32, #tpu.memory_space<hbm>>
        %dma_start3A_469 = tpu.memref_squeeze %dma_start3A_468 : memref<1x2x128xi32, #tpu.memory_space<hbm>> -> memref<2x128xi32, #tpu.memory_space<hbm>>
        %dma_start3A_470 = arith.constant 0 : i32
        %dma_start3A_471 = arith.constant 0 : i32
        %dma_start3A_472 = tpu.memref_slice %arg10[%run_scoped3A_446, %dma_start3A_470, %dma_start3A_471] : memref<2x2x128xi32, #tpu.memory_space<vmem>> -> memref<1x2x128xi32, #tpu.memory_space<vmem>>
        %dma_start3A_473 = tpu.memref_squeeze %dma_start3A_472 : memref<1x2x128xi32, #tpu.memory_space<vmem>> -> memref<2x128xi32, #tpu.memory_space<vmem>>
        %dma_start3A_474 = arith.constant 0 : i32
        %dma_start3A_475 = arith.constant 0 : i32
        %dma_start3A_476 = tpu.memref_slice %arg3[%add3A_445, %dma_start3A_474, %dma_start3A_475] : memref<2528x2x128xi32, #tpu.memory_space<hbm>> -> memref<1x2x128xi32, #tpu.memory_space<hbm>>
        %dma_start3A_477 = tpu.memref_squeeze %dma_start3A_476 : memref<1x2x128xi32, #tpu.memory_space<hbm>> -> memref<2x128xi32, #tpu.memory_space<hbm>>
        tpu.enqueue_dma source(%dma_start3A_477 : memref<2x128xi32, #tpu.memory_space<hbm>>) target(%dma_start3A_473 : memref<2x128xi32, #tpu.memory_space<vmem>>) target_semaphore(%run_scoped3A_461 : memref<!tpu.dma_semaphore, #tpu.memory_space<semaphore_mem>>)
        %dma_wait3A_478 = arith.constant 0 : i32
        %dma_wait3A_479 = arith.constant 0 : i32
        %dma_wait3A_480 = tpu.memref_slice %arg10[%run_scoped3A_446, %dma_wait3A_478, %dma_wait3A_479] : memref<2x2x128xi32, #tpu.memory_space<vmem>> -> memref<1x2x128xi32, #tpu.memory_space<vmem>>
        %dma_wait3A_481 = tpu.memref_squeeze %dma_wait3A_480 : memref<1x2x128xi32, #tpu.memory_space<vmem>> -> memref<2x128xi32, #tpu.memory_space<vmem>>
        %dma_wait3A_482 = arith.constant 0 : i32
        %dma_wait3A_483 = arith.constant 0 : i32
        %dma_wait3A_484 = tpu.memref_slice %arg3[%add3A_445, %dma_wait3A_482, %dma_wait3A_483] : memref<2528x2x128xi32, #tpu.memory_space<hbm>> -> memref<1x2x128xi32, #tpu.memory_space<hbm>>
        %dma_wait3A_485 = tpu.memref_squeeze %dma_wait3A_484 : memref<1x2x128xi32, #tpu.memory_space<hbm>> -> memref<2x128xi32, #tpu.memory_space<hbm>>
        %dma_wait3A_486 = arith.constant 0 : i32
        %dma_wait3A_487 = arith.constant 0 : i32
        %dma_wait3A_488 = tpu.memref_slice %arg10[%run_scoped3A_446, %dma_wait3A_486, %dma_wait3A_487] : memref<2x2x128xi32, #tpu.memory_space<vmem>> -> memref<1x2x128xi32, #tpu.memory_space<vmem>>
        %dma_wait3A_489 = tpu.memref_squeeze %dma_wait3A_488 : memref<1x2x128xi32, #tpu.memory_space<vmem>> -> memref<2x128xi32, #tpu.memory_space<vmem>>
        %dma_wait3A_490 = arith.constant 0 : i32
        %dma_wait3A_491 = arith.constant 0 : i32
        %dma_wait3A_492 = tpu.memref_slice %arg3[%add3A_445, %dma_wait3A_490, %dma_wait3A_491] : memref<2528x2x128xi32, #tpu.memory_space<hbm>> -> memref<1x2x128xi32, #tpu.memory_space<hbm>>
        %dma_wait3A_493 = tpu.memref_squeeze %dma_wait3A_492 : memref<1x2x128xi32, #tpu.memory_space<hbm>> -> memref<2x128xi32, #tpu.memory_space<hbm>>
        tpu.wait_dma2 semaphore(%run_scoped3A_461 : memref<!tpu.dma_semaphore, #tpu.memory_space<semaphore_mem>>) src(%dma_wait3A_493 : memref<2x128xi32, #tpu.memory_space<hbm>>) dst(%dma_wait3A_489 : memref<2x128xi32, #tpu.memory_space<vmem>>)
        tpu.yield
      }) : () -> ()
      %dma_wait3A_447 = arith.constant 0 : i32
      %dma_wait3A_448 = arith.constant 0 : i32
      %dma_wait3A_449 = tpu.memref_slice %arg2[%dma_wait3A_447, %dma_wait3A_448] : memref<10000x128xf32, #tpu.memory_space<hbm>> -> memref<128x128xf32, #tpu.memory_space<hbm>>
      %dma_wait3A_450 = arith.constant 0 : i32
      %dma_wait3A_451 = arith.constant 0 : i32
      %dma_wait3A_452 = tpu.memref_slice %arg2[%dma_wait3A_450, %dma_wait3A_451] : memref<10000x128xf32, #tpu.memory_space<hbm>> -> memref<128x128xf32, #tpu.memory_space<hbm>>
      tpu.wait_dma2 semaphore(%arg15 : memref<!tpu.dma_semaphore, #tpu.memory_space<semaphore_mem>>) src(%dma_wait3A_452 : memref<128x128xf32, #tpu.memory_space<hbm>>) dst(%arg7 : memref<128x128xf32, #tpu.memory_space<vmem>>)
      %dma_start3A_453 = arith.constant 0 : i32
      %dma_start3A_454 = arith.constant 0 : i32
      %dma_start3A_455 = arith.constant 0 : i32
      %dma_start3A_456 = tpu.memref_slice %arg10[%dma_start3A_453, %dma_start3A_454, %dma_start3A_455] : memref<2x2x128xi32, #tpu.memory_space<vmem>> -> memref<1x1x128xi32, #tpu.memory_space<vmem>>
      %dma_start3A_457 = tpu.memref_squeeze %dma_start3A_456 : memref<1x1x128xi32, #tpu.memory_space<vmem>> -> memref<128xi32, #tpu.memory_space<vmem>>
      %dma_start3A_458 = arith.constant 0 : i32
      %dma_start3A_459 = arith.constant 0 : i32
      %dma_start3A_460 = tpu.memref_slice %arg2[%dma_start3A_458, %dma_start3A_459] : memref<10000x128xf32, #tpu.memory_space<hbm>> -> memref<10000x128xf32, #tpu.memory_space<hbm>>
      tpu.enqueue_indirect_dma source(%dma_start3A_460 : memref<10000x128xf32, #tpu.memory_space<hbm>>) target(%arg7 : memref<128x128xf32, #tpu.memory_space<vmem>>) offsets(%dma_start3A_457 : memref<128xi32, #tpu.memory_space<vmem>>) semaphore(%arg14 : memref<!tpu.dma_semaphore, #tpu.memory_space<semaphore_mem>>)
    }
    %dma_wait3A = arith.constant 0 : i32
    %dma_wait3A_78 = arith.constant 0 : i32
    %dma_wait3A_79 = tpu.memref_slice %arg2[%dma_wait3A, %dma_wait3A_78] : memref<10000x128xf32, #tpu.memory_space<hbm>> -> memref<128x128xf32, #tpu.memory_space<hbm>>
    %dma_wait3A_80 = arith.constant 0 : i32
    %dma_wait3A_81 = arith.constant 0 : i32
    %dma_wait3A_82 = tpu.memref_slice %arg2[%dma_wait3A_80, %dma_wait3A_81] : memref<10000x128xf32, #tpu.memory_space<hbm>> -> memref<128x128xf32, #tpu.memory_space<hbm>>
    tpu.wait_dma2 semaphore(%arg12 : memref<!tpu.dma_semaphore, #tpu.memory_space<semaphore_mem>>) src(%dma_wait3A_82 : memref<128x128xf32, #tpu.memory_space<hbm>>) dst(%arg5 : memref<128x128xf32, #tpu.memory_space<vmem>>)
    %dma_start3A_83 = arith.constant 0 : i32
    %dma_start3A_84 = arith.constant 1 : i32
    %dma_start3A_85 = arith.constant 0 : i32
    %dma_start3A_86 = tpu.memref_slice %arg8[%dma_start3A_83, %dma_start3A_84, %dma_start3A_85] : memref<2x2x128xi32, #tpu.memory_space<vmem>> -> memref<1x1x128xi32, #tpu.memory_space<vmem>>
    %dma_start3A_87 = tpu.memref_squeeze %dma_start3A_86 : memref<1x1x128xi32, #tpu.memory_space<vmem>> -> memref<128xi32, #tpu.memory_space<vmem>>
    %dma_start3A_88 = arith.constant 0 : i32
    %dma_start3A_89 = arith.constant 0 : i32
    %dma_start3A_90 = tpu.memref_slice %arg11[%dma_start3A_88, %dma_start3A_89] : memref<10016x128xf32, #tpu.memory_space<vmem_shared>> -> memref<10016x128xf32, #tpu.memory_space<vmem_shared>>
    tpu.enqueue_indirect_dma source(%arg5 : memref<128x128xf32, #tpu.memory_space<vmem>>) target(%dma_start3A_90 : memref<10016x128xf32, #tpu.memory_space<vmem_shared>>) offsets(%dma_start3A_87 : memref<128xi32, #tpu.memory_space<vmem>>) semaphore(%arg15 : memref<!tpu.dma_semaphore, #tpu.memory_space<semaphore_mem>>) {add = true}
    %add3A_91 = arith.constant 0 : i32
    %add3A_92 = arith.addi %add3A_9, %add3A_91 : i32
    %add3A_93 = arith.constant 3 : i32
    %add3A_94 = arith.addi %add3A_92, %add3A_93 : i32
    %run_scoped3A_95 = arith.constant 1 : i32
    "tpu.region"() ({
      %run_scoped3A_244 = tpu.sem_alloc : memref<!tpu.dma_semaphore, #tpu.memory_space<semaphore_mem>>
      %dma_start3A_245 = arith.constant 0 : i32
      %dma_start3A_246 = arith.constant 0 : i32
      %dma_start3A_247 = tpu.memref_slice %arg8[%run_scoped3A_95, %dma_start3A_245, %dma_start3A_246] : memref<2x2x128xi32, #tpu.memory_space<vmem>> -> memref<1x2x128xi32, #tpu.memory_space<vmem>>
      %dma_start3A_248 = tpu.memref_squeeze %dma_start3A_247 : memref<1x2x128xi32, #tpu.memory_space<vmem>> -> memref<2x128xi32, #tpu.memory_space<vmem>>
      %dma_start3A_249 = arith.constant 0 : i32
      %dma_start3A_250 = arith.constant 0 : i32
      %dma_start3A_251 = tpu.memref_slice %arg3[%add3A_94, %dma_start3A_249, %dma_start3A_250] : memref<2528x2x128xi32, #tpu.memory_space<hbm>> -> memref<1x2x128xi32, #tpu.memory_space<hbm>>
      %dma_start3A_252 = tpu.memref_squeeze %dma_start3A_251 : memref<1x2x128xi32, #tpu.memory_space<hbm>> -> memref<2x128xi32, #tpu.memory_space<hbm>>
      %dma_start3A_253 = arith.constant 0 : i32
      %dma_start3A_254 = arith.constant 0 : i32
      %dma_start3A_255 = tpu.memref_slice %arg8[%run_scoped3A_95, %dma_start3A_253, %dma_start3A_254] : memref<2x2x128xi32, #tpu.memory_space<vmem>> -> memref<1x2x128xi32, #tpu.memory_space<vmem>>
      %dma_start3A_256 = tpu.memref_squeeze %dma_start3A_255 : memref<1x2x128xi32, #tpu.memory_space<vmem>> -> memref<2x128xi32, #tpu.memory_space<vmem>>
      %dma_start3A_257 = arith.constant 0 : i32
      %dma_start3A_258 = arith.constant 0 : i32
      %dma_start3A_259 = tpu.memref_slice %arg3[%add3A_94, %dma_start3A_257, %dma_start3A_258] : memref<2528x2x128xi32, #tpu.memory_space<hbm>> -> memref<1x2x128xi32, #tpu.memory_space<hbm>>
      %dma_start3A_260 = tpu.memref_squeeze %dma_start3A_259 : memref<1x2x128xi32, #tpu.memory_space<hbm>> -> memref<2x128xi32, #tpu.memory_space<hbm>>
      tpu.enqueue_dma source(%dma_start3A_260 : memref<2x128xi32, #tpu.memory_space<hbm>>) target(%dma_start3A_256 : memref<2x128xi32, #tpu.memory_space<vmem>>) target_semaphore(%run_scoped3A_244 : memref<!tpu.dma_semaphore, #tpu.memory_space<semaphore_mem>>)
      %dma_wait3A_261 = arith.constant 0 : i32
      %dma_wait3A_262 = arith.constant 0 : i32
      %dma_wait3A_263 = tpu.memref_slice %arg8[%run_scoped3A_95, %dma_wait3A_261, %dma_wait3A_262] : memref<2x2x128xi32, #tpu.memory_space<vmem>> -> memref<1x2x128xi32, #tpu.memory_space<vmem>>
      %dma_wait3A_264 = tpu.memref_squeeze %dma_wait3A_263 : memref<1x2x128xi32, #tpu.memory_space<vmem>> -> memref<2x128xi32, #tpu.memory_space<vmem>>
      %dma_wait3A_265 = arith.constant 0 : i32
      %dma_wait3A_266 = arith.constant 0 : i32
      %dma_wait3A_267 = tpu.memref_slice %arg3[%add3A_94, %dma_wait3A_265, %dma_wait3A_266] : memref<2528x2x128xi32, #tpu.memory_space<hbm>> -> memref<1x2x128xi32, #tpu.memory_space<hbm>>
      %dma_wait3A_268 = tpu.memref_squeeze %dma_wait3A_267 : memref<1x2x128xi32, #tpu.memory_space<hbm>> -> memref<2x128xi32, #tpu.memory_space<hbm>>
      %dma_wait3A_269 = arith.constant 0 : i32
      %dma_wait3A_270 = arith.constant 0 : i32
      %dma_wait3A_271 = tpu.memref_slice %arg8[%run_scoped3A_95, %dma_wait3A_269, %dma_wait3A_270] : memref<2x2x128xi32, #tpu.memory_space<vmem>> -> memref<1x2x128xi32, #tpu.memory_space<vmem>>
      %dma_wait3A_272 = tpu.memref_squeeze %dma_wait3A_271 : memref<1x2x128xi32, #tpu.memory_space<vmem>> -> memref<2x128xi32, #tpu.memory_space<vmem>>
      %dma_wait3A_273 = arith.constant 0 : i32
      %dma_wait3A_274 = arith.constant 0 : i32
      %dma_wait3A_275 = tpu.memref_slice %arg3[%add3A_94, %dma_wait3A_273, %dma_wait3A_274] : memref<2528x2x128xi32, #tpu.memory_space<hbm>> -> memref<1x2x128xi32, #tpu.memory_space<hbm>>
      %dma_wait3A_276 = tpu.memref_squeeze %dma_wait3A_275 : memref<1x2x128xi32, #tpu.memory_space<hbm>> -> memref<2x128xi32, #tpu.memory_space<hbm>>
      tpu.wait_dma2 semaphore(%run_scoped3A_244 : memref<!tpu.dma_semaphore, #tpu.memory_space<semaphore_mem>>) src(%dma_wait3A_276 : memref<2x128xi32, #tpu.memory_space<hbm>>) dst(%dma_wait3A_272 : memref<2x128xi32, #tpu.memory_space<vmem>>)
      tpu.yield
    }) : () -> ()
    %dma_wait3A_96 = arith.constant 0 : i32
    %dma_wait3A_97 = arith.constant 0 : i32
    %dma_wait3A_98 = tpu.memref_slice %arg2[%dma_wait3A_96, %dma_wait3A_97] : memref<10000x128xf32, #tpu.memory_space<hbm>> -> memref<128x128xf32, #tpu.memory_space<hbm>>
    %dma_wait3A_99 = arith.constant 0 : i32
    %dma_wait3A_100 = arith.constant 0 : i32
    %dma_wait3A_101 = tpu.memref_slice %arg2[%dma_wait3A_99, %dma_wait3A_100] : memref<10000x128xf32, #tpu.memory_space<hbm>> -> memref<128x128xf32, #tpu.memory_space<hbm>>
    tpu.wait_dma2 semaphore(%arg15 : memref<!tpu.dma_semaphore, #tpu.memory_space<semaphore_mem>>) src(%dma_wait3A_101 : memref<128x128xf32, #tpu.memory_space<hbm>>) dst(%arg5 : memref<128x128xf32, #tpu.memory_space<vmem>>)
    %dma_start3A_102 = arith.constant 1 : i32
    %dma_start3A_103 = arith.constant 0 : i32
    %dma_start3A_104 = arith.constant 0 : i32
    %dma_start3A_105 = tpu.memref_slice %arg8[%dma_start3A_102, %dma_start3A_103, %dma_start3A_104] : memref<2x2x128xi32, #tpu.memory_space<vmem>> -> memref<1x1x128xi32, #tpu.memory_space<vmem>>
    %dma_start3A_106 = tpu.memref_squeeze %dma_start3A_105 : memref<1x1x128xi32, #tpu.memory_space<vmem>> -> memref<128xi32, #tpu.memory_space<vmem>>
    %dma_start3A_107 = arith.constant 0 : i32
    %dma_start3A_108 = arith.constant 0 : i32
    %dma_start3A_109 = tpu.memref_slice %arg2[%dma_start3A_107, %dma_start3A_108] : memref<10000x128xf32, #tpu.memory_space<hbm>> -> memref<10000x128xf32, #tpu.memory_space<hbm>>
    tpu.enqueue_indirect_dma source(%dma_start3A_109 : memref<10000x128xf32, #tpu.memory_space<hbm>>) target(%arg5 : memref<128x128xf32, #tpu.memory_space<vmem>>) offsets(%dma_start3A_106 : memref<128xi32, #tpu.memory_space<vmem>>) semaphore(%arg12 : memref<!tpu.dma_semaphore, #tpu.memory_space<semaphore_mem>>)
    %dma_wait3A_110 = arith.constant 0 : i32
    %dma_wait3A_111 = arith.constant 0 : i32
    %dma_wait3A_112 = tpu.memref_slice %arg2[%dma_wait3A_110, %dma_wait3A_111] : memref<10000x128xf32, #tpu.memory_space<hbm>> -> memref<128x128xf32, #tpu.memory_space<hbm>>
    %dma_wait3A_113 = arith.constant 0 : i32
    %dma_wait3A_114 = arith.constant 0 : i32
    %dma_wait3A_115 = tpu.memref_slice %arg2[%dma_wait3A_113, %dma_wait3A_114] : memref<10000x128xf32, #tpu.memory_space<hbm>> -> memref<128x128xf32, #tpu.memory_space<hbm>>
    tpu.wait_dma2 semaphore(%arg13 : memref<!tpu.dma_semaphore, #tpu.memory_space<semaphore_mem>>) src(%dma_wait3A_115 : memref<128x128xf32, #tpu.memory_space<hbm>>) dst(%arg6 : memref<128x128xf32, #tpu.memory_space<vmem>>)
    %dma_start3A_116 = arith.constant 0 : i32
    %dma_start3A_117 = arith.constant 1 : i32
    %dma_start3A_118 = arith.constant 0 : i32
    %dma_start3A_119 = tpu.memref_slice %arg9[%dma_start3A_116, %dma_start3A_117, %dma_start3A_118] : memref<2x2x128xi32, #tpu.memory_space<vmem>> -> memref<1x1x128xi32, #tpu.memory_space<vmem>>
    %dma_start3A_120 = tpu.memref_squeeze %dma_start3A_119 : memref<1x1x128xi32, #tpu.memory_space<vmem>> -> memref<128xi32, #tpu.memory_space<vmem>>
    %dma_start3A_121 = arith.constant 0 : i32
    %dma_start3A_122 = arith.constant 0 : i32
    %dma_start3A_123 = tpu.memref_slice %arg11[%dma_start3A_121, %dma_start3A_122] : memref<10016x128xf32, #tpu.memory_space<vmem_shared>> -> memref<10016x128xf32, #tpu.memory_space<vmem_shared>>
    tpu.enqueue_indirect_dma source(%arg6 : memref<128x128xf32, #tpu.memory_space<vmem>>) target(%dma_start3A_123 : memref<10016x128xf32, #tpu.memory_space<vmem_shared>>) offsets(%dma_start3A_120 : memref<128xi32, #tpu.memory_space<vmem>>) semaphore(%arg15 : memref<!tpu.dma_semaphore, #tpu.memory_space<semaphore_mem>>) {add = true}
    %add3A_124 = arith.constant 1 : i32
    %add3A_125 = arith.addi %add3A_9, %add3A_124 : i32
    %add3A_126 = arith.constant 3 : i32
    %add3A_127 = arith.addi %add3A_125, %add3A_126 : i32
    %run_scoped3A_128 = arith.constant 1 : i32
    "tpu.region"() ({
      %run_scoped3A_244 = tpu.sem_alloc : memref<!tpu.dma_semaphore, #tpu.memory_space<semaphore_mem>>
      %dma_start3A_245 = arith.constant 0 : i32
      %dma_start3A_246 = arith.constant 0 : i32
      %dma_start3A_247 = tpu.memref_slice %arg9[%run_scoped3A_128, %dma_start3A_245, %dma_start3A_246] : memref<2x2x128xi32, #tpu.memory_space<vmem>> -> memref<1x2x128xi32, #tpu.memory_space<vmem>>
      %dma_start3A_248 = tpu.memref_squeeze %dma_start3A_247 : memref<1x2x128xi32, #tpu.memory_space<vmem>> -> memref<2x128xi32, #tpu.memory_space<vmem>>
      %dma_start3A_249 = arith.constant 0 : i32
      %dma_start3A_250 = arith.constant 0 : i32
      %dma_start3A_251 = tpu.memref_slice %arg3[%add3A_127, %dma_start3A_249, %dma_start3A_250] : memref<2528x2x128xi32, #tpu.memory_space<hbm>> -> memref<1x2x128xi32, #tpu.memory_space<hbm>>
      %dma_start3A_252 = tpu.memref_squeeze %dma_start3A_251 : memref<1x2x128xi32, #tpu.memory_space<hbm>> -> memref<2x128xi32, #tpu.memory_space<hbm>>
      %dma_start3A_253 = arith.constant 0 : i32
      %dma_start3A_254 = arith.constant 0 : i32
      %dma_start3A_255 = tpu.memref_slice %arg9[%run_scoped3A_128, %dma_start3A_253, %dma_start3A_254] : memref<2x2x128xi32, #tpu.memory_space<vmem>> -> memref<1x2x128xi32, #tpu.memory_space<vmem>>
      %dma_start3A_256 = tpu.memref_squeeze %dma_start3A_255 : memref<1x2x128xi32, #tpu.memory_space<vmem>> -> memref<2x128xi32, #tpu.memory_space<vmem>>
      %dma_start3A_257 = arith.constant 0 : i32
      %dma_start3A_258 = arith.constant 0 : i32
      %dma_start3A_259 = tpu.memref_slice %arg3[%add3A_127, %dma_start3A_257, %dma_start3A_258] : memref<2528x2x128xi32, #tpu.memory_space<hbm>> -> memref<1x2x128xi32, #tpu.memory_space<hbm>>
      %dma_start3A_260 = tpu.memref_squeeze %dma_start3A_259 : memref<1x2x128xi32, #tpu.memory_space<hbm>> -> memref<2x128xi32, #tpu.memory_space<hbm>>
      tpu.enqueue_dma source(%dma_start3A_260 : memref<2x128xi32, #tpu.memory_space<hbm>>) target(%dma_start3A_256 : memref<2x128xi32, #tpu.memory_space<vmem>>) target_semaphore(%run_scoped3A_244 : memref<!tpu.dma_semaphore, #tpu.memory_space<semaphore_mem>>)
      %dma_wait3A_261 = arith.constant 0 : i32
      %dma_wait3A_262 = arith.constant 0 : i32
      %dma_wait3A_263 = tpu.memref_slice %arg9[%run_scoped3A_128, %dma_wait3A_261, %dma_wait3A_262] : memref<2x2x128xi32, #tpu.memory_space<vmem>> -> memref<1x2x128xi32, #tpu.memory_space<vmem>>
      %dma_wait3A_264 = tpu.memref_squeeze %dma_wait3A_263 : memref<1x2x128xi32, #tpu.memory_space<vmem>> -> memref<2x128xi32, #tpu.memory_space<vmem>>
      %dma_wait3A_265 = arith.constant 0 : i32
      %dma_wait3A_266 = arith.constant 0 : i32
      %dma_wait3A_267 = tpu.memref_slice %arg3[%add3A_127, %dma_wait3A_265, %dma_wait3A_266] : memref<2528x2x128xi32, #tpu.memory_space<hbm>> -> memref<1x2x128xi32, #tpu.memory_space<hbm>>
      %dma_wait3A_268 = tpu.memref_squeeze %dma_wait3A_267 : memref<1x2x128xi32, #tpu.memory_space<hbm>> -> memref<2x128xi32, #tpu.memory_space<hbm>>
      %dma_wait3A_269 = arith.constant 0 : i32
      %dma_wait3A_270 = arith.constant 0 : i32
      %dma_wait3A_271 = tpu.memref_slice %arg9[%run_scoped3A_128, %dma_wait3A_269, %dma_wait3A_270] : memref<2x2x128xi32, #tpu.memory_space<vmem>> -> memref<1x2x128xi32, #tpu.memory_space<vmem>>
      %dma_wait3A_272 = tpu.memref_squeeze %dma_wait3A_271 : memref<1x2x128xi32, #tpu.memory_space<vmem>> -> memref<2x128xi32, #tpu.memory_space<vmem>>
      %dma_wait3A_273 = arith.constant 0 : i32
      %dma_wait3A_274 = arith.constant 0 : i32
      %dma_wait3A_275 = tpu.memref_slice %arg3[%add3A_127, %dma_wait3A_273, %dma_wait3A_274] : memref<2528x2x128xi32, #tpu.memory_space<hbm>> -> memref<1x2x128xi32, #tpu.memory_space<hbm>>
      %dma_wait3A_276 = tpu.memref_squeeze %dma_wait3A_275 : memref<1x2x128xi32, #tpu.memory_space<hbm>> -> memref<2x128xi32, #tpu.memory_space<hbm>>
      tpu.wait_dma2 semaphore(%run_scoped3A_244 : memref<!tpu.dma_semaphore, #tpu.memory_space<semaphore_mem>>) src(%dma_wait3A_276 : memref<2x128xi32, #tpu.memory_space<hbm>>) dst(%dma_wait3A_272 : memref<2x128xi32, #tpu.memory_space<vmem>>)
      tpu.yield
    }) : () -> ()
    %dma_wait3A_129 = arith.constant 0 : i32
    %dma_wait3A_130 = arith.constant 0 : i32
    %dma_wait3A_131 = tpu.memref_slice %arg2[%dma_wait3A_129, %dma_wait3A_130] : memref<10000x128xf32, #tpu.memory_space<hbm>> -> memref<128x128xf32, #tpu.memory_space<hbm>>
    %dma_wait3A_132 = arith.constant 0 : i32
    %dma_wait3A_133 = arith.constant 0 : i32
    %dma_wait3A_134 = tpu.memref_slice %arg2[%dma_wait3A_132, %dma_wait3A_133] : memref<10000x128xf32, #tpu.memory_space<hbm>> -> memref<128x128xf32, #tpu.memory_space<hbm>>
    tpu.wait_dma2 semaphore(%arg15 : memref<!tpu.dma_semaphore, #tpu.memory_space<semaphore_mem>>) src(%dma_wait3A_134 : memref<128x128xf32, #tpu.memory_space<hbm>>) dst(%arg6 : memref<128x128xf32, #tpu.memory_space<vmem>>)
    %dma_start3A_135 = arith.constant 1 : i32
    %dma_start3A_136 = arith.constant 0 : i32
    %dma_start3A_137 = arith.constant 0 : i32
    %dma_start3A_138 = tpu.memref_slice %arg9[%dma_start3A_135, %dma_start3A_136, %dma_start3A_137] : memref<2x2x128xi32, #tpu.memory_space<vmem>> -> memref<1x1x128xi32, #tpu.memory_space<vmem>>
    %dma_start3A_139 = tpu.memref_squeeze %dma_start3A_138 : memref<1x1x128xi32, #tpu.memory_space<vmem>> -> memref<128xi32, #tpu.memory_space<vmem>>
    %dma_start3A_140 = arith.constant 0 : i32
    %dma_start3A_141 = arith.constant 0 : i32
    %dma_start3A_142 = tpu.memref_slice %arg2[%dma_start3A_140, %dma_start3A_141] : memref<10000x128xf32, #tpu.memory_space<hbm>> -> memref<10000x128xf32, #tpu.memory_space<hbm>>
    tpu.enqueue_indirect_dma source(%dma_start3A_142 : memref<10000x128xf32, #tpu.memory_space<hbm>>) target(%arg6 : memref<128x128xf32, #tpu.memory_space<vmem>>) offsets(%dma_start3A_139 : memref<128xi32, #tpu.memory_space<vmem>>) semaphore(%arg13 : memref<!tpu.dma_semaphore, #tpu.memory_space<semaphore_mem>>)
    %dma_wait3A_143 = arith.constant 0 : i32
    %dma_wait3A_144 = arith.constant 0 : i32
    %dma_wait3A_145 = tpu.memref_slice %arg2[%dma_wait3A_143, %dma_wait3A_144] : memref<10000x128xf32, #tpu.memory_space<hbm>> -> memref<128x128xf32, #tpu.memory_space<hbm>>
    %dma_wait3A_146 = arith.constant 0 : i32
    %dma_wait3A_147 = arith.constant 0 : i32
    %dma_wait3A_148 = tpu.memref_slice %arg2[%dma_wait3A_146, %dma_wait3A_147] : memref<10000x128xf32, #tpu.memory_space<hbm>> -> memref<128x128xf32, #tpu.memory_space<hbm>>
    tpu.wait_dma2 semaphore(%arg14 : memref<!tpu.dma_semaphore, #tpu.memory_space<semaphore_mem>>) src(%dma_wait3A_148 : memref<128x128xf32, #tpu.memory_space<hbm>>) dst(%arg7 : memref<128x128xf32, #tpu.memory_space<vmem>>)
    %dma_start3A_149 = arith.constant 0 : i32
    %dma_start3A_150 = arith.constant 1 : i32
    %dma_start3A_151 = arith.constant 0 : i32
    %dma_start3A_152 = tpu.memref_slice %arg10[%dma_start3A_149, %dma_start3A_150, %dma_start3A_151] : memref<2x2x128xi32, #tpu.memory_space<vmem>> -> memref<1x1x128xi32, #tpu.memory_space<vmem>>
    %dma_start3A_153 = tpu.memref_squeeze %dma_start3A_152 : memref<1x1x128xi32, #tpu.memory_space<vmem>> -> memref<128xi32, #tpu.memory_space<vmem>>
    %dma_start3A_154 = arith.constant 0 : i32
    %dma_start3A_155 = arith.constant 0 : i32
    %dma_start3A_156 = tpu.memref_slice %arg11[%dma_start3A_154, %dma_start3A_155] : memref<10016x128xf32, #tpu.memory_space<vmem_shared>> -> memref<10016x128xf32, #tpu.memory_space<vmem_shared>>
    tpu.enqueue_indirect_dma source(%arg7 : memref<128x128xf32, #tpu.memory_space<vmem>>) target(%dma_start3A_156 : memref<10016x128xf32, #tpu.memory_space<vmem_shared>>) offsets(%dma_start3A_153 : memref<128xi32, #tpu.memory_space<vmem>>) semaphore(%arg15 : memref<!tpu.dma_semaphore, #tpu.memory_space<semaphore_mem>>) {add = true}
    %add3A_157 = arith.constant 2 : i32
    %add3A_158 = arith.addi %add3A_9, %add3A_157 : i32
    %add3A_159 = arith.constant 3 : i32
    %add3A_160 = arith.addi %add3A_158, %add3A_159 : i32
    %run_scoped3A_161 = arith.constant 1 : i32
    "tpu.region"() ({
      %run_scoped3A_244 = tpu.sem_alloc : memref<!tpu.dma_semaphore, #tpu.memory_space<semaphore_mem>>
      %dma_start3A_245 = arith.constant 0 : i32
      %dma_start3A_246 = arith.constant 0 : i32
      %dma_start3A_247 = tpu.memref_slice %arg10[%run_scoped3A_161, %dma_start3A_245, %dma_start3A_246] : memref<2x2x128xi32, #tpu.memory_space<vmem>> -> memref<1x2x128xi32, #tpu.memory_space<vmem>>
      %dma_start3A_248 = tpu.memref_squeeze %dma_start3A_247 : memref<1x2x128xi32, #tpu.memory_space<vmem>> -> memref<2x128xi32, #tpu.memory_space<vmem>>
      %dma_start3A_249 = arith.constant 0 : i32
      %dma_start3A_250 = arith.constant 0 : i32
      %dma_start3A_251 = tpu.memref_slice %arg3[%add3A_160, %dma_start3A_249, %dma_start3A_250] : memref<2528x2x128xi32, #tpu.memory_space<hbm>> -> memref<1x2x128xi32, #tpu.memory_space<hbm>>
      %dma_start3A_252 = tpu.memref_squeeze %dma_start3A_251 : memref<1x2x128xi32, #tpu.memory_space<hbm>> -> memref<2x128xi32, #tpu.memory_space<hbm>>
      %dma_start3A_253 = arith.constant 0 : i32
      %dma_start3A_254 = arith.constant 0 : i32
      %dma_start3A_255 = tpu.memref_slice %arg10[%run_scoped3A_161, %dma_start3A_253, %dma_start3A_254] : memref<2x2x128xi32, #tpu.memory_space<vmem>> -> memref<1x2x128xi32, #tpu.memory_space<vmem>>
      %dma_start3A_256 = tpu.memref_squeeze %dma_start3A_255 : memref<1x2x128xi32, #tpu.memory_space<vmem>> -> memref<2x128xi32, #tpu.memory_space<vmem>>
      %dma_start3A_257 = arith.constant 0 : i32
      %dma_start3A_258 = arith.constant 0 : i32
      %dma_start3A_259 = tpu.memref_slice %arg3[%add3A_160, %dma_start3A_257, %dma_start3A_258] : memref<2528x2x128xi32, #tpu.memory_space<hbm>> -> memref<1x2x128xi32, #tpu.memory_space<hbm>>
      %dma_start3A_260 = tpu.memref_squeeze %dma_start3A_259 : memref<1x2x128xi32, #tpu.memory_space<hbm>> -> memref<2x128xi32, #tpu.memory_space<hbm>>
      tpu.enqueue_dma source(%dma_start3A_260 : memref<2x128xi32, #tpu.memory_space<hbm>>) target(%dma_start3A_256 : memref<2x128xi32, #tpu.memory_space<vmem>>) target_semaphore(%run_scoped3A_244 : memref<!tpu.dma_semaphore, #tpu.memory_space<semaphore_mem>>)
      %dma_wait3A_261 = arith.constant 0 : i32
      %dma_wait3A_262 = arith.constant 0 : i32
      %dma_wait3A_263 = tpu.memref_slice %arg10[%run_scoped3A_161, %dma_wait3A_261, %dma_wait3A_262] : memref<2x2x128xi32, #tpu.memory_space<vmem>> -> memref<1x2x128xi32, #tpu.memory_space<vmem>>
      %dma_wait3A_264 = tpu.memref_squeeze %dma_wait3A_263 : memref<1x2x128xi32, #tpu.memory_space<vmem>> -> memref<2x128xi32, #tpu.memory_space<vmem>>
      %dma_wait3A_265 = arith.constant 0 : i32
      %dma_wait3A_266 = arith.constant 0 : i32
      %dma_wait3A_267 = tpu.memref_slice %arg3[%add3A_160, %dma_wait3A_265, %dma_wait3A_266] : memref<2528x2x128xi32, #tpu.memory_space<hbm>> -> memref<1x2x128xi32, #tpu.memory_space<hbm>>
      %dma_wait3A_268 = tpu.memref_squeeze %dma_wait3A_267 : memref<1x2x128xi32, #tpu.memory_space<hbm>> -> memref<2x128xi32, #tpu.memory_space<hbm>>
      %dma_wait3A_269 = arith.constant 0 : i32
      %dma_wait3A_270 = arith.constant 0 : i32
      %dma_wait3A_271 = tpu.memref_slice %arg10[%run_scoped3A_161, %dma_wait3A_269, %dma_wait3A_270] : memref<2x2x128xi32, #tpu.memory_space<vmem>> -> memref<1x2x128xi32, #tpu.memory_space<vmem>>
      %dma_wait3A_272 = tpu.memref_squeeze %dma_wait3A_271 : memref<1x2x128xi32, #tpu.memory_space<vmem>> -> memref<2x128xi32, #tpu.memory_space<vmem>>
      %dma_wait3A_273 = arith.constant 0 : i32
      %dma_wait3A_274 = arith.constant 0 : i32
      %dma_wait3A_275 = tpu.memref_slice %arg3[%add3A_160, %dma_wait3A_273, %dma_wait3A_274] : memref<2528x2x128xi32, #tpu.memory_space<hbm>> -> memref<1x2x128xi32, #tpu.memory_space<hbm>>
      %dma_wait3A_276 = tpu.memref_squeeze %dma_wait3A_275 : memref<1x2x128xi32, #tpu.memory_space<hbm>> -> memref<2x128xi32, #tpu.memory_space<hbm>>
      tpu.wait_dma2 semaphore(%run_scoped3A_244 : memref<!tpu.dma_semaphore, #tpu.memory_space<semaphore_mem>>) src(%dma_wait3A_276 : memref<2x128xi32, #tpu.memory_space<hbm>>) dst(%dma_wait3A_272 : memref<2x128xi32, #tpu.memory_space<vmem>>)
      tpu.yield
    }) : () -> ()
    %dma_wait3A_162 = arith.constant 0 : i32
    %dma_wait3A_163 = arith.constant 0 : i32
    %dma_wait3A_164 = tpu.memref_slice %arg2[%dma_wait3A_162, %dma_wait3A_163] : memref<10000x128xf32, #tpu.memory_space<hbm>> -> memref<128x128xf32, #tpu.memory_space<hbm>>
    %dma_wait3A_165 = arith.constant 0 : i32
    %dma_wait3A_166 = arith.constant 0 : i32
    %dma_wait3A_167 = tpu.memref_slice %arg2[%dma_wait3A_165, %dma_wait3A_166] : memref<10000x128xf32, #tpu.memory_space<hbm>> -> memref<128x128xf32, #tpu.memory_space<hbm>>
    tpu.wait_dma2 semaphore(%arg15 : memref<!tpu.dma_semaphore, #tpu.memory_space<semaphore_mem>>) src(%dma_wait3A_167 : memref<128x128xf32, #tpu.memory_space<hbm>>) dst(%arg7 : memref<128x128xf32, #tpu.memory_space<vmem>>)
    %dma_start3A_168 = arith.constant 1 : i32
    %dma_start3A_169 = arith.constant 0 : i32
    %dma_start3A_170 = arith.constant 0 : i32
    %dma_start3A_171 = tpu.memref_slice %arg10[%dma_start3A_168, %dma_start3A_169, %dma_start3A_170] : memref<2x2x128xi32, #tpu.memory_space<vmem>> -> memref<1x1x128xi32, #tpu.memory_space<vmem>>
    %dma_start3A_172 = tpu.memref_squeeze %dma_start3A_171 : memref<1x1x128xi32, #tpu.memory_space<vmem>> -> memref<128xi32, #tpu.memory_space<vmem>>
    %dma_start3A_173 = arith.constant 0 : i32
    %dma_start3A_174 = arith.constant 0 : i32
    %dma_start3A_175 = tpu.memref_slice %arg2[%dma_start3A_173, %dma_start3A_174] : memref<10000x128xf32, #tpu.memory_space<hbm>> -> memref<10000x128xf32, #tpu.memory_space<hbm>>
    tpu.enqueue_indirect_dma source(%dma_start3A_175 : memref<10000x128xf32, #tpu.memory_space<hbm>>) target(%arg7 : memref<128x128xf32, #tpu.memory_space<vmem>>) offsets(%dma_start3A_172 : memref<128xi32, #tpu.memory_space<vmem>>) semaphore(%arg14 : memref<!tpu.dma_semaphore, #tpu.memory_space<semaphore_mem>>)
    %dma_wait3A_176 = arith.constant 0 : i32
    %dma_wait3A_177 = arith.constant 0 : i32
    %dma_wait3A_178 = tpu.memref_slice %arg2[%dma_wait3A_176, %dma_wait3A_177] : memref<10000x128xf32, #tpu.memory_space<hbm>> -> memref<128x128xf32, #tpu.memory_space<hbm>>
    %dma_wait3A_179 = arith.constant 0 : i32
    %dma_wait3A_180 = arith.constant 0 : i32
    %dma_wait3A_181 = tpu.memref_slice %arg2[%dma_wait3A_179, %dma_wait3A_180] : memref<10000x128xf32, #tpu.memory_space<hbm>> -> memref<128x128xf32, #tpu.memory_space<hbm>>
    tpu.wait_dma2 semaphore(%arg12 : memref<!tpu.dma_semaphore, #tpu.memory_space<semaphore_mem>>) src(%dma_wait3A_181 : memref<128x128xf32, #tpu.memory_space<hbm>>) dst(%arg5 : memref<128x128xf32, #tpu.memory_space<vmem>>)
    %dma_start3A_182 = arith.constant 1 : i32
    %dma_start3A_183 = arith.constant 1 : i32
    %dma_start3A_184 = arith.constant 0 : i32
    %dma_start3A_185 = tpu.memref_slice %arg8[%dma_start3A_182, %dma_start3A_183, %dma_start3A_184] : memref<2x2x128xi32, #tpu.memory_space<vmem>> -> memref<1x1x128xi32, #tpu.memory_space<vmem>>
    %dma_start3A_186 = tpu.memref_squeeze %dma_start3A_185 : memref<1x1x128xi32, #tpu.memory_space<vmem>> -> memref<128xi32, #tpu.memory_space<vmem>>
    %dma_start3A_187 = arith.constant 0 : i32
    %dma_start3A_188 = arith.constant 0 : i32
    %dma_start3A_189 = tpu.memref_slice %arg11[%dma_start3A_187, %dma_start3A_188] : memref<10016x128xf32, #tpu.memory_space<vmem_shared>> -> memref<10016x128xf32, #tpu.memory_space<vmem_shared>>
    tpu.enqueue_indirect_dma source(%arg5 : memref<128x128xf32, #tpu.memory_space<vmem>>) target(%dma_start3A_189 : memref<10016x128xf32, #tpu.memory_space<vmem_shared>>) offsets(%dma_start3A_186 : memref<128xi32, #tpu.memory_space<vmem>>) semaphore(%arg15 : memref<!tpu.dma_semaphore, #tpu.memory_space<semaphore_mem>>) {add = true}
    %add3A_190 = arith.constant 6 : i32
    %add3A_191 = arith.addi %add3A_9, %add3A_190 : i32
    %run_scoped3A_192 = arith.constant 0 : i32
    "tpu.region"() ({
      %run_scoped3A_244 = tpu.sem_alloc : memref<!tpu.dma_semaphore, #tpu.memory_space<semaphore_mem>>
      %dma_start3A_245 = arith.constant 0 : i32
      %dma_start3A_246 = arith.constant 0 : i32
      %dma_start3A_247 = tpu.memref_slice %arg8[%run_scoped3A_192, %dma_start3A_245, %dma_start3A_246] : memref<2x2x128xi32, #tpu.memory_space<vmem>> -> memref<1x2x128xi32, #tpu.memory_space<vmem>>
      %dma_start3A_248 = tpu.memref_squeeze %dma_start3A_247 : memref<1x2x128xi32, #tpu.memory_space<vmem>> -> memref<2x128xi32, #tpu.memory_space<vmem>>
      %dma_start3A_249 = arith.constant 0 : i32
      %dma_start3A_250 = arith.constant 0 : i32
      %dma_start3A_251 = tpu.memref_slice %arg3[%add3A_191, %dma_start3A_249, %dma_start3A_250] : memref<2528x2x128xi32, #tpu.memory_space<hbm>> -> memref<1x2x128xi32, #tpu.memory_space<hbm>>
      %dma_start3A_252 = tpu.memref_squeeze %dma_start3A_251 : memref<1x2x128xi32, #tpu.memory_space<hbm>> -> memref<2x128xi32, #tpu.memory_space<hbm>>
      %dma_start3A_253 = arith.constant 0 : i32
      %dma_start3A_254 = arith.constant 0 : i32
      %dma_start3A_255 = tpu.memref_slice %arg8[%run_scoped3A_192, %dma_start3A_253, %dma_start3A_254] : memref<2x2x128xi32, #tpu.memory_space<vmem>> -> memref<1x2x128xi32, #tpu.memory_space<vmem>>
      %dma_start3A_256 = tpu.memref_squeeze %dma_start3A_255 : memref<1x2x128xi32, #tpu.memory_space<vmem>> -> memref<2x128xi32, #tpu.memory_space<vmem>>
      %dma_start3A_257 = arith.constant 0 : i32
      %dma_start3A_258 = arith.constant 0 : i32
      %dma_start3A_259 = tpu.memref_slice %arg3[%add3A_191, %dma_start3A_257, %dma_start3A_258] : memref<2528x2x128xi32, #tpu.memory_space<hbm>> -> memref<1x2x128xi32, #tpu.memory_space<hbm>>
      %dma_start3A_260 = tpu.memref_squeeze %dma_start3A_259 : memref<1x2x128xi32, #tpu.memory_space<hbm>> -> memref<2x128xi32, #tpu.memory_space<hbm>>
      tpu.enqueue_dma source(%dma_start3A_260 : memref<2x128xi32, #tpu.memory_space<hbm>>) target(%dma_start3A_256 : memref<2x128xi32, #tpu.memory_space<vmem>>) target_semaphore(%run_scoped3A_244 : memref<!tpu.dma_semaphore, #tpu.memory_space<semaphore_mem>>)
      %dma_wait3A_261 = arith.constant 0 : i32
      %dma_wait3A_262 = arith.constant 0 : i32
      %dma_wait3A_263 = tpu.memref_slice %arg8[%run_scoped3A_192, %dma_wait3A_261, %dma_wait3A_262] : memref<2x2x128xi32, #tpu.memory_space<vmem>> -> memref<1x2x128xi32, #tpu.memory_space<vmem>>
      %dma_wait3A_264 = tpu.memref_squeeze %dma_wait3A_263 : memref<1x2x128xi32, #tpu.memory_space<vmem>> -> memref<2x128xi32, #tpu.memory_space<vmem>>
      %dma_wait3A_265 = arith.constant 0 : i32
      %dma_wait3A_266 = arith.constant 0 : i32
      %dma_wait3A_267 = tpu.memref_slice %arg3[%add3A_191, %dma_wait3A_265, %dma_wait3A_266] : memref<2528x2x128xi32, #tpu.memory_space<hbm>> -> memref<1x2x128xi32, #tpu.memory_space<hbm>>
      %dma_wait3A_268 = tpu.memref_squeeze %dma_wait3A_267 : memref<1x2x128xi32, #tpu.memory_space<hbm>> -> memref<2x128xi32, #tpu.memory_space<hbm>>
      %dma_wait3A_269 = arith.constant 0 : i32
      %dma_wait3A_270 = arith.constant 0 : i32
      %dma_wait3A_271 = tpu.memref_slice %arg8[%run_scoped3A_192, %dma_wait3A_269, %dma_wait3A_270] : memref<2x2x128xi32, #tpu.memory_space<vmem>> -> memref<1x2x128xi32, #tpu.memory_space<vmem>>
      %dma_wait3A_272 = tpu.memref_squeeze %dma_wait3A_271 : memref<1x2x128xi32, #tpu.memory_space<vmem>> -> memref<2x128xi32, #tpu.memory_space<vmem>>
      %dma_wait3A_273 = arith.constant 0 : i32
      %dma_wait3A_274 = arith.constant 0 : i32
      %dma_wait3A_275 = tpu.memref_slice %arg3[%add3A_191, %dma_wait3A_273, %dma_wait3A_274] : memref<2528x2x128xi32, #tpu.memory_space<hbm>> -> memref<1x2x128xi32, #tpu.memory_space<hbm>>
      %dma_wait3A_276 = tpu.memref_squeeze %dma_wait3A_275 : memref<1x2x128xi32, #tpu.memory_space<hbm>> -> memref<2x128xi32, #tpu.memory_space<hbm>>
      tpu.wait_dma2 semaphore(%run_scoped3A_244 : memref<!tpu.dma_semaphore, #tpu.memory_space<semaphore_mem>>) src(%dma_wait3A_276 : memref<2x128xi32, #tpu.memory_space<hbm>>) dst(%dma_wait3A_272 : memref<2x128xi32, #tpu.memory_space<vmem>>)
      tpu.yield
    }) : () -> ()
    %dma_wait3A_193 = arith.constant 0 : i32
    %dma_wait3A_194 = arith.constant 0 : i32
    %dma_wait3A_195 = tpu.memref_slice %arg2[%dma_wait3A_193, %dma_wait3A_194] : memref<10000x128xf32, #tpu.memory_space<hbm>> -> memref<128x128xf32, #tpu.memory_space<hbm>>
    %dma_wait3A_196 = arith.constant 0 : i32
    %dma_wait3A_197 = arith.constant 0 : i32
    %dma_wait3A_198 = tpu.memref_slice %arg2[%dma_wait3A_196, %dma_wait3A_197] : memref<10000x128xf32, #tpu.memory_space<hbm>> -> memref<128x128xf32, #tpu.memory_space<hbm>>
    tpu.wait_dma2 semaphore(%arg15 : memref<!tpu.dma_semaphore, #tpu.memory_space<semaphore_mem>>) src(%dma_wait3A_198 : memref<128x128xf32, #tpu.memory_space<hbm>>) dst(%arg5 : memref<128x128xf32, #tpu.memory_space<vmem>>)
    %dma_start3A_199 = arith.constant 0 : i32
    %dma_start3A_200 = arith.constant 0 : i32
    %dma_start3A_201 = arith.constant 0 : i32
    %dma_start3A_202 = tpu.memref_slice %arg8[%dma_start3A_199, %dma_start3A_200, %dma_start3A_201] : memref<2x2x128xi32, #tpu.memory_space<vmem>> -> memref<1x1x128xi32, #tpu.memory_space<vmem>>
    %dma_start3A_203 = tpu.memref_squeeze %dma_start3A_202 : memref<1x1x128xi32, #tpu.memory_space<vmem>> -> memref<128xi32, #tpu.memory_space<vmem>>
    %dma_start3A_204 = arith.constant 0 : i32
    %dma_start3A_205 = arith.constant 0 : i32
    %dma_start3A_206 = tpu.memref_slice %arg2[%dma_start3A_204, %dma_start3A_205] : memref<10000x128xf32, #tpu.memory_space<hbm>> -> memref<10000x128xf32, #tpu.memory_space<hbm>>
    tpu.enqueue_indirect_dma source(%dma_start3A_206 : memref<10000x128xf32, #tpu.memory_space<hbm>>) target(%arg5 : memref<128x128xf32, #tpu.memory_space<vmem>>) offsets(%dma_start3A_203 : memref<128xi32, #tpu.memory_space<vmem>>) semaphore(%arg12 : memref<!tpu.dma_semaphore, #tpu.memory_space<semaphore_mem>>)
    %dma_wait3A_207 = arith.constant 0 : i32
    %dma_wait3A_208 = arith.constant 0 : i32
    %dma_wait3A_209 = tpu.memref_slice %arg2[%dma_wait3A_207, %dma_wait3A_208] : memref<10000x128xf32, #tpu.memory_space<hbm>> -> memref<128x128xf32, #tpu.memory_space<hbm>>
    %dma_wait3A_210 = arith.constant 0 : i32
    %dma_wait3A_211 = arith.constant 0 : i32
    %dma_wait3A_212 = tpu.memref_slice %arg2[%dma_wait3A_210, %dma_wait3A_211] : memref<10000x128xf32, #tpu.memory_space<hbm>> -> memref<128x128xf32, #tpu.memory_space<hbm>>
    tpu.wait_dma2 semaphore(%arg13 : memref<!tpu.dma_semaphore, #tpu.memory_space<semaphore_mem>>) src(%dma_wait3A_212 : memref<128x128xf32, #tpu.memory_space<hbm>>) dst(%arg6 : memref<128x128xf32, #tpu.memory_space<vmem>>)
    %run_scoped3A_213 = arith.constant 1 : i32
    %run_scoped3A_214 = arith.constant 1 : i32
    "tpu.region"() ({
      %run_scoped3A_244 = tpu.sem_alloc : memref<!tpu.dma_semaphore, #tpu.memory_space<semaphore_mem>>
      %dma_start3A_245 = arith.constant 0 : i32
      %dma_start3A_246 = tpu.memref_slice %arg9[%run_scoped3A_213, %run_scoped3A_214, %dma_start3A_245] : memref<2x2x128xi32, #tpu.memory_space<vmem>> -> memref<1x1x128xi32, #tpu.memory_space<vmem>>
      %dma_start3A_247 = tpu.memref_squeeze %dma_start3A_246 : memref<1x1x128xi32, #tpu.memory_space<vmem>> -> memref<128xi32, #tpu.memory_space<vmem>>
      %dma_start3A_248 = arith.constant 0 : i32
      %dma_start3A_249 = arith.constant 0 : i32
      %dma_start3A_250 = tpu.memref_slice %arg11[%dma_start3A_248, %dma_start3A_249] : memref<10016x128xf32, #tpu.memory_space<vmem_shared>> -> memref<10016x128xf32, #tpu.memory_space<vmem_shared>>
      tpu.enqueue_indirect_dma source(%arg6 : memref<128x128xf32, #tpu.memory_space<vmem>>) target(%dma_start3A_250 : memref<10016x128xf32, #tpu.memory_space<vmem_shared>>) offsets(%dma_start3A_247 : memref<128xi32, #tpu.memory_space<vmem>>) semaphore(%run_scoped3A_244 : memref<!tpu.dma_semaphore, #tpu.memory_space<semaphore_mem>>) {add = true}
      %dma_wait3A_251 = arith.constant 0 : i32
      %dma_wait3A_252 = tpu.memref_slice %arg9[%run_scoped3A_213, %run_scoped3A_214, %dma_wait3A_251] : memref<2x2x128xi32, #tpu.memory_space<vmem>> -> memref<1x1x128xi32, #tpu.memory_space<vmem>>
      %dma_wait3A_253 = tpu.memref_squeeze %dma_wait3A_252 : memref<1x1x128xi32, #tpu.memory_space<vmem>> -> memref<128xi32, #tpu.memory_space<vmem>>
      %dma_wait3A_254 = arith.constant 0 : i32
      %dma_wait3A_255 = arith.constant 0 : i32
      %dma_wait3A_256 = tpu.memref_slice %arg11[%dma_wait3A_254, %dma_wait3A_255] : memref<10016x128xf32, #tpu.memory_space<vmem_shared>> -> memref<10016x128xf32, #tpu.memory_space<vmem_shared>>
      tpu.wait_indirect_dma semaphore(%run_scoped3A_244 : memref<!tpu.dma_semaphore, #tpu.memory_space<semaphore_mem>>) src(%arg6 : memref<128x128xf32, #tpu.memory_space<vmem>>) dst(%dma_wait3A_256 : memref<10016x128xf32, #tpu.memory_space<vmem_shared>>)
      tpu.yield
    }) : () -> ()
    %dma_wait3A_215 = arith.constant 0 : i32
    %dma_wait3A_216 = arith.constant 0 : i32
    %dma_wait3A_217 = tpu.memref_slice %arg2[%dma_wait3A_215, %dma_wait3A_216] : memref<10000x128xf32, #tpu.memory_space<hbm>> -> memref<128x128xf32, #tpu.memory_space<hbm>>
    %dma_wait3A_218 = arith.constant 0 : i32
    %dma_wait3A_219 = arith.constant 0 : i32
    %dma_wait3A_220 = tpu.memref_slice %arg2[%dma_wait3A_218, %dma_wait3A_219] : memref<10000x128xf32, #tpu.memory_space<hbm>> -> memref<128x128xf32, #tpu.memory_space<hbm>>
    tpu.wait_dma2 semaphore(%arg14 : memref<!tpu.dma_semaphore, #tpu.memory_space<semaphore_mem>>) src(%dma_wait3A_220 : memref<128x128xf32, #tpu.memory_space<hbm>>) dst(%arg7 : memref<128x128xf32, #tpu.memory_space<vmem>>)
    %run_scoped3A_221 = arith.constant 1 : i32
    %run_scoped3A_222 = arith.constant 1 : i32
    "tpu.region"() ({
      %run_scoped3A_244 = tpu.sem_alloc : memref<!tpu.dma_semaphore, #tpu.memory_space<semaphore_mem>>
      %dma_start3A_245 = arith.constant 0 : i32
      %dma_start3A_246 = tpu.memref_slice %arg10[%run_scoped3A_221, %run_scoped3A_222, %dma_start3A_245] : memref<2x2x128xi32, #tpu.memory_space<vmem>> -> memref<1x1x128xi32, #tpu.memory_space<vmem>>
      %dma_start3A_247 = tpu.memref_squeeze %dma_start3A_246 : memref<1x1x128xi32, #tpu.memory_space<vmem>> -> memref<128xi32, #tpu.memory_space<vmem>>
      %dma_start3A_248 = arith.constant 0 : i32
      %dma_start3A_249 = arith.constant 0 : i32
      %dma_start3A_250 = tpu.memref_slice %arg11[%dma_start3A_248, %dma_start3A_249] : memref<10016x128xf32, #tpu.memory_space<vmem_shared>> -> memref<10016x128xf32, #tpu.memory_space<vmem_shared>>
      tpu.enqueue_indirect_dma source(%arg7 : memref<128x128xf32, #tpu.memory_space<vmem>>) target(%dma_start3A_250 : memref<10016x128xf32, #tpu.memory_space<vmem_shared>>) offsets(%dma_start3A_247 : memref<128xi32, #tpu.memory_space<vmem>>) semaphore(%run_scoped3A_244 : memref<!tpu.dma_semaphore, #tpu.memory_space<semaphore_mem>>) {add = true}
      %dma_wait3A_251 = arith.constant 0 : i32
      %dma_wait3A_252 = tpu.memref_slice %arg10[%run_scoped3A_221, %run_scoped3A_222, %dma_wait3A_251] : memref<2x2x128xi32, #tpu.memory_space<vmem>> -> memref<1x1x128xi32, #tpu.memory_space<vmem>>
      %dma_wait3A_253 = tpu.memref_squeeze %dma_wait3A_252 : memref<1x1x128xi32, #tpu.memory_space<vmem>> -> memref<128xi32, #tpu.memory_space<vmem>>
      %dma_wait3A_254 = arith.constant 0 : i32
      %dma_wait3A_255 = arith.constant 0 : i32
      %dma_wait3A_256 = tpu.memref_slice %arg11[%dma_wait3A_254, %dma_wait3A_255] : memref<10016x128xf32, #tpu.memory_space<vmem_shared>> -> memref<10016x128xf32, #tpu.memory_space<vmem_shared>>
      tpu.wait_indirect_dma semaphore(%run_scoped3A_244 : memref<!tpu.dma_semaphore, #tpu.memory_space<semaphore_mem>>) src(%arg7 : memref<128x128xf32, #tpu.memory_space<vmem>>) dst(%dma_wait3A_256 : memref<10016x128xf32, #tpu.memory_space<vmem_shared>>)
      tpu.yield
    }) : () -> ()
    %dma_wait3A_223 = arith.constant 0 : i32
    %dma_wait3A_224 = arith.constant 0 : i32
    %dma_wait3A_225 = tpu.memref_slice %arg2[%dma_wait3A_223, %dma_wait3A_224] : memref<10000x128xf32, #tpu.memory_space<hbm>> -> memref<128x128xf32, #tpu.memory_space<hbm>>
    %dma_wait3A_226 = arith.constant 0 : i32
    %dma_wait3A_227 = arith.constant 0 : i32
    %dma_wait3A_228 = tpu.memref_slice %arg2[%dma_wait3A_226, %dma_wait3A_227] : memref<10000x128xf32, #tpu.memory_space<hbm>> -> memref<128x128xf32, #tpu.memory_space<hbm>>
    tpu.wait_dma2 semaphore(%arg12 : memref<!tpu.dma_semaphore, #tpu.memory_space<semaphore_mem>>) src(%dma_wait3A_228 : memref<128x128xf32, #tpu.memory_space<hbm>>) dst(%arg5 : memref<128x128xf32, #tpu.memory_space<vmem>>)
    %run_scoped3A_229 = arith.constant 0 : i32
    %run_scoped3A_230 = arith.constant 1 : i32
    "tpu.region"() ({
      %run_scoped3A_244 = tpu.sem_alloc : memref<!tpu.dma_semaphore, #tpu.memory_space<semaphore_mem>>
      %dma_start3A_245 = arith.constant 0 : i32
      %dma_start3A_246 = tpu.memref_slice %arg8[%run_scoped3A_229, %run_scoped3A_230, %dma_start3A_245] : memref<2x2x128xi32, #tpu.memory_space<vmem>> -> memref<1x1x128xi32, #tpu.memory_space<vmem>>
      %dma_start3A_247 = tpu.memref_squeeze %dma_start3A_246 : memref<1x1x128xi32, #tpu.memory_space<vmem>> -> memref<128xi32, #tpu.memory_space<vmem>>
      %dma_start3A_248 = arith.constant 0 : i32
      %dma_start3A_249 = arith.constant 0 : i32
      %dma_start3A_250 = tpu.memref_slice %arg11[%dma_start3A_248, %dma_start3A_249] : memref<10016x128xf32, #tpu.memory_space<vmem_shared>> -> memref<10016x128xf32, #tpu.memory_space<vmem_shared>>
      tpu.enqueue_indirect_dma source(%arg5 : memref<128x128xf32, #tpu.memory_space<vmem>>) target(%dma_start3A_250 : memref<10016x128xf32, #tpu.memory_space<vmem_shared>>) offsets(%dma_start3A_247 : memref<128xi32, #tpu.memory_space<vmem>>) semaphore(%run_scoped3A_244 : memref<!tpu.dma_semaphore, #tpu.memory_space<semaphore_mem>>) {add = true}
      %dma_wait3A_251 = arith.constant 0 : i32
      %dma_wait3A_252 = tpu.memref_slice %arg8[%run_scoped3A_229, %run_scoped3A_230, %dma_wait3A_251] : memref<2x2x128xi32, #tpu.memory_space<vmem>> -> memref<1x1x128xi32, #tpu.memory_space<vmem>>
      %dma_wait3A_253 = tpu.memref_squeeze %dma_wait3A_252 : memref<1x1x128xi32, #tpu.memory_space<vmem>> -> memref<128xi32, #tpu.memory_space<vmem>>
      %dma_wait3A_254 = arith.constant 0 : i32
      %dma_wait3A_255 = arith.constant 0 : i32
      %dma_wait3A_256 = tpu.memref_slice %arg11[%dma_wait3A_254, %dma_wait3A_255] : memref<10016x128xf32, #tpu.memory_space<vmem_shared>> -> memref<10016x128xf32, #tpu.memory_space<vmem_shared>>
      tpu.wait_indirect_dma semaphore(%run_scoped3A_244 : memref<!tpu.dma_semaphore, #tpu.memory_space<semaphore_mem>>) src(%arg5 : memref<128x128xf32, #tpu.memory_space<vmem>>) dst(%dma_wait3A_256 : memref<10016x128xf32, #tpu.memory_space<vmem_shared>>)
      tpu.yield
    }) : () -> ()
    %barrier3A_231 = arith.constant 0 : index
    tpu.barrier barrier_id(%barrier3A_231)
    %mul3A_232 = arith.constant 624 : i32
    %mul3A_233 = arith.muli %arg1, %mul3A_232 : i32
    %mul3A_234 = arith.constant 10016 : i32
    %mul3A_235 = arith.muli %arg0, %mul3A_234 : i32
    %mul3A_236 = arith.constant 624 : i32
    %mul3A_237 = arith.muli %arg1, %mul3A_236 : i32
    %add3A_238 = arith.addi %mul3A_235, %mul3A_237 : i32
    "tpu.region"() ({
      %run_scoped3A_244 = tpu.sem_alloc : memref<!tpu.dma_semaphore, #tpu.memory_space<semaphore_mem>>
      %dma_start3A_245 = arith.constant 0 : i32
      %dma_start3A_246 = tpu.memref_slice %arg4[%add3A_238, %dma_start3A_245] : memref<20032x128xf32, #tpu.memory_space<hbm>> -> memref<624x128xf32, #tpu.memory_space<hbm>>
      %dma_start3A_247 = arith.constant 0 : i32
      %dma_start3A_248 = tpu.memref_slice %arg11[%mul3A_233, %dma_start3A_247] : memref<10016x128xf32, #tpu.memory_space<vmem_shared>> -> memref<624x128xf32, #tpu.memory_space<vmem_shared>>
      tpu.enqueue_dma source(%dma_start3A_248 : memref<624x128xf32, #tpu.memory_space<vmem_shared>>) target(%dma_start3A_246 : memref<624x128xf32, #tpu.memory_space<hbm>>) target_semaphore(%run_scoped3A_244 : memref<!tpu.dma_semaphore, #tpu.memory_space<semaphore_mem>>)
      %dma_wait3A_249 = arith.constant 0 : i32
      %dma_wait3A_250 = tpu.memref_slice %arg4[%add3A_238, %dma_wait3A_249] : memref<20032x128xf32, #tpu.memory_space<hbm>> -> memref<624x128xf32, #tpu.memory_space<hbm>>
      %dma_wait3A_251 = arith.constant 0 : i32
      %dma_wait3A_252 = tpu.memref_slice %arg11[%mul3A_233, %dma_wait3A_251] : memref<10016x128xf32, #tpu.memory_space<vmem_shared>> -> memref<624x128xf32, #tpu.memory_space<vmem_shared>>
      tpu.wait_dma2 semaphore(%run_scoped3A_244 : memref<!tpu.dma_semaphore, #tpu.memory_space<semaphore_mem>>) src(%dma_wait3A_252 : memref<624x128xf32, #tpu.memory_space<vmem_shared>>) dst(%dma_wait3A_250 : memref<624x128xf32, #tpu.memory_space<hbm>>)
      tpu.yield
    }) : () -> ()
    %eq3A_239 = arith.constant 0 : i32
    %eq3A_240 = arith.cmpi eq, %arg1, %eq3A_239 : i32
    %convert_element_type3A_241 = arith.extui %eq3A_240 : i1 to i32
    %cond3A_242 = arith.constant 0 : i32
    %cond3A_243 = arith.cmpi ne, %convert_element_type3A_241, %cond3A_242 : i32
    scf.if %cond3A_243 {
      %mul3A_244 = arith.constant 10016 : i32
      %mul3A_245 = arith.muli %arg0, %mul3A_244 : i32
      %add3A_246 = arith.constant 9984 : i32
      %add3A_247 = arith.addi %mul3A_245, %add3A_246 : i32
      "tpu.region"() ({
        %run_scoped3A_248 = tpu.sem_alloc : memref<!tpu.dma_semaphore, #tpu.memory_space<semaphore_mem>>
        %dma_start3A_249 = arith.constant 0 : i32
        %dma_start3A_250 = tpu.memref_slice %arg4[%add3A_247, %dma_start3A_249] : memref<20032x128xf32, #tpu.memory_space<hbm>> -> memref<32x128xf32, #tpu.memory_space<hbm>>
        %dma_start3A_251 = arith.constant 9984 : i32
        %dma_start3A_252 = arith.constant 0 : i32
        %dma_start3A_253 = tpu.memref_slice %arg11[%dma_start3A_251, %dma_start3A_252] : memref<10016x128xf32, #tpu.memory_space<vmem_shared>> -> memref<32x128xf32, #tpu.memory_space<vmem_shared>>
        tpu.enqueue_dma source(%dma_start3A_253 : memref<32x128xf32, #tpu.memory_space<vmem_shared>>) target(%dma_start3A_250 : memref<32x128xf32, #tpu.memory_space<hbm>>) target_semaphore(%run_scoped3A_248 : memref<!tpu.dma_semaphore, #tpu.memory_space<semaphore_mem>>)
        %dma_wait3A_254 = arith.constant 0 : i32
        %dma_wait3A_255 = tpu.memref_slice %arg4[%add3A_247, %dma_wait3A_254] : memref<20032x128xf32, #tpu.memory_space<hbm>> -> memref<32x128xf32, #tpu.memory_space<hbm>>
        %dma_wait3A_256 = arith.constant 9984 : i32
        %dma_wait3A_257 = arith.constant 0 : i32
        %dma_wait3A_258 = tpu.memref_slice %arg11[%dma_wait3A_256, %dma_wait3A_257] : memref<10016x128xf32, #tpu.memory_space<vmem_shared>> -> memref<32x128xf32, #tpu.memory_space<vmem_shared>>
        tpu.wait_dma2 semaphore(%run_scoped3A_248 : memref<!tpu.dma_semaphore, #tpu.memory_space<semaphore_mem>>) src(%dma_wait3A_258 : memref<32x128xf32, #tpu.memory_space<vmem_shared>>) dst(%dma_wait3A_255 : memref<32x128xf32, #tpu.memory_space<hbm>>)
        tpu.yield
      }) : () -> ()
    } else {
    }
    return
  }
}

#map = affine_map<(d0, d1) -> (0, 0)>
module attributes {stable_mosaic.version = 14 : i64} {
  func.func @_sc_degrees(%arg0: i32, %arg1: i32, %arg2: memref<5120x128xi32, #tpu.memory_space<hbm>>, %arg3: memref<2x20480xf32, #tpu.memory_space<hbm>>, %arg4: memref<160x128xi32, #tpu.memory_space<vmem>>, %arg5: memref<128xf32, #tpu.memory_space<vmem>>, %arg6: memref<20480xf32, #tpu.memory_space<vmem_shared>>, %arg7: memref<!tpu.dma_semaphore, #tpu.memory_space<semaphore_mem>>) attributes {dimension_semantics = [#tpu.dimension_semantics<core_parallel>, #tpu.dimension_semantics<subcore_parallel>], iteration_bounds = array<i64: 2, 16>, scalar_prefetch = 0 : i64, scratch_operands = 4 : i64, tpu.core_type = #tpu.core_type<sc_vector_subcore>, window_params = [{transform_indices = #map}, {transform_indices = #map}]} {
    %mul3A = arith.constant 2 : i32
    %mul3A_0 = arith.muli %arg1, %mul3A : i32
    %add3A = arith.addi %mul3A_0, %arg0 : i32
    %mul3A_1 = arith.constant 160 : i32
    %mul3A_2 = arith.muli %add3A, %mul3A_1 : i32
    "tpu.region"() ({
      %run_scoped3A = tpu.sem_alloc : memref<!tpu.dma_semaphore, #tpu.memory_space<semaphore_mem>>
      %dma_start3A = arith.constant 0 : i32
      %dma_start3A_31 = tpu.memref_slice %arg2[%mul3A_2, %dma_start3A] : memref<5120x128xi32, #tpu.memory_space<hbm>> -> memref<160x128xi32, #tpu.memory_space<hbm>>
      %dma_start3A_32 = arith.constant 0 : i32
      %dma_start3A_33 = tpu.memref_slice %arg2[%mul3A_2, %dma_start3A_32] : memref<5120x128xi32, #tpu.memory_space<hbm>> -> memref<160x128xi32, #tpu.memory_space<hbm>>
      tpu.enqueue_dma source(%dma_start3A_33 : memref<160x128xi32, #tpu.memory_space<hbm>>) target(%arg4 : memref<160x128xi32, #tpu.memory_space<vmem>>) target_semaphore(%run_scoped3A : memref<!tpu.dma_semaphore, #tpu.memory_space<semaphore_mem>>)
      %dma_wait3A = arith.constant 0 : i32
      %dma_wait3A_34 = tpu.memref_slice %arg2[%mul3A_2, %dma_wait3A] : memref<5120x128xi32, #tpu.memory_space<hbm>> -> memref<160x128xi32, #tpu.memory_space<hbm>>
      %dma_wait3A_35 = arith.constant 0 : i32
      %dma_wait3A_36 = tpu.memref_slice %arg2[%mul3A_2, %dma_wait3A_35] : memref<5120x128xi32, #tpu.memory_space<hbm>> -> memref<160x128xi32, #tpu.memory_space<hbm>>
      tpu.wait_dma2 semaphore(%run_scoped3A : memref<!tpu.dma_semaphore, #tpu.memory_space<semaphore_mem>>) src(%dma_wait3A_36 : memref<160x128xi32, #tpu.memory_space<hbm>>) dst(%arg4 : memref<160x128xi32, #tpu.memory_space<vmem>>)
      tpu.yield
    }) : () -> ()
    %scan3A = arith.constant 0 : i32
    %scan3A_3 = arith.constant 0 : i32
    %scan3A_4 = arith.constant 8 : i32
    %scan3A_5 = arith.addi %scan3A_3, %scan3A_4 : i32
    %scan3A_6 = arith.constant 1 : i32
    scf.for %scan3A_31 = %scan3A_3 to %scan3A_5 step %scan3A_6  : i32 {
      %broadcast_in_dim3A = arith.constant 0.000000e+00 : f32
      %broadcast_in_dim3A_32 = vector.broadcast %broadcast_in_dim3A : f32 to vector<16xf32>
      %mul3A_33 = arith.constant 16 : i32
      %mul3A_34 = arith.muli %scan3A_31, %mul3A_33 : i32
      %swap3A = arith.index_cast %mul3A_34 : i32 to index
      %swap3A_35 = tpu.vector_load %arg5[%swap3A] {strides = array<i32>} : memref<128xf32, #tpu.memory_space<vmem>>, vector<16xf32>,
      %swap3A_36 = vector.shape_cast %swap3A_35 : vector<16xf32> to vector<16xf32>
      %swap3A_37 = vector.shape_cast %broadcast_in_dim3A_32 : vector<16xf32> to vector<16xf32>
      tpu.vector_store %arg5[%swap3A], %swap3A_37 {strides = array<i32>} : memref<128xf32, #tpu.memory_space<vmem>>, vector<16xf32>,
    }
    %scan3A_7 = arith.constant 8 : i32
    %scan3A_8 = arith.constant 0 : i32
    %scan3A_9 = arith.constant 0 : i32
    %scan3A_10 = arith.constant 10 : i32
    %scan3A_11 = arith.addi %scan3A_9, %scan3A_10 : i32
    %scan3A_12 = arith.constant 1 : i32
    scf.for %scan3A_31 = %scan3A_9 to %scan3A_11 step %scan3A_12  : i32 {
      %mul3A_32 = arith.constant 1280 : i32
      %mul3A_33 = arith.muli %arg1, %mul3A_32 : i32
      %mul3A_34 = arith.constant 128 : i32
      %mul3A_35 = arith.muli %scan3A_31, %mul3A_34 : i32
      %add3A_36 = arith.addi %mul3A_33, %mul3A_35 : i32
      "tpu.region"() ({
        %run_scoped3A = tpu.sem_alloc : memref<!tpu.dma_semaphore, #tpu.memory_space<semaphore_mem>>
        %dma_start3A = tpu.memref_slice %arg6[%add3A_36] : memref<20480xf32, #tpu.memory_space<vmem_shared>> -> memref<128xf32, #tpu.memory_space<vmem_shared>>
        %dma_start3A_37 = tpu.memref_slice %arg6[%add3A_36] : memref<20480xf32, #tpu.memory_space<vmem_shared>> -> memref<128xf32, #tpu.memory_space<vmem_shared>>
        tpu.enqueue_dma source(%arg5 : memref<128xf32, #tpu.memory_space<vmem>>) target(%dma_start3A_37 : memref<128xf32, #tpu.memory_space<vmem_shared>>) target_semaphore(%run_scoped3A : memref<!tpu.dma_semaphore, #tpu.memory_space<semaphore_mem>>)
        %dma_wait3A = tpu.memref_slice %arg6[%add3A_36] : memref<20480xf32, #tpu.memory_space<vmem_shared>> -> memref<128xf32, #tpu.memory_space<vmem_shared>>
        %dma_wait3A_38 = tpu.memref_slice %arg6[%add3A_36] : memref<20480xf32, #tpu.memory_space<vmem_shared>> -> memref<128xf32, #tpu.memory_space<vmem_shared>>
        tpu.wait_dma2 semaphore(%run_scoped3A : memref<!tpu.dma_semaphore, #tpu.memory_space<semaphore_mem>>) src(%arg5 : memref<128xf32, #tpu.memory_space<vmem>>) dst(%dma_wait3A_38 : memref<128xf32, #tpu.memory_space<vmem_shared>>)
        tpu.yield
      }) : () -> ()
    }
    %scan3A_13 = arith.constant 10 : i32
    %scan3A_14 = arith.constant 0 : i32
    %scan3A_15 = arith.constant 0 : i32
    %scan3A_16 = arith.constant 8 : i32
    %scan3A_17 = arith.addi %scan3A_15, %scan3A_16 : i32
    %scan3A_18 = arith.constant 1 : i32
    scf.for %scan3A_31 = %scan3A_15 to %scan3A_17 step %scan3A_18  : i32 {
      %broadcast_in_dim3A = arith.constant 1.000000e+00 : f32
      %broadcast_in_dim3A_32 = vector.broadcast %broadcast_in_dim3A : f32 to vector<16xf32>
      %mul3A_33 = arith.constant 16 : i32
      %mul3A_34 = arith.muli %scan3A_31, %mul3A_33 : i32
      %swap3A = arith.index_cast %mul3A_34 : i32 to index
      %swap3A_35 = tpu.vector_load %arg5[%swap3A] {strides = array<i32>} : memref<128xf32, #tpu.memory_space<vmem>>, vector<16xf32>,
      %swap3A_36 = vector.shape_cast %swap3A_35 : vector<16xf32> to vector<16xf32>
      %swap3A_37 = vector.shape_cast %broadcast_in_dim3A_32 : vector<16xf32> to vector<16xf32>
      tpu.vector_store %arg5[%swap3A], %swap3A_37 {strides = array<i32>} : memref<128xf32, #tpu.memory_space<vmem>>, vector<16xf32>,
    }
    %scan3A_19 = arith.constant 8 : i32
    %barrier3A = arith.constant 0 : index
    tpu.barrier barrier_id(%barrier3A)
    %scan3A_20 = arith.constant 0 : i32
    %scan3A_21 = arith.constant 0 : i32
    %scan3A_22 = arith.constant 20 : i32
    %scan3A_23 = arith.addi %scan3A_21, %scan3A_22 : i32
    %scan3A_24 = arith.constant 1 : i32
    scf.for %scan3A_31 = %scan3A_21 to %scan3A_23 step %scan3A_24  : i32 {
      %mul3A_32 = arith.constant 8 : i32
      %mul3A_33 = arith.muli %scan3A_31, %mul3A_32 : i32
      %add3A_34 = arith.constant 0 : i32
      %add3A_35 = arith.addi %mul3A_33, %add3A_34 : i32
      %dma_start3A = arith.constant 0 : i32
      %dma_start3A_36 = tpu.memref_slice %arg4[%add3A_35, %dma_start3A] : memref<160x128xi32, #tpu.memory_space<vmem>> -> memref<1x128xi32, #tpu.memory_space<vmem>>
      %dma_start3A_37 = tpu.memref_squeeze %dma_start3A_36 : memref<1x128xi32, #tpu.memory_space<vmem>> -> memref<128xi32, #tpu.memory_space<vmem>>
      %dma_start3A_38 = arith.constant 0 : i32
      %dma_start3A_39 = tpu.memref_slice %arg6[%dma_start3A_38] : memref<20480xf32, #tpu.memory_space<vmem_shared>> -> memref<20480xf32, #tpu.memory_space<vmem_shared>>
      tpu.enqueue_indirect_dma source(%arg5 : memref<128xf32, #tpu.memory_space<vmem>>) target(%dma_start3A_39 : memref<20480xf32, #tpu.memory_space<vmem_shared>>) offsets(%dma_start3A_37 : memref<128xi32, #tpu.memory_space<vmem>>) semaphore(%arg7 : memref<!tpu.dma_semaphore, #tpu.memory_space<semaphore_mem>>) {add = true}
      %mul3A_40 = arith.constant 8 : i32
      %mul3A_41 = arith.muli %scan3A_31, %mul3A_40 : i32
      %add3A_42 = arith.constant 1 : i32
      %add3A_43 = arith.addi %mul3A_41, %add3A_42 : i32
      %dma_start3A_44 = arith.constant 0 : i32
      %dma_start3A_45 = tpu.memref_slice %arg4[%add3A_43, %dma_start3A_44] : memref<160x128xi32, #tpu.memory_space<vmem>> -> memref<1x128xi32, #tpu.memory_space<vmem>>
      %dma_start3A_46 = tpu.memref_squeeze %dma_start3A_45 : memref<1x128xi32, #tpu.memory_space<vmem>> -> memref<128xi32, #tpu.memory_space<vmem>>
      %dma_start3A_47 = arith.constant 0 : i32
      %dma_start3A_48 = tpu.memref_slice %arg6[%dma_start3A_47] : memref<20480xf32, #tpu.memory_space<vmem_shared>> -> memref<20480xf32, #tpu.memory_space<vmem_shared>>
      tpu.enqueue_indirect_dma source(%arg5 : memref<128xf32, #tpu.memory_space<vmem>>) target(%dma_start3A_48 : memref<20480xf32, #tpu.memory_space<vmem_shared>>) offsets(%dma_start3A_46 : memref<128xi32, #tpu.memory_space<vmem>>) semaphore(%arg7 : memref<!tpu.dma_semaphore, #tpu.memory_space<semaphore_mem>>) {add = true}
      %mul3A_49 = arith.constant 8 : i32
      %mul3A_50 = arith.muli %scan3A_31, %mul3A_49 : i32
      %add3A_51 = arith.constant 2 : i32
      %add3A_52 = arith.addi %mul3A_50, %add3A_51 : i32
      %dma_start3A_53 = arith.constant 0 : i32
      %dma_start3A_54 = tpu.memref_slice %arg4[%add3A_52, %dma_start3A_53] : memref<160x128xi32, #tpu.memory_space<vmem>> -> memref<1x128xi32, #tpu.memory_space<vmem>>
      %dma_start3A_55 = tpu.memref_squeeze %dma_start3A_54 : memref<1x128xi32, #tpu.memory_space<vmem>> -> memref<128xi32, #tpu.memory_space<vmem>>
      %dma_start3A_56 = arith.constant 0 : i32
      %dma_start3A_57 = tpu.memref_slice %arg6[%dma_start3A_56] : memref<20480xf32, #tpu.memory_space<vmem_shared>> -> memref<20480xf32, #tpu.memory_space<vmem_shared>>
      tpu.enqueue_indirect_dma source(%arg5 : memref<128xf32, #tpu.memory_space<vmem>>) target(%dma_start3A_57 : memref<20480xf32, #tpu.memory_space<vmem_shared>>) offsets(%dma_start3A_55 : memref<128xi32, #tpu.memory_space<vmem>>) semaphore(%arg7 : memref<!tpu.dma_semaphore, #tpu.memory_space<semaphore_mem>>) {add = true}
      %mul3A_58 = arith.constant 8 : i32
      %mul3A_59 = arith.muli %scan3A_31, %mul3A_58 : i32
      %add3A_60 = arith.constant 3 : i32
      %add3A_61 = arith.addi %mul3A_59, %add3A_60 : i32
      %dma_start3A_62 = arith.constant 0 : i32
      %dma_start3A_63 = tpu.memref_slice %arg4[%add3A_61, %dma_start3A_62] : memref<160x128xi32, #tpu.memory_space<vmem>> -> memref<1x128xi32, #tpu.memory_space<vmem>>
      %dma_start3A_64 = tpu.memref_squeeze %dma_start3A_63 : memref<1x128xi32, #tpu.memory_space<vmem>> -> memref<128xi32, #tpu.memory_space<vmem>>
      %dma_start3A_65 = arith.constant 0 : i32
      %dma_start3A_66 = tpu.memref_slice %arg6[%dma_start3A_65] : memref<20480xf32, #tpu.memory_space<vmem_shared>> -> memref<20480xf32, #tpu.memory_space<vmem_shared>>
      tpu.enqueue_indirect_dma source(%arg5 : memref<128xf32, #tpu.memory_space<vmem>>) target(%dma_start3A_66 : memref<20480xf32, #tpu.memory_space<vmem_shared>>) offsets(%dma_start3A_64 : memref<128xi32, #tpu.memory_space<vmem>>) semaphore(%arg7 : memref<!tpu.dma_semaphore, #tpu.memory_space<semaphore_mem>>) {add = true}
      %mul3A_67 = arith.constant 8 : i32
      %mul3A_68 = arith.muli %scan3A_31, %mul3A_67 : i32
      %add3A_69 = arith.constant 4 : i32
      %add3A_70 = arith.addi %mul3A_68, %add3A_69 : i32
      %dma_start3A_71 = arith.constant 0 : i32
      %dma_start3A_72 = tpu.memref_slice %arg4[%add3A_70, %dma_start3A_71] : memref<160x128xi32, #tpu.memory_space<vmem>> -> memref<1x128xi32, #tpu.memory_space<vmem>>
      %dma_start3A_73 = tpu.memref_squeeze %dma_start3A_72 : memref<1x128xi32, #tpu.memory_space<vmem>> -> memref<128xi32, #tpu.memory_space<vmem>>
      %dma_start3A_74 = arith.constant 0 : i32
      %dma_start3A_75 = tpu.memref_slice %arg6[%dma_start3A_74] : memref<20480xf32, #tpu.memory_space<vmem_shared>> -> memref<20480xf32, #tpu.memory_space<vmem_shared>>
      tpu.enqueue_indirect_dma source(%arg5 : memref<128xf32, #tpu.memory_space<vmem>>) target(%dma_start3A_75 : memref<20480xf32, #tpu.memory_space<vmem_shared>>) offsets(%dma_start3A_73 : memref<128xi32, #tpu.memory_space<vmem>>) semaphore(%arg7 : memref<!tpu.dma_semaphore, #tpu.memory_space<semaphore_mem>>) {add = true}
      %mul3A_76 = arith.constant 8 : i32
      %mul3A_77 = arith.muli %scan3A_31, %mul3A_76 : i32
      %add3A_78 = arith.constant 5 : i32
      %add3A_79 = arith.addi %mul3A_77, %add3A_78 : i32
      %dma_start3A_80 = arith.constant 0 : i32
      %dma_start3A_81 = tpu.memref_slice %arg4[%add3A_79, %dma_start3A_80] : memref<160x128xi32, #tpu.memory_space<vmem>> -> memref<1x128xi32, #tpu.memory_space<vmem>>
      %dma_start3A_82 = tpu.memref_squeeze %dma_start3A_81 : memref<1x128xi32, #tpu.memory_space<vmem>> -> memref<128xi32, #tpu.memory_space<vmem>>
      %dma_start3A_83 = arith.constant 0 : i32
      %dma_start3A_84 = tpu.memref_slice %arg6[%dma_start3A_83] : memref<20480xf32, #tpu.memory_space<vmem_shared>> -> memref<20480xf32, #tpu.memory_space<vmem_shared>>
      tpu.enqueue_indirect_dma source(%arg5 : memref<128xf32, #tpu.memory_space<vmem>>) target(%dma_start3A_84 : memref<20480xf32, #tpu.memory_space<vmem_shared>>) offsets(%dma_start3A_82 : memref<128xi32, #tpu.memory_space<vmem>>) semaphore(%arg7 : memref<!tpu.dma_semaphore, #tpu.memory_space<semaphore_mem>>) {add = true}
      %mul3A_85 = arith.constant 8 : i32
      %mul3A_86 = arith.muli %scan3A_31, %mul3A_85 : i32
      %add3A_87 = arith.constant 6 : i32
      %add3A_88 = arith.addi %mul3A_86, %add3A_87 : i32
      %dma_start3A_89 = arith.constant 0 : i32
      %dma_start3A_90 = tpu.memref_slice %arg4[%add3A_88, %dma_start3A_89] : memref<160x128xi32, #tpu.memory_space<vmem>> -> memref<1x128xi32, #tpu.memory_space<vmem>>
      %dma_start3A_91 = tpu.memref_squeeze %dma_start3A_90 : memref<1x128xi32, #tpu.memory_space<vmem>> -> memref<128xi32, #tpu.memory_space<vmem>>
      %dma_start3A_92 = arith.constant 0 : i32
      %dma_start3A_93 = tpu.memref_slice %arg6[%dma_start3A_92] : memref<20480xf32, #tpu.memory_space<vmem_shared>> -> memref<20480xf32, #tpu.memory_space<vmem_shared>>
      tpu.enqueue_indirect_dma source(%arg5 : memref<128xf32, #tpu.memory_space<vmem>>) target(%dma_start3A_93 : memref<20480xf32, #tpu.memory_space<vmem_shared>>) offsets(%dma_start3A_91 : memref<128xi32, #tpu.memory_space<vmem>>) semaphore(%arg7 : memref<!tpu.dma_semaphore, #tpu.memory_space<semaphore_mem>>) {add = true}
      %mul3A_94 = arith.constant 8 : i32
      %mul3A_95 = arith.muli %scan3A_31, %mul3A_94 : i32
      %add3A_96 = arith.constant 7 : i32
      %add3A_97 = arith.addi %mul3A_95, %add3A_96 : i32
      %dma_start3A_98 = arith.constant 0 : i32
      %dma_start3A_99 = tpu.memref_slice %arg4[%add3A_97, %dma_start3A_98] : memref<160x128xi32, #tpu.memory_space<vmem>> -> memref<1x128xi32, #tpu.memory_space<vmem>>
      %dma_start3A_100 = tpu.memref_squeeze %dma_start3A_99 : memref<1x128xi32, #tpu.memory_space<vmem>> -> memref<128xi32, #tpu.memory_space<vmem>>
      %dma_start3A_101 = arith.constant 0 : i32
      %dma_start3A_102 = tpu.memref_slice %arg6[%dma_start3A_101] : memref<20480xf32, #tpu.memory_space<vmem_shared>> -> memref<20480xf32, #tpu.memory_space<vmem_shared>>
      tpu.enqueue_indirect_dma source(%arg5 : memref<128xf32, #tpu.memory_space<vmem>>) target(%dma_start3A_102 : memref<20480xf32, #tpu.memory_space<vmem_shared>>) offsets(%dma_start3A_100 : memref<128xi32, #tpu.memory_space<vmem>>) semaphore(%arg7 : memref<!tpu.dma_semaphore, #tpu.memory_space<semaphore_mem>>) {add = true}
      %dma_wait3A = arith.constant 0 : i32
      %dma_wait3A_103 = arith.constant 0 : i32
      %dma_wait3A_104 = tpu.memref_slice %arg2[%dma_wait3A, %dma_wait3A_103] : memref<5120x128xi32, #tpu.memory_space<hbm>> -> memref<1x128xi32, #tpu.memory_space<hbm>>
      %dma_wait3A_105 = tpu.memref_squeeze %dma_wait3A_104 : memref<1x128xi32, #tpu.memory_space<hbm>> -> memref<128xi32, #tpu.memory_space<hbm>>
      %dma_wait3A_106 = arith.constant 0 : i32
      %dma_wait3A_107 = tpu.memref_slice %arg2[%dma_wait3A, %dma_wait3A_106] : memref<5120x128xi32, #tpu.memory_space<hbm>> -> memref<1x128xi32, #tpu.memory_space<hbm>>
      %dma_wait3A_108 = tpu.memref_squeeze %dma_wait3A_107 : memref<1x128xi32, #tpu.memory_space<hbm>> -> memref<128xi32, #tpu.memory_space<hbm>>
      tpu.wait_dma2 semaphore(%arg7 : memref<!tpu.dma_semaphore, #tpu.memory_space<semaphore_mem>>) src(%dma_wait3A_108 : memref<128xi32, #tpu.memory_space<hbm>>) dst(%arg5 : memref<128xf32, #tpu.memory_space<vmem>>)
      %dma_wait3A_109 = arith.constant 0 : i32
      %dma_wait3A_110 = arith.constant 0 : i32
      %dma_wait3A_111 = tpu.memref_slice %arg2[%dma_wait3A_109, %dma_wait3A_110] : memref<5120x128xi32, #tpu.memory_space<hbm>> -> memref<1x128xi32, #tpu.memory_space<hbm>>
      %dma_wait3A_112 = tpu.memref_squeeze %dma_wait3A_111 : memref<1x128xi32, #tpu.memory_space<hbm>> -> memref<128xi32, #tpu.memory_space<hbm>>
      %dma_wait3A_113 = arith.constant 0 : i32
      %dma_wait3A_114 = tpu.memref_slice %arg2[%dma_wait3A_109, %dma_wait3A_113] : memref<5120x128xi32, #tpu.memory_space<hbm>> -> memref<1x128xi32, #tpu.memory_space<hbm>>
      %dma_wait3A_115 = tpu.memref_squeeze %dma_wait3A_114 : memref<1x128xi32, #tpu.memory_space<hbm>> -> memref<128xi32, #tpu.memory_space<hbm>>
      tpu.wait_dma2 semaphore(%arg7 : memref<!tpu.dma_semaphore, #tpu.memory_space<semaphore_mem>>) src(%dma_wait3A_115 : memref<128xi32, #tpu.memory_space<hbm>>) dst(%arg5 : memref<128xf32, #tpu.memory_space<vmem>>)
      %dma_wait3A_116 = arith.constant 0 : i32
      %dma_wait3A_117 = arith.constant 0 : i32
      %dma_wait3A_118 = tpu.memref_slice %arg2[%dma_wait3A_116, %dma_wait3A_117] : memref<5120x128xi32, #tpu.memory_space<hbm>> -> memref<1x128xi32, #tpu.memory_space<hbm>>
      %dma_wait3A_119 = tpu.memref_squeeze %dma_wait3A_118 : memref<1x128xi32, #tpu.memory_space<hbm>> -> memref<128xi32, #tpu.memory_space<hbm>>
      %dma_wait3A_120 = arith.constant 0 : i32
      %dma_wait3A_121 = tpu.memref_slice %arg2[%dma_wait3A_116, %dma_wait3A_120] : memref<5120x128xi32, #tpu.memory_space<hbm>> -> memref<1x128xi32, #tpu.memory_space<hbm>>
      %dma_wait3A_122 = tpu.memref_squeeze %dma_wait3A_121 : memref<1x128xi32, #tpu.memory_space<hbm>> -> memref<128xi32, #tpu.memory_space<hbm>>
      tpu.wait_dma2 semaphore(%arg7 : memref<!tpu.dma_semaphore, #tpu.memory_space<semaphore_mem>>) src(%dma_wait3A_122 : memref<128xi32, #tpu.memory_space<hbm>>) dst(%arg5 : memref<128xf32, #tpu.memory_space<vmem>>)
      %dma_wait3A_123 = arith.constant 0 : i32
      %dma_wait3A_124 = arith.constant 0 : i32
      %dma_wait3A_125 = tpu.memref_slice %arg2[%dma_wait3A_123, %dma_wait3A_124] : memref<5120x128xi32, #tpu.memory_space<hbm>> -> memref<1x128xi32, #tpu.memory_space<hbm>>
      %dma_wait3A_126 = tpu.memref_squeeze %dma_wait3A_125 : memref<1x128xi32, #tpu.memory_space<hbm>> -> memref<128xi32, #tpu.memory_space<hbm>>
      %dma_wait3A_127 = arith.constant 0 : i32
      %dma_wait3A_128 = tpu.memref_slice %arg2[%dma_wait3A_123, %dma_wait3A_127] : memref<5120x128xi32, #tpu.memory_space<hbm>> -> memref<1x128xi32, #tpu.memory_space<hbm>>
      %dma_wait3A_129 = tpu.memref_squeeze %dma_wait3A_128 : memref<1x128xi32, #tpu.memory_space<hbm>> -> memref<128xi32, #tpu.memory_space<hbm>>
      tpu.wait_dma2 semaphore(%arg7 : memref<!tpu.dma_semaphore, #tpu.memory_space<semaphore_mem>>) src(%dma_wait3A_129 : memref<128xi32, #tpu.memory_space<hbm>>) dst(%arg5 : memref<128xf32, #tpu.memory_space<vmem>>)
      %dma_wait3A_130 = arith.constant 0 : i32
      %dma_wait3A_131 = arith.constant 0 : i32
      %dma_wait3A_132 = tpu.memref_slice %arg2[%dma_wait3A_130, %dma_wait3A_131] : memref<5120x128xi32, #tpu.memory_space<hbm>> -> memref<1x128xi32, #tpu.memory_space<hbm>>
      %dma_wait3A_133 = tpu.memref_squeeze %dma_wait3A_132 : memref<1x128xi32, #tpu.memory_space<hbm>> -> memref<128xi32, #tpu.memory_space<hbm>>
      %dma_wait3A_134 = arith.constant 0 : i32
      %dma_wait3A_135 = tpu.memref_slice %arg2[%dma_wait3A_130, %dma_wait3A_134] : memref<5120x128xi32, #tpu.memory_space<hbm>> -> memref<1x128xi32, #tpu.memory_space<hbm>>
      %dma_wait3A_136 = tpu.memref_squeeze %dma_wait3A_135 : memref<1x128xi32, #tpu.memory_space<hbm>> -> memref<128xi32, #tpu.memory_space<hbm>>
      tpu.wait_dma2 semaphore(%arg7 : memref<!tpu.dma_semaphore, #tpu.memory_space<semaphore_mem>>) src(%dma_wait3A_136 : memref<128xi32, #tpu.memory_space<hbm>>) dst(%arg5 : memref<128xf32, #tpu.memory_space<vmem>>)
      %dma_wait3A_137 = arith.constant 0 : i32
      %dma_wait3A_138 = arith.constant 0 : i32
      %dma_wait3A_139 = tpu.memref_slice %arg2[%dma_wait3A_137, %dma_wait3A_138] : memref<5120x128xi32, #tpu.memory_space<hbm>> -> memref<1x128xi32, #tpu.memory_space<hbm>>
      %dma_wait3A_140 = tpu.memref_squeeze %dma_wait3A_139 : memref<1x128xi32, #tpu.memory_space<hbm>> -> memref<128xi32, #tpu.memory_space<hbm>>
      %dma_wait3A_141 = arith.constant 0 : i32
      %dma_wait3A_142 = tpu.memref_slice %arg2[%dma_wait3A_137, %dma_wait3A_141] : memref<5120x128xi32, #tpu.memory_space<hbm>> -> memref<1x128xi32, #tpu.memory_space<hbm>>
      %dma_wait3A_143 = tpu.memref_squeeze %dma_wait3A_142 : memref<1x128xi32, #tpu.memory_space<hbm>> -> memref<128xi32, #tpu.memory_space<hbm>>
      tpu.wait_dma2 semaphore(%arg7 : memref<!tpu.dma_semaphore, #tpu.memory_space<semaphore_mem>>) src(%dma_wait3A_143 : memref<128xi32, #tpu.memory_space<hbm>>) dst(%arg5 : memref<128xf32, #tpu.memory_space<vmem>>)
      %dma_wait3A_144 = arith.constant 0 : i32
      %dma_wait3A_145 = arith.constant 0 : i32
      %dma_wait3A_146 = tpu.memref_slice %arg2[%dma_wait3A_144, %dma_wait3A_145] : memref<5120x128xi32, #tpu.memory_space<hbm>> -> memref<1x128xi32, #tpu.memory_space<hbm>>
      %dma_wait3A_147 = tpu.memref_squeeze %dma_wait3A_146 : memref<1x128xi32, #tpu.memory_space<hbm>> -> memref<128xi32, #tpu.memory_space<hbm>>
      %dma_wait3A_148 = arith.constant 0 : i32
      %dma_wait3A_149 = tpu.memref_slice %arg2[%dma_wait3A_144, %dma_wait3A_148] : memref<5120x128xi32, #tpu.memory_space<hbm>> -> memref<1x128xi32, #tpu.memory_space<hbm>>
      %dma_wait3A_150 = tpu.memref_squeeze %dma_wait3A_149 : memref<1x128xi32, #tpu.memory_space<hbm>> -> memref<128xi32, #tpu.memory_space<hbm>>
      tpu.wait_dma2 semaphore(%arg7 : memref<!tpu.dma_semaphore, #tpu.memory_space<semaphore_mem>>) src(%dma_wait3A_150 : memref<128xi32, #tpu.memory_space<hbm>>) dst(%arg5 : memref<128xf32, #tpu.memory_space<vmem>>)
      %dma_wait3A_151 = arith.constant 0 : i32
      %dma_wait3A_152 = arith.constant 0 : i32
      %dma_wait3A_153 = tpu.memref_slice %arg2[%dma_wait3A_151, %dma_wait3A_152] : memref<5120x128xi32, #tpu.memory_space<hbm>> -> memref<1x128xi32, #tpu.memory_space<hbm>>
      %dma_wait3A_154 = tpu.memref_squeeze %dma_wait3A_153 : memref<1x128xi32, #tpu.memory_space<hbm>> -> memref<128xi32, #tpu.memory_space<hbm>>
      %dma_wait3A_155 = arith.constant 0 : i32
      %dma_wait3A_156 = tpu.memref_slice %arg2[%dma_wait3A_151, %dma_wait3A_155] : memref<5120x128xi32, #tpu.memory_space<hbm>> -> memref<1x128xi32, #tpu.memory_space<hbm>>
      %dma_wait3A_157 = tpu.memref_squeeze %dma_wait3A_156 : memref<1x128xi32, #tpu.memory_space<hbm>> -> memref<128xi32, #tpu.memory_space<hbm>>
      tpu.wait_dma2 semaphore(%arg7 : memref<!tpu.dma_semaphore, #tpu.memory_space<semaphore_mem>>) src(%dma_wait3A_157 : memref<128xi32, #tpu.memory_space<hbm>>) dst(%arg5 : memref<128xf32, #tpu.memory_space<vmem>>)
    }
    %scan3A_25 = arith.constant 20 : i32
    %barrier3A_26 = arith.constant 0 : index
    tpu.barrier barrier_id(%barrier3A_26)
    %mul3A_27 = arith.constant 1280 : i32
    %mul3A_28 = arith.muli %arg1, %mul3A_27 : i32
    %mul3A_29 = arith.constant 1280 : i32
    %mul3A_30 = arith.muli %arg1, %mul3A_29 : i32
    "tpu.region"() ({
      %run_scoped3A = tpu.sem_alloc : memref<!tpu.dma_semaphore, #tpu.memory_space<semaphore_mem>>
      %dma_start3A = tpu.memref_slice %arg3[%arg0, %mul3A_30] : memref<2x20480xf32, #tpu.memory_space<hbm>> -> memref<1x1280xf32, #tpu.memory_space<hbm>>
      %dma_start3A_31 = tpu.memref_squeeze %dma_start3A : memref<1x1280xf32, #tpu.memory_space<hbm>> -> memref<1280xf32, #tpu.memory_space<hbm>>
      %dma_start3A_32 = tpu.memref_slice %arg6[%mul3A_28] : memref<20480xf32, #tpu.memory_space<vmem_shared>> -> memref<1280xf32, #tpu.memory_space<vmem_shared>>
      tpu.enqueue_dma source(%dma_start3A_32 : memref<1280xf32, #tpu.memory_space<vmem_shared>>) target(%dma_start3A_31 : memref<1280xf32, #tpu.memory_space<hbm>>) target_semaphore(%run_scoped3A : memref<!tpu.dma_semaphore, #tpu.memory_space<semaphore_mem>>)
      %dma_wait3A = tpu.memref_slice %arg3[%arg0, %mul3A_30] : memref<2x20480xf32, #tpu.memory_space<hbm>> -> memref<1x1280xf32, #tpu.memory_space<hbm>>
      %dma_wait3A_33 = tpu.memref_squeeze %dma_wait3A : memref<1x1280xf32, #tpu.memory_space<hbm>> -> memref<1280xf32, #tpu.memory_space<hbm>>
      %dma_wait3A_34 = tpu.memref_slice %arg6[%mul3A_28] : memref<20480xf32, #tpu.memory_space<vmem_shared>> -> memref<1280xf32, #tpu.memory_space<vmem_shared>>
      tpu.wait_dma2 semaphore(%run_scoped3A : memref<!tpu.dma_semaphore, #tpu.memory_space<semaphore_mem>>) src(%dma_wait3A_34 : memref<1280xf32, #tpu.memory_space<vmem_shared>>) dst(%dma_wait3A_33 : memref<1280xf32, #tpu.memory_space<hbm>>)
      tpu.yield
    }) : () -> ()
    return
  }
}

module attributes {stable_mosaic.version = 14 : i64} {
  func.func @_tc1_body(%arg0: memref<10000x1xf32, #tpu.memory_space<vmem>>, %arg1: memref<10000x1xf32, #tpu.memory_space<vmem>>, %arg2: memref<10000x128xf32, #tpu.memory_space<vmem>>, %arg3: memref<128x128xf32, #tpu.memory_space<vmem>>, %arg4: memref<10000x128xf32, #tpu.memory_space<vmem>>) attributes {dimension_semantics = [], scalar_prefetch = 0 : i64, scratch_operands = 0 : i64, tpu.core_type = #tpu.core_type<tc>} {
    %get3A = arith.constant 0 : index
    %get3A_0 = arith.constant 0 : index
    %get3A_1 = vector.load %arg0[%get3A, %get3A_0] : memref<10000x1xf32, #tpu.memory_space<vmem>>, vector<10000x1xf32>
    %get3A_2 = arith.constant 0 : index
    %get3A_3 = arith.constant 0 : index
    %get3A_4 = vector.load %arg1[%get3A_2, %get3A_3] : memref<10000x1xf32, #tpu.memory_space<vmem>>, vector<10000x1xf32>
    %add3A = arith.addf %get3A_1, %get3A_4 : vector<10000x1xf32>
    %max3A = arith.constant 1.000000e+00 : f32
    %max3A_5 = vector.broadcast %max3A : f32 to vector<10000x1xf32>
    %max3A_6 = arith.maximumf %add3A, %max3A_5 : vector<10000x1xf32>
    %rsqrt3A = math.rsqrt %max3A_6 : vector<10000x1xf32>
    %get3A_7 = arith.constant 0 : index
    %get3A_8 = arith.constant 0 : index
    %get3A_9 = vector.load %arg2[%get3A_7, %get3A_8] : memref<10000x128xf32, #tpu.memory_space<vmem>>, vector<10000x128xf32>
    %mul3A = vector.broadcast %rsqrt3A : vector<10000x1xf32> to vector<10000x128xf32>
    %mul3A_10 = arith.mulf %get3A_9, %mul3A : vector<10000x128xf32>
    %get3A_11 = arith.constant 0 : index
    %get3A_12 = arith.constant 0 : index
    %get3A_13 = vector.load %arg3[%get3A_11, %get3A_12] : memref<128x128xf32, #tpu.memory_space<vmem>>, vector<128x128xf32>
    %dot_general3A = arith.constant dense<0.000000e+00> : vector<10000x128xf32>
    %dot_general3A_14 = tpu.matmul %mul3A_10, %get3A_13, %dot_general3A {dimension_numbers = #tpu.dot_dimension_numbers<[1], [0], [0], [1], [0, 0, 1, 1], [], []>, transpose_lhs_hint = false} : vector<10000x128xf32>, vector<128x128xf32>, vector<10000x128xf32> -> vector<10000x128xf32>
    %swap3A = arith.constant 0 : index
    %swap3A_15 = arith.constant 0 : index
    %swap3A_16 = vector.load %arg4[%swap3A, %swap3A_15] : memref<10000x128xf32, #tpu.memory_space<vmem>>, vector<10000x128xf32>
    tpu.vector_store %arg4[%swap3A, %swap3A_15], %dot_general3A_14 {strides = array<i32>} : memref<10000x128xf32, #tpu.memory_space<vmem>>, vector<10000x128xf32>,
    return
  }
}

module attributes {stable_mosaic.version = 14 : i64} {
  func.func @_tc2_body(%arg0: memref<10000x128xf32, #tpu.memory_space<vmem>>, %arg1: memref<10000x128xf32, #tpu.memory_space<vmem>>, %arg2: memref<10000x1xf32, #tpu.memory_space<vmem>>, %arg3: memref<10000x1xf32, #tpu.memory_space<vmem>>, %arg4: memref<10000x1xf32, #tpu.memory_space<vmem>>, %arg5: memref<10000x1xf32, #tpu.memory_space<vmem>>, %arg6: memref<128xf32, #tpu.memory_space<vmem>>, %arg7: memref<128x128xf32, #tpu.memory_space<vmem>>, %arg8: memref<10000x128xf32, #tpu.memory_space<vmem>>) attributes {dimension_semantics = [], scalar_prefetch = 0 : i64, scratch_operands = 0 : i64, tpu.core_type = #tpu.core_type<tc>} {
    %get3A = arith.constant 0 : index
    %get3A_0 = arith.constant 0 : index
    %get3A_1 = vector.load %arg2[%get3A, %get3A_0] : memref<10000x1xf32, #tpu.memory_space<vmem>>, vector<10000x1xf32>
    %get3A_2 = arith.constant 0 : index
    %get3A_3 = arith.constant 0 : index
    %get3A_4 = vector.load %arg3[%get3A_2, %get3A_3] : memref<10000x1xf32, #tpu.memory_space<vmem>>, vector<10000x1xf32>
    %add3A = arith.addf %get3A_1, %get3A_4 : vector<10000x1xf32>
    %max3A = arith.constant 1.000000e+00 : f32
    %max3A_5 = vector.broadcast %max3A : f32 to vector<10000x1xf32>
    %max3A_6 = arith.maximumf %add3A, %max3A_5 : vector<10000x1xf32>
    %rsqrt3A = math.rsqrt %max3A_6 : vector<10000x1xf32>
    %get3A_7 = arith.constant 0 : index
    %get3A_8 = arith.constant 0 : index
    %get3A_9 = vector.load %arg4[%get3A_7, %get3A_8] : memref<10000x1xf32, #tpu.memory_space<vmem>>, vector<10000x1xf32>
    %get3A_10 = arith.constant 0 : index
    %get3A_11 = arith.constant 0 : index
    %get3A_12 = vector.load %arg5[%get3A_10, %get3A_11] : memref<10000x1xf32, #tpu.memory_space<vmem>>, vector<10000x1xf32>
    %add3A_13 = arith.addf %get3A_9, %get3A_12 : vector<10000x1xf32>
    %max3A_14 = arith.constant 1.000000e+00 : f32
    %max3A_15 = vector.broadcast %max3A_14 : f32 to vector<10000x1xf32>
    %max3A_16 = arith.maximumf %add3A_13, %max3A_15 : vector<10000x1xf32>
    %rsqrt3A_17 = math.rsqrt %max3A_16 : vector<10000x1xf32>
    %get3A_18 = arith.constant 0 : index
    %get3A_19 = arith.constant 0 : index
    %get3A_20 = vector.load %arg0[%get3A_18, %get3A_19] : memref<10000x128xf32, #tpu.memory_space<vmem>>, vector<10000x128xf32>
    %get3A_21 = arith.constant 0 : index
    %get3A_22 = arith.constant 0 : index
    %get3A_23 = vector.load %arg1[%get3A_21, %get3A_22] : memref<10000x128xf32, #tpu.memory_space<vmem>>, vector<10000x128xf32>
    %add3A_24 = arith.addf %get3A_20, %get3A_23 : vector<10000x128xf32>
    %mul3A = vector.broadcast %rsqrt3A : vector<10000x1xf32> to vector<10000x128xf32>
    %mul3A_25 = arith.mulf %add3A_24, %mul3A : vector<10000x128xf32>
    %get3A_26 = arith.constant 0 : index
    %get3A_27 = vector.load %arg6[%get3A_26] : memref<128xf32, #tpu.memory_space<vmem>>, vector<128xf32>
    %broadcast_in_dim3A = vector.shape_cast %get3A_27 : vector<128xf32> to vector<1x128xf32>
    %add3A_28 = vector.broadcast %broadcast_in_dim3A : vector<1x128xf32> to vector<10000x128xf32>
    %add3A_29 = arith.addf %mul3A_25, %add3A_28 : vector<10000x128xf32>
    %max3A_30 = arith.constant 0.000000e+00 : f32
    %max3A_31 = vector.broadcast %max3A_30 : f32 to vector<10000x128xf32>
    %max3A_32 = arith.maximumf %add3A_29, %max3A_31 : vector<10000x128xf32>
    %mul3A_33 = vector.broadcast %rsqrt3A_17 : vector<10000x1xf32> to vector<10000x128xf32>
    %mul3A_34 = arith.mulf %max3A_32, %mul3A_33 : vector<10000x128xf32>
    %get3A_35 = arith.constant 0 : index
    %get3A_36 = arith.constant 0 : index
    %get3A_37 = vector.load %arg7[%get3A_35, %get3A_36] : memref<128x128xf32, #tpu.memory_space<vmem>>, vector<128x128xf32>
    %dot_general3A = arith.constant dense<0.000000e+00> : vector<10000x128xf32>
    %dot_general3A_38 = tpu.matmul %mul3A_34, %get3A_37, %dot_general3A {dimension_numbers = #tpu.dot_dimension_numbers<[1], [0], [0], [1], [0, 0, 1, 1], [], []>, transpose_lhs_hint = false} : vector<10000x128xf32>, vector<128x128xf32>, vector<10000x128xf32> -> vector<10000x128xf32>
    %swap3A = arith.constant 0 : index
    %swap3A_39 = arith.constant 0 : index
    %swap3A_40 = vector.load %arg8[%swap3A, %swap3A_39] : memref<10000x128xf32, #tpu.memory_space<vmem>>, vector<10000x128xf32>
    tpu.vector_store %arg8[%swap3A, %swap3A_39], %dot_general3A_38 {strides = array<i32>} : memref<10000x128xf32, #tpu.memory_space<vmem>>, vector<10000x128xf32>,
    return
  }
}

module attributes {stable_mosaic.version = 14 : i64} {
  func.func @_tc3_body(%arg0: memref<10000x128xf32, #tpu.memory_space<vmem>>, %arg1: memref<10000x128xf32, #tpu.memory_space<vmem>>, %arg2: memref<10000x1xf32, #tpu.memory_space<vmem>>, %arg3: memref<10000x1xf32, #tpu.memory_space<vmem>>, %arg4: memref<128xf32, #tpu.memory_space<vmem>>, %arg5: memref<10000x128xf32, #tpu.memory_space<vmem>>) attributes {dimension_semantics = [], scalar_prefetch = 0 : i64, scratch_operands = 0 : i64, tpu.core_type = #tpu.core_type<tc>} {
    %get3A = arith.constant 0 : index
    %get3A_0 = arith.constant 0 : index
    %get3A_1 = vector.load %arg2[%get3A, %get3A_0] : memref<10000x1xf32, #tpu.memory_space<vmem>>, vector<10000x1xf32>
    %get3A_2 = arith.constant 0 : index
    %get3A_3 = arith.constant 0 : index
    %get3A_4 = vector.load %arg3[%get3A_2, %get3A_3] : memref<10000x1xf32, #tpu.memory_space<vmem>>, vector<10000x1xf32>
    %add3A = arith.addf %get3A_1, %get3A_4 : vector<10000x1xf32>
    %max3A = arith.constant 1.000000e+00 : f32
    %max3A_5 = vector.broadcast %max3A : f32 to vector<10000x1xf32>
    %max3A_6 = arith.maximumf %add3A, %max3A_5 : vector<10000x1xf32>
    %rsqrt3A = math.rsqrt %max3A_6 : vector<10000x1xf32>
    %get3A_7 = arith.constant 0 : index
    %get3A_8 = arith.constant 0 : index
    %get3A_9 = vector.load %arg0[%get3A_7, %get3A_8] : memref<10000x128xf32, #tpu.memory_space<vmem>>, vector<10000x128xf32>
    %get3A_10 = arith.constant 0 : index
    %get3A_11 = arith.constant 0 : index
    %get3A_12 = vector.load %arg1[%get3A_10, %get3A_11] : memref<10000x128xf32, #tpu.memory_space<vmem>>, vector<10000x128xf32>
    %add3A_13 = arith.addf %get3A_9, %get3A_12 : vector<10000x128xf32>
    %mul3A = vector.broadcast %rsqrt3A : vector<10000x1xf32> to vector<10000x128xf32>
    %mul3A_14 = arith.mulf %add3A_13, %mul3A : vector<10000x128xf32>
    %get3A_15 = arith.constant 0 : index
    %get3A_16 = vector.load %arg4[%get3A_15] : memref<128xf32, #tpu.memory_space<vmem>>, vector<128xf32>
    %broadcast_in_dim3A = vector.shape_cast %get3A_16 : vector<128xf32> to vector<1x128xf32>
    %add3A_17 = vector.broadcast %broadcast_in_dim3A : vector<1x128xf32> to vector<10000x128xf32>
    %add3A_18 = arith.addf %mul3A_14, %add3A_17 : vector<10000x128xf32>
    %swap3A = arith.constant 0 : index
    %swap3A_19 = arith.constant 0 : index
    %swap3A_20 = vector.load %arg5[%swap3A, %swap3A_19] : memref<10000x128xf32, #tpu.memory_space<vmem>>, vector<10000x128xf32>
    tpu.vector_store %arg5[%swap3A, %swap3A_19], %add3A_18 {strides = array<i32>} : memref<10000x128xf32, #tpu.memory_space<vmem>>, vector<10000x128xf32>,
    return
  }
}

</mosaic_0001>

<sc_bundles>
// kernel: kernel.11.cloned.1.call-start
scs
__scs_entry_jumppad:
0x0: {  	(pc) =	sbr.rel $0x88, $3  }
0x1: {  	(tag) =	ssettag $0x0;
	lr =	simm.s32 $0x1  }
0x2: {  	[smem:$0x3F9B] =	sst lr;
	_ =	strace $0xD0000000  }
0x3: {  	_ = 	snop  }
0x4: {  	_ = 	snop  }
0x5: {  	_ = 	snop  }
0x6: {  	_ = 	snop  }
0x7: {  	_ = 	snop  }
__scs_overlays_trampoline_lowered:
0x8: {  	[smem:$0x3FAA] =	sst s0  }
0x9: {  	[smem:$0x3FAB] =	sst s1  }
0xa: {  	[smem:$0x3FAC] =	sst s2  }
0xb: {  	[smem:$0x3FAD] =	sst s3  }
0xc: {  	[smem:$0x3FAE] =	sst s4  }
0xd: {  	[smem:$0x3FAF] =	sst s5  }
0xe: {  	[smem:$0x3FB0] =	sst s6  }
0xf: {  	[smem:$0x3FB1] =	sst s7  }
0x10: {  	[smem:$0x3FB2] =	sst s8  }
0x11: {  	[smem:$0x3FB3] =	sst s9;
	s0 =	simm.s32 @!p0 $0x0  }
0x12: {  	s1 =	sld [smem:$0x3F99];
	s0 =	simm.s32 @p0 $0x1  }
0x13: {  	[smem:$0x3FB4] =	sst s0;
	s0 =	simm.s32 @!p1 $0x0  }
0x14: {  	s2 =	sld [smem:$0x3F98];
	s0 =	simm.s32 @p1 $0x1  }
0x15: {  	[smem:$0x3FB5] =	sst s0;
	s0 =	simm.s32 @!p2 $0x0  }
0x16: {  	s3 =	sld [smem:$0x3FDB];
	s0 =	simm.s32 @p2 $0x1  }
0x17: {  	s4 =	simm.s32 $0x1BF5;
	[smem:$0x3FB7] =	sst s0  }
0x18: {  	s0 =	sld [smem:$0x3F9A];
	_ =	swait.ge [sflag:s4], $0x0  }
0x19: {  	s7 =	sld [smem:$0x3F9B]  }
0x1a: {  	s8 =	sadd.s32 $0xFFFFE003, lr  }
0x1b: {  	s9 =	sadd.s32 $0xFFFFFEF7, lr;
	s5 =	simm.s32 $0xFFFFFFFF;
	p2 =	slt.u32 s8, $0xFFFFF086  }
0x1c: {  	p1 =	slt.u32 s9, $0xF7A;
	s5 =	simm.s32 @!p2 $0x0  }
0x1d: {  	s5 =	simm.s32 @p1 $0x1;
	p0 =	seq.s32 s7, s2  }
0x1e: {  	s7 =	smul.u32 @!p0 $0xF7A, s2;
	p2 =	seq.s32 @!p0 s5, $0x0  }
0x1f: {  	s9 =	smul.u32 $0xF7A, s1;
	s8 =	simm.s32 @!p0 $0x1BF5;
	p2 =	por !p2, p0  }
0x20: {  	[sflag:s8] =	ssyncset.s32 @!p0 $0xFFFFF086;
	s6 =	sadd.s32 @!p0 s3, s7;
	s7 =	simm.s32 @!p0 $0x108  }
0x21: {  	s3 =	sadd.s32 s3, s9;
	s6 =	sadd.s32 @!p0 $0x88, s6;
	s7 =	simm.s32 @p2 $0x1082  }
0x22: {  	[simem:s7], [sflag:s8] =	dma.local @!p0 [hbm:s6], $0xF7A  }
0x23: {  	s9 =	sor.u32 $0xD0000000, s2;
	s6 =	simm.s32 $0x108;
	_ =	swait.ge @!p0 [sflag:s8], $0x0  }
0x24: {  	s3 =	sadd.s32 $0x88, s3;
	s6 =	simm.s32 @!p1 $0x1082;
	[sflag:s4] =	ssyncset.s32 $0xFFFFF086  }
0x25: {  	[simem:s6], [sflag:s4] =	dma.local [hbm:s3], $0xF7A  }
0x26: {  	[smem:$0x3F9B] =	sst s1;
	(tag) =	ssettag s2;
	_ =	strace s9  }
0x27: {  	s1 =	sld [smem:$0x3FAB]  }
0x28: {  	s2 =	sld [smem:$0x3FAC]  }
0x29: {  	s4 =	sld [smem:$0x3FAE]  }
0x2a: {  	p0 =	seq.s32 s5, $0x0;
	s5 =	sld [smem:$0x3FAF]  }
0x2b: {  	s6 =	sld [smem:$0x3FB0]  }
0x2c: {  	s7 =	sld [smem:$0x3FB1]  }
0x2d: {  	s3 =	simm.s32 $0x108;
	s8 =	sld [smem:$0x3FB2]  }
0x2e: {  	s3 =	simm.s32 @!p0 $0x1082;
	s9 =	sld [smem:$0x3FB3]  }
0x2f: {  	lr =	sadd.s32 s0, s3;
	s0 =	sld [smem:$0x3FAA]  }
0x30: {  	s3 =	sld [smem:$0x3FAD]  }
0x31: {  	[smem:$0x3FB6] =	sst s10  }
0x32: {  	s10 =	sld [smem:$0x3FB4];
	_ =	sdelay $0x3  }
0x33: {  	p0 =	seq.s32 s10, $0x1;
	s10 =	sld [smem:$0x3FB6];
	_ =	sdelay $0x3  }
0x34: {  	[smem:$0x3FB6] =	sst s10  }
0x35: {  	s10 =	sld [smem:$0x3FB5];
	_ =	sdelay $0x3  }
0x36: {  	p1 =	seq.s32 s10, $0x1;
	s10 =	sld [smem:$0x3FB6];
	_ =	sdelay $0x3  }
0x37: {  	[smem:$0x3FB6] =	sst s10  }
0x38: {  	s10 =	sld [smem:$0x3FB7]  }
0x39: {  	_ = 	snop;
	(pc) =	sbr.ind lr, $3  }
0x3a: {  	_ = 	snop  }
0x3b: {  	_ = 	snop  }
0x3c: {  	p2 =	seq.s32 s10, $0x1;
	s10 =	sld [smem:$0x3FB6]  }
0x3d: {  	_ =	shalt  }
0x3e: {  	_ =	shalt  }
0x3f: {  	_ =	shalt  }
0x40: {  	_ =	shalt  }
0x41: {  	_ =	shalt  }
0x42: {  	_ =	shalt  }
0x43: {  	_ =	shalt  }
0x44: {  	_ =	shalt  }
0x45: {  	_ =	shalt  }
0x46: {  	_ =	shalt  }
0x47: {  	_ =	shalt  }
0x48: {  	_ =	shalt  }
0x49: {  	_ =	shalt  }
0x4a: {  	_ =	shalt  }
0x4b: {  	_ =	shalt  }
0x4c: {  	_ =	shalt  }
0x4d: {  	_ =	shalt  }
0x4e: {  	_ =	shalt  }
0x4f: {  	_ =	shalt  }
0x50: {  	_ =	shalt  }
0x51: {  	_ =	shalt  }
0x52: {  	_ =	shalt  }
0x53: {  	_ =	shalt  }
0x54: {  	_ =	shalt  }
0x55: {  	_ =	shalt  }
0x56: {  	_ =	shalt  }
0x57: {  	_ =	shalt  }
0x58: {  	_ =	shalt  }
0x59: {  	_ =	shalt  }
0x5a: {  	_ =	shalt  }
0x5b: {  	_ =	shalt  }
0x5c: {  	_ =	shalt  }
0x5d: {  	_ =	shalt  }
0x5e: {  	_ =	shalt  }
0x5f: {  	_ =	shalt  }
0x60: {  	_ =	shalt  }
0x61: {  	_ =	shalt  }
0x62: {  	_ =	shalt  }
0x63: {  	_ =	shalt  }
0x64: {  	_ =	shalt  }
0x65: {  	_ =	shalt  }
0x66: {  	_ =	shalt  }
0x67: {  	_ =	shalt  }
0x68: {  	_ =	shalt  }
0x69: {  	_ =	shalt  }
0x6a: {  	_ =	shalt  }
0x6b: {  	_ =	shalt  }
0x6c: {  	_ =	shalt  }
0x6d: {  	_ =	shalt  }
0x6e: {  	_ =	shalt  }
0x6f: {  	_ =	shalt  }
0x70: {  	_ =	shalt  }
0x71: {  	_ =	shalt  }
0x72: {  	_ =	shalt  }
0x73: {  	_ =	shalt  }
0x74: {  	_ =	shalt  }
0x75: {  	_ =	shalt  }
0x76: {  	_ =	shalt  }
0x77: {  	_ =	shalt  }
0x78: {  	_ =	shalt  }
0x79: {  	_ =	shalt  }
0x7a: {  	_ =	shalt  }
0x7b: {  	_ =	shalt  }
0x7c: {  	_ =	shalt  }
0x7d: {  	_ =	shalt  }
0x7e: {  	_ =	shalt  }
0x7f: {  	_ =	shalt  }
0x80: {  	_ =	shalt  }
0x81: {  	_ =	shalt  }
0x82: {  	_ =	shalt  }
0x83: {  	_ =	shalt  }
0x84: {  	_ =	shalt  }
0x85: {  	_ =	shalt  }
0x86: {  	_ =	shalt  }
0x87: {  	_ =	shalt  }
.Lfunc_end0:
.L_simem_size_0:
called_computation.1_lowered:
.L_overlay_start_0:
0x88: {  	s2 =	sld [smem:$0x3FD9]  }
0x89: {  	s3 =	sld [smem:$0x3FFE];
	_ =	sdelay $0x1  }
0x8a: {  	s1 =	srdreg.scid  }
0x8b: {  	s0 =	sand.u32 $0x1, s1  }
0x8c: {  	s17 =	sshll.u32 s0, $0xA;
	s2 =	sadd.s32 s3, s2  }
0x8d: {  	s2 =	sadd.s32 s2, s17  }
0x8e: {  	[smem:$0x3FC2] =	sst s2  }
0x8f: {  	_ = 	snop  }
0x90: {  	s2 =	sld [smem:$0x3FD0];
	(tm) =	ssettm $0x1  }
0x91: {  	s18 =	sld [smem:$0x3FFB];
	_ =	sdelay $0x3  }
0x92: {  	_ =	strace s18  }
0x93: {  	s3 =	sld [smem:$0x3FFC];
	_ =	sdelay $0x3  }
0x94: {  	_ =	strace s3  }
0x95: {  	s3 =	sld [smem:$0x3FFD];
	_ =	sdelay $0x3  }
0x96: {  	_ =	strace s3  }
0x97: {  	_ =	strace $0x8FFFFFFF  }
0x98: {  	s19 =	sld [smem:$0x3FDB];
	_ =	sdelay $0x1  }
0x99: {  	s4 =	simm.s32 $_scs_section_size  }
0x9a: {  	s5 =	simm.s32 $_size__tile_overlayer_lowered;
	s6 =	simm.s32 $_tile_overlayer_lowered  }
0x9b: {  	s22 =	simm.s32 $0x1BFF;
	s21 =	sshll.u32 s6, $0x1;
	s3 =	sadd.s32 s4, s19  }
0x9c: {  	s7 =	simm.s32 $0x0;
	s20 =	sshll.u32 s5, $0x1;
	s5 =	sadd.s32 s21, s3  }
0x9d: {  	[timem:s7], [sflag:s22] =	dma.local [hbm:s5], s20  }
0x9e: {  	_ =	swait.ge [sflag:s22], s20  }
0x9f: {  	s4 =	ssub.s32 $0x0, s20;
	[sflag:s22] =	ssyncset.done $0x0  }
0xa0: {  	[sflag:s22] =	ssyncadd.s32 s4;
	_ =	sdelay $0x1  }
0xa1: {  	s23 =	simm.s32 $0x1B8B  }
0xa2: {  	_ =	swait.ge [sflag:s23], $0x1  }
0xa3: {  	[sflag:s23] =	ssyncset.done $0x0  }
0xa4: {  	s25 =	simm.s32 $0x1B8E;
	s24 =	sld [smem:$0x3FFE];
	[sflag:s23] =	ssyncadd.s32 $0xFFFFFFFF  }
0xa5: {  	s26 =	simm.s32 $execute0_lowered;
	[smem:$0x3FD2] =	sst s25  }
0xa6: {  	s5 =	sshll.u32 s26, $0x1;
	_ =	strace $0x80000049;
	[dreg:$0x1] =	wrdreg $0xFFFFFFFF  }
0xa7: {  	s28 =	simm.s32 $_size_execute0_lowered;
	s3 =	sadd.s32 s3, s5;
	[dreg:$0x0] =	wrdreg $0x0  }
0xa8: {  	s5 =	sshll.u32 s28, $0x1;
	[dreg:$0x2] =	wrdreg s3  }
0xa9: {  	[dreg:$0x3] =	wrdreg s5  }
0xaa: {  	[dreg:$0x4] =	wrdreg $0xC0  }
0xab: {  	_ =	task [dreg:s7], $0x5FFFF  }
0xac: {  	[dreg:$0x1] =	wrdreg $0xFFFFFFFF  }
0xad: {  	[dreg:$0x0] =	wrdreg $0x60  }
0xae: {  	[dreg:$0x2] =	wrdreg s2  }
0xaf: {  	[dreg:$0x3] =	wrdreg s24  }
0xb0: {  	[dreg:$0x4] =	wrdreg $0xC6000  }
0xb1: {  	[dreg:$0x5] =	wrdreg $0x9  }
0xb2: {  	_ =	task.clear_ibuf [dreg:s7], $0x6FFFF;
	_ =	strace $0x90000049  }
0xb3: {  	s29 =	simm.s32 $0x9;
	_ =	strace $0x8000004B  }
0xb4: {  	_ =	swait.ge [sflag:s29], $0x1  }
0xb5: {  	[sflag:s29] =	ssyncadd.s32 $0xFFFFFFFF  }
0xb6: {  	_ =	strace $0x9000004B  }
0xb7: {  	_ =	sfence  }
0xb8: {  	s30 =	sld [smem:$0x0];
	_ =	sdelay $0x2  }
0xb9: {  	s31 =	sshll.u32 s1, $0xD;
	s1 =	sshrl.u32 s1, $0x2  }
0xba: {  	s3 =	sand.u32 $0x4000, s31;
	s1 =	sadd.s32 s1, s30  }
0xbb: {  	s0 =	sor.u32 s3, s0;
	s1 =	sshll.u32 s1, $0x11  }
0xbc: {  	s0 =	sor.u32 s1, s0  }
0xbd: {  	s0 =	sadd.s32 $0x8F2B, s0  }
0xbe: {  	[sflag:s0] =	ssyncadd.remote.s32 $0x1  }
0xbf: {  	_ =	sfence.sel $0xFFFF  }
0xc0: {  	[dreg:$0x0] =	wrdreg $0xFFFFFFFF;
	(pc) =	sbr.abs _section_cstart, $3  }
0xc1: {  	[dreg:$0x1] =	wrdreg $0xFFFFFFFF  }
0xc2: {  	_ =	task.clear_ibuf [dreg:s7], $0x2FFFF;
	_ =	strace $0x9FFFFFFF  }
0xc3: {  	(tm) =	ssettm $0x7FFFFFFF  }
tec
execute0_lowered:
.L_overlay_start_1:
0x0: {  	(tag) =	ssettag $0x1  }
0x1: {  	s1 =	rddreg [dreg:$0x0]  }
0x2: {  	s0 =	rddreg [dreg:$0x1]  }
0x3: {  	s2 =	rddreg [dreg:$0x2]  }
0x4: {  	s3 =	simm.s32 $0x0;
	s4 =	srdreg.scid;
	s14 =	stileid.u32  }
0x5: {  	s8 =	simm.s32 $0x6;
	s28 =	simm.s32 $0x8000;
	s7 =	smul.u32 $0x73, s14  }
0x6: {  	s29 =	simm.s32 $0x1;
	s30 =	simm.s32 $0xC080;
	s5 =	smul.u32 $0x2B, s14  }
0x7: {  	s31 =	simm.s32 $0xC100;
	[smem:$0x7FF] =	sst s3;
	s9 =	smul.u32 $0x4E000, s14  }
0x8: {  	s6 =	sadd.s32 $0x3800, s0;
	s4 =	sand.u32 $0x1, s4;
	s13 =	smul.u32 $0x2700, s14  }
0x9: {  	s0 =	sadd.s32 $0x65800, s0;
	_ =	strace $0x8000004A;
	s20 =	smul.u32 $0x139000, s4  }
0xa: {  	p0 =	seq.s32 s4, $0x0;
	s10 =	ssub.s32 $0x2, s4;
	s4 =	smul.u32 $0x27200, s4  }
0xb: {  	s8 =	simm.s32 @!p0 $0x12;
	s5 =	sadd.s32 $0x730, s5;
	s12 =	sshrl.u32 s10, $0x1  }
0xc: {  	s25 =	sshrl.u32 s9, $0x2;
	s11 =	smul.u32 $0x6, s8;
	s7 =	smov.u32 @p0 s5  }
0xd: {  	s9 =	ssub.s32 s10, s12;
	s5 =	sadd.s32 s25, s2;
	s10 =	sadd.s32 $0x138000, s2  }
0xe: {  	s4 =	sadd.s32 s13, s4;
	s8 =	smul.u32 $0xC0, s8;
	p0 =	sne.s32 s14, $0x0  }
0xf: {  	s12 =	simm.s32 $0xC500;
	s13 =	simm.s32 $0xC180;
	s15 =	sadd.s32 $0x8000, s5  }
0x10: {  	s14 =	simm.s32 $0xC380;
	s16 =	sadd.s32 $0xC000, s5;
	[dreg:$0x6] =	wrdreg s15  }
0x11: {  	s17 =	sadd.s32 $0x10000, s5;
	s26 =	sadd.s32 s11, s7;
	[dreg:$0x7] =	wrdreg s16  }
0x12: {  	s11 =	sadd.s32 $0x4000, s5;
	[dreg:$0x8] =	wrdreg s17;
	s7 =	sshll.u32 s7, $0x5  }
0x13: {  	[dreg:$0x4] =	wrdreg s8;
	s8 =	simm.s32 $0x3;
	s15 =	simm.s32 $0xC580  }
0x14: {  	s16 =	simm.s32 $0x0;
	[dreg:$0x5] =	wrdreg s11;
	s11 =	sadd.s32 s6, s7  }
0x15: {  	s18 =	sshll.u32 s26, $0x5;
	s7 =	sshrl.u32 s20, $0x3;
	s26 =	smax.u32 s9, $0x1  }
0x16: {  	s9 =	simm.s32 $0xC480;
	s19 =	sadd.s32 $0x20, s11;
	[dreg:$0x11] =	wrdreg s26  }
0x17: {  	s6 =	sadd.s32 s6, s18;
	s21 =	sadd.s32 $0x40, s11;
	[dreg:$0x9] =	wrdreg s19  }
0x18: {  	s7 =	sadd.s32 s0, s7;
	s0 =	sadd.s32 s0, s4;
	[dreg:$0xa] =	wrdreg s21  }
0x19: {  	s26 =	simm.s32 $0xC400;
	s22 =	sadd.s32 $0x60, s6;
	[dreg:$0xf] =	wrdreg s0  }
0x1a: {  	s4 =	simm.s32 $0x2;
	s23 =	sadd.s32 $0x80, s6;
	[dreg:$0xb] =	wrdreg s22  }
0x1b: {  	s24 =	sadd.s32 $0xA0, s6;
	s6 =	sadd.s32 $0xC0, s6;
	[dreg:$0xc] =	wrdreg s23  }
0x1c: {  	s25 =	sadd.s32 $0x27000, s7;
	s21 =	simm.s32 $0x5;
	[dreg:$0xd] =	wrdreg s24  }
0x1d: {  	s0 =	simm.s32 $0x4;
	s7 =	simm.s32 $0xC300;
	[dreg:$0xe] =	wrdreg s6  }
0x1e: {  	[dreg:$0x10] =	wrdreg s25;
	s22 =	simm.s32 $0xC000;
	s23 =	simm.s32 $0x80  }
0x1f: {  	v0 =	vimm.f32 $0.0e+00;
	s24 =	simm.s32 $0xC200;
	s25 =	simm.s32 $0x4000;
	s6 =	simm.s32 $0xC280  }
.LBB2_1:
0x20: {  	s17 =	sand.u32 $0xFE00, s3  }
0x21: {  	s18 =	sand.u32 $0x70, s3;
	s19 =	sshrl.u32 s17, $0x2  }
0x22: {  	s17 =	simm.s32 $0x40;
	s19 =	sor.u32 s18, s19;
	s18 =	simm.s32 $0x0  }
.LBB2_2:
0x23: {  	p1 =	sne.s32 s17, $0xFFC0  }
0x24: {  	[tilespmem:s19+$0x0] =	vst v0;
	s18 =	sadd.s32 $0x10, s18;
	s19 =	smov.u32 s17;
	s17 =	sadd.s32 $0x40, s17  }
.Ltmp0:
0x25: {  	(pc) =	sbr.rel @p1 .LBB2_2-.Ltmp0, $4  }
0x26: {  	_ = 	snop  }
0x27: {  	s19 =	sand.u32 $0xFE00, s19  }
0x28: {  	s20 =	sand.u32 $0x70, s18;
	s19 =	sshrl.u32 s19, $0x2  }
0x29: {  	s19 =	sor.u32 s20, s19  }
0x2a: {  	[tilespmem:s19+$0x0] =	vst v0  }
0x2b: {  	[spmem:s5] =	stream.linear.scatter [tilespmem:s3], [sflag:$0x5], $0x4000, $0x38;
	[tilespmem:$0x1FF00] =	vst v63  }
0x2c: {  	_ =	swait.ge [sflag:s21], $0x4000  }
0x2d: {  	[sflag:s21] =	ssyncset.done $0x0  }
0x2e: {  	s17 =	rddreg [dreg:$0x5];
	[sflag:s21] =	ssyncadd.s32 $0xFFFFC000  }
0x2f: {  	[spmem:s17] =	stream.linear.scatter [tilespmem:s3], [sflag:$0x5], $0x4000, $0x38;
	[tilespmem:$0x1FF00] =	vst v63  }
0x30: {  	_ =	swait.ge [sflag:s21], $0x4000  }
0x31: {  	[sflag:s21] =	ssyncset.done $0x0  }
0x32: {  	s20 =	rddreg [dreg:$0x6];
	[sflag:s21] =	ssyncadd.s32 $0xFFFFC000  }
0x33: {  	[spmem:s20] =	stream.linear.scatter [tilespmem:s3], [sflag:$0x5], $0x4000, $0x38;
	[tilespmem:$0x1FF00] =	vst v63  }
0x34: {  	_ =	swait.ge [sflag:s21], $0x4000  }
0x35: {  	[sflag:s21] =	ssyncset.done $0x0  }
0x36: {  	s18 =	rddreg [dreg:$0x7];
	[sflag:s21] =	ssyncadd.s32 $0xFFFFC000  }
0x37: {  	[spmem:s18] =	stream.linear.scatter [tilespmem:s3], [sflag:$0x5], $0x4000, $0x38;
	[tilespmem:$0x1FF00] =	vst v63  }
0x38: {  	_ =	swait.ge [sflag:s21], $0x4000  }
0x39: {  	[sflag:s21] =	ssyncset.done $0x0  }
0x3a: {  	s19 =	rddreg [dreg:$0x8];
	[sflag:s21] =	ssyncadd.s32 $0xFFFFC000  }
0x3b: {  	[spmem:s19] =	stream.linear.scatter [tilespmem:s3], [sflag:$0x5], $0x3800, $0x38;
	[tilespmem:$0x1FF00] =	vst v63  }
0x3c: {  	_ =	swait.ge [sflag:s21], $0x3800  }
0x3d: {  	[sflag:s21] =	ssyncset.done $0x0  }
0x3e: {  	s17 =	simm.s32 @!p0 $0x0;
	[sflag:s21] =	ssyncadd.s32 $0xFFFFC800  }
0x3f: {  	[spmem:s10] =	stream.linear.scatter @!p0 [tilespmem:s17], [sflag:$0x5], $0x1000, $0x38;
	[tilespmem:$0x1FF00] =	vst v63  }
0x40: {  	s17 =	simm.s32 @!p0 $0x5  }
0x41: {  	_ =	swait.ge @!p0 [sflag:s17], $0x1000  }
0x42: {  	[sflag:s17] =	ssyncset.done @!p0 $0x0  }
0x43: {  	[sflag:s17] =	ssyncadd.s32 @!p0 $0xFFFFF000;
	s17 =	simm.s32 $0x0  }
0x44: {  	[tilespmem:s22], [sflag:$0x5] =	stream.linear.gather [hbm4b:s11+s17], $0x100, $0x38;
	[tilespmem:$0x1FF00] =	vst v63  }
0x45: {  	_ =	swait.ge [sflag:s21], $0x100  }
0x46: {  	[sflag:s21] =	ssyncset.done $0x0  }
0x47: {  	[sflag:s21] =	ssyncadd.s32 $0xFFFFFF00  }
0x48: {  	[tilespmem:s17], [sflag:$0x1] =	stream.indirect.gather [hbm4b:s1+s23], $0x80, s22, s23, $0xb8;
	[tilespmem:$0x1FF00] =	vst v63  }
0x49: {  	s18 =	rddreg [dreg:$0x9]  }
0x4a: {  	[tilespmem:s24], [sflag:$0x5] =	stream.linear.gather [hbm4b:s18+s17], $0x100, $0x38;
	[tilespmem:$0x1FF00] =	vst v63  }
0x4b: {  	_ =	swait.ge [sflag:s21], $0x100  }
0x4c: {  	[sflag:s21] =	ssyncset.done $0x0  }
0x4d: {  	[sflag:s21] =	ssyncadd.s32 $0xFFFFFF00  }
0x4e: {  	[tilespmem:s25], [sflag:$0x2] =	stream.indirect.gather [hbm4b:s1+s23], $0x80, s24, s23, $0xb8;
	[tilespmem:$0x1FF00] =	vst v63  }
0x4f: {  	s20 =	rddreg [dreg:$0xa]  }
0x50: {  	[tilespmem:s26], [sflag:$0x5] =	stream.linear.gather [hbm4b:s20+s17], $0x100, $0x38;
	[tilespmem:$0x1FF00] =	vst v63  }
0x51: {  	_ =	swait.ge [sflag:s21], $0x100  }
0x52: {  	[sflag:s21] =	ssyncset.done $0x0  }
0x53: {  	[sflag:s21] =	ssyncadd.s32 $0xFFFFFF00  }
0x54: {  	[tilespmem:s28], [sflag:$0x3] =	stream.indirect.gather [hbm4b:s1+s23], $0x80, s26, s23, $0xb8;
	[tilespmem:$0x1FF00] =	vst v63  }
0x55: {  	[bflag:$0x0] =	sbarrier.arrive $0xFFFF  }
.LBB2_4:
0x56: {  	_ =	swait.ge [sflag:s29], $0x4000  }
0x57: {  	[sflag:s29] =	ssyncset.done $0x0  }
0x58: {  	s18 =	sadd.s32 s17, s11;
	[sflag:s29] =	ssyncadd.s32 $0xFFFFC000  }
0x59: {  	[spmem:s2] =	stream.indirect.scatter.add.f32 [tilespmem:s3], [sflag:$0x4], $0x80, s30, s23, $0xb8;
	[tilespmem:$0x1FF00] =	vst v63  }
0x5a: {  	s19 =	sadd.s32 $0x60, s18  }
0x5b: {  	[tilespmem:s31], [sflag:$0x5] =	stream.linear.gather [hbm4b:s19+s3], $0x100, $0x38;
	[tilespmem:$0x1FF00] =	vst v63  }
0x5c: {  	_ =	swait.ge [sflag:s21], $0x100  }
0x5d: {  	[sflag:s21] =	ssyncset.done $0x0  }
0x5e: {  	[sflag:s21] =	ssyncadd.s32 $0xFFFFFF00  }
0x5f: {  	_ =	swait.ge [sflag:s0], $0x4000  }
0x60: {  	[sflag:s0] =	ssyncset.done $0x0  }
0x61: {  	[sflag:s0] =	ssyncadd.s32 $0xFFFFC000  }
0x62: {  	[tilespmem:s3], [sflag:$0x1] =	stream.indirect.gather [hbm4b:s1+s23], $0x80, s31, s23, $0xb8;
	[tilespmem:$0x1FF00] =	vst v63  }
0x63: {  	_ =	swait.ge [sflag:s4], $0x4000  }
0x64: {  	[sflag:s4] =	ssyncset.done $0x0  }
0x65: {  	[sflag:s4] =	ssyncadd.s32 $0xFFFFC000  }
0x66: {  	[spmem:s2] =	stream.indirect.scatter.add.f32 [tilespmem:s25], [sflag:$0x4], $0x80, s6, s23, $0xb8;
	[tilespmem:$0x1FF00] =	vst v63  }
0x67: {  	s20 =	sadd.s32 $0x80, s18  }
0x68: {  	[tilespmem:s7], [sflag:$0x5] =	stream.linear.gather [hbm4b:s20+s3], $0x100, $0x38;
	[tilespmem:$0x1FF00] =	vst v63  }
0x69: {  	_ =	swait.ge [sflag:s21], $0x100  }
0x6a: {  	[sflag:s21] =	ssyncset.done $0x0  }
0x6b: {  	[sflag:s21] =	ssyncadd.s32 $0xFFFFFF00  }
0x6c: {  	_ =	swait.ge [sflag:s0], $0x4000  }
0x6d: {  	[sflag:s0] =	ssyncset.done $0x0  }
0x6e: {  	[sflag:s0] =	ssyncadd.s32 $0xFFFFC000  }
0x6f: {  	[tilespmem:s25], [sflag:$0x2] =	stream.indirect.gather [hbm4b:s1+s23], $0x80, s7, s23, $0xb8;
	[tilespmem:$0x1FF00] =	vst v63  }
0x70: {  	_ =	swait.ge [sflag:s8], $0x4000  }
0x71: {  	[sflag:s8] =	ssyncset.done $0x0  }
0x72: {  	[sflag:s8] =	ssyncadd.s32 $0xFFFFC000  }
0x73: {  	[spmem:s2] =	stream.indirect.scatter.add.f32 [tilespmem:s28], [sflag:$0x4], $0x80, s9, s23, $0xb8;
	[tilespmem:$0x1FF00] =	vst v63  }
0x74: {  	s20 =	sadd.s32 $0xA0, s18  }
0x75: {  	[tilespmem:s12], [sflag:$0x5] =	stream.linear.gather [hbm4b:s20+s3], $0x100, $0x38;
	[tilespmem:$0x1FF00] =	vst v63  }
0x76: {  	_ =	swait.ge [sflag:s21], $0x100  }
0x77: {  	[sflag:s21] =	ssyncset.done $0x0  }
0x78: {  	[sflag:s21] =	ssyncadd.s32 $0xFFFFFF00  }
0x79: {  	_ =	swait.ge [sflag:s0], $0x4000  }
0x7a: {  	[sflag:s0] =	ssyncset.done $0x0  }
0x7b: {  	[sflag:s0] =	ssyncadd.s32 $0xFFFFC000  }
0x7c: {  	[tilespmem:s28], [sflag:$0x3] =	stream.indirect.gather [hbm4b:s1+s23], $0x80, s12, s23, $0xb8;
	[tilespmem:$0x1FF00] =	vst v63  }
0x7d: {  	_ =	swait.ge [sflag:s29], $0x4000  }
0x7e: {  	[sflag:s29] =	ssyncset.done $0x0  }
0x7f: {  	[sflag:s29] =	ssyncadd.s32 $0xFFFFC000  }
0x80: {  	[spmem:s2] =	stream.indirect.scatter.add.f32 [tilespmem:s3], [sflag:$0x4], $0x80, s13, s23, $0xb8;
	[tilespmem:$0x1FF00] =	vst v63  }
0x81: {  	s20 =	sadd.s32 $0xC0, s18  }
0x82: {  	[tilespmem:s22], [sflag:$0x5] =	stream.linear.gather [hbm4b:s20+s3], $0x100, $0x38;
	[tilespmem:$0x1FF00] =	vst v63  }
0x83: {  	_ =	swait.ge [sflag:s21], $0x100  }
0x84: {  	[sflag:s21] =	ssyncset.done $0x0  }
0x85: {  	[sflag:s21] =	ssyncadd.s32 $0xFFFFFF00  }
0x86: {  	_ =	swait.ge [sflag:s0], $0x4000  }
0x87: {  	[sflag:s0] =	ssyncset.done $0x0  }
0x88: {  	[sflag:s0] =	ssyncadd.s32 $0xFFFFC000  }
0x89: {  	[tilespmem:s3], [sflag:$0x1] =	stream.indirect.gather [hbm4b:s1+s23], $0x80, s22, s23, $0xb8;
	[tilespmem:$0x1FF00] =	vst v63  }
0x8a: {  	_ =	swait.ge [sflag:s4], $0x4000  }
0x8b: {  	[sflag:s4] =	ssyncset.done $0x0  }
0x8c: {  	[sflag:s4] =	ssyncadd.s32 $0xFFFFC000  }
0x8d: {  	[spmem:s2] =	stream.indirect.scatter.add.f32 [tilespmem:s25], [sflag:$0x4], $0x80, s14, s23, $0xb8;
	[tilespmem:$0x1FF00] =	vst v63  }
0x8e: {  	s20 =	sadd.s32 $0xE0, s18  }
0x8f: {  	[tilespmem:s24], [sflag:$0x5] =	stream.linear.gather [hbm4b:s20+s3], $0x100, $0x38;
	[tilespmem:$0x1FF00] =	vst v63  }
0x90: {  	_ =	swait.ge [sflag:s21], $0x100  }
0x91: {  	[sflag:s21] =	ssyncset.done $0x0  }
0x92: {  	[sflag:s21] =	ssyncadd.s32 $0xFFFFFF00  }
0x93: {  	_ =	swait.ge [sflag:s0], $0x4000  }
0x94: {  	[sflag:s0] =	ssyncset.done $0x0  }
0x95: {  	[sflag:s0] =	ssyncadd.s32 $0xFFFFC000  }
0x96: {  	[tilespmem:s25], [sflag:$0x2] =	stream.indirect.gather [hbm4b:s1+s23], $0x80, s24, s23, $0xb8;
	[tilespmem:$0x1FF00] =	vst v63  }
0x97: {  	_ =	swait.ge [sflag:s8], $0x4000  }
0x98: {  	[sflag:s8] =	ssyncset.done $0x0  }
0x99: {  	[sflag:s8] =	ssyncadd.s32 $0xFFFFC000  }
0x9a: {  	[spmem:s2] =	stream.indirect.scatter.add.f32 [tilespmem:s28], [sflag:$0x4], $0x80, s15, s23, $0xb8;
	[tilespmem:$0x1FF00] =	vst v63  }
0x9b: {  	s18 =	sadd.s32 $0x100, s18  }
0x9c: {  	[tilespmem:s26], [sflag:$0x5] =	stream.linear.gather [hbm4b:s18+s3], $0x100, $0x38;
	[tilespmem:$0x1FF00] =	vst v63  }
0x9d: {  	_ =	swait.ge [sflag:s21], $0x100  }
0x9e: {  	[sflag:s21] =	ssyncset.done $0x0  }
0x9f: {  	[sflag:s21] =	ssyncadd.s32 $0xFFFFFF00  }
0xa0: {  	_ =	swait.ge [sflag:s0], $0x4000  }
0xa1: {  	s17 =	sadd.s32 $0xC0, s17;
	s20 =	rddreg [dreg:$0x4]  }
0xa2: {  	p1 =	sne.s32 s20, s17  }
.Ltmp1:
0xa3: {  	_ = 	snop;
	(pc) =	sbr.rel @p1 .LBB2_4-.Ltmp1, $4  }
0xa4: {  	_ = 	snop  }
0xa5: {  	[sflag:s0] =	ssyncset.done $0x0  }
0xa6: {  	[sflag:s0] =	ssyncadd.s32 $0xFFFFC000  }
0xa7: {  	[tilespmem:s28], [sflag:$0x3] =	stream.indirect.gather [hbm4b:s1+s23], $0x80, s26, s23, $0xb8;
	[tilespmem:$0x1FF00] =	vst v63  }
0xa8: {  	_ =	swait.ge [sflag:s29], $0x4000  }
0xa9: {  	[sflag:s29] =	ssyncset.done $0x0  }
0xaa: {  	[sflag:s29] =	ssyncadd.s32 $0xFFFFC000  }
0xab: {  	[spmem:s2] =	stream.indirect.scatter.add.f32 [tilespmem:s3], [sflag:$0x4], $0x80, s30, s23, $0xb8;
	[tilespmem:$0x1FF00] =	vst v63  }
0xac: {  	s17 =	rddreg [dreg:$0xb]  }
0xad: {  	[tilespmem:s31], [sflag:$0x5] =	stream.linear.gather [hbm4b:s17+s3], $0x100, $0x38;
	[tilespmem:$0x1FF00] =	vst v63  }
0xae: {  	_ =	swait.ge [sflag:s21], $0x100  }
0xaf: {  	[sflag:s21] =	ssyncset.done $0x0  }
0xb0: {  	[sflag:s21] =	ssyncadd.s32 $0xFFFFFF00  }
0xb1: {  	_ =	swait.ge [sflag:s0], $0x4000  }
0xb2: {  	[sflag:s0] =	ssyncset.done $0x0  }
0xb3: {  	[sflag:s0] =	ssyncadd.s32 $0xFFFFC000  }
0xb4: {  	[tilespmem:s3], [sflag:$0x1] =	stream.indirect.gather [hbm4b:s1+s23], $0x80, s31, s23, $0xb8;
	[tilespmem:$0x1FF00] =	vst v63  }
0xb5: {  	_ =	swait.ge [sflag:s4], $0x4000  }
0xb6: {  	[sflag:s4] =	ssyncset.done $0x0  }
0xb7: {  	[sflag:s4] =	ssyncadd.s32 $0xFFFFC000  }
0xb8: {  	[spmem:s2] =	stream.indirect.scatter.add.f32 [tilespmem:s25], [sflag:$0x4], $0x80, s6, s23, $0xb8;
	[tilespmem:$0x1FF00] =	vst v63  }
0xb9: {  	s19 =	rddreg [dreg:$0xc]  }
0xba: {  	[tilespmem:s7], [sflag:$0x5] =	stream.linear.gather [hbm4b:s19+s3], $0x100, $0x38;
	[tilespmem:$0x1FF00] =	vst v63  }
0xbb: {  	_ =	swait.ge [sflag:s21], $0x100  }
0xbc: {  	[sflag:s21] =	ssyncset.done $0x0  }
0xbd: {  	[sflag:s21] =	ssyncadd.s32 $0xFFFFFF00  }
0xbe: {  	_ =	swait.ge [sflag:s0], $0x4000  }
0xbf: {  	[sflag:s0] =	ssyncset.done $0x0  }
0xc0: {  	[sflag:s0] =	ssyncadd.s32 $0xFFFFC000  }
0xc1: {  	[tilespmem:s25], [sflag:$0x2] =	stream.indirect.gather [hbm4b:s1+s23], $0x80, s7, s23, $0xb8;
	[tilespmem:$0x1FF00] =	vst v63  }
0xc2: {  	_ =	swait.ge [sflag:s8], $0x4000  }
0xc3: {  	[sflag:s8] =	ssyncset.done $0x0  }
0xc4: {  	[sflag:s8] =	ssyncadd.s32 $0xFFFFC000  }
0xc5: {  	[spmem:s2] =	stream.indirect.scatter.add.f32 [tilespmem:s28], [sflag:$0x4], $0x80, s9, s23, $0xb8;
	[tilespmem:$0x1FF00] =	vst v63  }
0xc6: {  	s20 =	rddreg [dreg:$0xd]  }
0xc7: {  	[tilespmem:s12], [sflag:$0x5] =	stream.linear.gather [hbm4b:s20+s3], $0x100, $0x38;
	[tilespmem:$0x1FF00] =	vst v63  }
0xc8: {  	_ =	swait.ge [sflag:s21], $0x100  }
0xc9: {  	[sflag:s21] =	ssyncset.done $0x0  }
0xca: {  	[sflag:s21] =	ssyncadd.s32 $0xFFFFFF00  }
0xcb: {  	_ =	swait.ge [sflag:s0], $0x4000  }
0xcc: {  	[sflag:s0] =	ssyncset.done $0x0  }
0xcd: {  	[sflag:s0] =	ssyncadd.s32 $0xFFFFC000  }
0xce: {  	[tilespmem:s28], [sflag:$0x3] =	stream.indirect.gather [hbm4b:s1+s23], $0x80, s12, s23, $0xb8;
	[tilespmem:$0x1FF00] =	vst v63  }
0xcf: {  	_ =	swait.ge [sflag:s29], $0x4000  }
0xd0: {  	[sflag:s29] =	ssyncset.done $0x0  }
0xd1: {  	[sflag:s29] =	ssyncadd.s32 $0xFFFFC000  }
0xd2: {  	[spmem:s2] =	stream.indirect.scatter.add.f32 [tilespmem:s3], [sflag:$0x4], $0x80, s13, s23, $0xb8;
	[tilespmem:$0x1FF00] =	vst v63  }
0xd3: {  	s18 =	rddreg [dreg:$0xe]  }
0xd4: {  	[tilespmem:s22], [sflag:$0x5] =	stream.linear.gather [hbm4b:s18+s3], $0x100, $0x38;
	[tilespmem:$0x1FF00] =	vst v63  }
0xd5: {  	_ =	swait.ge [sflag:s21], $0x100  }
0xd6: {  	[sflag:s21] =	ssyncset.done $0x0  }
0xd7: {  	[sflag:s21] =	ssyncadd.s32 $0xFFFFFF00  }
0xd8: {  	_ =	swait.ge [sflag:s0], $0x4000  }
0xd9: {  	[sflag:s0] =	ssyncset.done $0x0  }
0xda: {  	[sflag:s0] =	ssyncadd.s32 $0xFFFFC000  }
0xdb: {  	[tilespmem:s3], [sflag:$0x1] =	stream.indirect.gather [hbm4b:s1+s23], $0x80, s22, s23, $0xb8;
	[tilespmem:$0x1FF00] =	vst v63  }
0xdc: {  	_ =	swait.ge [sflag:s4], $0x4000  }
0xdd: {  	[sflag:s4] =	ssyncset.done $0x0  }
0xde: {  	[sflag:s4] =	ssyncadd.s32 $0xFFFFC000  }
0xdf: {  	[spmem:s2] =	stream.indirect.scatter.add.f32 [tilespmem:s25], [sflag:$0x5], $0x80, s14, s23, $0xb8;
	[tilespmem:$0x1FF00] =	vst v63  }
0xe0: {  	_ =	swait.ge [sflag:s21], $0x4000  }
0xe1: {  	[sflag:s21] =	ssyncset.done $0x0  }
0xe2: {  	[sflag:s21] =	ssyncadd.s32 $0xFFFFC000  }
0xe3: {  	_ =	swait.ge [sflag:s8], $0x4000  }
0xe4: {  	[sflag:s8] =	ssyncset.done $0x0  }
0xe5: {  	[sflag:s8] =	ssyncadd.s32 $0xFFFFC000  }
0xe6: {  	[spmem:s2] =	stream.indirect.scatter.add.f32 [tilespmem:s28], [sflag:$0x5], $0x80, s15, s23, $0xb8;
	[tilespmem:$0x1FF00] =	vst v63  }
0xe7: {  	_ =	swait.ge [sflag:s21], $0x4000  }
0xe8: {  	[sflag:s21] =	ssyncset.done $0x0  }
0xe9: {  	[sflag:s21] =	ssyncadd.s32 $0xFFFFC000  }
0xea: {  	_ =	swait.ge [sflag:s29], $0x4000  }
0xeb: {  	[sflag:s29] =	ssyncset.done $0x0  }
0xec: {  	[sflag:s29] =	ssyncadd.s32 $0xFFFFC000  }
0xed: {  	[spmem:s2] =	stream.indirect.scatter.add.f32 [tilespmem:s3], [sflag:$0x5], $0x80, s30, s23, $0xb8;
	[tilespmem:$0x1FF00] =	vst v63  }
0xee: {  	_ =	swait.ge [sflag:s21], $0x4000  }
0xef: {  	[sflag:s21] =	ssyncset.done $0x0  }
0xf0: {  	s19 =	stileid.u32;
	[sflag:s21] =	ssyncadd.s32 $0xFFFFC000  }
0xf1: {  	s17 =	sshll.u32 s19, $0x6;
	[bflag:$0x0] =	sbarrier.arrive $0xFFFF  }
0xf2: {  	s17 =	sor.u32 $0x1C05, s17;
	s18 =	sshrl.u32 s5, $0x3;
	s19 =	rddreg [dreg:$0xf]  }
0xf3: {  	[hbm:s19], [sflag:s17] =	dma.local [spmem:s18], $0x2700  }
0xf4: {  	_ =	swait.ge [sflag:s21], $0x2700  }
0xf5: {  	[sflag:s21] =	ssyncset.done $0x0  }
0xf6: {  	s18 =	sshrl.u32 @!p0 s10, $0x3;
	s19 =	rddreg [dreg:$0x10];
	[sflag:s21] =	ssyncadd.s32 $0xFFFFD900  }
0xf7: {  	[hbm:s19], [sflag:s17] =	dma.local @!p0 [spmem:s18], $0x200  }
0xf8: {  	s17 =	simm.s32 @!p0 $0x5  }
0xf9: {  	_ =	swait.ge @!p0 [sflag:s17], $0x200  }
0xfa: {  	s16 =	sadd.s32 $0x1, s16;
	s20 =	rddreg [dreg:$0x11]  }
0xfb: {  	p1 =	sne.s32 s16, s20  }
.Ltmp2:
0xfc: {  	_ = 	snop;
	(pc) =	sbr.rel @p1 .LBB2_1-.Ltmp2, $3  }
0xfd: {  	_ =	sdelay $0x1  }
0xfe: {  	[sflag:s17] =	ssyncset.done @!p0 $0x0  }
0xff: {  	[sflag:s17] =	ssyncadd.s32 @!p0 $0xFFFFFE00  }
0x100: {  	_ =	sfence.sel $0x180000  }
0x101: {  	[bflag:$0x0] =	sbarrier.arrive $0xFFFF  }
0x102: {  	_ =	strace $0x9000004A  }
0x103: {  	[bflag:$0x2] =	sbarrier.arrive $0xFFFF  }
0x104: {  	s0 =	rddreg [dreg:$0x3]  }
0x105: {  	s0 =	sadd.s32 @!p0 $0x100000, s0  }
0x106: {  	[sflag:s0] =	ssyncadd.tile.s32 @!p0 $0x1;
	_ =	shalt  }
.Lfunc_end2:
_tile_overlayer_lowered:
.L_overlay_start_2:
0x107: {  	(tag) =	ssettag $0x2  }
0x108: {  	s0 =	rddreg [dreg:$0x0];
	s2 =	stileid.u32  }
0x109: {  	s1 =	rddreg [dreg:$0x1];
	p0 =	sne.s32 s2, $0x0  }
0x10a: {  	s3 =	rddreg [dreg:$0x2];
	[bflag:$0x3] =	sbarrier.arrive $0xFFFF;
	s2 =	simm.s32 @!p0 $0x1C05  }
0x10b: {  	[timem:s3], [sflag:s2] =	dma.local @!p0 [hbm:s0], s1  }
0x10c: {  	s0 =	simm.s32 @!p0 $0x5  }
0x10d: {  	_ =	swait.ge @!p0 [sflag:s0], s1  }
0x10e: {  	s1 =	ssub.s32 @!p0 $0x0, s1;
	[sflag:s0] =	ssyncset.done @!p0 $0x0  }
0x10f: {  	[sflag:s0] =	ssyncadd.s32 @!p0 s1  }
0x110: {  	[bflag:$0x3] =	sbarrier.arrive $0xFFFF  }
0x111: {  	_ =	shalt  }

// kernel: kernel.14.cloned.1.call-start
scs
__scs_entry_jumppad:
0x0: {  	(pc) =	sbr.rel $0x88, $3  }
0x1: {  	(tag) =	ssettag $0x0;
	lr =	simm.s32 $0x1  }
0x2: {  	[smem:$0x3F9B] =	sst lr;
	_ =	strace $0xD0000000  }
0x3: {  	_ = 	snop  }
0x4: {  	_ = 	snop  }
0x5: {  	_ = 	snop  }
0x6: {  	_ = 	snop  }
0x7: {  	_ = 	snop  }
__scs_overlays_trampoline_lowered:
0x8: {  	[smem:$0x3FAA] =	sst s0  }
0x9: {  	[smem:$0x3FAB] =	sst s1  }
0xa: {  	[smem:$0x3FAC] =	sst s2  }
0xb: {  	[smem:$0x3FAD] =	sst s3  }
0xc: {  	[smem:$0x3FAE] =	sst s4  }
0xd: {  	[smem:$0x3FAF] =	sst s5  }
0xe: {  	[smem:$0x3FB0] =	sst s6  }
0xf: {  	[smem:$0x3FB1] =	sst s7  }
0x10: {  	[smem:$0x3FB2] =	sst s8  }
0x11: {  	[smem:$0x3FB3] =	sst s9;
	s0 =	simm.s32 @!p0 $0x0  }
0x12: {  	s1 =	sld [smem:$0x3F99];
	s0 =	simm.s32 @p0 $0x1  }
0x13: {  	[smem:$0x3FB4] =	sst s0;
	s0 =	simm.s32 @!p1 $0x0  }
0x14: {  	s2 =	sld [smem:$0x3F98];
	s0 =	simm.s32 @p1 $0x1  }
0x15: {  	[smem:$0x3FB5] =	sst s0;
	s0 =	simm.s32 @!p2 $0x0  }
0x16: {  	s3 =	sld [smem:$0x3FDB];
	s0 =	simm.s32 @p2 $0x1  }
0x17: {  	s4 =	simm.s32 $0x1BF5;
	[smem:$0x3FB7] =	sst s0  }
0x18: {  	s0 =	sld [smem:$0x3F9A];
	_ =	swait.ge [sflag:s4], $0x0  }
0x19: {  	s7 =	sld [smem:$0x3F9B]  }
0x1a: {  	s8 =	sadd.s32 $0xFFFFE003, lr  }
0x1b: {  	s9 =	sadd.s32 $0xFFFFFEF7, lr;
	s5 =	simm.s32 $0xFFFFFFFF;
	p2 =	slt.u32 s8, $0xFFFFF086  }
0x1c: {  	p1 =	slt.u32 s9, $0xF7A;
	s5 =	simm.s32 @!p2 $0x0  }
0x1d: {  	s5 =	simm.s32 @p1 $0x1;
	p0 =	seq.s32 s7, s2  }
0x1e: {  	s7 =	smul.u32 @!p0 $0xF7A, s2;
	p2 =	seq.s32 @!p0 s5, $0x0  }
0x1f: {  	s9 =	smul.u32 $0xF7A, s1;
	s8 =	simm.s32 @!p0 $0x1BF5;
	p2 =	por !p2, p0  }
0x20: {  	[sflag:s8] =	ssyncset.s32 @!p0 $0xFFFFF086;
	s6 =	sadd.s32 @!p0 s3, s7;
	s7 =	simm.s32 @!p0 $0x108  }
0x21: {  	s3 =	sadd.s32 s3, s9;
	s6 =	sadd.s32 @!p0 $0x88, s6;
	s7 =	simm.s32 @p2 $0x1082  }
0x22: {  	[simem:s7], [sflag:s8] =	dma.local @!p0 [hbm:s6], $0xF7A  }
0x23: {  	s9 =	sor.u32 $0xD0000000, s2;
	s6 =	simm.s32 $0x108;
	_ =	swait.ge @!p0 [sflag:s8], $0x0  }
0x24: {  	s3 =	sadd.s32 $0x88, s3;
	s6 =	simm.s32 @!p1 $0x1082;
	[sflag:s4] =	ssyncset.s32 $0xFFFFF086  }
0x25: {  	[simem:s6], [sflag:s4] =	dma.local [hbm:s3], $0xF7A  }
0x26: {  	[smem:$0x3F9B] =	sst s1;
	(tag) =	ssettag s2;
	_ =	strace s9  }
0x27: {  	s1 =	sld [smem:$0x3FAB]  }
0x28: {  	s2 =	sld [smem:$0x3FAC]  }
0x29: {  	s4 =	sld [smem:$0x3FAE]  }
0x2a: {  	p0 =	seq.s32 s5, $0x0;
	s5 =	sld [smem:$0x3FAF]  }
0x2b: {  	s6 =	sld [smem:$0x3FB0]  }
0x2c: {  	s7 =	sld [smem:$0x3FB1]  }
0x2d: {  	s3 =	simm.s32 $0x108;
	s8 =	sld [smem:$0x3FB2]  }
0x2e: {  	s3 =	simm.s32 @!p0 $0x1082;
	s9 =	sld [smem:$0x3FB3]  }
0x2f: {  	lr =	sadd.s32 s0, s3;
	s0 =	sld [smem:$0x3FAA]  }
0x30: {  	s3 =	sld [smem:$0x3FAD]  }
0x31: {  	[smem:$0x3FB6] =	sst s10  }
0x32: {  	s10 =	sld [smem:$0x3FB4];
	_ =	sdelay $0x3  }
0x33: {  	p0 =	seq.s32 s10, $0x1;
	s10 =	sld [smem:$0x3FB6];
	_ =	sdelay $0x3  }
0x34: {  	[smem:$0x3FB6] =	sst s10  }
0x35: {  	s10 =	sld [smem:$0x3FB5];
	_ =	sdelay $0x3  }
0x36: {  	p1 =	seq.s32 s10, $0x1;
	s10 =	sld [smem:$0x3FB6];
	_ =	sdelay $0x3  }
0x37: {  	[smem:$0x3FB6] =	sst s10  }
0x38: {  	s10 =	sld [smem:$0x3FB7]  }
0x39: {  	_ = 	snop;
	(pc) =	sbr.ind lr, $3  }
0x3a: {  	_ = 	snop  }
0x3b: {  	_ = 	snop  }
0x3c: {  	p2 =	seq.s32 s10, $0x1;
	s10 =	sld [smem:$0x3FB6]  }
0x3d: {  	_ =	shalt  }
0x3e: {  	_ =	shalt  }
0x3f: {  	_ =	shalt  }
0x40: {  	_ =	shalt  }
0x41: {  	_ =	shalt  }
0x42: {  	_ =	shalt  }
0x43: {  	_ =	shalt  }
0x44: {  	_ =	shalt  }
0x45: {  	_ =	shalt  }
0x46: {  	_ =	shalt  }
0x47: {  	_ =	shalt  }
0x48: {  	_ =	shalt  }
0x49: {  	_ =	shalt  }
0x4a: {  	_ =	shalt  }
0x4b: {  	_ =	shalt  }
0x4c: {  	_ =	shalt  }
0x4d: {  	_ =	shalt  }
0x4e: {  	_ =	shalt  }
0x4f: {  	_ =	shalt  }
0x50: {  	_ =	shalt  }
0x51: {  	_ =	shalt  }
0x52: {  	_ =	shalt  }
0x53: {  	_ =	shalt  }
0x54: {  	_ =	shalt  }
0x55: {  	_ =	shalt  }
0x56: {  	_ =	shalt  }
0x57: {  	_ =	shalt  }
0x58: {  	_ =	shalt  }
0x59: {  	_ =	shalt  }
0x5a: {  	_ =	shalt  }
0x5b: {  	_ =	shalt  }
0x5c: {  	_ =	shalt  }
0x5d: {  	_ =	shalt  }
0x5e: {  	_ =	shalt  }
0x5f: {  	_ =	shalt  }
0x60: {  	_ =	shalt  }
0x61: {  	_ =	shalt  }
0x62: {  	_ =	shalt  }
0x63: {  	_ =	shalt  }
0x64: {  	_ =	shalt  }
0x65: {  	_ =	shalt  }
0x66: {  	_ =	shalt  }
0x67: {  	_ =	shalt  }
0x68: {  	_ =	shalt  }
0x69: {  	_ =	shalt  }
0x6a: {  	_ =	shalt  }
0x6b: {  	_ =	shalt  }
0x6c: {  	_ =	shalt  }
0x6d: {  	_ =	shalt  }
0x6e: {  	_ =	shalt  }
0x6f: {  	_ =	shalt  }
0x70: {  	_ =	shalt  }
0x71: {  	_ =	shalt  }
0x72: {  	_ =	shalt  }
0x73: {  	_ =	shalt  }
0x74: {  	_ =	shalt  }
0x75: {  	_ =	shalt  }
0x76: {  	_ =	shalt  }
0x77: {  	_ =	shalt  }
0x78: {  	_ =	shalt  }
0x79: {  	_ =	shalt  }
0x7a: {  	_ =	shalt  }
0x7b: {  	_ =	shalt  }
0x7c: {  	_ =	shalt  }
0x7d: {  	_ =	shalt  }
0x7e: {  	_ =	shalt  }
0x7f: {  	_ =	shalt  }
0x80: {  	_ =	shalt  }
0x81: {  	_ =	shalt  }
0x82: {  	_ =	shalt  }
0x83: {  	_ =	shalt  }
0x84: {  	_ =	shalt  }
0x85: {  	_ =	shalt  }
0x86: {  	_ =	shalt  }
0x87: {  	_ =	shalt  }
.Lfunc_end0:
.L_simem_size_0:
called_computation.2_lowered:
.L_overlay_start_0:
0x88: {  	s2 =	sld [smem:$0x3FD9]  }
0x89: {  	s3 =	sld [smem:$0x3FFE];
	_ =	sdelay $0x1  }
0x8a: {  	s1 =	srdreg.scid  }
0x8b: {  	s0 =	sand.u32 $0x1, s1  }
0x8c: {  	s17 =	sshll.u32 s0, $0xA;
	s2 =	sadd.s32 s3, s2  }
0x8d: {  	s2 =	sadd.s32 s2, s17  }
0x8e: {  	[smem:$0x3FC2] =	sst s2  }
0x8f: {  	_ = 	snop  }
0x90: {  	s2 =	sld [smem:$0x3FD0];
	(tm) =	ssettm $0x1  }
0x91: {  	s18 =	sld [smem:$0x3FFB];
	_ =	sdelay $0x3  }
0x92: {  	_ =	strace s18  }
0x93: {  	s3 =	sld [smem:$0x3FFC];
	_ =	sdelay $0x3  }
0x94: {  	_ =	strace s3  }
0x95: {  	s3 =	sld [smem:$0x3FFD];
	_ =	sdelay $0x3  }
0x96: {  	_ =	strace s3  }
0x97: {  	_ =	strace $0x8FFFFFFF  }
0x98: {  	s19 =	sld [smem:$0x3FDB];
	_ =	sdelay $0x1  }
0x99: {  	s4 =	simm.s32 $_scs_section_size  }
0x9a: {  	s5 =	simm.s32 $_size__tile_overlayer_lowered;
	s6 =	simm.s32 $_tile_overlayer_lowered  }
0x9b: {  	s22 =	simm.s32 $0x1BFF;
	s21 =	sshll.u32 s6, $0x1;
	s3 =	sadd.s32 s4, s19  }
0x9c: {  	s7 =	simm.s32 $0x0;
	s20 =	sshll.u32 s5, $0x1;
	s5 =	sadd.s32 s21, s3  }
0x9d: {  	[timem:s7], [sflag:s22] =	dma.local [hbm:s5], s20  }
0x9e: {  	_ =	swait.ge [sflag:s22], s20  }
0x9f: {  	s4 =	ssub.s32 $0x0, s20;
	[sflag:s22] =	ssyncset.done $0x0  }
0xa0: {  	[sflag:s22] =	ssyncadd.s32 s4;
	_ =	sdelay $0x1  }
0xa1: {  	s23 =	simm.s32 $0x1B8B  }
0xa2: {  	_ =	swait.ge [sflag:s23], $0x1  }
0xa3: {  	[sflag:s23] =	ssyncset.done $0x0  }
0xa4: {  	s25 =	simm.s32 $0x1B8E;
	s24 =	sld [smem:$0x3FFE];
	[sflag:s23] =	ssyncadd.s32 $0xFFFFFFFF  }
0xa5: {  	s26 =	simm.s32 $execute0_lowered;
	[smem:$0x3FD2] =	sst s25  }
0xa6: {  	s5 =	sshll.u32 s26, $0x1;
	_ =	strace $0x8000004C;
	[dreg:$0x1] =	wrdreg $0xFFFFFFFF  }
0xa7: {  	s28 =	simm.s32 $_size_execute0_lowered;
	s3 =	sadd.s32 s3, s5;
	[dreg:$0x0] =	wrdreg $0x0  }
0xa8: {  	s5 =	sshll.u32 s28, $0x1;
	[dreg:$0x2] =	wrdreg s3  }
0xa9: {  	[dreg:$0x3] =	wrdreg s5  }
0xaa: {  	[dreg:$0x4] =	wrdreg $0xC0  }
0xab: {  	_ =	task [dreg:s7], $0x5FFFF  }
0xac: {  	[dreg:$0x1] =	wrdreg $0xFFFFFFFF  }
0xad: {  	[dreg:$0x0] =	wrdreg $0x60  }
0xae: {  	[dreg:$0x2] =	wrdreg s2  }
0xaf: {  	[dreg:$0x3] =	wrdreg s24  }
0xb0: {  	[dreg:$0x4] =	wrdreg $0xC6000  }
0xb1: {  	[dreg:$0x5] =	wrdreg $0x9  }
0xb2: {  	_ =	task.clear_ibuf [dreg:s7], $0x6FFFF;
	_ =	strace $0x9000004C  }
0xb3: {  	s29 =	simm.s32 $0x9;
	_ =	strace $0x8000004E  }
0xb4: {  	_ =	swait.ge [sflag:s29], $0x1  }
0xb5: {  	[sflag:s29] =	ssyncadd.s32 $0xFFFFFFFF  }
0xb6: {  	_ =	strace $0x9000004E  }
0xb7: {  	_ =	sfence  }
0xb8: {  	s30 =	sld [smem:$0x0];
	_ =	sdelay $0x2  }
0xb9: {  	s31 =	sshll.u32 s1, $0xD;
	s1 =	sshrl.u32 s1, $0x2  }
0xba: {  	s3 =	sand.u32 $0x4000, s31;
	s1 =	sadd.s32 s1, s30  }
0xbb: {  	s0 =	sor.u32 s3, s0;
	s1 =	sshll.u32 s1, $0x11  }
0xbc: {  	s0 =	sor.u32 s1, s0  }
0xbd: {  	s0 =	sadd.s32 $0x8F2B, s0  }
0xbe: {  	[sflag:s0] =	ssyncadd.remote.s32 $0x1  }
0xbf: {  	_ =	sfence.sel $0xFFFF  }
0xc0: {  	[dreg:$0x0] =	wrdreg $0xFFFFFFFF;
	(pc) =	sbr.abs _section_cstart, $3  }
0xc1: {  	[dreg:$0x1] =	wrdreg $0xFFFFFFFF  }
0xc2: {  	_ =	task.clear_ibuf [dreg:s7], $0x2FFFF;
	_ =	strace $0x9FFFFFFF  }
0xc3: {  	(tm) =	ssettm $0x7FFFFFFF  }
tec
execute0_lowered:
.L_overlay_start_1:
0x0: {  	(tag) =	ssettag $0x1  }
0x1: {  	s1 =	rddreg [dreg:$0x0]  }
0x2: {  	s0 =	rddreg [dreg:$0x1]  }
0x3: {  	s2 =	rddreg [dreg:$0x2]  }
0x4: {  	s3 =	simm.s32 $0x0;
	s4 =	srdreg.scid;
	s14 =	stileid.u32  }
0x5: {  	s8 =	simm.s32 $0x6;
	s28 =	simm.s32 $0x8000;
	s7 =	smul.u32 $0x73, s14  }
0x6: {  	s29 =	simm.s32 $0x1;
	s30 =	simm.s32 $0xC080;
	s5 =	smul.u32 $0x2B, s14  }
0x7: {  	s31 =	simm.s32 $0xC100;
	[smem:$0x7FF] =	sst s3;
	s9 =	smul.u32 $0x4E000, s14  }
0x8: {  	s6 =	sadd.s32 $0x3800, s0;
	s4 =	sand.u32 $0x1, s4;
	s13 =	smul.u32 $0x2700, s14  }
0x9: {  	s0 =	sadd.s32 $0x17400, s0;
	_ =	strace $0x8000004D;
	s20 =	smul.u32 $0x139000, s4  }
0xa: {  	p0 =	seq.s32 s4, $0x0;
	s10 =	ssub.s32 $0x2, s4;
	s4 =	smul.u32 $0x27200, s4  }
0xb: {  	s8 =	simm.s32 @!p0 $0x12;
	s5 =	sadd.s32 $0x730, s5;
	s12 =	sshrl.u32 s10, $0x1  }
0xc: {  	s25 =	sshrl.u32 s9, $0x2;
	s11 =	smul.u32 $0x6, s8;
	s7 =	smov.u32 @p0 s5  }
0xd: {  	s9 =	ssub.s32 s10, s12;
	s5 =	sadd.s32 s25, s2;
	s10 =	sadd.s32 $0x138000, s2  }
0xe: {  	s4 =	sadd.s32 s13, s4;
	s8 =	smul.u32 $0xC0, s8;
	p0 =	sne.s32 s14, $0x0  }
0xf: {  	s12 =	simm.s32 $0xC500;
	s13 =	simm.s32 $0xC180;
	s15 =	sadd.s32 $0x8000, s5  }
0x10: {  	s14 =	simm.s32 $0xC380;
	s16 =	sadd.s32 $0xC000, s5;
	[dreg:$0x6] =	wrdreg s15  }
0x11: {  	s17 =	sadd.s32 $0x10000, s5;
	s26 =	sadd.s32 s11, s7;
	[dreg:$0x7] =	wrdreg s16  }
0x12: {  	s11 =	sadd.s32 $0x4000, s5;
	[dreg:$0x8] =	wrdreg s17;
	s7 =	sshll.u32 s7, $0x5  }
0x13: {  	[dreg:$0x4] =	wrdreg s8;
	s8 =	simm.s32 $0x3;
	s15 =	simm.s32 $0xC580  }
0x14: {  	s16 =	simm.s32 $0x0;
	[dreg:$0x5] =	wrdreg s11;
	s11 =	sadd.s32 s6, s7  }
0x15: {  	s18 =	sshll.u32 s26, $0x5;
	s7 =	sshrl.u32 s20, $0x3;
	s26 =	smax.u32 s9, $0x1  }
0x16: {  	s9 =	simm.s32 $0xC480;
	s19 =	sadd.s32 $0x20, s11;
	[dreg:$0x11] =	wrdreg s26  }
0x17: {  	s6 =	sadd.s32 s6, s18;
	s21 =	sadd.s32 $0x40, s11;
	[dreg:$0x9] =	wrdreg s19  }
0x18: {  	s7 =	sadd.s32 s0, s7;
	s0 =	sadd.s32 s0, s4;
	[dreg:$0xa] =	wrdreg s21  }
0x19: {  	s26 =	simm.s32 $0xC400;
	s22 =	sadd.s32 $0x60, s6;
	[dreg:$0xf] =	wrdreg s0  }
0x1a: {  	s4 =	simm.s32 $0x2;
	s23 =	sadd.s32 $0x80, s6;
	[dreg:$0xb] =	wrdreg s22  }
0x1b: {  	s24 =	sadd.s32 $0xA0, s6;
	s6 =	sadd.s32 $0xC0, s6;
	[dreg:$0xc] =	wrdreg s23  }
0x1c: {  	s25 =	sadd.s32 $0x27000, s7;
	s21 =	simm.s32 $0x5;
	[dreg:$0xd] =	wrdreg s24  }
0x1d: {  	s0 =	simm.s32 $0x4;
	s7 =	simm.s32 $0xC300;
	[dreg:$0xe] =	wrdreg s6  }
0x1e: {  	[dreg:$0x10] =	wrdreg s25;
	s22 =	simm.s32 $0xC000;
	s23 =	simm.s32 $0x80  }
0x1f: {  	v0 =	vimm.f32 $0.0e+00;
	s24 =	simm.s32 $0xC200;
	s25 =	simm.s32 $0x4000;
	s6 =	simm.s32 $0xC280  }
.LBB2_1:
0x20: {  	s17 =	sand.u32 $0xFE00, s3  }
0x21: {  	s18 =	sand.u32 $0x70, s3;
	s19 =	sshrl.u32 s17, $0x2  }
0x22: {  	s17 =	simm.s32 $0x40;
	s19 =	sor.u32 s18, s19;
	s18 =	simm.s32 $0x0  }
.LBB2_2:
0x23: {  	p1 =	sne.s32 s17, $0xFFC0  }
0x24: {  	[tilespmem:s19+$0x0] =	vst v0;
	s18 =	sadd.s32 $0x10, s18;
	s19 =	smov.u32 s17;
	s17 =	sadd.s32 $0x40, s17  }
.Ltmp0:
0x25: {  	(pc) =	sbr.rel @p1 .LBB2_2-.Ltmp0, $4  }
0x26: {  	_ = 	snop  }
0x27: {  	s19 =	sand.u32 $0xFE00, s19  }
0x28: {  	s20 =	sand.u32 $0x70, s18;
	s19 =	sshrl.u32 s19, $0x2  }
0x29: {  	s19 =	sor.u32 s20, s19  }
0x2a: {  	[tilespmem:s19+$0x0] =	vst v0  }
0x2b: {  	[spmem:s5] =	stream.linear.scatter [tilespmem:s3], [sflag:$0x5], $0x4000, $0x38;
	[tilespmem:$0x1FF00] =	vst v63  }
0x2c: {  	_ =	swait.ge [sflag:s21], $0x4000  }
0x2d: {  	[sflag:s21] =	ssyncset.done $0x0  }
0x2e: {  	s17 =	rddreg [dreg:$0x5];
	[sflag:s21] =	ssyncadd.s32 $0xFFFFC000  }
0x2f: {  	[spmem:s17] =	stream.linear.scatter [tilespmem:s3], [sflag:$0x5], $0x4000, $0x38;
	[tilespmem:$0x1FF00] =	vst v63  }
0x30: {  	_ =	swait.ge [sflag:s21], $0x4000  }
0x31: {  	[sflag:s21] =	ssyncset.done $0x0  }
0x32: {  	s20 =	rddreg [dreg:$0x6];
	[sflag:s21] =	ssyncadd.s32 $0xFFFFC000  }
0x33: {  	[spmem:s20] =	stream.linear.scatter [tilespmem:s3], [sflag:$0x5], $0x4000, $0x38;
	[tilespmem:$0x1FF00] =	vst v63  }
0x34: {  	_ =	swait.ge [sflag:s21], $0x4000  }
0x35: {  	[sflag:s21] =	ssyncset.done $0x0  }
0x36: {  	s18 =	rddreg [dreg:$0x7];
	[sflag:s21] =	ssyncadd.s32 $0xFFFFC000  }
0x37: {  	[spmem:s18] =	stream.linear.scatter [tilespmem:s3], [sflag:$0x5], $0x4000, $0x38;
	[tilespmem:$0x1FF00] =	vst v63  }
0x38: {  	_ =	swait.ge [sflag:s21], $0x4000  }
0x39: {  	[sflag:s21] =	ssyncset.done $0x0  }
0x3a: {  	s19 =	rddreg [dreg:$0x8];
	[sflag:s21] =	ssyncadd.s32 $0xFFFFC000  }
0x3b: {  	[spmem:s19] =	stream.linear.scatter [tilespmem:s3], [sflag:$0x5], $0x3800, $0x38;
	[tilespmem:$0x1FF00] =	vst v63  }
0x3c: {  	_ =	swait.ge [sflag:s21], $0x3800  }
0x3d: {  	[sflag:s21] =	ssyncset.done $0x0  }
0x3e: {  	s17 =	simm.s32 @!p0 $0x0;
	[sflag:s21] =	ssyncadd.s32 $0xFFFFC800  }
0x3f: {  	[spmem:s10] =	stream.linear.scatter @!p0 [tilespmem:s17], [sflag:$0x5], $0x1000, $0x38;
	[tilespmem:$0x1FF00] =	vst v63  }
0x40: {  	s17 =	simm.s32 @!p0 $0x5  }
0x41: {  	_ =	swait.ge @!p0 [sflag:s17], $0x1000  }
0x42: {  	[sflag:s17] =	ssyncset.done @!p0 $0x0  }
0x43: {  	[sflag:s17] =	ssyncadd.s32 @!p0 $0xFFFFF000;
	s17 =	simm.s32 $0x0  }
0x44: {  	[tilespmem:s22], [sflag:$0x5] =	stream.linear.gather [hbm4b:s11+s17], $0x100, $0x38;
	[tilespmem:$0x1FF00] =	vst v63  }
0x45: {  	_ =	swait.ge [sflag:s21], $0x100  }
0x46: {  	[sflag:s21] =	ssyncset.done $0x0  }
0x47: {  	[sflag:s21] =	ssyncadd.s32 $0xFFFFFF00  }
0x48: {  	[tilespmem:s17], [sflag:$0x1] =	stream.indirect.gather [hbm4b:s1+s23], $0x80, s22, s23, $0xb8;
	[tilespmem:$0x1FF00] =	vst v63  }
0x49: {  	s18 =	rddreg [dreg:$0x9]  }
0x4a: {  	[tilespmem:s24], [sflag:$0x5] =	stream.linear.gather [hbm4b:s18+s17], $0x100, $0x38;
	[tilespmem:$0x1FF00] =	vst v63  }
0x4b: {  	_ =	swait.ge [sflag:s21], $0x100  }
0x4c: {  	[sflag:s21] =	ssyncset.done $0x0  }
0x4d: {  	[sflag:s21] =	ssyncadd.s32 $0xFFFFFF00  }
0x4e: {  	[tilespmem:s25], [sflag:$0x2] =	stream.indirect.gather [hbm4b:s1+s23], $0x80, s24, s23, $0xb8;
	[tilespmem:$0x1FF00] =	vst v63  }
0x4f: {  	s20 =	rddreg [dreg:$0xa]  }
0x50: {  	[tilespmem:s26], [sflag:$0x5] =	stream.linear.gather [hbm4b:s20+s17], $0x100, $0x38;
	[tilespmem:$0x1FF00] =	vst v63  }
0x51: {  	_ =	swait.ge [sflag:s21], $0x100  }
0x52: {  	[sflag:s21] =	ssyncset.done $0x0  }
0x53: {  	[sflag:s21] =	ssyncadd.s32 $0xFFFFFF00  }
0x54: {  	[tilespmem:s28], [sflag:$0x3] =	stream.indirect.gather [hbm4b:s1+s23], $0x80, s26, s23, $0xb8;
	[tilespmem:$0x1FF00] =	vst v63  }
0x55: {  	[bflag:$0x0] =	sbarrier.arrive $0xFFFF  }
.LBB2_4:
0x56: {  	_ =	swait.ge [sflag:s29], $0x4000  }
0x57: {  	[sflag:s29] =	ssyncset.done $0x0  }
0x58: {  	s18 =	sadd.s32 s17, s11;
	[sflag:s29] =	ssyncadd.s32 $0xFFFFC000  }
0x59: {  	[spmem:s2] =	stream.indirect.scatter.add.f32 [tilespmem:s3], [sflag:$0x4], $0x80, s30, s23, $0xb8;
	[tilespmem:$0x1FF00] =	vst v63  }
0x5a: {  	s19 =	sadd.s32 $0x60, s18  }
0x5b: {  	[tilespmem:s31], [sflag:$0x5] =	stream.linear.gather [hbm4b:s19+s3], $0x100, $0x38;
	[tilespmem:$0x1FF00] =	vst v63  }
0x5c: {  	_ =	swait.ge [sflag:s21], $0x100  }
0x5d: {  	[sflag:s21] =	ssyncset.done $0x0  }
0x5e: {  	[sflag:s21] =	ssyncadd.s32 $0xFFFFFF00  }
0x5f: {  	_ =	swait.ge [sflag:s0], $0x4000  }
0x60: {  	[sflag:s0] =	ssyncset.done $0x0  }
0x61: {  	[sflag:s0] =	ssyncadd.s32 $0xFFFFC000  }
0x62: {  	[tilespmem:s3], [sflag:$0x1] =	stream.indirect.gather [hbm4b:s1+s23], $0x80, s31, s23, $0xb8;
	[tilespmem:$0x1FF00] =	vst v63  }
0x63: {  	_ =	swait.ge [sflag:s4], $0x4000  }
0x64: {  	[sflag:s4] =	ssyncset.done $0x0  }
0x65: {  	[sflag:s4] =	ssyncadd.s32 $0xFFFFC000  }
0x66: {  	[spmem:s2] =	stream.indirect.scatter.add.f32 [tilespmem:s25], [sflag:$0x4], $0x80, s6, s23, $0xb8;
	[tilespmem:$0x1FF00] =	vst v63  }
0x67: {  	s20 =	sadd.s32 $0x80, s18  }
0x68: {  	[tilespmem:s7], [sflag:$0x5] =	stream.linear.gather [hbm4b:s20+s3], $0x100, $0x38;
	[tilespmem:$0x1FF00] =	vst v63  }
0x69: {  	_ =	swait.ge [sflag:s21], $0x100  }
0x6a: {  	[sflag:s21] =	ssyncset.done $0x0  }
0x6b: {  	[sflag:s21] =	ssyncadd.s32 $0xFFFFFF00  }
0x6c: {  	_ =	swait.ge [sflag:s0], $0x4000  }
0x6d: {  	[sflag:s0] =	ssyncset.done $0x0  }
0x6e: {  	[sflag:s0] =	ssyncadd.s32 $0xFFFFC000  }
0x6f: {  	[tilespmem:s25], [sflag:$0x2] =	stream.indirect.gather [hbm4b:s1+s23], $0x80, s7, s23, $0xb8;
	[tilespmem:$0x1FF00] =	vst v63  }
0x70: {  	_ =	swait.ge [sflag:s8], $0x4000  }
0x71: {  	[sflag:s8] =	ssyncset.done $0x0  }
0x72: {  	[sflag:s8] =	ssyncadd.s32 $0xFFFFC000  }
0x73: {  	[spmem:s2] =	stream.indirect.scatter.add.f32 [tilespmem:s28], [sflag:$0x4], $0x80, s9, s23, $0xb8;
	[tilespmem:$0x1FF00] =	vst v63  }
0x74: {  	s20 =	sadd.s32 $0xA0, s18  }
0x75: {  	[tilespmem:s12], [sflag:$0x5] =	stream.linear.gather [hbm4b:s20+s3], $0x100, $0x38;
	[tilespmem:$0x1FF00] =	vst v63  }
0x76: {  	_ =	swait.ge [sflag:s21], $0x100  }
0x77: {  	[sflag:s21] =	ssyncset.done $0x0  }
0x78: {  	[sflag:s21] =	ssyncadd.s32 $0xFFFFFF00  }
0x79: {  	_ =	swait.ge [sflag:s0], $0x4000  }
0x7a: {  	[sflag:s0] =	ssyncset.done $0x0  }
0x7b: {  	[sflag:s0] =	ssyncadd.s32 $0xFFFFC000  }
0x7c: {  	[tilespmem:s28], [sflag:$0x3] =	stream.indirect.gather [hbm4b:s1+s23], $0x80, s12, s23, $0xb8;
	[tilespmem:$0x1FF00] =	vst v63  }
0x7d: {  	_ =	swait.ge [sflag:s29], $0x4000  }
0x7e: {  	[sflag:s29] =	ssyncset.done $0x0  }
0x7f: {  	[sflag:s29] =	ssyncadd.s32 $0xFFFFC000  }
0x80: {  	[spmem:s2] =	stream.indirect.scatter.add.f32 [tilespmem:s3], [sflag:$0x4], $0x80, s13, s23, $0xb8;
	[tilespmem:$0x1FF00] =	vst v63  }
0x81: {  	s20 =	sadd.s32 $0xC0, s18  }
0x82: {  	[tilespmem:s22], [sflag:$0x5] =	stream.linear.gather [hbm4b:s20+s3], $0x100, $0x38;
	[tilespmem:$0x1FF00] =	vst v63  }
0x83: {  	_ =	swait.ge [sflag:s21], $0x100  }
0x84: {  	[sflag:s21] =	ssyncset.done $0x0  }
0x85: {  	[sflag:s21] =	ssyncadd.s32 $0xFFFFFF00  }
0x86: {  	_ =	swait.ge [sflag:s0], $0x4000  }
0x87: {  	[sflag:s0] =	ssyncset.done $0x0  }
0x88: {  	[sflag:s0] =	ssyncadd.s32 $0xFFFFC000  }
0x89: {  	[tilespmem:s3], [sflag:$0x1] =	stream.indirect.gather [hbm4b:s1+s23], $0x80, s22, s23, $0xb8;
	[tilespmem:$0x1FF00] =	vst v63  }
0x8a: {  	_ =	swait.ge [sflag:s4], $0x4000  }
0x8b: {  	[sflag:s4] =	ssyncset.done $0x0  }
0x8c: {  	[sflag:s4] =	ssyncadd.s32 $0xFFFFC000  }
0x8d: {  	[spmem:s2] =	stream.indirect.scatter.add.f32 [tilespmem:s25], [sflag:$0x4], $0x80, s14, s23, $0xb8;
	[tilespmem:$0x1FF00] =	vst v63  }
0x8e: {  	s20 =	sadd.s32 $0xE0, s18  }
0x8f: {  	[tilespmem:s24], [sflag:$0x5] =	stream.linear.gather [hbm4b:s20+s3], $0x100, $0x38;
	[tilespmem:$0x1FF00] =	vst v63  }
0x90: {  	_ =	swait.ge [sflag:s21], $0x100  }
0x91: {  	[sflag:s21] =	ssyncset.done $0x0  }
0x92: {  	[sflag:s21] =	ssyncadd.s32 $0xFFFFFF00  }
0x93: {  	_ =	swait.ge [sflag:s0], $0x4000  }
0x94: {  	[sflag:s0] =	ssyncset.done $0x0  }
0x95: {  	[sflag:s0] =	ssyncadd.s32 $0xFFFFC000  }
0x96: {  	[tilespmem:s25], [sflag:$0x2] =	stream.indirect.gather [hbm4b:s1+s23], $0x80, s24, s23, $0xb8;
	[tilespmem:$0x1FF00] =	vst v63  }
0x97: {  	_ =	swait.ge [sflag:s8], $0x4000  }
0x98: {  	[sflag:s8] =	ssyncset.done $0x0  }
0x99: {  	[sflag:s8] =	ssyncadd.s32 $0xFFFFC000  }
0x9a: {  	[spmem:s2] =	stream.indirect.scatter.add.f32 [tilespmem:s28], [sflag:$0x4], $0x80, s15, s23, $0xb8;
	[tilespmem:$0x1FF00] =	vst v63  }
0x9b: {  	s18 =	sadd.s32 $0x100, s18  }
0x9c: {  	[tilespmem:s26], [sflag:$0x5] =	stream.linear.gather [hbm4b:s18+s3], $0x100, $0x38;
	[tilespmem:$0x1FF00] =	vst v63  }
0x9d: {  	_ =	swait.ge [sflag:s21], $0x100  }
0x9e: {  	[sflag:s21] =	ssyncset.done $0x0  }
0x9f: {  	[sflag:s21] =	ssyncadd.s32 $0xFFFFFF00  }
0xa0: {  	_ =	swait.ge [sflag:s0], $0x4000  }
0xa1: {  	s17 =	sadd.s32 $0xC0, s17;
	s20 =	rddreg [dreg:$0x4]  }
0xa2: {  	p1 =	sne.s32 s20, s17  }
.Ltmp1:
0xa3: {  	_ = 	snop;
	(pc) =	sbr.rel @p1 .LBB2_4-.Ltmp1, $4  }
0xa4: {  	_ = 	snop  }
0xa5: {  	[sflag:s0] =	ssyncset.done $0x0  }
0xa6: {  	[sflag:s0] =	ssyncadd.s32 $0xFFFFC000  }
0xa7: {  	[tilespmem:s28], [sflag:$0x3] =	stream.indirect.gather [hbm4b:s1+s23], $0x80, s26, s23, $0xb8;
	[tilespmem:$0x1FF00] =	vst v63  }
0xa8: {  	_ =	swait.ge [sflag:s29], $0x4000  }
0xa9: {  	[sflag:s29] =	ssyncset.done $0x0  }
0xaa: {  	[sflag:s29] =	ssyncadd.s32 $0xFFFFC000  }
0xab: {  	[spmem:s2] =	stream.indirect.scatter.add.f32 [tilespmem:s3], [sflag:$0x4], $0x80, s30, s23, $0xb8;
	[tilespmem:$0x1FF00] =	vst v63  }
0xac: {  	s17 =	rddreg [dreg:$0xb]  }
0xad: {  	[tilespmem:s31], [sflag:$0x5] =	stream.linear.gather [hbm4b:s17+s3], $0x100, $0x38;
	[tilespmem:$0x1FF00] =	vst v63  }
0xae: {  	_ =	swait.ge [sflag:s21], $0x100  }
0xaf: {  	[sflag:s21] =	ssyncset.done $0x0  }
0xb0: {  	[sflag:s21] =	ssyncadd.s32 $0xFFFFFF00  }
0xb1: {  	_ =	swait.ge [sflag:s0], $0x4000  }
0xb2: {  	[sflag:s0] =	ssyncset.done $0x0  }
0xb3: {  	[sflag:s0] =	ssyncadd.s32 $0xFFFFC000  }
0xb4: {  	[tilespmem:s3], [sflag:$0x1] =	stream.indirect.gather [hbm4b:s1+s23], $0x80, s31, s23, $0xb8;
	[tilespmem:$0x1FF00] =	vst v63  }
0xb5: {  	_ =	swait.ge [sflag:s4], $0x4000  }
0xb6: {  	[sflag:s4] =	ssyncset.done $0x0  }
0xb7: {  	[sflag:s4] =	ssyncadd.s32 $0xFFFFC000  }
0xb8: {  	[spmem:s2] =	stream.indirect.scatter.add.f32 [tilespmem:s25], [sflag:$0x4], $0x80, s6, s23, $0xb8;
	[tilespmem:$0x1FF00] =	vst v63  }
0xb9: {  	s19 =	rddreg [dreg:$0xc]  }
0xba: {  	[tilespmem:s7], [sflag:$0x5] =	stream.linear.gather [hbm4b:s19+s3], $0x100, $0x38;
	[tilespmem:$0x1FF00] =	vst v63  }
0xbb: {  	_ =	swait.ge [sflag:s21], $0x100  }
0xbc: {  	[sflag:s21] =	ssyncset.done $0x0  }
0xbd: {  	[sflag:s21] =	ssyncadd.s32 $0xFFFFFF00  }
0xbe: {  	_ =	swait.ge [sflag:s0], $0x4000  }
0xbf: {  	[sflag:s0] =	ssyncset.done $0x0  }
0xc0: {  	[sflag:s0] =	ssyncadd.s32 $0xFFFFC000  }
0xc1: {  	[tilespmem:s25], [sflag:$0x2] =	stream.indirect.gather [hbm4b:s1+s23], $0x80, s7, s23, $0xb8;
	[tilespmem:$0x1FF00] =	vst v63  }
0xc2: {  	_ =	swait.ge [sflag:s8], $0x4000  }
0xc3: {  	[sflag:s8] =	ssyncset.done $0x0  }
0xc4: {  	[sflag:s8] =	ssyncadd.s32 $0xFFFFC000  }
0xc5: {  	[spmem:s2] =	stream.indirect.scatter.add.f32 [tilespmem:s28], [sflag:$0x4], $0x80, s9, s23, $0xb8;
	[tilespmem:$0x1FF00] =	vst v63  }
0xc6: {  	s20 =	rddreg [dreg:$0xd]  }
0xc7: {  	[tilespmem:s12], [sflag:$0x5] =	stream.linear.gather [hbm4b:s20+s3], $0x100, $0x38;
	[tilespmem:$0x1FF00] =	vst v63  }
0xc8: {  	_ =	swait.ge [sflag:s21], $0x100  }
0xc9: {  	[sflag:s21] =	ssyncset.done $0x0  }
0xca: {  	[sflag:s21] =	ssyncadd.s32 $0xFFFFFF00  }
0xcb: {  	_ =	swait.ge [sflag:s0], $0x4000  }
0xcc: {  	[sflag:s0] =	ssyncset.done $0x0  }
0xcd: {  	[sflag:s0] =	ssyncadd.s32 $0xFFFFC000  }
0xce: {  	[tilespmem:s28], [sflag:$0x3] =	stream.indirect.gather [hbm4b:s1+s23], $0x80, s12, s23, $0xb8;
	[tilespmem:$0x1FF00] =	vst v63  }
0xcf: {  	_ =	swait.ge [sflag:s29], $0x4000  }
0xd0: {  	[sflag:s29] =	ssyncset.done $0x0  }
0xd1: {  	[sflag:s29] =	ssyncadd.s32 $0xFFFFC000  }
0xd2: {  	[spmem:s2] =	stream.indirect.scatter.add.f32 [tilespmem:s3], [sflag:$0x4], $0x80, s13, s23, $0xb8;
	[tilespmem:$0x1FF00] =	vst v63  }
0xd3: {  	s18 =	rddreg [dreg:$0xe]  }
0xd4: {  	[tilespmem:s22], [sflag:$0x5] =	stream.linear.gather [hbm4b:s18+s3], $0x100, $0x38;
	[tilespmem:$0x1FF00] =	vst v63  }
0xd5: {  	_ =	swait.ge [sflag:s21], $0x100  }
0xd6: {  	[sflag:s21] =	ssyncset.done $0x0  }
0xd7: {  	[sflag:s21] =	ssyncadd.s32 $0xFFFFFF00  }
0xd8: {  	_ =	swait.ge [sflag:s0], $0x4000  }
0xd9: {  	[sflag:s0] =	ssyncset.done $0x0  }
0xda: {  	[sflag:s0] =	ssyncadd.s32 $0xFFFFC000  }
0xdb: {  	[tilespmem:s3], [sflag:$0x1] =	stream.indirect.gather [hbm4b:s1+s23], $0x80, s22, s23, $0xb8;
	[tilespmem:$0x1FF00] =	vst v63  }
0xdc: {  	_ =	swait.ge [sflag:s4], $0x4000  }
0xdd: {  	[sflag:s4] =	ssyncset.done $0x0  }
0xde: {  	[sflag:s4] =	ssyncadd.s32 $0xFFFFC000  }
0xdf: {  	[spmem:s2] =	stream.indirect.scatter.add.f32 [tilespmem:s25], [sflag:$0x5], $0x80, s14, s23, $0xb8;
	[tilespmem:$0x1FF00] =	vst v63  }
0xe0: {  	_ =	swait.ge [sflag:s21], $0x4000  }
0xe1: {  	[sflag:s21] =	ssyncset.done $0x0  }
0xe2: {  	[sflag:s21] =	ssyncadd.s32 $0xFFFFC000  }
0xe3: {  	_ =	swait.ge [sflag:s8], $0x4000  }
0xe4: {  	[sflag:s8] =	ssyncset.done $0x0  }
0xe5: {  	[sflag:s8] =	ssyncadd.s32 $0xFFFFC000  }
0xe6: {  	[spmem:s2] =	stream.indirect.scatter.add.f32 [tilespmem:s28], [sflag:$0x5], $0x80, s15, s23, $0xb8;
	[tilespmem:$0x1FF00] =	vst v63  }
0xe7: {  	_ =	swait.ge [sflag:s21], $0x4000  }
0xe8: {  	[sflag:s21] =	ssyncset.done $0x0  }
0xe9: {  	[sflag:s21] =	ssyncadd.s32 $0xFFFFC000  }
0xea: {  	_ =	swait.ge [sflag:s29], $0x4000  }
0xeb: {  	[sflag:s29] =	ssyncset.done $0x0  }
0xec: {  	[sflag:s29] =	ssyncadd.s32 $0xFFFFC000  }
0xed: {  	[spmem:s2] =	stream.indirect.scatter.add.f32 [tilespmem:s3], [sflag:$0x5], $0x80, s30, s23, $0xb8;
	[tilespmem:$0x1FF00] =	vst v63  }
0xee: {  	_ =	swait.ge [sflag:s21], $0x4000  }
0xef: {  	[sflag:s21] =	ssyncset.done $0x0  }
0xf0: {  	s19 =	stileid.u32;
	[sflag:s21] =	ssyncadd.s32 $0xFFFFC000  }
0xf1: {  	s17 =	sshll.u32 s19, $0x6;
	[bflag:$0x0] =	sbarrier.arrive $0xFFFF  }
0xf2: {  	s17 =	sor.u32 $0x1C05, s17;
	s18 =	sshrl.u32 s5, $0x3;
	s19 =	rddreg [dreg:$0xf]  }
0xf3: {  	[hbm:s19], [sflag:s17] =	dma.local [spmem:s18], $0x2700  }
0xf4: {  	_ =	swait.ge [sflag:s21], $0x2700  }
0xf5: {  	[sflag:s21] =	ssyncset.done $0x0  }
0xf6: {  	s18 =	sshrl.u32 @!p0 s10, $0x3;
	s19 =	rddreg [dreg:$0x10];
	[sflag:s21] =	ssyncadd.s32 $0xFFFFD900  }
0xf7: {  	[hbm:s19], [sflag:s17] =	dma.local @!p0 [spmem:s18], $0x200  }
0xf8: {  	s17 =	simm.s32 @!p0 $0x5  }
0xf9: {  	_ =	swait.ge @!p0 [sflag:s17], $0x200  }
0xfa: {  	s16 =	sadd.s32 $0x1, s16;
	s20 =	rddreg [dreg:$0x11]  }
0xfb: {  	p1 =	sne.s32 s16, s20  }
.Ltmp2:
0xfc: {  	_ = 	snop;
	(pc) =	sbr.rel @p1 .LBB2_1-.Ltmp2, $3  }
0xfd: {  	_ =	sdelay $0x1  }
0xfe: {  	[sflag:s17] =	ssyncset.done @!p0 $0x0  }
0xff: {  	[sflag:s17] =	ssyncadd.s32 @!p0 $0xFFFFFE00  }
0x100: {  	_ =	sfence.sel $0x180000  }
0x101: {  	[bflag:$0x0] =	sbarrier.arrive $0xFFFF  }
0x102: {  	_ =	strace $0x9000004D  }
0x103: {  	[bflag:$0x2] =	sbarrier.arrive $0xFFFF  }
0x104: {  	s0 =	rddreg [dreg:$0x3]  }
0x105: {  	s0 =	sadd.s32 @!p0 $0x100000, s0  }
0x106: {  	[sflag:s0] =	ssyncadd.tile.s32 @!p0 $0x1;
	_ =	shalt  }
.Lfunc_end2:
_tile_overlayer_lowered:
.L_overlay_start_2:
0x107: {  	(tag) =	ssettag $0x2  }
0x108: {  	s0 =	rddreg [dreg:$0x0];
	s2 =	stileid.u32  }
0x109: {  	s1 =	rddreg [dreg:$0x1];
	p0 =	sne.s32 s2, $0x0  }
0x10a: {  	s3 =	rddreg [dreg:$0x2];
	[bflag:$0x3] =	sbarrier.arrive $0xFFFF;
	s2 =	simm.s32 @!p0 $0x1C05  }
0x10b: {  	[timem:s3], [sflag:s2] =	dma.local @!p0 [hbm:s0], s1  }
0x10c: {  	s0 =	simm.s32 @!p0 $0x5  }
0x10d: {  	_ =	swait.ge @!p0 [sflag:s0], s1  }
0x10e: {  	s1 =	ssub.s32 @!p0 $0x0, s1;
	[sflag:s0] =	ssyncset.done @!p0 $0x0  }
0x10f: {  	[sflag:s0] =	ssyncadd.s32 @!p0 s1  }
0x110: {  	[bflag:$0x3] =	sbarrier.arrive $0xFFFF  }
0x111: {  	_ =	shalt  }

// kernel: kernel.8.cloned.1.call-start
scs
__scs_entry_jumppad:
0x0: {  	(pc) =	sbr.rel $0x88, $3  }
0x1: {  	(tag) =	ssettag $0x0;
	lr =	simm.s32 $0x1  }
0x2: {  	[smem:$0x3F9B] =	sst lr;
	_ =	strace $0xD0000000  }
0x3: {  	_ = 	snop  }
0x4: {  	_ = 	snop  }
0x5: {  	_ = 	snop  }
0x6: {  	_ = 	snop  }
0x7: {  	_ = 	snop  }
__scs_overlays_trampoline_lowered:
0x8: {  	[smem:$0x3FAA] =	sst s0  }
0x9: {  	[smem:$0x3FAB] =	sst s1  }
0xa: {  	[smem:$0x3FAC] =	sst s2  }
0xb: {  	[smem:$0x3FAD] =	sst s3  }
0xc: {  	[smem:$0x3FAE] =	sst s4  }
0xd: {  	[smem:$0x3FAF] =	sst s5  }
0xe: {  	[smem:$0x3FB0] =	sst s6  }
0xf: {  	[smem:$0x3FB1] =	sst s7  }
0x10: {  	[smem:$0x3FB2] =	sst s8  }
0x11: {  	[smem:$0x3FB3] =	sst s9;
	s0 =	simm.s32 @!p0 $0x0  }
0x12: {  	s1 =	sld [smem:$0x3F99];
	s0 =	simm.s32 @p0 $0x1  }
0x13: {  	[smem:$0x3FB4] =	sst s0;
	s0 =	simm.s32 @!p1 $0x0  }
0x14: {  	s2 =	sld [smem:$0x3F98];
	s0 =	simm.s32 @p1 $0x1  }
0x15: {  	[smem:$0x3FB5] =	sst s0;
	s0 =	simm.s32 @!p2 $0x0  }
0x16: {  	s3 =	sld [smem:$0x3FDB];
	s0 =	simm.s32 @p2 $0x1  }
0x17: {  	s4 =	simm.s32 $0x1BF5;
	[smem:$0x3FB7] =	sst s0  }
0x18: {  	s0 =	sld [smem:$0x3F9A];
	_ =	swait.ge [sflag:s4], $0x0  }
0x19: {  	s7 =	sld [smem:$0x3F9B]  }
0x1a: {  	s8 =	sadd.s32 $0xFFFFE003, lr  }
0x1b: {  	s9 =	sadd.s32 $0xFFFFFEF7, lr;
	s5 =	simm.s32 $0xFFFFFFFF;
	p2 =	slt.u32 s8, $0xFFFFF086  }
0x1c: {  	p1 =	slt.u32 s9, $0xF7A;
	s5 =	simm.s32 @!p2 $0x0  }
0x1d: {  	s5 =	simm.s32 @p1 $0x1;
	p0 =	seq.s32 s7, s2  }
0x1e: {  	s7 =	smul.u32 @!p0 $0xF7A, s2;
	p2 =	seq.s32 @!p0 s5, $0x0  }
0x1f: {  	s9 =	smul.u32 $0xF7A, s1;
	s8 =	simm.s32 @!p0 $0x1BF5;
	p2 =	por !p2, p0  }
0x20: {  	[sflag:s8] =	ssyncset.s32 @!p0 $0xFFFFF086;
	s6 =	sadd.s32 @!p0 s3, s7;
	s7 =	simm.s32 @!p0 $0x108  }
0x21: {  	s3 =	sadd.s32 s3, s9;
	s6 =	sadd.s32 @!p0 $0x88, s6;
	s7 =	simm.s32 @p2 $0x1082  }
0x22: {  	[simem:s7], [sflag:s8] =	dma.local @!p0 [hbm:s6], $0xF7A  }
0x23: {  	s9 =	sor.u32 $0xD0000000, s2;
	s6 =	simm.s32 $0x108;
	_ =	swait.ge @!p0 [sflag:s8], $0x0  }
0x24: {  	s3 =	sadd.s32 $0x88, s3;
	s6 =	simm.s32 @!p1 $0x1082;
	[sflag:s4] =	ssyncset.s32 $0xFFFFF086  }
0x25: {  	[simem:s6], [sflag:s4] =	dma.local [hbm:s3], $0xF7A  }
0x26: {  	[smem:$0x3F9B] =	sst s1;
	(tag) =	ssettag s2;
	_ =	strace s9  }
0x27: {  	s1 =	sld [smem:$0x3FAB]  }
0x28: {  	s2 =	sld [smem:$0x3FAC]  }
0x29: {  	s4 =	sld [smem:$0x3FAE]  }
0x2a: {  	p0 =	seq.s32 s5, $0x0;
	s5 =	sld [smem:$0x3FAF]  }
0x2b: {  	s6 =	sld [smem:$0x3FB0]  }
0x2c: {  	s7 =	sld [smem:$0x3FB1]  }
0x2d: {  	s3 =	simm.s32 $0x108;
	s8 =	sld [smem:$0x3FB2]  }
0x2e: {  	s3 =	simm.s32 @!p0 $0x1082;
	s9 =	sld [smem:$0x3FB3]  }
0x2f: {  	lr =	sadd.s32 s0, s3;
	s0 =	sld [smem:$0x3FAA]  }
0x30: {  	s3 =	sld [smem:$0x3FAD]  }
0x31: {  	[smem:$0x3FB6] =	sst s10  }
0x32: {  	s10 =	sld [smem:$0x3FB4];
	_ =	sdelay $0x3  }
0x33: {  	p0 =	seq.s32 s10, $0x1;
	s10 =	sld [smem:$0x3FB6];
	_ =	sdelay $0x3  }
0x34: {  	[smem:$0x3FB6] =	sst s10  }
0x35: {  	s10 =	sld [smem:$0x3FB5];
	_ =	sdelay $0x3  }
0x36: {  	p1 =	seq.s32 s10, $0x1;
	s10 =	sld [smem:$0x3FB6];
	_ =	sdelay $0x3  }
0x37: {  	[smem:$0x3FB6] =	sst s10  }
0x38: {  	s10 =	sld [smem:$0x3FB7]  }
0x39: {  	_ = 	snop;
	(pc) =	sbr.ind lr, $3  }
0x3a: {  	_ = 	snop  }
0x3b: {  	_ = 	snop  }
0x3c: {  	p2 =	seq.s32 s10, $0x1;
	s10 =	sld [smem:$0x3FB6]  }
0x3d: {  	_ =	shalt  }
0x3e: {  	_ =	shalt  }
0x3f: {  	_ =	shalt  }
0x40: {  	_ =	shalt  }
0x41: {  	_ =	shalt  }
0x42: {  	_ =	shalt  }
0x43: {  	_ =	shalt  }
0x44: {  	_ =	shalt  }
0x45: {  	_ =	shalt  }
0x46: {  	_ =	shalt  }
0x47: {  	_ =	shalt  }
0x48: {  	_ =	shalt  }
0x49: {  	_ =	shalt  }
0x4a: {  	_ =	shalt  }
0x4b: {  	_ =	shalt  }
0x4c: {  	_ =	shalt  }
0x4d: {  	_ =	shalt  }
0x4e: {  	_ =	shalt  }
0x4f: {  	_ =	shalt  }
0x50: {  	_ =	shalt  }
0x51: {  	_ =	shalt  }
0x52: {  	_ =	shalt  }
0x53: {  	_ =	shalt  }
0x54: {  	_ =	shalt  }
0x55: {  	_ =	shalt  }
0x56: {  	_ =	shalt  }
0x57: {  	_ =	shalt  }
0x58: {  	_ =	shalt  }
0x59: {  	_ =	shalt  }
0x5a: {  	_ =	shalt  }
0x5b: {  	_ =	shalt  }
0x5c: {  	_ =	shalt  }
0x5d: {  	_ =	shalt  }
0x5e: {  	_ =	shalt  }
0x5f: {  	_ =	shalt  }
0x60: {  	_ =	shalt  }
0x61: {  	_ =	shalt  }
0x62: {  	_ =	shalt  }
0x63: {  	_ =	shalt  }
0x64: {  	_ =	shalt  }
0x65: {  	_ =	shalt  }
0x66: {  	_ =	shalt  }
0x67: {  	_ =	shalt  }
0x68: {  	_ =	shalt  }
0x69: {  	_ =	shalt  }
0x6a: {  	_ =	shalt  }
0x6b: {  	_ =	shalt  }
0x6c: {  	_ =	shalt  }
0x6d: {  	_ =	shalt  }
0x6e: {  	_ =	shalt  }
0x6f: {  	_ =	shalt  }
0x70: {  	_ =	shalt  }
0x71: {  	_ =	shalt  }
0x72: {  	_ =	shalt  }
0x73: {  	_ =	shalt  }
0x74: {  	_ =	shalt  }
0x75: {  	_ =	shalt  }
0x76: {  	_ =	shalt  }
0x77: {  	_ =	shalt  }
0x78: {  	_ =	shalt  }
0x79: {  	_ =	shalt  }
0x7a: {  	_ =	shalt  }
0x7b: {  	_ =	shalt  }
0x7c: {  	_ =	shalt  }
0x7d: {  	_ =	shalt  }
0x7e: {  	_ =	shalt  }
0x7f: {  	_ =	shalt  }
0x80: {  	_ =	shalt  }
0x81: {  	_ =	shalt  }
0x82: {  	_ =	shalt  }
0x83: {  	_ =	shalt  }
0x84: {  	_ =	shalt  }
0x85: {  	_ =	shalt  }
0x86: {  	_ =	shalt  }
0x87: {  	_ =	shalt  }
.Lfunc_end0:
.L_simem_size_0:
called_computation_lowered:
.L_overlay_start_0:
0x88: {  	s2 =	sld [smem:$0x3FD9]  }
0x89: {  	s3 =	sld [smem:$0x3FFE];
	_ =	sdelay $0x1  }
0x8a: {  	s1 =	srdreg.scid  }
0x8b: {  	s0 =	sand.u32 $0x1, s1  }
0x8c: {  	s17 =	sshll.u32 s0, $0xA;
	s2 =	sadd.s32 s3, s2  }
0x8d: {  	s2 =	sadd.s32 s2, s17  }
0x8e: {  	[smem:$0x3FC2] =	sst s2  }
0x8f: {  	_ = 	snop  }
0x90: {  	s2 =	sld [smem:$0x3FD0];
	(tm) =	ssettm $0x1  }
0x91: {  	s18 =	sld [smem:$0x3FFB];
	_ =	sdelay $0x3  }
0x92: {  	_ =	strace s18  }
0x93: {  	s3 =	sld [smem:$0x3FFC];
	_ =	sdelay $0x3  }
0x94: {  	_ =	strace s3  }
0x95: {  	s3 =	sld [smem:$0x3FFD];
	_ =	sdelay $0x3  }
0x96: {  	_ =	strace s3  }
0x97: {  	_ =	strace $0x8FFFFFFF  }
0x98: {  	s19 =	sld [smem:$0x3FDB];
	_ =	sdelay $0x1  }
0x99: {  	s4 =	simm.s32 $_scs_section_size  }
0x9a: {  	s5 =	simm.s32 $_size__tile_overlayer_lowered;
	s6 =	simm.s32 $_tile_overlayer_lowered  }
0x9b: {  	s22 =	simm.s32 $0x1BFF;
	s21 =	sshll.u32 s6, $0x1;
	s3 =	sadd.s32 s4, s19  }
0x9c: {  	s7 =	simm.s32 $0x0;
	s20 =	sshll.u32 s5, $0x1;
	s5 =	sadd.s32 s21, s3  }
0x9d: {  	[timem:s7], [sflag:s22] =	dma.local [hbm:s5], s20  }
0x9e: {  	_ =	swait.ge [sflag:s22], s20  }
0x9f: {  	s4 =	ssub.s32 $0x0, s20;
	[sflag:s22] =	ssyncset.done $0x0  }
0xa0: {  	[sflag:s22] =	ssyncadd.s32 s4;
	_ =	sdelay $0x1  }
0xa1: {  	s23 =	simm.s32 $0x1B8B  }
0xa2: {  	_ =	swait.ge [sflag:s23], $0x1  }
0xa3: {  	[sflag:s23] =	ssyncset.done $0x0  }
0xa4: {  	s25 =	simm.s32 $0x1B8E;
	s24 =	sld [smem:$0x3FFE];
	[sflag:s23] =	ssyncadd.s32 $0xFFFFFFFF  }
0xa5: {  	s26 =	simm.s32 $execute0_lowered;
	[smem:$0x3FD2] =	sst s25  }
0xa6: {  	s5 =	sshll.u32 s26, $0x1;
	_ =	strace $0x80000046;
	[dreg:$0x1] =	wrdreg $0xFFFFFFFF  }
0xa7: {  	s28 =	simm.s32 $_size_execute0_lowered;
	s3 =	sadd.s32 s3, s5;
	[dreg:$0x0] =	wrdreg $0x0  }
0xa8: {  	s5 =	sshll.u32 s28, $0x1;
	[dreg:$0x2] =	wrdreg s3  }
0xa9: {  	[dreg:$0x3] =	wrdreg s5  }
0xaa: {  	[dreg:$0x4] =	wrdreg $0xC0  }
0xab: {  	_ =	task [dreg:s7], $0x5FFFF  }
0xac: {  	[dreg:$0x1] =	wrdreg $0xFFFFFFFF  }
0xad: {  	[dreg:$0x0] =	wrdreg $0x60  }
0xae: {  	[dreg:$0x2] =	wrdreg s2  }
0xaf: {  	[dreg:$0x3] =	wrdreg s24  }
0xb0: {  	[dreg:$0x4] =	wrdreg $0x50800  }
0xb1: {  	[dreg:$0x5] =	wrdreg $0x9  }
0xb2: {  	_ =	task.clear_ibuf [dreg:s7], $0x6FFFF;
	_ =	strace $0x90000046  }
0xb3: {  	s29 =	simm.s32 $0x9;
	_ =	strace $0x80000048  }
0xb4: {  	_ =	swait.ge [sflag:s29], $0x1  }
0xb5: {  	[sflag:s29] =	ssyncadd.s32 $0xFFFFFFFF  }
0xb6: {  	_ =	strace $0x90000048  }
0xb7: {  	_ =	sfence  }
0xb8: {  	s30 =	sld [smem:$0x0];
	_ =	sdelay $0x2  }
0xb9: {  	s31 =	sshll.u32 s1, $0xD;
	s1 =	sshrl.u32 s1, $0x2  }
0xba: {  	s3 =	sand.u32 $0x4000, s31;
	s1 =	sadd.s32 s1, s30  }
0xbb: {  	s0 =	sor.u32 s3, s0;
	s1 =	sshll.u32 s1, $0x11  }
0xbc: {  	s0 =	sor.u32 s1, s0  }
0xbd: {  	s0 =	sadd.s32 $0x8F2B, s0  }
0xbe: {  	[sflag:s0] =	ssyncadd.remote.s32 $0x1  }
0xbf: {  	_ =	sfence.sel $0xFFFF  }
0xc0: {  	[dreg:$0x0] =	wrdreg $0xFFFFFFFF;
	(pc) =	sbr.abs _section_cstart, $3  }
0xc1: {  	[dreg:$0x1] =	wrdreg $0xFFFFFFFF  }
0xc2: {  	_ =	task.clear_ibuf [dreg:s7], $0x2FFFF;
	_ =	strace $0x9FFFFFFF  }
0xc3: {  	(tm) =	ssettm $0x7FFFFFFF  }
tec
execute0_lowered:
.L_overlay_start_1:
0x0: {  	(tag) =	ssettag $0x1  }
0x1: {  	s4 =	rddreg [dreg:$0x0]  }
0x2: {  	s5 =	rddreg [dreg:$0x1]  }
0x3: {  	s2 =	rddreg [dreg:$0x2]  }
0x4: {  	s0 =	rddreg [dreg:$0x3]  }
0x5: {  	s3 =	simm.s32 $0x0;
	s6 =	srdreg.scid;
	s1 =	stileid.u32  }
0x6: {  	s17 =	simm.s32 $0x2;
	s18 =	simm.s32 $0x5000;
	s19 =	simm.s32 $0x80  }
0x7: {  	s20 =	simm.s32 $0x1;
	s23 =	simm.s32 $0x20;
	s24 =	simm.s32 $0x10  }
0x8: {  	s25 =	simm.s32 $0x0;
	[smem:$0x7FF] =	sst s3;
	s7 =	smul.u32 $0xA00, s1  }
0x9: {  	s6 =	sand.u32 $0x1, s6;
	s9 =	sshll.u32 s1, $0x1;
	s30 =	smul.u32 $0x1400, s1  }
0xa: {  	s21 =	sshll.u32 s1, $0x6;
	_ =	strace $0x80000047;
	s8 =	sshll.u32 s6, $0x7  }
0xb: {  	s29 =	sor.u32 s6, s9;
	s6 =	ssub.s32 $0x2, s6;
	s21 =	sor.u32 $0x1C02, s21  }
0xc: {  	s7 =	sor.u32 s8, s7;
	s8 =	smul.u32 $0xA00, s29;
	s31 =	sshrl.u32 s6, $0x1  }
0xd: {  	s9 =	sshrl.u32 s30, $0x2;
	s7 =	sshrl.u32 s7, $0x3;
	s10 =	ssub.s32 s6, s31  }
0xe: {  	s7 =	sadd.s32 s7, s5;
	s4 =	sadd.s32 s4, s8;
	s5 =	sadd.s32 s9, s2  }
0xf: {  	s6 =	sadd.s32 $0x2400, s7;
	s7 =	smax.u32 s10, $0x1;
	s8 =	sadd.s32 $0x80, s5  }
0x10: {  	s9 =	sadd.s32 $0x100, s5;
	s10 =	sadd.s32 $0x180, s5;
	s11 =	sadd.s32 $0x200, s5  }
0x11: {  	s12 =	sadd.s32 $0x280, s5;
	s13 =	sadd.s32 $0x300, s5;
	s14 =	sadd.s32 $0x380, s5  }
0x12: {  	v0 =	vimm.f32 $0.0e+00;
	v1 =	vimm.f32 $1.000000000e+00;
	s15 =	sadd.s32 $0x400, s5;
	s16 =	sadd.s32 $0x480, s5;
	s22 =	sshrl.u32 s5, $0x3  }
.LBB2_1:
0x13: {  	[tilespmem:s3], [sflag:$0x2] =	stream.linear.gather [hbm4b:s4+s3], $0x5000, $0x38;
	[tilespmem:$0x5580] =	vst v63  }
0x14: {  	_ =	swait.ge [sflag:s17], $0x5000  }
0x15: {  	[sflag:s17] =	ssyncset.done $0x0  }
0x16: {  	[sflag:s17] =	ssyncadd.s32 $0xFFFFB000  }
0x17: {  	[tilespmem:$0x5000] =	vst v0  }
0x18: {  	[tilespmem:$0x5010] =	vst v0  }
0x19: {  	[tilespmem:$0x5020] =	vst v0  }
0x1a: {  	[tilespmem:$0x5030] =	vst v0  }
0x1b: {  	[tilespmem:$0x5040] =	vst v0  }
0x1c: {  	[tilespmem:$0x5050] =	vst v0  }
0x1d: {  	[tilespmem:$0x5060] =	vst v0  }
0x1e: {  	[tilespmem:$0x5070] =	vst v0  }
0x1f: {  	[spmem:s5] =	stream.linear.scatter [tilespmem:s18], [sflag:$0x2], $0x80, $0x38;
	[tilespmem:$0x5580] =	vst v63  }
0x20: {  	_ =	swait.ge [sflag:s17], $0x80  }
0x21: {  	[sflag:s17] =	ssyncset.done $0x0  }
0x22: {  	[sflag:s17] =	ssyncadd.s32 $0xFFFFFF80  }
0x23: {  	[spmem:s8] =	stream.linear.scatter [tilespmem:s18], [sflag:$0x2], $0x80, $0x38;
	[tilespmem:$0x5580] =	vst v63  }
0x24: {  	_ =	swait.ge [sflag:s17], $0x80  }
0x25: {  	[sflag:s17] =	ssyncset.done $0x0  }
0x26: {  	[sflag:s17] =	ssyncadd.s32 $0xFFFFFF80  }
0x27: {  	[spmem:s9] =	stream.linear.scatter [tilespmem:s18], [sflag:$0x2], $0x80, $0x38;
	[tilespmem:$0x5580] =	vst v63  }
0x28: {  	_ =	swait.ge [sflag:s17], $0x80  }
0x29: {  	[sflag:s17] =	ssyncset.done $0x0  }
0x2a: {  	[sflag:s17] =	ssyncadd.s32 $0xFFFFFF80  }
0x2b: {  	[spmem:s10] =	stream.linear.scatter [tilespmem:s18], [sflag:$0x2], $0x80, $0x38;
	[tilespmem:$0x5580] =	vst v63  }
0x2c: {  	_ =	swait.ge [sflag:s17], $0x80  }
0x2d: {  	[sflag:s17] =	ssyncset.done $0x0  }
0x2e: {  	[sflag:s17] =	ssyncadd.s32 $0xFFFFFF80  }
0x2f: {  	[spmem:s11] =	stream.linear.scatter [tilespmem:s18], [sflag:$0x2], $0x80, $0x38;
	[tilespmem:$0x5580] =	vst v63  }
0x30: {  	_ =	swait.ge [sflag:s17], $0x80  }
0x31: {  	[sflag:s17] =	ssyncset.done $0x0  }
0x32: {  	[sflag:s17] =	ssyncadd.s32 $0xFFFFFF80  }
0x33: {  	[spmem:s12] =	stream.linear.scatter [tilespmem:s18], [sflag:$0x2], $0x80, $0x38;
	[tilespmem:$0x5580] =	vst v63  }
0x34: {  	_ =	swait.ge [sflag:s17], $0x80  }
0x35: {  	[sflag:s17] =	ssyncset.done $0x0  }
0x36: {  	[sflag:s17] =	ssyncadd.s32 $0xFFFFFF80  }
0x37: {  	[spmem:s13] =	stream.linear.scatter [tilespmem:s18], [sflag:$0x2], $0x80, $0x38;
	[tilespmem:$0x5580] =	vst v63  }
0x38: {  	_ =	swait.ge [sflag:s17], $0x80  }
0x39: {  	[sflag:s17] =	ssyncset.done $0x0  }
0x3a: {  	[sflag:s17] =	ssyncadd.s32 $0xFFFFFF80  }
0x3b: {  	[spmem:s14] =	stream.linear.scatter [tilespmem:s18], [sflag:$0x2], $0x80, $0x38;
	[tilespmem:$0x5580] =	vst v63  }
0x3c: {  	_ =	swait.ge [sflag:s17], $0x80  }
0x3d: {  	[sflag:s17] =	ssyncset.done $0x0  }
0x3e: {  	[sflag:s17] =	ssyncadd.s32 $0xFFFFFF80  }
0x3f: {  	[spmem:s15] =	stream.linear.scatter [tilespmem:s18], [sflag:$0x2], $0x80, $0x38;
	[tilespmem:$0x5580] =	vst v63  }
0x40: {  	_ =	swait.ge [sflag:s17], $0x80  }
0x41: {  	[sflag:s17] =	ssyncset.done $0x0  }
0x42: {  	[sflag:s17] =	ssyncadd.s32 $0xFFFFFF80  }
0x43: {  	[spmem:s16] =	stream.linear.scatter [tilespmem:s18], [sflag:$0x2], $0x80, $0x38;
	[tilespmem:$0x5580] =	vst v63  }
0x44: {  	_ =	swait.ge [sflag:s17], $0x80  }
0x45: {  	[sflag:s17] =	ssyncset.done $0x0  }
0x46: {  	[sflag:s17] =	ssyncadd.s32 $0xFFFFFF80  }
0x47: {  	[tilespmem:$0x5000] =	vst v1  }
0x48: {  	[tilespmem:$0x5010] =	vst v1  }
0x49: {  	[tilespmem:$0x5020] =	vst v1  }
0x4a: {  	[tilespmem:$0x5030] =	vst v1  }
0x4b: {  	[tilespmem:$0x5040] =	vst v1  }
0x4c: {  	[tilespmem:$0x5050] =	vst v1  }
0x4d: {  	[tilespmem:$0x5060] =	vst v1  }
0x4e: {  	[tilespmem:$0x5070] =	vst v1  }
0x4f: {  	s26 =	simm.s32 $0x0;
	[bflag:$0x0] =	sbarrier.arrive $0xFFFF  }
0x50: {  	[spmem:s2] =	stream.indirect.scatter.add.f32 [tilespmem:s18], [sflag:$0x1], $0x1, s26, s19, $0xb8;
	[tilespmem:$0x5580] =	vst v63  }
0x51: {  	s31 =	simm.s32 $0x80  }
0x52: {  	[spmem:s2] =	stream.indirect.scatter.add.f32 [tilespmem:s18], [sflag:$0x1], $0x1, s31, s19, $0xb8;
	[tilespmem:$0x5580] =	vst v63  }
0x53: {  	s28 =	simm.s32 $0x100  }
0x54: {  	[spmem:s2] =	stream.indirect.scatter.add.f32 [tilespmem:s18], [sflag:$0x1], $0x1, s28, s19, $0xb8;
	[tilespmem:$0x5580] =	vst v63  }
0x55: {  	s30 =	simm.s32 $0x180  }
0x56: {  	[spmem:s2] =	stream.indirect.scatter.add.f32 [tilespmem:s18], [sflag:$0x1], $0x1, s30, s19, $0xb8;
	[tilespmem:$0x5580] =	vst v63  }
0x57: {  	s31 =	simm.s32 $0x200  }
0x58: {  	[spmem:s2] =	stream.indirect.scatter.add.f32 [tilespmem:s18], [sflag:$0x1], $0x1, s31, s19, $0xb8;
	[tilespmem:$0x5580] =	vst v63  }
0x59: {  	s28 =	simm.s32 $0x280  }
0x5a: {  	[spmem:s2] =	stream.indirect.scatter.add.f32 [tilespmem:s18], [sflag:$0x1], $0x1, s28, s19, $0xb8;
	[tilespmem:$0x5580] =	vst v63  }
0x5b: {  	s30 =	simm.s32 $0x300  }
0x5c: {  	[spmem:s2] =	stream.indirect.scatter.add.f32 [tilespmem:s18], [sflag:$0x1], $0x1, s30, s19, $0xb8;
	[tilespmem:$0x5580] =	vst v63  }
0x5d: {  	s31 =	simm.s32 $0x380  }
0x5e: {  	[spmem:s2] =	stream.indirect.scatter.add.f32 [tilespmem:s18], [sflag:$0x1], $0x1, s31, s19, $0xb8;
	[tilespmem:$0x5580] =	vst v63  }
0x5f: {  	_ =	swait.ge [sflag:s20], $0x80  }
0x60: {  	[sflag:s20] =	ssyncset.done $0x0  }
0x61: {  	[sflag:s20] =	ssyncadd.s32 $0xFFFFFF80  }
0x62: {  	_ =	swait.ge [sflag:s20], $0x80  }
0x63: {  	[sflag:s20] =	ssyncset.done $0x0  }
0x64: {  	[sflag:s20] =	ssyncadd.s32 $0xFFFFFF80  }
0x65: {  	_ =	swait.ge [sflag:s20], $0x80  }
0x66: {  	[sflag:s20] =	ssyncset.done $0x0  }
0x67: {  	[sflag:s20] =	ssyncadd.s32 $0xFFFFFF80  }
0x68: {  	_ =	swait.ge [sflag:s20], $0x80  }
0x69: {  	[sflag:s20] =	ssyncset.done $0x0  }
0x6a: {  	[sflag:s20] =	ssyncadd.s32 $0xFFFFFF80  }
0x6b: {  	_ =	swait.ge [sflag:s20], $0x80  }
0x6c: {  	[sflag:s20] =	ssyncset.done $0x0  }
0x6d: {  	[sflag:s20] =	ssyncadd.s32 $0xFFFFFF80  }
0x6e: {  	_ =	swait.ge [sflag:s20], $0x80  }
0x6f: {  	[sflag:s20] =	ssyncset.done $0x0  }
0x70: {  	[sflag:s20] =	ssyncadd.s32 $0xFFFFFF80  }
0x71: {  	_ =	swait.ge [sflag:s20], $0x80  }
0x72: {  	[sflag:s20] =	ssyncset.done $0x0  }
0x73: {  	[sflag:s20] =	ssyncadd.s32 $0xFFFFFF80  }
0x74: {  	_ =	swait.ge [sflag:s20], $0x80  }
0x75: {  	s29 =	simm.s32 $0x2000;
	s26 =	simm.s32 $0x1000;
	[sflag:s20] =	ssyncset.done $0x0  }
.LBB2_2:
0x76: {  	s30 =	sshra.s32 s26, $0x2  }
0x77: {  	[sflag:s20] =	ssyncadd.s32 $0xFFFFFF80;
	s26 =	smov.u32 s29;
	s28 =	sadd.s32 $0x1000, s29  }
0x78: {  	[spmem:s2] =	stream.indirect.scatter.add.f32 [tilespmem:s18], [sflag:$0x1], $0x1, s30, s19, $0xb8;
	[tilespmem:$0x5580] =	vst v63  }
0x79: {  	p0 =	sne.s32 s29, $0x13000;
	s29 =	sadd.s32 $0x80, s30  }
0x7a: {  	[spmem:s2] =	stream.indirect.scatter.add.f32 [tilespmem:s18], [sflag:$0x1], $0x1, s29, s19, $0xb8;
	[tilespmem:$0x5580] =	vst v63  }
0x7b: {  	s29 =	sadd.s32 $0x100, s30  }
0x7c: {  	[spmem:s2] =	stream.indirect.scatter.add.f32 [tilespmem:s18], [sflag:$0x1], $0x1, s29, s19, $0xb8;
	[tilespmem:$0x5580] =	vst v63  }
0x7d: {  	s29 =	sadd.s32 $0x180, s30  }
0x7e: {  	[spmem:s2] =	stream.indirect.scatter.add.f32 [tilespmem:s18], [sflag:$0x1], $0x1, s29, s19, $0xb8;
	[tilespmem:$0x5580] =	vst v63  }
0x7f: {  	s29 =	sadd.s32 $0x200, s30  }
0x80: {  	[spmem:s2] =	stream.indirect.scatter.add.f32 [tilespmem:s18], [sflag:$0x1], $0x1, s29, s19, $0xb8;
	[tilespmem:$0x5580] =	vst v63  }
0x81: {  	s29 =	sadd.s32 $0x280, s30  }
0x82: {  	[spmem:s2] =	stream.indirect.scatter.add.f32 [tilespmem:s18], [sflag:$0x1], $0x1, s29, s19, $0xb8;
	[tilespmem:$0x5580] =	vst v63  }
0x83: {  	s29 =	sadd.s32 $0x300, s30  }
0x84: {  	[spmem:s2] =	stream.indirect.scatter.add.f32 [tilespmem:s18], [sflag:$0x1], $0x1, s29, s19, $0xb8;
	[tilespmem:$0x5580] =	vst v63  }
0x85: {  	s29 =	sadd.s32 $0x380, s30  }
0x86: {  	[spmem:s2] =	stream.indirect.scatter.add.f32 [tilespmem:s18], [sflag:$0x1], $0x1, s29, s19, $0xb8;
	[tilespmem:$0x5580] =	vst v63  }
0x87: {  	_ =	swait.ge [sflag:s20], $0x80  }
0x88: {  	[sflag:s20] =	ssyncset.done $0x0  }
0x89: {  	[sflag:s20] =	ssyncadd.s32 $0xFFFFFF80  }
0x8a: {  	_ =	swait.ge [sflag:s20], $0x80  }
0x8b: {  	[sflag:s20] =	ssyncset.done $0x0  }
0x8c: {  	[sflag:s20] =	ssyncadd.s32 $0xFFFFFF80  }
0x8d: {  	_ =	swait.ge [sflag:s20], $0x80  }
0x8e: {  	[sflag:s20] =	ssyncset.done $0x0  }
0x8f: {  	[sflag:s20] =	ssyncadd.s32 $0xFFFFFF80  }
0x90: {  	_ =	swait.ge [sflag:s20], $0x80  }
0x91: {  	[sflag:s20] =	ssyncset.done $0x0  }
0x92: {  	[sflag:s20] =	ssyncadd.s32 $0xFFFFFF80  }
0x93: {  	_ =	swait.ge [sflag:s20], $0x80  }
0x94: {  	[sflag:s20] =	ssyncset.done $0x0  }
0x95: {  	[sflag:s20] =	ssyncadd.s32 $0xFFFFFF80  }
0x96: {  	_ =	swait.ge [sflag:s20], $0x80  }
0x97: {  	[sflag:s20] =	ssyncset.done $0x0  }
0x98: {  	[sflag:s20] =	ssyncadd.s32 $0xFFFFFF80  }
.Ltmp0:
0x99: {  	_ =	swait.ge [sflag:s20], $0x80;
	(pc) =	sbr.rel @p0 .LBB2_2-.Ltmp0, $4  }
0x9a: {  	[sflag:s20] =	ssyncset.done $0x0  }
0x9b: {  	[sflag:s20] =	ssyncadd.s32 $0xFFFFFF80  }
0x9c: {  	_ =	swait.ge [sflag:s20], $0x80  }
0x9d: {  	s29 =	smov.u32 s28;
	[sflag:s20] =	ssyncset.done $0x0  }
0x9e: {  	s26 =	sshra.s32 s26, $0x2;
	[sflag:s20] =	ssyncadd.s32 $0xFFFFFF80  }
0x9f: {  	[spmem:s2] =	stream.indirect.scatter.add.f32 [tilespmem:s18], [sflag:$0x1], $0x1, s26, s19, $0xb8;
	[tilespmem:$0x5580] =	vst v63  }
0xa0: {  	s28 =	sadd.s32 $0x80, s26  }
0xa1: {  	[spmem:s2] =	stream.indirect.scatter.add.f32 [tilespmem:s18], [sflag:$0x1], $0x1, s28, s19, $0xb8;
	[tilespmem:$0x5580] =	vst v63  }
0xa2: {  	s30 =	sadd.s32 $0x100, s26  }
0xa3: {  	[spmem:s2] =	stream.indirect.scatter.add.f32 [tilespmem:s18], [sflag:$0x1], $0x1, s30, s19, $0xb8;
	[tilespmem:$0x5580] =	vst v63  }
0xa4: {  	s31 =	sadd.s32 $0x180, s26  }
0xa5: {  	[spmem:s2] =	stream.indirect.scatter.add.f32 [tilespmem:s18], [sflag:$0x1], $0x1, s31, s19, $0xb8;
	[tilespmem:$0x5580] =	vst v63  }
0xa6: {  	s29 =	sadd.s32 $0x200, s26  }
0xa7: {  	[spmem:s2] =	stream.indirect.scatter.add.f32 [tilespmem:s18], [sflag:$0x1], $0x1, s29, s19, $0xb8;
	[tilespmem:$0x5580] =	vst v63  }
0xa8: {  	s30 =	sadd.s32 $0x280, s26  }
0xa9: {  	[spmem:s2] =	stream.indirect.scatter.add.f32 [tilespmem:s18], [sflag:$0x1], $0x1, s30, s19, $0xb8;
	[tilespmem:$0x5580] =	vst v63  }
0xaa: {  	s31 =	sadd.s32 $0x300, s26  }
0xab: {  	[spmem:s2] =	stream.indirect.scatter.add.f32 [tilespmem:s18], [sflag:$0x1], $0x1, s31, s19, $0xb8;
	[tilespmem:$0x5580] =	vst v63  }
0xac: {  	s26 =	sadd.s32 $0x380, s26  }
0xad: {  	[spmem:s2] =	stream.indirect.scatter.add.f32 [tilespmem:s18], [sflag:$0x1], $0x1, s26, s19, $0xb8;
	[tilespmem:$0x5580] =	vst v63  }
0xae: {  	_ =	swait.ge [sflag:s20], $0x80  }
0xaf: {  	[sflag:s20] =	ssyncset.done $0x0  }
0xb0: {  	[sflag:s20] =	ssyncadd.s32 $0xFFFFFF80  }
0xb1: {  	_ =	swait.ge [sflag:s20], $0x80  }
0xb2: {  	[sflag:s20] =	ssyncset.done $0x0  }
0xb3: {  	[sflag:s20] =	ssyncadd.s32 $0xFFFFFF80  }
0xb4: {  	_ =	swait.ge [sflag:s20], $0x80  }
0xb5: {  	[sflag:s20] =	ssyncset.done $0x0  }
0xb6: {  	[sflag:s20] =	ssyncadd.s32 $0xFFFFFF80  }
0xb7: {  	_ =	swait.ge [sflag:s20], $0x80  }
0xb8: {  	[sflag:s20] =	ssyncset.done $0x0  }
0xb9: {  	[sflag:s20] =	ssyncadd.s32 $0xFFFFFF80  }
0xba: {  	_ =	swait.ge [sflag:s20], $0x80  }
0xbb: {  	[sflag:s20] =	ssyncset.done $0x0  }
0xbc: {  	[sflag:s20] =	ssyncadd.s32 $0xFFFFFF80  }
0xbd: {  	_ =	swait.ge [sflag:s20], $0x80  }
0xbe: {  	[sflag:s20] =	ssyncset.done $0x0  }
0xbf: {  	[sflag:s20] =	ssyncadd.s32 $0xFFFFFF80  }
0xc0: {  	_ =	swait.ge [sflag:s20], $0x80  }
0xc1: {  	[sflag:s20] =	ssyncset.done $0x0  }
0xc2: {  	[sflag:s20] =	ssyncadd.s32 $0xFFFFFF80  }
0xc3: {  	_ =	swait.ge [sflag:s20], $0x80  }
0xc4: {  	s25 =	sadd.s32 $0x1, s25;
	[sflag:s20] =	ssyncset.done $0x0  }
0xc5: {  	p0 =	sne.s32 s25, s7;
	[sflag:s20] =	ssyncadd.s32 $0xFFFFFF80  }
.Ltmp1:
0xc6: {  	[bflag:$0x0] =	sbarrier.arrive $0xFFFF;
	(pc) =	sbr.rel @p0 .LBB2_1-.Ltmp1, $4  }
0xc7: {  	[hbm:s6@s23], [sflag:s21] =	dma.strided [spmem:s22@s24], $0xA0, s20, $0x10   }
0xc8: {  	_ =	swait.ge [sflag:s17], $0xA0  }
0xc9: {  	[sflag:s17] =	ssyncset.done $0x0  }
0xca: {  	[sflag:s17] =	ssyncadd.s32 $0xFFFFFF60  }
0xcb: {  	_ =	sfence.sel $0x180000  }
0xcc: {  	[bflag:$0x0] =	sbarrier.arrive $0xFFFF  }
0xcd: {  	p0 =	sne.s32 s1, $0x0;
	_ =	strace $0x90000047  }
0xce: {  	s0 =	sadd.s32 @!p0 $0x100000, s0;
	[bflag:$0x2] =	sbarrier.arrive $0xFFFF  }
0xcf: {  	[sflag:s0] =	ssyncadd.tile.s32 @!p0 $0x1;
	_ =	shalt  }
.Lfunc_end2:
_tile_overlayer_lowered:
.L_overlay_start_2:
0xd0: {  	(tag) =	ssettag $0x2  }
0xd1: {  	s0 =	rddreg [dreg:$0x0];
	s2 =	stileid.u32  }
0xd2: {  	s1 =	rddreg [dreg:$0x1];
	p0 =	sne.s32 s2, $0x0  }
0xd3: {  	s3 =	rddreg [dreg:$0x2];
	[bflag:$0x3] =	sbarrier.arrive $0xFFFF;
	s2 =	simm.s32 @!p0 $0x1C02  }
0xd4: {  	[timem:s3], [sflag:s2] =	dma.local @!p0 [hbm:s0], s1  }
0xd5: {  	s0 =	simm.s32 @!p0 $0x2  }
0xd6: {  	_ =	swait.ge @!p0 [sflag:s0], s1  }
0xd7: {  	s1 =	ssub.s32 @!p0 $0x0, s1;
	[sflag:s0] =	ssyncset.done @!p0 $0x0  }
0xd8: {  	[sflag:s0] =	ssyncadd.s32 @!p0 s1  }
0xd9: {  	[bflag:$0x3] =	sbarrier.arrive $0xFFFF  }
0xda: {  	_ =	shalt  }

</sc_bundles>
